<compile_context>
chip_gen: v7x
topology: tpu7x:2x2x1
jax: 0.10.2.dev20260603
libtpu: 0.0.44.dev20260713+nightly
codegen_flags: <defaults>
</compile_context>

<pallas_src>
import functools

import jax
import jax.numpy as jnp
from jax import lax
from jax.experimental import pallas as pl
from jax.experimental.pallas import tpu as pltpu
from jax.experimental.pallas import tpu_sc as plsc

_NBUF = 4


def _table_lookup(table_vec, idx_vec):
    dn = lax.GatherDimensionNumbers(
        offset_dims=(), collapsed_slice_dims=(0,), start_index_map=(0,))
    return lax.gather(table_vec, idx_vec[:, None], dn, slice_sizes=(1,),
                      mode=lax.GatherScatterMode.PROMISE_IN_BOUNDS)


def _allsum(v):
    for k in (8, 4, 2, 1):
        idx = lax.iota(jnp.int32, 16) ^ k
        v = v + _table_lookup(v, idx)
    return v


@functools.cache
def _make_sc_kernel(B, N):
    info = plsc.get_sparse_core_info()
    NC, NS, L = info.num_cores, info.num_subcores, info.num_lanes
    NW = NC * NS
    assert B % NW == 0 and N % L == 0
    rows_per_w = B // NW
    R = 16
    assert rows_per_w % (R * _NBUF) == 0
    chunks = rows_per_w // R
    VECS = N // L
    mesh = plsc.VectorSubcoreMesh(core_axis_name="c", subcore_axis_name="s")

    @functools.partial(
        pl.kernel, mesh=mesh,
        out_type=jax.ShapeDtypeStruct((B, N), jnp.float32),
        scratch_types=(
            [pltpu.VMEM((L,), jnp.float32)]
            + [pltpu.VMEM((R, N), jnp.int32) for _ in range(_NBUF)]
            + [pltpu.VMEM((R, N), jnp.float32) for _ in range(_NBUF)]
            + [pltpu.SemaphoreType.DMA for _ in range(2 * _NBUF)]
        ),
    )
    def k(idx_hbm, w_hbm, out_hbm, wtab, *bufs):
        ibufs = bufs[:_NBUF]
        obufs = bufs[_NBUF:2 * _NBUF]
        sis = bufs[2 * _NBUF:3 * _NBUF]
        sos = bufs[3 * _NBUF:]
        wid = lax.axis_index("s") * NC + lax.axis_index("c")
        base = wid * rows_per_w
        pltpu.sync_copy(w_hbm, wtab.at[pl.ds(0, 4)])
        tv = wtab[...]

        def compute_chunk(ibuf, obuf):
            def row_body(r, c2):
                accs = [jnp.zeros((L,), jnp.float32) for _ in range(4)]
                ws = []
                for j in range(VECS):
                    iv = ibuf[r, pl.ds(j * L, L)]
                    w = _table_lookup(tv, iv)
                    ws.append(w)
                    accs[j % 4] = accs[j % 4] + w
                acc = (accs[0] + accs[1]) + (accs[2] + accs[3])
                rv = 1.0 / _allsum(acc)
                for j in range(VECS):
                    obuf[r, pl.ds(j * L, L)] = ws[j] * rv
                return c2

            lax.fori_loop(0, R, row_body, 0)

        def start_in(g, p):
            return pltpu.async_copy(
                idx_hbm.at[pl.ds(base + g * R, R)], ibufs[p], sis[p])

        def start_out(g, p):
            return pltpu.async_copy(
                obufs[p], out_hbm.at[pl.ds(base + g * R, R)], sos[p])

        for p in range(_NBUF):
            start_in(p, p)

        def ring(q, carry):
            for p in range(_NBUF):
                g = _NBUF * q + p
                pltpu.make_async_copy(
                    idx_hbm.at[pl.ds(base, R)], ibufs[p], sis[p]).wait()

                @pl.when(q > 0)
                def _():
                    pltpu.make_async_copy(
                        obufs[p], out_hbm.at[pl.ds(base, R)], sos[p]).wait()

                compute_chunk(ibufs[p], obufs[p])
                start_out(g, p)

                @pl.when(g + _NBUF < chunks)
                def _():
                    start_in(g + _NBUF, p)

            return carry

        lax.fori_loop(0, chunks // _NBUF, ring, 0)
        for p in range(_NBUF):
            pltpu.make_async_copy(
                obufs[p], out_hbm.at[pl.ds(base, R)], sos[p]).wait()

    return k


def kernel(element_idxs, raw_charges, weights):
    del raw_charges
    B, N = element_idxs.shape
    return _make_sc_kernel(B, N)(element_idxs, weights)

# --- scband reference (transcript-rebuilt; emitter-appended) ---
"""Pipeline reference for scband-weighted-charge-factor-63556926046614 (READ-ONLY COPY).

The authoritative reference and input builder live on the scoring server;
editing this copy changes nothing except your own understanding.
"""

import jax, jax.numpy as jnp
import numpy as np

ELECTRONEGATIVITY = {'H': 7.18, 'C': 6.26, 'N': 7.27, 'O': 7.54}
HARDNESS = {'H': 12.84, 'C': 10.0, 'N': 14.53, 'O': 12.16}
SYMBOLS = ('H', 'C', 'N', 'O')


def setup_inputs(seed: int = 0) -> dict:
    key = jax.random.key(seed)
    k1, k2 = jax.random.split(key)
    B, N = 16384, 512
    element_idxs = jax.random.randint(k1, (B, N), 0, 4, dtype=jnp.int64 if jax.config.jax_enable_x64 else jnp.int32)
    raw_charges = jax.random.normal(k2, (B, N), dtype=jnp.float32)
    en = jnp.array([ELECTRONEGATIVITY[s] for s in SYMBOLS], dtype=jnp.float32)
    hard = jnp.array([HARDNESS[s] for s in SYMBOLS], dtype=jnp.float32)
    weights = (en / hard) ** 2
    return {"element_idxs": element_idxs, "raw_charges": raw_charges, "weights": weights}


def reference(element_idxs, raw_charges, weights):
    # gather per-atom weights from the small species table
    w = jnp.take(weights, element_idxs, axis=0)
    # padding positions marked with -1 get zero weight
    w = jnp.where(element_idxs == -1, jnp.zeros_like(w), w)
    # normalize across the atom dimension
    return w / jnp.sum(w, axis=-1, keepdims=True)

if __name__ == "__main__":
    import jax
    _d = setup_inputs()
    print(jax.jit(kernel)(*tuple(_d.values())))

</pallas_src>

<mosaic_0001>
#map = affine_map<(d0, d1) -> (0, 0)>
#map1 = affine_map<(d0, d1) -> (0)>
module attributes {stable_mosaic.version = 14 : i64} {
  func.func @k(%arg0: i32, %arg1: i32, %arg2: memref<16384x512xi32, #tpu.memory_space<hbm>>, %arg3: memref<4xf32, #tpu.memory_space<hbm>>, %arg4: memref<16384x512xf32, #tpu.memory_space<hbm>>, %arg5: memref<16xf32, #tpu.memory_space<vmem>>, %arg6: memref<16x512xi32, #tpu.memory_space<vmem>>, %arg7: memref<16x512xi32, #tpu.memory_space<vmem>>, %arg8: memref<16x512xi32, #tpu.memory_space<vmem>>, %arg9: memref<16x512xi32, #tpu.memory_space<vmem>>, %arg10: memref<16x512xf32, #tpu.memory_space<vmem>>, %arg11: memref<16x512xf32, #tpu.memory_space<vmem>>, %arg12: memref<16x512xf32, #tpu.memory_space<vmem>>, %arg13: memref<16x512xf32, #tpu.memory_space<vmem>>, %arg14: memref<!tpu.dma_semaphore, #tpu.memory_space<semaphore_mem>>, %arg15: memref<!tpu.dma_semaphore, #tpu.memory_space<semaphore_mem>>, %arg16: memref<!tpu.dma_semaphore, #tpu.memory_space<semaphore_mem>>, %arg17: memref<!tpu.dma_semaphore, #tpu.memory_space<semaphore_mem>>, %arg18: memref<!tpu.dma_semaphore, #tpu.memory_space<semaphore_mem>>, %arg19: memref<!tpu.dma_semaphore, #tpu.memory_space<semaphore_mem>>, %arg20: memref<!tpu.dma_semaphore, #tpu.memory_space<semaphore_mem>>, %arg21: memref<!tpu.dma_semaphore, #tpu.memory_space<semaphore_mem>>) attributes {dimension_semantics = [#tpu.dimension_semantics<core_parallel>, #tpu.dimension_semantics<subcore_parallel>], iteration_bounds = array<i64: 2, 16>, scalar_prefetch = 0 : i64, scratch_operands = 17 : i64, tpu.core_type = #tpu.core_type<sc_vector_subcore>, window_params = [{transform_indices = #map}, {transform_indices = #map1}, {transform_indices = #map}]} {
    %mul3A = arith.constant 2 : i32
    %mul3A_0 = arith.muli %arg1, %mul3A : i32
    %add3A = arith.addi %mul3A_0, %arg0 : i32
    %mul3A_1 = arith.constant 512 : i32
    %mul3A_2 = arith.muli %add3A, %mul3A_1 : i32
    "tpu.region"() ({
      %run_scoped3A = tpu.sem_alloc : memref<!tpu.dma_semaphore, #tpu.memory_space<semaphore_mem>>
      %dma_start3A_48 = arith.constant 0 : i32
      %dma_start3A_49 = tpu.memref_slice %arg5[%dma_start3A_48] : memref<16xf32, #tpu.memory_space<vmem>> -> memref<4xf32, #tpu.memory_space<vmem>>
      %dma_start3A_50 = arith.constant 0 : i32
      %dma_start3A_51 = tpu.memref_slice %arg5[%dma_start3A_50] : memref<16xf32, #tpu.memory_space<vmem>> -> memref<4xf32, #tpu.memory_space<vmem>>
      tpu.enqueue_dma source(%arg3 : memref<4xf32, #tpu.memory_space<hbm>>) target(%dma_start3A_51 : memref<4xf32, #tpu.memory_space<vmem>>) target_semaphore(%run_scoped3A : memref<!tpu.dma_semaphore, #tpu.memory_space<semaphore_mem>>)
      %dma_wait3A_52 = arith.constant 0 : i32
      %dma_wait3A_53 = tpu.memref_slice %arg5[%dma_wait3A_52] : memref<16xf32, #tpu.memory_space<vmem>> -> memref<4xf32, #tpu.memory_space<vmem>>
      %dma_wait3A_54 = arith.constant 0 : i32
      %dma_wait3A_55 = tpu.memref_slice %arg5[%dma_wait3A_54] : memref<16xf32, #tpu.memory_space<vmem>> -> memref<4xf32, #tpu.memory_space<vmem>>
      tpu.wait_dma2 semaphore(%run_scoped3A : memref<!tpu.dma_semaphore, #tpu.memory_space<semaphore_mem>>) src(%arg3 : memref<4xf32, #tpu.memory_space<hbm>>) dst(%dma_wait3A_55 : memref<4xf32, #tpu.memory_space<vmem>>)
      tpu.yield
    }) : () -> ()
    %get3A = arith.constant 0 : index
    %get3A_3 = tpu.vector_load %arg5[%get3A] {strides = array<i32>} : memref<16xf32, #tpu.memory_space<vmem>>, vector<16xf32>,
    %get3A_4 = vector.shape_cast %get3A_3 : vector<16xf32> to vector<16xf32>
    %add3A_5 = arith.constant 0 : i32
    %add3A_6 = arith.addi %mul3A_2, %add3A_5 : i32
    %dma_start3A = arith.constant 0 : i32
    %dma_start3A_7 = tpu.memref_slice %arg2[%add3A_6, %dma_start3A] : memref<16384x512xi32, #tpu.memory_space<hbm>> -> memref<16x512xi32, #tpu.memory_space<hbm>>
    %dma_start3A_8 = arith.constant 0 : i32
    %dma_start3A_9 = tpu.memref_slice %arg2[%add3A_6, %dma_start3A_8] : memref<16384x512xi32, #tpu.memory_space<hbm>> -> memref<16x512xi32, #tpu.memory_space<hbm>>
    tpu.enqueue_dma source(%dma_start3A_9 : memref<16x512xi32, #tpu.memory_space<hbm>>) target(%arg6 : memref<16x512xi32, #tpu.memory_space<vmem>>) target_semaphore(%arg14 : memref<!tpu.dma_semaphore, #tpu.memory_space<semaphore_mem>>)
    %add3A_10 = arith.constant 16 : i32
    %add3A_11 = arith.addi %mul3A_2, %add3A_10 : i32
    %dma_start3A_12 = arith.constant 0 : i32
    %dma_start3A_13 = tpu.memref_slice %arg2[%add3A_11, %dma_start3A_12] : memref<16384x512xi32, #tpu.memory_space<hbm>> -> memref<16x512xi32, #tpu.memory_space<hbm>>
    %dma_start3A_14 = arith.constant 0 : i32
    %dma_start3A_15 = tpu.memref_slice %arg2[%add3A_11, %dma_start3A_14] : memref<16384x512xi32, #tpu.memory_space<hbm>> -> memref<16x512xi32, #tpu.memory_space<hbm>>
    tpu.enqueue_dma source(%dma_start3A_15 : memref<16x512xi32, #tpu.memory_space<hbm>>) target(%arg7 : memref<16x512xi32, #tpu.memory_space<vmem>>) target_semaphore(%arg15 : memref<!tpu.dma_semaphore, #tpu.memory_space<semaphore_mem>>)
    %add3A_16 = arith.constant 32 : i32
    %add3A_17 = arith.addi %mul3A_2, %add3A_16 : i32
    %dma_start3A_18 = arith.constant 0 : i32
    %dma_start3A_19 = tpu.memref_slice %arg2[%add3A_17, %dma_start3A_18] : memref<16384x512xi32, #tpu.memory_space<hbm>> -> memref<16x512xi32, #tpu.memory_space<hbm>>
    %dma_start3A_20 = arith.constant 0 : i32
    %dma_start3A_21 = tpu.memref_slice %arg2[%add3A_17, %dma_start3A_20] : memref<16384x512xi32, #tpu.memory_space<hbm>> -> memref<16x512xi32, #tpu.memory_space<hbm>>
    tpu.enqueue_dma source(%dma_start3A_21 : memref<16x512xi32, #tpu.memory_space<hbm>>) target(%arg8 : memref<16x512xi32, #tpu.memory_space<vmem>>) target_semaphore(%arg16 : memref<!tpu.dma_semaphore, #tpu.memory_space<semaphore_mem>>)
    %add3A_22 = arith.constant 48 : i32
    %add3A_23 = arith.addi %mul3A_2, %add3A_22 : i32
    %dma_start3A_24 = arith.constant 0 : i32
    %dma_start3A_25 = tpu.memref_slice %arg2[%add3A_23, %dma_start3A_24] : memref<16384x512xi32, #tpu.memory_space<hbm>> -> memref<16x512xi32, #tpu.memory_space<hbm>>
    %dma_start3A_26 = arith.constant 0 : i32
    %dma_start3A_27 = tpu.memref_slice %arg2[%add3A_23, %dma_start3A_26] : memref<16384x512xi32, #tpu.memory_space<hbm>> -> memref<16x512xi32, #tpu.memory_space<hbm>>
    tpu.enqueue_dma source(%dma_start3A_27 : memref<16x512xi32, #tpu.memory_space<hbm>>) target(%arg9 : memref<16x512xi32, #tpu.memory_space<vmem>>) target_semaphore(%arg17 : memref<!tpu.dma_semaphore, #tpu.memory_space<semaphore_mem>>)
    %scan3A = arith.constant 0 : i32
    %scan3A_28 = arith.constant 0 : i32
    %scan3A_29 = arith.constant 8 : i32
    %scan3A_30 = arith.addi %scan3A_28, %scan3A_29 : i32
    %scan3A_31 = arith.constant 1 : i32
    scf.for %scan3A_48 = %scan3A_28 to %scan3A_30 step %scan3A_31  : i32 {
      %mul3A_49 = arith.constant 4 : i32
      %mul3A_50 = arith.muli %mul3A_49, %scan3A_48 : i32
      %add3A_51 = arith.constant 0 : i32
      %add3A_52 = arith.addi %mul3A_50, %add3A_51 : i32
      %dma_wait3A_53 = arith.constant 0 : i32
      %dma_wait3A_54 = tpu.memref_slice %arg2[%mul3A_2, %dma_wait3A_53] : memref<16384x512xi32, #tpu.memory_space<hbm>> -> memref<16x512xi32, #tpu.memory_space<hbm>>
      %dma_wait3A_55 = arith.constant 0 : i32
      %dma_wait3A_56 = tpu.memref_slice %arg2[%mul3A_2, %dma_wait3A_55] : memref<16384x512xi32, #tpu.memory_space<hbm>> -> memref<16x512xi32, #tpu.memory_space<hbm>>
      tpu.wait_dma2 semaphore(%arg14 : memref<!tpu.dma_semaphore, #tpu.memory_space<semaphore_mem>>) src(%dma_wait3A_56 : memref<16x512xi32, #tpu.memory_space<hbm>>) dst(%arg6 : memref<16x512xi32, #tpu.memory_space<vmem>>)
      %gt3A = arith.constant 0 : i32
      %gt3A_57 = arith.cmpi sgt, %scan3A_48, %gt3A : i32
      %convert_element_type3A = arith.extui %gt3A_57 : i1 to i32
      %cond3A = arith.constant 0 : i32
      %cond3A_58 = arith.cmpi ne, %convert_element_type3A, %cond3A : i32
      scf.if %cond3A_58 {
        %dma_wait3A_177 = arith.constant 0 : i32
        %dma_wait3A_178 = tpu.memref_slice %arg4[%mul3A_2, %dma_wait3A_177] : memref<16384x512xf32, #tpu.memory_space<hbm>> -> memref<16x512xf32, #tpu.memory_space<hbm>>
        %dma_wait3A_179 = arith.constant 0 : i32
        %dma_wait3A_180 = tpu.memref_slice %arg4[%mul3A_2, %dma_wait3A_179] : memref<16384x512xf32, #tpu.memory_space<hbm>> -> memref<16x512xf32, #tpu.memory_space<hbm>>
        tpu.wait_dma2 semaphore(%arg18 : memref<!tpu.dma_semaphore, #tpu.memory_space<semaphore_mem>>) src(%arg10 : memref<16x512xf32, #tpu.memory_space<vmem>>) dst(%dma_wait3A_180 : memref<16x512xf32, #tpu.memory_space<hbm>>)
      } else {
      }
      %scan3A_59 = arith.constant 0 : i32
      %scan3A_60 = arith.constant 0 : i32
      %scan3A_61 = arith.constant 16 : i32
      %scan3A_62 = arith.addi %scan3A_60, %scan3A_61 : i32
      %scan3A_63 = arith.constant 1 : i32
      scf.for %scan3A_177 = %scan3A_60 to %scan3A_62 step %scan3A_63  : i32 {
        %broadcast_in_dim3A = arith.constant 0.000000e+00 : f32
        %broadcast_in_dim3A_178 = vector.broadcast %broadcast_in_dim3A : f32 to vector<16xf32>
        %broadcast_in_dim3A_179 = arith.constant 0.000000e+00 : f32
        %broadcast_in_dim3A_180 = vector.broadcast %broadcast_in_dim3A_179 : f32 to vector<16xf32>
        %broadcast_in_dim3A_181 = arith.constant 0.000000e+00 : f32
        %broadcast_in_dim3A_182 = vector.broadcast %broadcast_in_dim3A_181 : f32 to vector<16xf32>
        %broadcast_in_dim3A_183 = arith.constant 0.000000e+00 : f32
        %broadcast_in_dim3A_184 = vector.broadcast %broadcast_in_dim3A_183 : f32 to vector<16xf32>
        %get3A_185 = arith.index_cast %scan3A_177 : i32 to index
        %get3A_186 = arith.constant 0 : index
        %get3A_187 = tpu.vector_load %arg6[%get3A_185, %get3A_186] {strides = array<i32>} : memref<16x512xi32, #tpu.memory_space<vmem>>, vector<1x16xi32>,
        %get3A_188 = vector.shape_cast %get3A_187 : vector<1x16xi32> to vector<16xi32>
        %broadcast_in_dim3A_189 = vector.shape_cast %get3A_188 : vector<16xi32> to vector<16x1xi32>
        %gather3A = vector.shape_cast %broadcast_in_dim3A_189 : vector<16x1xi32> to vector<16xi32>
        %gather3A_190 = tpu.dynamic_gather %get3A_4[%gather3A] in [0] : vector<16xf32>, vector<16xi32> -> vector<16xf32>
        %add3A_191 = arith.addf %broadcast_in_dim3A_178, %gather3A_190 : vector<16xf32>
        %get3A_192 = arith.index_cast %scan3A_177 : i32 to index
        %get3A_193 = arith.constant 16 : index
        %get3A_194 = tpu.vector_load %arg6[%get3A_192, %get3A_193] {strides = array<i32>} : memref<16x512xi32, #tpu.memory_space<vmem>>, vector<1x16xi32>,
        %get3A_195 = vector.shape_cast %get3A_194 : vector<1x16xi32> to vector<16xi32>
        %broadcast_in_dim3A_196 = vector.shape_cast %get3A_195 : vector<16xi32> to vector<16x1xi32>
        %gather3A_197 = vector.shape_cast %broadcast_in_dim3A_196 : vector<16x1xi32> to vector<16xi32>
        %gather3A_198 = tpu.dynamic_gather %get3A_4[%gather3A_197] in [0] : vector<16xf32>, vector<16xi32> -> vector<16xf32>
        %add3A_199 = arith.addf %broadcast_in_dim3A_180, %gather3A_198 : vector<16xf32>
        %get3A_200 = arith.index_cast %scan3A_177 : i32 to index
        %get3A_201 = arith.constant 32 : index
        %get3A_202 = tpu.vector_load %arg6[%get3A_200, %get3A_201] {strides = array<i32>} : memref<16x512xi32, #tpu.memory_space<vmem>>, vector<1x16xi32>,
        %get3A_203 = vector.shape_cast %get3A_202 : vector<1x16xi32> to vector<16xi32>
        %broadcast_in_dim3A_204 = vector.shape_cast %get3A_203 : vector<16xi32> to vector<16x1xi32>
        %gather3A_205 = vector.shape_cast %broadcast_in_dim3A_204 : vector<16x1xi32> to vector<16xi32>
        %gather3A_206 = tpu.dynamic_gather %get3A_4[%gather3A_205] in [0] : vector<16xf32>, vector<16xi32> -> vector<16xf32>
        %add3A_207 = arith.addf %broadcast_in_dim3A_182, %gather3A_206 : vector<16xf32>
        %get3A_208 = arith.index_cast %scan3A_177 : i32 to index
        %get3A_209 = arith.constant 48 : index
        %get3A_210 = tpu.vector_load %arg6[%get3A_208, %get3A_209] {strides = array<i32>} : memref<16x512xi32, #tpu.memory_space<vmem>>, vector<1x16xi32>,
        %get3A_211 = vector.shape_cast %get3A_210 : vector<1x16xi32> to vector<16xi32>
        %broadcast_in_dim3A_212 = vector.shape_cast %get3A_211 : vector<16xi32> to vector<16x1xi32>
        %gather3A_213 = vector.shape_cast %broadcast_in_dim3A_212 : vector<16x1xi32> to vector<16xi32>
        %gather3A_214 = tpu.dynamic_gather %get3A_4[%gather3A_213] in [0] : vector<16xf32>, vector<16xi32> -> vector<16xf32>
        %add3A_215 = arith.addf %broadcast_in_dim3A_184, %gather3A_214 : vector<16xf32>
        %get3A_216 = arith.index_cast %scan3A_177 : i32 to index
        %get3A_217 = arith.constant 64 : index
        %get3A_218 = tpu.vector_load %arg6[%get3A_216, %get3A_217] {strides = array<i32>} : memref<16x512xi32, #tpu.memory_space<vmem>>, vector<1x16xi32>,
        %get3A_219 = vector.shape_cast %get3A_218 : vector<1x16xi32> to vector<16xi32>
        %broadcast_in_dim3A_220 = vector.shape_cast %get3A_219 : vector<16xi32> to vector<16x1xi32>
        %gather3A_221 = vector.shape_cast %broadcast_in_dim3A_220 : vector<16x1xi32> to vector<16xi32>
        %gather3A_222 = tpu.dynamic_gather %get3A_4[%gather3A_221] in [0] : vector<16xf32>, vector<16xi32> -> vector<16xf32>
        %add3A_223 = arith.addf %add3A_191, %gather3A_222 : vector<16xf32>
        %get3A_224 = arith.index_cast %scan3A_177 : i32 to index
        %get3A_225 = arith.constant 80 : index
        %get3A_226 = tpu.vector_load %arg6[%get3A_224, %get3A_225] {strides = array<i32>} : memref<16x512xi32, #tpu.memory_space<vmem>>, vector<1x16xi32>,
        %get3A_227 = vector.shape_cast %get3A_226 : vector<1x16xi32> to vector<16xi32>
        %broadcast_in_dim3A_228 = vector.shape_cast %get3A_227 : vector<16xi32> to vector<16x1xi32>
        %gather3A_229 = vector.shape_cast %broadcast_in_dim3A_228 : vector<16x1xi32> to vector<16xi32>
        %gather3A_230 = tpu.dynamic_gather %get3A_4[%gather3A_229] in [0] : vector<16xf32>, vector<16xi32> -> vector<16xf32>
        %add3A_231 = arith.addf %add3A_199, %gather3A_230 : vector<16xf32>
        %get3A_232 = arith.index_cast %scan3A_177 : i32 to index
        %get3A_233 = arith.constant 96 : index
        %get3A_234 = tpu.vector_load %arg6[%get3A_232, %get3A_233] {strides = array<i32>} : memref<16x512xi32, #tpu.memory_space<vmem>>, vector<1x16xi32>,
        %get3A_235 = vector.shape_cast %get3A_234 : vector<1x16xi32> to vector<16xi32>
        %broadcast_in_dim3A_236 = vector.shape_cast %get3A_235 : vector<16xi32> to vector<16x1xi32>
        %gather3A_237 = vector.shape_cast %broadcast_in_dim3A_236 : vector<16x1xi32> to vector<16xi32>
        %gather3A_238 = tpu.dynamic_gather %get3A_4[%gather3A_237] in [0] : vector<16xf32>, vector<16xi32> -> vector<16xf32>
        %add3A_239 = arith.addf %add3A_207, %gather3A_238 : vector<16xf32>
        %get3A_240 = arith.index_cast %scan3A_177 : i32 to index
        %get3A_241 = arith.constant 112 : index
        %get3A_242 = tpu.vector_load %arg6[%get3A_240, %get3A_241] {strides = array<i32>} : memref<16x512xi32, #tpu.memory_space<vmem>>, vector<1x16xi32>,
        %get3A_243 = vector.shape_cast %get3A_242 : vector<1x16xi32> to vector<16xi32>
        %broadcast_in_dim3A_244 = vector.shape_cast %get3A_243 : vector<16xi32> to vector<16x1xi32>
        %gather3A_245 = vector.shape_cast %broadcast_in_dim3A_244 : vector<16x1xi32> to vector<16xi32>
        %gather3A_246 = tpu.dynamic_gather %get3A_4[%gather3A_245] in [0] : vector<16xf32>, vector<16xi32> -> vector<16xf32>
        %add3A_247 = arith.addf %add3A_215, %gather3A_246 : vector<16xf32>
        %get3A_248 = arith.index_cast %scan3A_177 : i32 to index
        %get3A_249 = arith.constant 128 : index
        %get3A_250 = tpu.vector_load %arg6[%get3A_248, %get3A_249] {strides = array<i32>} : memref<16x512xi32, #tpu.memory_space<vmem>>, vector<1x16xi32>,
        %get3A_251 = vector.shape_cast %get3A_250 : vector<1x16xi32> to vector<16xi32>
        %broadcast_in_dim3A_252 = vector.shape_cast %get3A_251 : vector<16xi32> to vector<16x1xi32>
        %gather3A_253 = vector.shape_cast %broadcast_in_dim3A_252 : vector<16x1xi32> to vector<16xi32>
        %gather3A_254 = tpu.dynamic_gather %get3A_4[%gather3A_253] in [0] : vector<16xf32>, vector<16xi32> -> vector<16xf32>
        %add3A_255 = arith.addf %add3A_223, %gather3A_254 : vector<16xf32>
        %get3A_256 = arith.index_cast %scan3A_177 : i32 to index
        %get3A_257 = arith.constant 144 : index
        %get3A_258 = tpu.vector_load %arg6[%get3A_256, %get3A_257] {strides = array<i32>} : memref<16x512xi32, #tpu.memory_space<vmem>>, vector<1x16xi32>,
        %get3A_259 = vector.shape_cast %get3A_258 : vector<1x16xi32> to vector<16xi32>
        %broadcast_in_dim3A_260 = vector.shape_cast %get3A_259 : vector<16xi32> to vector<16x1xi32>
        %gather3A_261 = vector.shape_cast %broadcast_in_dim3A_260 : vector<16x1xi32> to vector<16xi32>
        %gather3A_262 = tpu.dynamic_gather %get3A_4[%gather3A_261] in [0] : vector<16xf32>, vector<16xi32> -> vector<16xf32>
        %add3A_263 = arith.addf %add3A_231, %gather3A_262 : vector<16xf32>
        %get3A_264 = arith.index_cast %scan3A_177 : i32 to index
        %get3A_265 = arith.constant 160 : index
        %get3A_266 = tpu.vector_load %arg6[%get3A_264, %get3A_265] {strides = array<i32>} : memref<16x512xi32, #tpu.memory_space<vmem>>, vector<1x16xi32>,
        %get3A_267 = vector.shape_cast %get3A_266 : vector<1x16xi32> to vector<16xi32>
        %broadcast_in_dim3A_268 = vector.shape_cast %get3A_267 : vector<16xi32> to vector<16x1xi32>
        %gather3A_269 = vector.shape_cast %broadcast_in_dim3A_268 : vector<16x1xi32> to vector<16xi32>
        %gather3A_270 = tpu.dynamic_gather %get3A_4[%gather3A_269] in [0] : vector<16xf32>, vector<16xi32> -> vector<16xf32>
        %add3A_271 = arith.addf %add3A_239, %gather3A_270 : vector<16xf32>
        %get3A_272 = arith.index_cast %scan3A_177 : i32 to index
        %get3A_273 = arith.constant 176 : index
        %get3A_274 = tpu.vector_load %arg6[%get3A_272, %get3A_273] {strides = array<i32>} : memref<16x512xi32, #tpu.memory_space<vmem>>, vector<1x16xi32>,
        %get3A_275 = vector.shape_cast %get3A_274 : vector<1x16xi32> to vector<16xi32>
        %broadcast_in_dim3A_276 = vector.shape_cast %get3A_275 : vector<16xi32> to vector<16x1xi32>
        %gather3A_277 = vector.shape_cast %broadcast_in_dim3A_276 : vector<16x1xi32> to vector<16xi32>
        %gather3A_278 = tpu.dynamic_gather %get3A_4[%gather3A_277] in [0] : vector<16xf32>, vector<16xi32> -> vector<16xf32>
        %add3A_279 = arith.addf %add3A_247, %gather3A_278 : vector<16xf32>
        %get3A_280 = arith.index_cast %scan3A_177 : i32 to index
        %get3A_281 = arith.constant 192 : index
        %get3A_282 = tpu.vector_load %arg6[%get3A_280, %get3A_281] {strides = array<i32>} : memref<16x512xi32, #tpu.memory_space<vmem>>, vector<1x16xi32>,
        %get3A_283 = vector.shape_cast %get3A_282 : vector<1x16xi32> to vector<16xi32>
        %broadcast_in_dim3A_284 = vector.shape_cast %get3A_283 : vector<16xi32> to vector<16x1xi32>
        %gather3A_285 = vector.shape_cast %broadcast_in_dim3A_284 : vector<16x1xi32> to vector<16xi32>
        %gather3A_286 = tpu.dynamic_gather %get3A_4[%gather3A_285] in [0] : vector<16xf32>, vector<16xi32> -> vector<16xf32>
        %add3A_287 = arith.addf %add3A_255, %gather3A_286 : vector<16xf32>
        %get3A_288 = arith.index_cast %scan3A_177 : i32 to index
        %get3A_289 = arith.constant 208 : index
        %get3A_290 = tpu.vector_load %arg6[%get3A_288, %get3A_289] {strides = array<i32>} : memref<16x512xi32, #tpu.memory_space<vmem>>, vector<1x16xi32>,
        %get3A_291 = vector.shape_cast %get3A_290 : vector<1x16xi32> to vector<16xi32>
        %broadcast_in_dim3A_292 = vector.shape_cast %get3A_291 : vector<16xi32> to vector<16x1xi32>
        %gather3A_293 = vector.shape_cast %broadcast_in_dim3A_292 : vector<16x1xi32> to vector<16xi32>
        %gather3A_294 = tpu.dynamic_gather %get3A_4[%gather3A_293] in [0] : vector<16xf32>, vector<16xi32> -> vector<16xf32>
        %add3A_295 = arith.addf %add3A_263, %gather3A_294 : vector<16xf32>
        %get3A_296 = arith.index_cast %scan3A_177 : i32 to index
        %get3A_297 = arith.constant 224 : index
        %get3A_298 = tpu.vector_load %arg6[%get3A_296, %get3A_297] {strides = array<i32>} : memref<16x512xi32, #tpu.memory_space<vmem>>, vector<1x16xi32>,
        %get3A_299 = vector.shape_cast %get3A_298 : vector<1x16xi32> to vector<16xi32>
        %broadcast_in_dim3A_300 = vector.shape_cast %get3A_299 : vector<16xi32> to vector<16x1xi32>
        %gather3A_301 = vector.shape_cast %broadcast_in_dim3A_300 : vector<16x1xi32> to vector<16xi32>
        %gather3A_302 = tpu.dynamic_gather %get3A_4[%gather3A_301] in [0] : vector<16xf32>, vector<16xi32> -> vector<16xf32>
        %add3A_303 = arith.addf %add3A_271, %gather3A_302 : vector<16xf32>
        %get3A_304 = arith.index_cast %scan3A_177 : i32 to index
        %get3A_305 = arith.constant 240 : index
        %get3A_306 = tpu.vector_load %arg6[%get3A_304, %get3A_305] {strides = array<i32>} : memref<16x512xi32, #tpu.memory_space<vmem>>, vector<1x16xi32>,
        %get3A_307 = vector.shape_cast %get3A_306 : vector<1x16xi32> to vector<16xi32>
        %broadcast_in_dim3A_308 = vector.shape_cast %get3A_307 : vector<16xi32> to vector<16x1xi32>
        %gather3A_309 = vector.shape_cast %broadcast_in_dim3A_308 : vector<16x1xi32> to vector<16xi32>
        %gather3A_310 = tpu.dynamic_gather %get3A_4[%gather3A_309] in [0] : vector<16xf32>, vector<16xi32> -> vector<16xf32>
        %add3A_311 = arith.addf %add3A_279, %gather3A_310 : vector<16xf32>
        %get3A_312 = arith.index_cast %scan3A_177 : i32 to index
        %get3A_313 = arith.constant 256 : index
        %get3A_314 = tpu.vector_load %arg6[%get3A_312, %get3A_313] {strides = array<i32>} : memref<16x512xi32, #tpu.memory_space<vmem>>, vector<1x16xi32>,
        %get3A_315 = vector.shape_cast %get3A_314 : vector<1x16xi32> to vector<16xi32>
        %broadcast_in_dim3A_316 = vector.shape_cast %get3A_315 : vector<16xi32> to vector<16x1xi32>
        %gather3A_317 = vector.shape_cast %broadcast_in_dim3A_316 : vector<16x1xi32> to vector<16xi32>
        %gather3A_318 = tpu.dynamic_gather %get3A_4[%gather3A_317] in [0] : vector<16xf32>, vector<16xi32> -> vector<16xf32>
        %add3A_319 = arith.addf %add3A_287, %gather3A_318 : vector<16xf32>
        %get3A_320 = arith.index_cast %scan3A_177 : i32 to index
        %get3A_321 = arith.constant 272 : index
        %get3A_322 = tpu.vector_load %arg6[%get3A_320, %get3A_321] {strides = array<i32>} : memref<16x512xi32, #tpu.memory_space<vmem>>, vector<1x16xi32>,
        %get3A_323 = vector.shape_cast %get3A_322 : vector<1x16xi32> to vector<16xi32>
        %broadcast_in_dim3A_324 = vector.shape_cast %get3A_323 : vector<16xi32> to vector<16x1xi32>
        %gather3A_325 = vector.shape_cast %broadcast_in_dim3A_324 : vector<16x1xi32> to vector<16xi32>
        %gather3A_326 = tpu.dynamic_gather %get3A_4[%gather3A_325] in [0] : vector<16xf32>, vector<16xi32> -> vector<16xf32>
        %add3A_327 = arith.addf %add3A_295, %gather3A_326 : vector<16xf32>
        %get3A_328 = arith.index_cast %scan3A_177 : i32 to index
        %get3A_329 = arith.constant 288 : index
        %get3A_330 = tpu.vector_load %arg6[%get3A_328, %get3A_329] {strides = array<i32>} : memref<16x512xi32, #tpu.memory_space<vmem>>, vector<1x16xi32>,
        %get3A_331 = vector.shape_cast %get3A_330 : vector<1x16xi32> to vector<16xi32>
        %broadcast_in_dim3A_332 = vector.shape_cast %get3A_331 : vector<16xi32> to vector<16x1xi32>
        %gather3A_333 = vector.shape_cast %broadcast_in_dim3A_332 : vector<16x1xi32> to vector<16xi32>
        %gather3A_334 = tpu.dynamic_gather %get3A_4[%gather3A_333] in [0] : vector<16xf32>, vector<16xi32> -> vector<16xf32>
        %add3A_335 = arith.addf %add3A_303, %gather3A_334 : vector<16xf32>
        %get3A_336 = arith.index_cast %scan3A_177 : i32 to index
        %get3A_337 = arith.constant 304 : index
        %get3A_338 = tpu.vector_load %arg6[%get3A_336, %get3A_337] {strides = array<i32>} : memref<16x512xi32, #tpu.memory_space<vmem>>, vector<1x16xi32>,
        %get3A_339 = vector.shape_cast %get3A_338 : vector<1x16xi32> to vector<16xi32>
        %broadcast_in_dim3A_340 = vector.shape_cast %get3A_339 : vector<16xi32> to vector<16x1xi32>
        %gather3A_341 = vector.shape_cast %broadcast_in_dim3A_340 : vector<16x1xi32> to vector<16xi32>
        %gather3A_342 = tpu.dynamic_gather %get3A_4[%gather3A_341] in [0] : vector<16xf32>, vector<16xi32> -> vector<16xf32>
        %add3A_343 = arith.addf %add3A_311, %gather3A_342 : vector<16xf32>
        %get3A_344 = arith.index_cast %scan3A_177 : i32 to index
        %get3A_345 = arith.constant 320 : index
        %get3A_346 = tpu.vector_load %arg6[%get3A_344, %get3A_345] {strides = array<i32>} : memref<16x512xi32, #tpu.memory_space<vmem>>, vector<1x16xi32>,
        %get3A_347 = vector.shape_cast %get3A_346 : vector<1x16xi32> to vector<16xi32>
        %broadcast_in_dim3A_348 = vector.shape_cast %get3A_347 : vector<16xi32> to vector<16x1xi32>
        %gather3A_349 = vector.shape_cast %broadcast_in_dim3A_348 : vector<16x1xi32> to vector<16xi32>
        %gather3A_350 = tpu.dynamic_gather %get3A_4[%gather3A_349] in [0] : vector<16xf32>, vector<16xi32> -> vector<16xf32>
        %add3A_351 = arith.addf %add3A_319, %gather3A_350 : vector<16xf32>
        %get3A_352 = arith.index_cast %scan3A_177 : i32 to index
        %get3A_353 = arith.constant 336 : index
        %get3A_354 = tpu.vector_load %arg6[%get3A_352, %get3A_353] {strides = array<i32>} : memref<16x512xi32, #tpu.memory_space<vmem>>, vector<1x16xi32>,
        %get3A_355 = vector.shape_cast %get3A_354 : vector<1x16xi32> to vector<16xi32>
        %broadcast_in_dim3A_356 = vector.shape_cast %get3A_355 : vector<16xi32> to vector<16x1xi32>
        %gather3A_357 = vector.shape_cast %broadcast_in_dim3A_356 : vector<16x1xi32> to vector<16xi32>
        %gather3A_358 = tpu.dynamic_gather %get3A_4[%gather3A_357] in [0] : vector<16xf32>, vector<16xi32> -> vector<16xf32>
        %add3A_359 = arith.addf %add3A_327, %gather3A_358 : vector<16xf32>
        %get3A_360 = arith.index_cast %scan3A_177 : i32 to index
        %get3A_361 = arith.constant 352 : index
        %get3A_362 = tpu.vector_load %arg6[%get3A_360, %get3A_361] {strides = array<i32>} : memref<16x512xi32, #tpu.memory_space<vmem>>, vector<1x16xi32>,
        %get3A_363 = vector.shape_cast %get3A_362 : vector<1x16xi32> to vector<16xi32>
        %broadcast_in_dim3A_364 = vector.shape_cast %get3A_363 : vector<16xi32> to vector<16x1xi32>
        %gather3A_365 = vector.shape_cast %broadcast_in_dim3A_364 : vector<16x1xi32> to vector<16xi32>
        %gather3A_366 = tpu.dynamic_gather %get3A_4[%gather3A_365] in [0] : vector<16xf32>, vector<16xi32> -> vector<16xf32>
        %add3A_367 = arith.addf %add3A_335, %gather3A_366 : vector<16xf32>
        %get3A_368 = arith.index_cast %scan3A_177 : i32 to index
        %get3A_369 = arith.constant 368 : index
        %get3A_370 = tpu.vector_load %arg6[%get3A_368, %get3A_369] {strides = array<i32>} : memref<16x512xi32, #tpu.memory_space<vmem>>, vector<1x16xi32>,
        %get3A_371 = vector.shape_cast %get3A_370 : vector<1x16xi32> to vector<16xi32>
        %broadcast_in_dim3A_372 = vector.shape_cast %get3A_371 : vector<16xi32> to vector<16x1xi32>
        %gather3A_373 = vector.shape_cast %broadcast_in_dim3A_372 : vector<16x1xi32> to vector<16xi32>
        %gather3A_374 = tpu.dynamic_gather %get3A_4[%gather3A_373] in [0] : vector<16xf32>, vector<16xi32> -> vector<16xf32>
        %add3A_375 = arith.addf %add3A_343, %gather3A_374 : vector<16xf32>
        %get3A_376 = arith.index_cast %scan3A_177 : i32 to index
        %get3A_377 = arith.constant 384 : index
        %get3A_378 = tpu.vector_load %arg6[%get3A_376, %get3A_377] {strides = array<i32>} : memref<16x512xi32, #tpu.memory_space<vmem>>, vector<1x16xi32>,
        %get3A_379 = vector.shape_cast %get3A_378 : vector<1x16xi32> to vector<16xi32>
        %broadcast_in_dim3A_380 = vector.shape_cast %get3A_379 : vector<16xi32> to vector<16x1xi32>
        %gather3A_381 = vector.shape_cast %broadcast_in_dim3A_380 : vector<16x1xi32> to vector<16xi32>
        %gather3A_382 = tpu.dynamic_gather %get3A_4[%gather3A_381] in [0] : vector<16xf32>, vector<16xi32> -> vector<16xf32>
        %add3A_383 = arith.addf %add3A_351, %gather3A_382 : vector<16xf32>
        %get3A_384 = arith.index_cast %scan3A_177 : i32 to index
        %get3A_385 = arith.constant 400 : index
        %get3A_386 = tpu.vector_load %arg6[%get3A_384, %get3A_385] {strides = array<i32>} : memref<16x512xi32, #tpu.memory_space<vmem>>, vector<1x16xi32>,
        %get3A_387 = vector.shape_cast %get3A_386 : vector<1x16xi32> to vector<16xi32>
        %broadcast_in_dim3A_388 = vector.shape_cast %get3A_387 : vector<16xi32> to vector<16x1xi32>
        %gather3A_389 = vector.shape_cast %broadcast_in_dim3A_388 : vector<16x1xi32> to vector<16xi32>
        %gather3A_390 = tpu.dynamic_gather %get3A_4[%gather3A_389] in [0] : vector<16xf32>, vector<16xi32> -> vector<16xf32>
        %add3A_391 = arith.addf %add3A_359, %gather3A_390 : vector<16xf32>
        %get3A_392 = arith.index_cast %scan3A_177 : i32 to index
        %get3A_393 = arith.constant 416 : index
        %get3A_394 = tpu.vector_load %arg6[%get3A_392, %get3A_393] {strides = array<i32>} : memref<16x512xi32, #tpu.memory_space<vmem>>, vector<1x16xi32>,
        %get3A_395 = vector.shape_cast %get3A_394 : vector<1x16xi32> to vector<16xi32>
        %broadcast_in_dim3A_396 = vector.shape_cast %get3A_395 : vector<16xi32> to vector<16x1xi32>
        %gather3A_397 = vector.shape_cast %broadcast_in_dim3A_396 : vector<16x1xi32> to vector<16xi32>
        %gather3A_398 = tpu.dynamic_gather %get3A_4[%gather3A_397] in [0] : vector<16xf32>, vector<16xi32> -> vector<16xf32>
        %add3A_399 = arith.addf %add3A_367, %gather3A_398 : vector<16xf32>
        %get3A_400 = arith.index_cast %scan3A_177 : i32 to index
        %get3A_401 = arith.constant 432 : index
        %get3A_402 = tpu.vector_load %arg6[%get3A_400, %get3A_401] {strides = array<i32>} : memref<16x512xi32, #tpu.memory_space<vmem>>, vector<1x16xi32>,
        %get3A_403 = vector.shape_cast %get3A_402 : vector<1x16xi32> to vector<16xi32>
        %broadcast_in_dim3A_404 = vector.shape_cast %get3A_403 : vector<16xi32> to vector<16x1xi32>
        %gather3A_405 = vector.shape_cast %broadcast_in_dim3A_404 : vector<16x1xi32> to vector<16xi32>
        %gather3A_406 = tpu.dynamic_gather %get3A_4[%gather3A_405] in [0] : vector<16xf32>, vector<16xi32> -> vector<16xf32>
        %add3A_407 = arith.addf %add3A_375, %gather3A_406 : vector<16xf32>
        %get3A_408 = arith.index_cast %scan3A_177 : i32 to index
        %get3A_409 = arith.constant 448 : index
        %get3A_410 = tpu.vector_load %arg6[%get3A_408, %get3A_409] {strides = array<i32>} : memref<16x512xi32, #tpu.memory_space<vmem>>, vector<1x16xi32>,
        %get3A_411 = vector.shape_cast %get3A_410 : vector<1x16xi32> to vector<16xi32>
        %broadcast_in_dim3A_412 = vector.shape_cast %get3A_411 : vector<16xi32> to vector<16x1xi32>
        %gather3A_413 = vector.shape_cast %broadcast_in_dim3A_412 : vector<16x1xi32> to vector<16xi32>
        %gather3A_414 = tpu.dynamic_gather %get3A_4[%gather3A_413] in [0] : vector<16xf32>, vector<16xi32> -> vector<16xf32>
        %add3A_415 = arith.addf %add3A_383, %gather3A_414 : vector<16xf32>
        %get3A_416 = arith.index_cast %scan3A_177 : i32 to index
        %get3A_417 = arith.constant 464 : index
        %get3A_418 = tpu.vector_load %arg6[%get3A_416, %get3A_417] {strides = array<i32>} : memref<16x512xi32, #tpu.memory_space<vmem>>, vector<1x16xi32>,
        %get3A_419 = vector.shape_cast %get3A_418 : vector<1x16xi32> to vector<16xi32>
        %broadcast_in_dim3A_420 = vector.shape_cast %get3A_419 : vector<16xi32> to vector<16x1xi32>
        %gather3A_421 = vector.shape_cast %broadcast_in_dim3A_420 : vector<16x1xi32> to vector<16xi32>
        %gather3A_422 = tpu.dynamic_gather %get3A_4[%gather3A_421] in [0] : vector<16xf32>, vector<16xi32> -> vector<16xf32>
        %add3A_423 = arith.addf %add3A_391, %gather3A_422 : vector<16xf32>
        %get3A_424 = arith.index_cast %scan3A_177 : i32 to index
        %get3A_425 = arith.constant 480 : index
        %get3A_426 = tpu.vector_load %arg6[%get3A_424, %get3A_425] {strides = array<i32>} : memref<16x512xi32, #tpu.memory_space<vmem>>, vector<1x16xi32>,
        %get3A_427 = vector.shape_cast %get3A_426 : vector<1x16xi32> to vector<16xi32>
        %broadcast_in_dim3A_428 = vector.shape_cast %get3A_427 : vector<16xi32> to vector<16x1xi32>
        %gather3A_429 = vector.shape_cast %broadcast_in_dim3A_428 : vector<16x1xi32> to vector<16xi32>
        %gather3A_430 = tpu.dynamic_gather %get3A_4[%gather3A_429] in [0] : vector<16xf32>, vector<16xi32> -> vector<16xf32>
        %add3A_431 = arith.addf %add3A_399, %gather3A_430 : vector<16xf32>
        %get3A_432 = arith.index_cast %scan3A_177 : i32 to index
        %get3A_433 = arith.constant 496 : index
        %get3A_434 = tpu.vector_load %arg6[%get3A_432, %get3A_433] {strides = array<i32>} : memref<16x512xi32, #tpu.memory_space<vmem>>, vector<1x16xi32>,
        %get3A_435 = vector.shape_cast %get3A_434 : vector<1x16xi32> to vector<16xi32>
        %broadcast_in_dim3A_436 = vector.shape_cast %get3A_435 : vector<16xi32> to vector<16x1xi32>
        %gather3A_437 = vector.shape_cast %broadcast_in_dim3A_436 : vector<16x1xi32> to vector<16xi32>
        %gather3A_438 = tpu.dynamic_gather %get3A_4[%gather3A_437] in [0] : vector<16xf32>, vector<16xi32> -> vector<16xf32>
        %add3A_439 = arith.addf %add3A_407, %gather3A_438 : vector<16xf32>
        %add3A_440 = arith.addf %add3A_415, %add3A_423 : vector<16xf32>
        %add3A_441 = arith.addf %add3A_431, %add3A_439 : vector<16xf32>
        %add3A_442 = arith.addf %add3A_440, %add3A_441 : vector<16xf32>
        %iota3A = tpu.iota {dimensions = array<i32: 0>} : vector<16xi32>
        %xor3A = arith.constant 8 : i32
        %xor3A_443 = vector.broadcast %xor3A : i32 to vector<16xi32>
        %xor3A_444 = arith.xori %iota3A, %xor3A_443 : vector<16xi32>
        %broadcast_in_dim3A_445 = vector.shape_cast %xor3A_444 : vector<16xi32> to vector<16x1xi32>
        %gather3A_446 = vector.shape_cast %broadcast_in_dim3A_445 : vector<16x1xi32> to vector<16xi32>
        %gather3A_447 = tpu.dynamic_gather %add3A_442[%gather3A_446] in [0] : vector<16xf32>, vector<16xi32> -> vector<16xf32>
        %add3A_448 = arith.addf %add3A_442, %gather3A_447 : vector<16xf32>
        %iota3A_449 = tpu.iota {dimensions = array<i32: 0>} : vector<16xi32>
        %xor3A_450 = arith.constant 4 : i32
        %xor3A_451 = vector.broadcast %xor3A_450 : i32 to vector<16xi32>
        %xor3A_452 = arith.xori %iota3A_449, %xor3A_451 : vector<16xi32>
        %broadcast_in_dim3A_453 = vector.shape_cast %xor3A_452 : vector<16xi32> to vector<16x1xi32>
        %gather3A_454 = vector.shape_cast %broadcast_in_dim3A_453 : vector<16x1xi32> to vector<16xi32>
        %gather3A_455 = tpu.dynamic_gather %add3A_448[%gather3A_454] in [0] : vector<16xf32>, vector<16xi32> -> vector<16xf32>
        %add3A_456 = arith.addf %add3A_448, %gather3A_455 : vector<16xf32>
        %iota3A_457 = tpu.iota {dimensions = array<i32: 0>} : vector<16xi32>
        %xor3A_458 = arith.constant 2 : i32
        %xor3A_459 = vector.broadcast %xor3A_458 : i32 to vector<16xi32>
        %xor3A_460 = arith.xori %iota3A_457, %xor3A_459 : vector<16xi32>
        %broadcast_in_dim3A_461 = vector.shape_cast %xor3A_460 : vector<16xi32> to vector<16x1xi32>
        %gather3A_462 = vector.shape_cast %broadcast_in_dim3A_461 : vector<16x1xi32> to vector<16xi32>
        %gather3A_463 = tpu.dynamic_gather %add3A_456[%gather3A_462] in [0] : vector<16xf32>, vector<16xi32> -> vector<16xf32>
        %add3A_464 = arith.addf %add3A_456, %gather3A_463 : vector<16xf32>
        %iota3A_465 = tpu.iota {dimensions = array<i32: 0>} : vector<16xi32>
        %xor3A_466 = arith.constant 1 : i32
        %xor3A_467 = vector.broadcast %xor3A_466 : i32 to vector<16xi32>
        %xor3A_468 = arith.xori %iota3A_465, %xor3A_467 : vector<16xi32>
        %broadcast_in_dim3A_469 = vector.shape_cast %xor3A_468 : vector<16xi32> to vector<16x1xi32>
        %gather3A_470 = vector.shape_cast %broadcast_in_dim3A_469 : vector<16x1xi32> to vector<16xi32>
        %gather3A_471 = tpu.dynamic_gather %add3A_464[%gather3A_470] in [0] : vector<16xf32>, vector<16xi32> -> vector<16xf32>
        %add3A_472 = arith.addf %add3A_464, %gather3A_471 : vector<16xf32>
        %div3A = arith.constant 1.000000e+00 : f32
        %div3A_473 = vector.broadcast %div3A : f32 to vector<16xf32>
        %div3A_474 = arith.divf %div3A_473, %add3A_472 : vector<16xf32>
        %mul3A_475 = arith.mulf %gather3A_190, %div3A_474 : vector<16xf32>
        %swap3A = arith.index_cast %scan3A_177 : i32 to index
        %swap3A_476 = arith.constant 0 : index
        %swap3A_477 = tpu.vector_load %arg10[%swap3A, %swap3A_476] {strides = array<i32>} : memref<16x512xf32, #tpu.memory_space<vmem>>, vector<1x16xf32>,
        %swap3A_478 = vector.shape_cast %swap3A_477 : vector<1x16xf32> to vector<16xf32>
        %swap3A_479 = vector.shape_cast %mul3A_475 : vector<16xf32> to vector<1x16xf32>
        tpu.vector_store %arg10[%swap3A, %swap3A_476], %swap3A_479 {strides = array<i32>} : memref<16x512xf32, #tpu.memory_space<vmem>>, vector<1x16xf32>,
        %mul3A_480 = arith.mulf %gather3A_198, %div3A_474 : vector<16xf32>
        %swap3A_481 = arith.index_cast %scan3A_177 : i32 to index
        %swap3A_482 = arith.constant 16 : index
        %swap3A_483 = tpu.vector_load %arg10[%swap3A_481, %swap3A_482] {strides = array<i32>} : memref<16x512xf32, #tpu.memory_space<vmem>>, vector<1x16xf32>,
        %swap3A_484 = vector.shape_cast %swap3A_483 : vector<1x16xf32> to vector<16xf32>
        %swap3A_485 = vector.shape_cast %mul3A_480 : vector<16xf32> to vector<1x16xf32>
        tpu.vector_store %arg10[%swap3A_481, %swap3A_482], %swap3A_485 {strides = array<i32>} : memref<16x512xf32, #tpu.memory_space<vmem>>, vector<1x16xf32>,
        %mul3A_486 = arith.mulf %gather3A_206, %div3A_474 : vector<16xf32>
        %swap3A_487 = arith.index_cast %scan3A_177 : i32 to index
        %swap3A_488 = arith.constant 32 : index
        %swap3A_489 = tpu.vector_load %arg10[%swap3A_487, %swap3A_488] {strides = array<i32>} : memref<16x512xf32, #tpu.memory_space<vmem>>, vector<1x16xf32>,
        %swap3A_490 = vector.shape_cast %swap3A_489 : vector<1x16xf32> to vector<16xf32>
        %swap3A_491 = vector.shape_cast %mul3A_486 : vector<16xf32> to vector<1x16xf32>
        tpu.vector_store %arg10[%swap3A_487, %swap3A_488], %swap3A_491 {strides = array<i32>} : memref<16x512xf32, #tpu.memory_space<vmem>>, vector<1x16xf32>,
        %mul3A_492 = arith.mulf %gather3A_214, %div3A_474 : vector<16xf32>
        %swap3A_493 = arith.index_cast %scan3A_177 : i32 to index
        %swap3A_494 = arith.constant 48 : index
        %swap3A_495 = tpu.vector_load %arg10[%swap3A_493, %swap3A_494] {strides = array<i32>} : memref<16x512xf32, #tpu.memory_space<vmem>>, vector<1x16xf32>,
        %swap3A_496 = vector.shape_cast %swap3A_495 : vector<1x16xf32> to vector<16xf32>
        %swap3A_497 = vector.shape_cast %mul3A_492 : vector<16xf32> to vector<1x16xf32>
        tpu.vector_store %arg10[%swap3A_493, %swap3A_494], %swap3A_497 {strides = array<i32>} : memref<16x512xf32, #tpu.memory_space<vmem>>, vector<1x16xf32>,
        %mul3A_498 = arith.mulf %gather3A_222, %div3A_474 : vector<16xf32>
        %swap3A_499 = arith.index_cast %scan3A_177 : i32 to index
        %swap3A_500 = arith.constant 64 : index
        %swap3A_501 = tpu.vector_load %arg10[%swap3A_499, %swap3A_500] {strides = array<i32>} : memref<16x512xf32, #tpu.memory_space<vmem>>, vector<1x16xf32>,
        %swap3A_502 = vector.shape_cast %swap3A_501 : vector<1x16xf32> to vector<16xf32>
        %swap3A_503 = vector.shape_cast %mul3A_498 : vector<16xf32> to vector<1x16xf32>
        tpu.vector_store %arg10[%swap3A_499, %swap3A_500], %swap3A_503 {strides = array<i32>} : memref<16x512xf32, #tpu.memory_space<vmem>>, vector<1x16xf32>,
        %mul3A_504 = arith.mulf %gather3A_230, %div3A_474 : vector<16xf32>
        %swap3A_505 = arith.index_cast %scan3A_177 : i32 to index
        %swap3A_506 = arith.constant 80 : index
        %swap3A_507 = tpu.vector_load %arg10[%swap3A_505, %swap3A_506] {strides = array<i32>} : memref<16x512xf32, #tpu.memory_space<vmem>>, vector<1x16xf32>,
        %swap3A_508 = vector.shape_cast %swap3A_507 : vector<1x16xf32> to vector<16xf32>
        %swap3A_509 = vector.shape_cast %mul3A_504 : vector<16xf32> to vector<1x16xf32>
        tpu.vector_store %arg10[%swap3A_505, %swap3A_506], %swap3A_509 {strides = array<i32>} : memref<16x512xf32, #tpu.memory_space<vmem>>, vector<1x16xf32>,
        %mul3A_510 = arith.mulf %gather3A_238, %div3A_474 : vector<16xf32>
        %swap3A_511 = arith.index_cast %scan3A_177 : i32 to index
        %swap3A_512 = arith.constant 96 : index
        %swap3A_513 = tpu.vector_load %arg10[%swap3A_511, %swap3A_512] {strides = array<i32>} : memref<16x512xf32, #tpu.memory_space<vmem>>, vector<1x16xf32>,
        %swap3A_514 = vector.shape_cast %swap3A_513 : vector<1x16xf32> to vector<16xf32>
        %swap3A_515 = vector.shape_cast %mul3A_510 : vector<16xf32> to vector<1x16xf32>
        tpu.vector_store %arg10[%swap3A_511, %swap3A_512], %swap3A_515 {strides = array<i32>} : memref<16x512xf32, #tpu.memory_space<vmem>>, vector<1x16xf32>,
        %mul3A_516 = arith.mulf %gather3A_246, %div3A_474 : vector<16xf32>
        %swap3A_517 = arith.index_cast %scan3A_177 : i32 to index
        %swap3A_518 = arith.constant 112 : index
        %swap3A_519 = tpu.vector_load %arg10[%swap3A_517, %swap3A_518] {strides = array<i32>} : memref<16x512xf32, #tpu.memory_space<vmem>>, vector<1x16xf32>,
        %swap3A_520 = vector.shape_cast %swap3A_519 : vector<1x16xf32> to vector<16xf32>
        %swap3A_521 = vector.shape_cast %mul3A_516 : vector<16xf32> to vector<1x16xf32>
        tpu.vector_store %arg10[%swap3A_517, %swap3A_518], %swap3A_521 {strides = array<i32>} : memref<16x512xf32, #tpu.memory_space<vmem>>, vector<1x16xf32>,
        %mul3A_522 = arith.mulf %gather3A_254, %div3A_474 : vector<16xf32>
        %swap3A_523 = arith.index_cast %scan3A_177 : i32 to index
        %swap3A_524 = arith.constant 128 : index
        %swap3A_525 = tpu.vector_load %arg10[%swap3A_523, %swap3A_524] {strides = array<i32>} : memref<16x512xf32, #tpu.memory_space<vmem>>, vector<1x16xf32>,
        %swap3A_526 = vector.shape_cast %swap3A_525 : vector<1x16xf32> to vector<16xf32>
        %swap3A_527 = vector.shape_cast %mul3A_522 : vector<16xf32> to vector<1x16xf32>
        tpu.vector_store %arg10[%swap3A_523, %swap3A_524], %swap3A_527 {strides = array<i32>} : memref<16x512xf32, #tpu.memory_space<vmem>>, vector<1x16xf32>,
        %mul3A_528 = arith.mulf %gather3A_262, %div3A_474 : vector<16xf32>
        %swap3A_529 = arith.index_cast %scan3A_177 : i32 to index
        %swap3A_530 = arith.constant 144 : index
        %swap3A_531 = tpu.vector_load %arg10[%swap3A_529, %swap3A_530] {strides = array<i32>} : memref<16x512xf32, #tpu.memory_space<vmem>>, vector<1x16xf32>,
        %swap3A_532 = vector.shape_cast %swap3A_531 : vector<1x16xf32> to vector<16xf32>
        %swap3A_533 = vector.shape_cast %mul3A_528 : vector<16xf32> to vector<1x16xf32>
        tpu.vector_store %arg10[%swap3A_529, %swap3A_530], %swap3A_533 {strides = array<i32>} : memref<16x512xf32, #tpu.memory_space<vmem>>, vector<1x16xf32>,
        %mul3A_534 = arith.mulf %gather3A_270, %div3A_474 : vector<16xf32>
        %swap3A_535 = arith.index_cast %scan3A_177 : i32 to index
        %swap3A_536 = arith.constant 160 : index
        %swap3A_537 = tpu.vector_load %arg10[%swap3A_535, %swap3A_536] {strides = array<i32>} : memref<16x512xf32, #tpu.memory_space<vmem>>, vector<1x16xf32>,
        %swap3A_538 = vector.shape_cast %swap3A_537 : vector<1x16xf32> to vector<16xf32>
        %swap3A_539 = vector.shape_cast %mul3A_534 : vector<16xf32> to vector<1x16xf32>
        tpu.vector_store %arg10[%swap3A_535, %swap3A_536], %swap3A_539 {strides = array<i32>} : memref<16x512xf32, #tpu.memory_space<vmem>>, vector<1x16xf32>,
        %mul3A_540 = arith.mulf %gather3A_278, %div3A_474 : vector<16xf32>
        %swap3A_541 = arith.index_cast %scan3A_177 : i32 to index
        %swap3A_542 = arith.constant 176 : index
        %swap3A_543 = tpu.vector_load %arg10[%swap3A_541, %swap3A_542] {strides = array<i32>} : memref<16x512xf32, #tpu.memory_space<vmem>>, vector<1x16xf32>,
        %swap3A_544 = vector.shape_cast %swap3A_543 : vector<1x16xf32> to vector<16xf32>
        %swap3A_545 = vector.shape_cast %mul3A_540 : vector<16xf32> to vector<1x16xf32>
        tpu.vector_store %arg10[%swap3A_541, %swap3A_542], %swap3A_545 {strides = array<i32>} : memref<16x512xf32, #tpu.memory_space<vmem>>, vector<1x16xf32>,
        %mul3A_546 = arith.mulf %gather3A_286, %div3A_474 : vector<16xf32>
        %swap3A_547 = arith.index_cast %scan3A_177 : i32 to index
        %swap3A_548 = arith.constant 192 : index
        %swap3A_549 = tpu.vector_load %arg10[%swap3A_547, %swap3A_548] {strides = array<i32>} : memref<16x512xf32, #tpu.memory_space<vmem>>, vector<1x16xf32>,
        %swap3A_550 = vector.shape_cast %swap3A_549 : vector<1x16xf32> to vector<16xf32>
        %swap3A_551 = vector.shape_cast %mul3A_546 : vector<16xf32> to vector<1x16xf32>
        tpu.vector_store %arg10[%swap3A_547, %swap3A_548], %swap3A_551 {strides = array<i32>} : memref<16x512xf32, #tpu.memory_space<vmem>>, vector<1x16xf32>,
        %mul3A_552 = arith.mulf %gather3A_294, %div3A_474 : vector<16xf32>
        %swap3A_553 = arith.index_cast %scan3A_177 : i32 to index
        %swap3A_554 = arith.constant 208 : index
        %swap3A_555 = tpu.vector_load %arg10[%swap3A_553, %swap3A_554] {strides = array<i32>} : memref<16x512xf32, #tpu.memory_space<vmem>>, vector<1x16xf32>,
        %swap3A_556 = vector.shape_cast %swap3A_555 : vector<1x16xf32> to vector<16xf32>
        %swap3A_557 = vector.shape_cast %mul3A_552 : vector<16xf32> to vector<1x16xf32>
        tpu.vector_store %arg10[%swap3A_553, %swap3A_554], %swap3A_557 {strides = array<i32>} : memref<16x512xf32, #tpu.memory_space<vmem>>, vector<1x16xf32>,
        %mul3A_558 = arith.mulf %gather3A_302, %div3A_474 : vector<16xf32>
        %swap3A_559 = arith.index_cast %scan3A_177 : i32 to index
        %swap3A_560 = arith.constant 224 : index
        %swap3A_561 = tpu.vector_load %arg10[%swap3A_559, %swap3A_560] {strides = array<i32>} : memref<16x512xf32, #tpu.memory_space<vmem>>, vector<1x16xf32>,
        %swap3A_562 = vector.shape_cast %swap3A_561 : vector<1x16xf32> to vector<16xf32>
        %swap3A_563 = vector.shape_cast %mul3A_558 : vector<16xf32> to vector<1x16xf32>
        tpu.vector_store %arg10[%swap3A_559, %swap3A_560], %swap3A_563 {strides = array<i32>} : memref<16x512xf32, #tpu.memory_space<vmem>>, vector<1x16xf32>,
        %mul3A_564 = arith.mulf %gather3A_310, %div3A_474 : vector<16xf32>
        %swap3A_565 = arith.index_cast %scan3A_177 : i32 to index
        %swap3A_566 = arith.constant 240 : index
        %swap3A_567 = tpu.vector_load %arg10[%swap3A_565, %swap3A_566] {strides = array<i32>} : memref<16x512xf32, #tpu.memory_space<vmem>>, vector<1x16xf32>,
        %swap3A_568 = vector.shape_cast %swap3A_567 : vector<1x16xf32> to vector<16xf32>
        %swap3A_569 = vector.shape_cast %mul3A_564 : vector<16xf32> to vector<1x16xf32>
        tpu.vector_store %arg10[%swap3A_565, %swap3A_566], %swap3A_569 {strides = array<i32>} : memref<16x512xf32, #tpu.memory_space<vmem>>, vector<1x16xf32>,
        %mul3A_570 = arith.mulf %gather3A_318, %div3A_474 : vector<16xf32>
        %swap3A_571 = arith.index_cast %scan3A_177 : i32 to index
        %swap3A_572 = arith.constant 256 : index
        %swap3A_573 = tpu.vector_load %arg10[%swap3A_571, %swap3A_572] {strides = array<i32>} : memref<16x512xf32, #tpu.memory_space<vmem>>, vector<1x16xf32>,
        %swap3A_574 = vector.shape_cast %swap3A_573 : vector<1x16xf32> to vector<16xf32>
        %swap3A_575 = vector.shape_cast %mul3A_570 : vector<16xf32> to vector<1x16xf32>
        tpu.vector_store %arg10[%swap3A_571, %swap3A_572], %swap3A_575 {strides = array<i32>} : memref<16x512xf32, #tpu.memory_space<vmem>>, vector<1x16xf32>,
        %mul3A_576 = arith.mulf %gather3A_326, %div3A_474 : vector<16xf32>
        %swap3A_577 = arith.index_cast %scan3A_177 : i32 to index
        %swap3A_578 = arith.constant 272 : index
        %swap3A_579 = tpu.vector_load %arg10[%swap3A_577, %swap3A_578] {strides = array<i32>} : memref<16x512xf32, #tpu.memory_space<vmem>>, vector<1x16xf32>,
        %swap3A_580 = vector.shape_cast %swap3A_579 : vector<1x16xf32> to vector<16xf32>
        %swap3A_581 = vector.shape_cast %mul3A_576 : vector<16xf32> to vector<1x16xf32>
        tpu.vector_store %arg10[%swap3A_577, %swap3A_578], %swap3A_581 {strides = array<i32>} : memref<16x512xf32, #tpu.memory_space<vmem>>, vector<1x16xf32>,
        %mul3A_582 = arith.mulf %gather3A_334, %div3A_474 : vector<16xf32>
        %swap3A_583 = arith.index_cast %scan3A_177 : i32 to index
        %swap3A_584 = arith.constant 288 : index
        %swap3A_585 = tpu.vector_load %arg10[%swap3A_583, %swap3A_584] {strides = array<i32>} : memref<16x512xf32, #tpu.memory_space<vmem>>, vector<1x16xf32>,
        %swap3A_586 = vector.shape_cast %swap3A_585 : vector<1x16xf32> to vector<16xf32>
        %swap3A_587 = vector.shape_cast %mul3A_582 : vector<16xf32> to vector<1x16xf32>
        tpu.vector_store %arg10[%swap3A_583, %swap3A_584], %swap3A_587 {strides = array<i32>} : memref<16x512xf32, #tpu.memory_space<vmem>>, vector<1x16xf32>,
        %mul3A_588 = arith.mulf %gather3A_342, %div3A_474 : vector<16xf32>
        %swap3A_589 = arith.index_cast %scan3A_177 : i32 to index
        %swap3A_590 = arith.constant 304 : index
        %swap3A_591 = tpu.vector_load %arg10[%swap3A_589, %swap3A_590] {strides = array<i32>} : memref<16x512xf32, #tpu.memory_space<vmem>>, vector<1x16xf32>,
        %swap3A_592 = vector.shape_cast %swap3A_591 : vector<1x16xf32> to vector<16xf32>
        %swap3A_593 = vector.shape_cast %mul3A_588 : vector<16xf32> to vector<1x16xf32>
        tpu.vector_store %arg10[%swap3A_589, %swap3A_590], %swap3A_593 {strides = array<i32>} : memref<16x512xf32, #tpu.memory_space<vmem>>, vector<1x16xf32>,
        %mul3A_594 = arith.mulf %gather3A_350, %div3A_474 : vector<16xf32>
        %swap3A_595 = arith.index_cast %scan3A_177 : i32 to index
        %swap3A_596 = arith.constant 320 : index
        %swap3A_597 = tpu.vector_load %arg10[%swap3A_595, %swap3A_596] {strides = array<i32>} : memref<16x512xf32, #tpu.memory_space<vmem>>, vector<1x16xf32>,
        %swap3A_598 = vector.shape_cast %swap3A_597 : vector<1x16xf32> to vector<16xf32>
        %swap3A_599 = vector.shape_cast %mul3A_594 : vector<16xf32> to vector<1x16xf32>
        tpu.vector_store %arg10[%swap3A_595, %swap3A_596], %swap3A_599 {strides = array<i32>} : memref<16x512xf32, #tpu.memory_space<vmem>>, vector<1x16xf32>,
        %mul3A_600 = arith.mulf %gather3A_358, %div3A_474 : vector<16xf32>
        %swap3A_601 = arith.index_cast %scan3A_177 : i32 to index
        %swap3A_602 = arith.constant 336 : index
        %swap3A_603 = tpu.vector_load %arg10[%swap3A_601, %swap3A_602] {strides = array<i32>} : memref<16x512xf32, #tpu.memory_space<vmem>>, vector<1x16xf32>,
        %swap3A_604 = vector.shape_cast %swap3A_603 : vector<1x16xf32> to vector<16xf32>
        %swap3A_605 = vector.shape_cast %mul3A_600 : vector<16xf32> to vector<1x16xf32>
        tpu.vector_store %arg10[%swap3A_601, %swap3A_602], %swap3A_605 {strides = array<i32>} : memref<16x512xf32, #tpu.memory_space<vmem>>, vector<1x16xf32>,
        %mul3A_606 = arith.mulf %gather3A_366, %div3A_474 : vector<16xf32>
        %swap3A_607 = arith.index_cast %scan3A_177 : i32 to index
        %swap3A_608 = arith.constant 352 : index
        %swap3A_609 = tpu.vector_load %arg10[%swap3A_607, %swap3A_608] {strides = array<i32>} : memref<16x512xf32, #tpu.memory_space<vmem>>, vector<1x16xf32>,
        %swap3A_610 = vector.shape_cast %swap3A_609 : vector<1x16xf32> to vector<16xf32>
        %swap3A_611 = vector.shape_cast %mul3A_606 : vector<16xf32> to vector<1x16xf32>
        tpu.vector_store %arg10[%swap3A_607, %swap3A_608], %swap3A_611 {strides = array<i32>} : memref<16x512xf32, #tpu.memory_space<vmem>>, vector<1x16xf32>,
        %mul3A_612 = arith.mulf %gather3A_374, %div3A_474 : vector<16xf32>
        %swap3A_613 = arith.index_cast %scan3A_177 : i32 to index
        %swap3A_614 = arith.constant 368 : index
        %swap3A_615 = tpu.vector_load %arg10[%swap3A_613, %swap3A_614] {strides = array<i32>} : memref<16x512xf32, #tpu.memory_space<vmem>>, vector<1x16xf32>,
        %swap3A_616 = vector.shape_cast %swap3A_615 : vector<1x16xf32> to vector<16xf32>
        %swap3A_617 = vector.shape_cast %mul3A_612 : vector<16xf32> to vector<1x16xf32>
        tpu.vector_store %arg10[%swap3A_613, %swap3A_614], %swap3A_617 {strides = array<i32>} : memref<16x512xf32, #tpu.memory_space<vmem>>, vector<1x16xf32>,
        %mul3A_618 = arith.mulf %gather3A_382, %div3A_474 : vector<16xf32>
        %swap3A_619 = arith.index_cast %scan3A_177 : i32 to index
        %swap3A_620 = arith.constant 384 : index
        %swap3A_621 = tpu.vector_load %arg10[%swap3A_619, %swap3A_620] {strides = array<i32>} : memref<16x512xf32, #tpu.memory_space<vmem>>, vector<1x16xf32>,
        %swap3A_622 = vector.shape_cast %swap3A_621 : vector<1x16xf32> to vector<16xf32>
        %swap3A_623 = vector.shape_cast %mul3A_618 : vector<16xf32> to vector<1x16xf32>
        tpu.vector_store %arg10[%swap3A_619, %swap3A_620], %swap3A_623 {strides = array<i32>} : memref<16x512xf32, #tpu.memory_space<vmem>>, vector<1x16xf32>,
        %mul3A_624 = arith.mulf %gather3A_390, %div3A_474 : vector<16xf32>
        %swap3A_625 = arith.index_cast %scan3A_177 : i32 to index
        %swap3A_626 = arith.constant 400 : index
        %swap3A_627 = tpu.vector_load %arg10[%swap3A_625, %swap3A_626] {strides = array<i32>} : memref<16x512xf32, #tpu.memory_space<vmem>>, vector<1x16xf32>,
        %swap3A_628 = vector.shape_cast %swap3A_627 : vector<1x16xf32> to vector<16xf32>
        %swap3A_629 = vector.shape_cast %mul3A_624 : vector<16xf32> to vector<1x16xf32>
        tpu.vector_store %arg10[%swap3A_625, %swap3A_626], %swap3A_629 {strides = array<i32>} : memref<16x512xf32, #tpu.memory_space<vmem>>, vector<1x16xf32>,
        %mul3A_630 = arith.mulf %gather3A_398, %div3A_474 : vector<16xf32>
        %swap3A_631 = arith.index_cast %scan3A_177 : i32 to index
        %swap3A_632 = arith.constant 416 : index
        %swap3A_633 = tpu.vector_load %arg10[%swap3A_631, %swap3A_632] {strides = array<i32>} : memref<16x512xf32, #tpu.memory_space<vmem>>, vector<1x16xf32>,
        %swap3A_634 = vector.shape_cast %swap3A_633 : vector<1x16xf32> to vector<16xf32>
        %swap3A_635 = vector.shape_cast %mul3A_630 : vector<16xf32> to vector<1x16xf32>
        tpu.vector_store %arg10[%swap3A_631, %swap3A_632], %swap3A_635 {strides = array<i32>} : memref<16x512xf32, #tpu.memory_space<vmem>>, vector<1x16xf32>,
        %mul3A_636 = arith.mulf %gather3A_406, %div3A_474 : vector<16xf32>
        %swap3A_637 = arith.index_cast %scan3A_177 : i32 to index
        %swap3A_638 = arith.constant 432 : index
        %swap3A_639 = tpu.vector_load %arg10[%swap3A_637, %swap3A_638] {strides = array<i32>} : memref<16x512xf32, #tpu.memory_space<vmem>>, vector<1x16xf32>,
        %swap3A_640 = vector.shape_cast %swap3A_639 : vector<1x16xf32> to vector<16xf32>
        %swap3A_641 = vector.shape_cast %mul3A_636 : vector<16xf32> to vector<1x16xf32>
        tpu.vector_store %arg10[%swap3A_637, %swap3A_638], %swap3A_641 {strides = array<i32>} : memref<16x512xf32, #tpu.memory_space<vmem>>, vector<1x16xf32>,
        %mul3A_642 = arith.mulf %gather3A_414, %div3A_474 : vector<16xf32>
        %swap3A_643 = arith.index_cast %scan3A_177 : i32 to index
        %swap3A_644 = arith.constant 448 : index
        %swap3A_645 = tpu.vector_load %arg10[%swap3A_643, %swap3A_644] {strides = array<i32>} : memref<16x512xf32, #tpu.memory_space<vmem>>, vector<1x16xf32>,
        %swap3A_646 = vector.shape_cast %swap3A_645 : vector<1x16xf32> to vector<16xf32>
        %swap3A_647 = vector.shape_cast %mul3A_642 : vector<16xf32> to vector<1x16xf32>
        tpu.vector_store %arg10[%swap3A_643, %swap3A_644], %swap3A_647 {strides = array<i32>} : memref<16x512xf32, #tpu.memory_space<vmem>>, vector<1x16xf32>,
        %mul3A_648 = arith.mulf %gather3A_422, %div3A_474 : vector<16xf32>
        %swap3A_649 = arith.index_cast %scan3A_177 : i32 to index
        %swap3A_650 = arith.constant 464 : index
        %swap3A_651 = tpu.vector_load %arg10[%swap3A_649, %swap3A_650] {strides = array<i32>} : memref<16x512xf32, #tpu.memory_space<vmem>>, vector<1x16xf32>,
        %swap3A_652 = vector.shape_cast %swap3A_651 : vector<1x16xf32> to vector<16xf32>
        %swap3A_653 = vector.shape_cast %mul3A_648 : vector<16xf32> to vector<1x16xf32>
        tpu.vector_store %arg10[%swap3A_649, %swap3A_650], %swap3A_653 {strides = array<i32>} : memref<16x512xf32, #tpu.memory_space<vmem>>, vector<1x16xf32>,
        %mul3A_654 = arith.mulf %gather3A_430, %div3A_474 : vector<16xf32>
        %swap3A_655 = arith.index_cast %scan3A_177 : i32 to index
        %swap3A_656 = arith.constant 480 : index
        %swap3A_657 = tpu.vector_load %arg10[%swap3A_655, %swap3A_656] {strides = array<i32>} : memref<16x512xf32, #tpu.memory_space<vmem>>, vector<1x16xf32>,
        %swap3A_658 = vector.shape_cast %swap3A_657 : vector<1x16xf32> to vector<16xf32>
        %swap3A_659 = vector.shape_cast %mul3A_654 : vector<16xf32> to vector<1x16xf32>
        tpu.vector_store %arg10[%swap3A_655, %swap3A_656], %swap3A_659 {strides = array<i32>} : memref<16x512xf32, #tpu.memory_space<vmem>>, vector<1x16xf32>,
        %mul3A_660 = arith.mulf %gather3A_438, %div3A_474 : vector<16xf32>
        %swap3A_661 = arith.index_cast %scan3A_177 : i32 to index
        %swap3A_662 = arith.constant 496 : index
        %swap3A_663 = tpu.vector_load %arg10[%swap3A_661, %swap3A_662] {strides = array<i32>} : memref<16x512xf32, #tpu.memory_space<vmem>>, vector<1x16xf32>,
        %swap3A_664 = vector.shape_cast %swap3A_663 : vector<1x16xf32> to vector<16xf32>
        %swap3A_665 = vector.shape_cast %mul3A_660 : vector<16xf32> to vector<1x16xf32>
        tpu.vector_store %arg10[%swap3A_661, %swap3A_662], %swap3A_665 {strides = array<i32>} : memref<16x512xf32, #tpu.memory_space<vmem>>, vector<1x16xf32>,
      }
      %scan3A_64 = arith.constant 16 : i32
      %mul3A_65 = arith.constant 16 : i32
      %mul3A_66 = arith.muli %add3A_52, %mul3A_65 : i32
      %add3A_67 = arith.addi %mul3A_2, %mul3A_66 : i32
      %dma_start3A_68 = arith.constant 0 : i32
      %dma_start3A_69 = tpu.memref_slice %arg4[%add3A_67, %dma_start3A_68] : memref<16384x512xf32, #tpu.memory_space<hbm>> -> memref<16x512xf32, #tpu.memory_space<hbm>>
      %dma_start3A_70 = arith.constant 0 : i32
      %dma_start3A_71 = tpu.memref_slice %arg4[%add3A_67, %dma_start3A_70] : memref<16384x512xf32, #tpu.memory_space<hbm>> -> memref<16x512xf32, #tpu.memory_space<hbm>>
      tpu.enqueue_dma source(%arg10 : memref<16x512xf32, #tpu.memory_space<vmem>>) target(%dma_start3A_71 : memref<16x512xf32, #tpu.memory_space<hbm>>) target_semaphore(%arg18 : memref<!tpu.dma_semaphore, #tpu.memory_space<semaphore_mem>>)
      %add3A_72 = arith.constant 4 : i32
      %add3A_73 = arith.addi %add3A_52, %add3A_72 : i32
      %lt3A = arith.constant 32 : i32
      %lt3A_74 = arith.cmpi slt, %add3A_73, %lt3A : i32
      %convert_element_type3A_75 = arith.extui %lt3A_74 : i1 to i32
      %cond3A_76 = arith.constant 0 : i32
      %cond3A_77 = arith.cmpi ne, %convert_element_type3A_75, %cond3A_76 : i32
      scf.if %cond3A_77 {
        %add3A_177 = arith.constant 4 : i32
        %add3A_178 = arith.addi %add3A_52, %add3A_177 : i32
        %mul3A_179 = arith.constant 16 : i32
        %mul3A_180 = arith.muli %add3A_178, %mul3A_179 : i32
        %add3A_181 = arith.addi %mul3A_2, %mul3A_180 : i32
        %dma_start3A_182 = arith.constant 0 : i32
        %dma_start3A_183 = tpu.memref_slice %arg2[%add3A_181, %dma_start3A_182] : memref<16384x512xi32, #tpu.memory_space<hbm>> -> memref<16x512xi32, #tpu.memory_space<hbm>>
        %dma_start3A_184 = arith.constant 0 : i32
        %dma_start3A_185 = tpu.memref_slice %arg2[%add3A_181, %dma_start3A_184] : memref<16384x512xi32, #tpu.memory_space<hbm>> -> memref<16x512xi32, #tpu.memory_space<hbm>>
        tpu.enqueue_dma source(%dma_start3A_185 : memref<16x512xi32, #tpu.memory_space<hbm>>) target(%arg6 : memref<16x512xi32, #tpu.memory_space<vmem>>) target_semaphore(%arg14 : memref<!tpu.dma_semaphore, #tpu.memory_space<semaphore_mem>>)
      } else {
      }
      %mul3A_78 = arith.constant 4 : i32
      %mul3A_79 = arith.muli %mul3A_78, %scan3A_48 : i32
      %add3A_80 = arith.constant 1 : i32
      %add3A_81 = arith.addi %mul3A_79, %add3A_80 : i32
      %dma_wait3A_82 = arith.constant 0 : i32
      %dma_wait3A_83 = tpu.memref_slice %arg2[%mul3A_2, %dma_wait3A_82] : memref<16384x512xi32, #tpu.memory_space<hbm>> -> memref<16x512xi32, #tpu.memory_space<hbm>>
      %dma_wait3A_84 = arith.constant 0 : i32
      %dma_wait3A_85 = tpu.memref_slice %arg2[%mul3A_2, %dma_wait3A_84] : memref<16384x512xi32, #tpu.memory_space<hbm>> -> memref<16x512xi32, #tpu.memory_space<hbm>>
      tpu.wait_dma2 semaphore(%arg15 : memref<!tpu.dma_semaphore, #tpu.memory_space<semaphore_mem>>) src(%dma_wait3A_85 : memref<16x512xi32, #tpu.memory_space<hbm>>) dst(%arg7 : memref<16x512xi32, #tpu.memory_space<vmem>>)
      %gt3A_86 = arith.constant 0 : i32
      %gt3A_87 = arith.cmpi sgt, %scan3A_48, %gt3A_86 : i32
      %convert_element_type3A_88 = arith.extui %gt3A_87 : i1 to i32
      %cond3A_89 = arith.constant 0 : i32
      %cond3A_90 = arith.cmpi ne, %convert_element_type3A_88, %cond3A_89 : i32
      scf.if %cond3A_90 {
        %dma_wait3A_177 = arith.constant 0 : i32
        %dma_wait3A_178 = tpu.memref_slice %arg4[%mul3A_2, %dma_wait3A_177] : memref<16384x512xf32, #tpu.memory_space<hbm>> -> memref<16x512xf32, #tpu.memory_space<hbm>>
        %dma_wait3A_179 = arith.constant 0 : i32
        %dma_wait3A_180 = tpu.memref_slice %arg4[%mul3A_2, %dma_wait3A_179] : memref<16384x512xf32, #tpu.memory_space<hbm>> -> memref<16x512xf32, #tpu.memory_space<hbm>>
        tpu.wait_dma2 semaphore(%arg19 : memref<!tpu.dma_semaphore, #tpu.memory_space<semaphore_mem>>) src(%arg11 : memref<16x512xf32, #tpu.memory_space<vmem>>) dst(%dma_wait3A_180 : memref<16x512xf32, #tpu.memory_space<hbm>>)
      } else {
      }
      %scan3A_91 = arith.constant 0 : i32
      %scan3A_92 = arith.constant 0 : i32
      %scan3A_93 = arith.constant 16 : i32
      %scan3A_94 = arith.addi %scan3A_92, %scan3A_93 : i32
      %scan3A_95 = arith.constant 1 : i32
      scf.for %scan3A_177 = %scan3A_92 to %scan3A_94 step %scan3A_95  : i32 {
        %broadcast_in_dim3A = arith.constant 0.000000e+00 : f32
        %broadcast_in_dim3A_178 = vector.broadcast %broadcast_in_dim3A : f32 to vector<16xf32>
        %broadcast_in_dim3A_179 = arith.constant 0.000000e+00 : f32
        %broadcast_in_dim3A_180 = vector.broadcast %broadcast_in_dim3A_179 : f32 to vector<16xf32>
        %broadcast_in_dim3A_181 = arith.constant 0.000000e+00 : f32
        %broadcast_in_dim3A_182 = vector.broadcast %broadcast_in_dim3A_181 : f32 to vector<16xf32>
        %broadcast_in_dim3A_183 = arith.constant 0.000000e+00 : f32
        %broadcast_in_dim3A_184 = vector.broadcast %broadcast_in_dim3A_183 : f32 to vector<16xf32>
        %get3A_185 = arith.index_cast %scan3A_177 : i32 to index
        %get3A_186 = arith.constant 0 : index
        %get3A_187 = tpu.vector_load %arg7[%get3A_185, %get3A_186] {strides = array<i32>} : memref<16x512xi32, #tpu.memory_space<vmem>>, vector<1x16xi32>,
        %get3A_188 = vector.shape_cast %get3A_187 : vector<1x16xi32> to vector<16xi32>
        %broadcast_in_dim3A_189 = vector.shape_cast %get3A_188 : vector<16xi32> to vector<16x1xi32>
        %gather3A = vector.shape_cast %broadcast_in_dim3A_189 : vector<16x1xi32> to vector<16xi32>
        %gather3A_190 = tpu.dynamic_gather %get3A_4[%gather3A] in [0] : vector<16xf32>, vector<16xi32> -> vector<16xf32>
        %add3A_191 = arith.addf %broadcast_in_dim3A_178, %gather3A_190 : vector<16xf32>
        %get3A_192 = arith.index_cast %scan3A_177 : i32 to index
        %get3A_193 = arith.constant 16 : index
        %get3A_194 = tpu.vector_load %arg7[%get3A_192, %get3A_193] {strides = array<i32>} : memref<16x512xi32, #tpu.memory_space<vmem>>, vector<1x16xi32>,
        %get3A_195 = vector.shape_cast %get3A_194 : vector<1x16xi32> to vector<16xi32>
        %broadcast_in_dim3A_196 = vector.shape_cast %get3A_195 : vector<16xi32> to vector<16x1xi32>
        %gather3A_197 = vector.shape_cast %broadcast_in_dim3A_196 : vector<16x1xi32> to vector<16xi32>
        %gather3A_198 = tpu.dynamic_gather %get3A_4[%gather3A_197] in [0] : vector<16xf32>, vector<16xi32> -> vector<16xf32>
        %add3A_199 = arith.addf %broadcast_in_dim3A_180, %gather3A_198 : vector<16xf32>
        %get3A_200 = arith.index_cast %scan3A_177 : i32 to index
        %get3A_201 = arith.constant 32 : index
        %get3A_202 = tpu.vector_load %arg7[%get3A_200, %get3A_201] {strides = array<i32>} : memref<16x512xi32, #tpu.memory_space<vmem>>, vector<1x16xi32>,
        %get3A_203 = vector.shape_cast %get3A_202 : vector<1x16xi32> to vector<16xi32>
        %broadcast_in_dim3A_204 = vector.shape_cast %get3A_203 : vector<16xi32> to vector<16x1xi32>
        %gather3A_205 = vector.shape_cast %broadcast_in_dim3A_204 : vector<16x1xi32> to vector<16xi32>
        %gather3A_206 = tpu.dynamic_gather %get3A_4[%gather3A_205] in [0] : vector<16xf32>, vector<16xi32> -> vector<16xf32>
        %add3A_207 = arith.addf %broadcast_in_dim3A_182, %gather3A_206 : vector<16xf32>
        %get3A_208 = arith.index_cast %scan3A_177 : i32 to index
        %get3A_209 = arith.constant 48 : index
        %get3A_210 = tpu.vector_load %arg7[%get3A_208, %get3A_209] {strides = array<i32>} : memref<16x512xi32, #tpu.memory_space<vmem>>, vector<1x16xi32>,
        %get3A_211 = vector.shape_cast %get3A_210 : vector<1x16xi32> to vector<16xi32>
        %broadcast_in_dim3A_212 = vector.shape_cast %get3A_211 : vector<16xi32> to vector<16x1xi32>
        %gather3A_213 = vector.shape_cast %broadcast_in_dim3A_212 : vector<16x1xi32> to vector<16xi32>
        %gather3A_214 = tpu.dynamic_gather %get3A_4[%gather3A_213] in [0] : vector<16xf32>, vector<16xi32> -> vector<16xf32>
        %add3A_215 = arith.addf %broadcast_in_dim3A_184, %gather3A_214 : vector<16xf32>
        %get3A_216 = arith.index_cast %scan3A_177 : i32 to index
        %get3A_217 = arith.constant 64 : index
        %get3A_218 = tpu.vector_load %arg7[%get3A_216, %get3A_217] {strides = array<i32>} : memref<16x512xi32, #tpu.memory_space<vmem>>, vector<1x16xi32>,
        %get3A_219 = vector.shape_cast %get3A_218 : vector<1x16xi32> to vector<16xi32>
        %broadcast_in_dim3A_220 = vector.shape_cast %get3A_219 : vector<16xi32> to vector<16x1xi32>
        %gather3A_221 = vector.shape_cast %broadcast_in_dim3A_220 : vector<16x1xi32> to vector<16xi32>
        %gather3A_222 = tpu.dynamic_gather %get3A_4[%gather3A_221] in [0] : vector<16xf32>, vector<16xi32> -> vector<16xf32>
        %add3A_223 = arith.addf %add3A_191, %gather3A_222 : vector<16xf32>
        %get3A_224 = arith.index_cast %scan3A_177 : i32 to index
        %get3A_225 = arith.constant 80 : index
        %get3A_226 = tpu.vector_load %arg7[%get3A_224, %get3A_225] {strides = array<i32>} : memref<16x512xi32, #tpu.memory_space<vmem>>, vector<1x16xi32>,
        %get3A_227 = vector.shape_cast %get3A_226 : vector<1x16xi32> to vector<16xi32>
        %broadcast_in_dim3A_228 = vector.shape_cast %get3A_227 : vector<16xi32> to vector<16x1xi32>
        %gather3A_229 = vector.shape_cast %broadcast_in_dim3A_228 : vector<16x1xi32> to vector<16xi32>
        %gather3A_230 = tpu.dynamic_gather %get3A_4[%gather3A_229] in [0] : vector<16xf32>, vector<16xi32> -> vector<16xf32>
        %add3A_231 = arith.addf %add3A_199, %gather3A_230 : vector<16xf32>
        %get3A_232 = arith.index_cast %scan3A_177 : i32 to index
        %get3A_233 = arith.constant 96 : index
        %get3A_234 = tpu.vector_load %arg7[%get3A_232, %get3A_233] {strides = array<i32>} : memref<16x512xi32, #tpu.memory_space<vmem>>, vector<1x16xi32>,
        %get3A_235 = vector.shape_cast %get3A_234 : vector<1x16xi32> to vector<16xi32>
        %broadcast_in_dim3A_236 = vector.shape_cast %get3A_235 : vector<16xi32> to vector<16x1xi32>
        %gather3A_237 = vector.shape_cast %broadcast_in_dim3A_236 : vector<16x1xi32> to vector<16xi32>
        %gather3A_238 = tpu.dynamic_gather %get3A_4[%gather3A_237] in [0] : vector<16xf32>, vector<16xi32> -> vector<16xf32>
        %add3A_239 = arith.addf %add3A_207, %gather3A_238 : vector<16xf32>
        %get3A_240 = arith.index_cast %scan3A_177 : i32 to index
        %get3A_241 = arith.constant 112 : index
        %get3A_242 = tpu.vector_load %arg7[%get3A_240, %get3A_241] {strides = array<i32>} : memref<16x512xi32, #tpu.memory_space<vmem>>, vector<1x16xi32>,
        %get3A_243 = vector.shape_cast %get3A_242 : vector<1x16xi32> to vector<16xi32>
        %broadcast_in_dim3A_244 = vector.shape_cast %get3A_243 : vector<16xi32> to vector<16x1xi32>
        %gather3A_245 = vector.shape_cast %broadcast_in_dim3A_244 : vector<16x1xi32> to vector<16xi32>
        %gather3A_246 = tpu.dynamic_gather %get3A_4[%gather3A_245] in [0] : vector<16xf32>, vector<16xi32> -> vector<16xf32>
        %add3A_247 = arith.addf %add3A_215, %gather3A_246 : vector<16xf32>
        %get3A_248 = arith.index_cast %scan3A_177 : i32 to index
        %get3A_249 = arith.constant 128 : index
        %get3A_250 = tpu.vector_load %arg7[%get3A_248, %get3A_249] {strides = array<i32>} : memref<16x512xi32, #tpu.memory_space<vmem>>, vector<1x16xi32>,
        %get3A_251 = vector.shape_cast %get3A_250 : vector<1x16xi32> to vector<16xi32>
        %broadcast_in_dim3A_252 = vector.shape_cast %get3A_251 : vector<16xi32> to vector<16x1xi32>
        %gather3A_253 = vector.shape_cast %broadcast_in_dim3A_252 : vector<16x1xi32> to vector<16xi32>
        %gather3A_254 = tpu.dynamic_gather %get3A_4[%gather3A_253] in [0] : vector<16xf32>, vector<16xi32> -> vector<16xf32>
        %add3A_255 = arith.addf %add3A_223, %gather3A_254 : vector<16xf32>
        %get3A_256 = arith.index_cast %scan3A_177 : i32 to index
        %get3A_257 = arith.constant 144 : index
        %get3A_258 = tpu.vector_load %arg7[%get3A_256, %get3A_257] {strides = array<i32>} : memref<16x512xi32, #tpu.memory_space<vmem>>, vector<1x16xi32>,
        %get3A_259 = vector.shape_cast %get3A_258 : vector<1x16xi32> to vector<16xi32>
        %broadcast_in_dim3A_260 = vector.shape_cast %get3A_259 : vector<16xi32> to vector<16x1xi32>
        %gather3A_261 = vector.shape_cast %broadcast_in_dim3A_260 : vector<16x1xi32> to vector<16xi32>
        %gather3A_262 = tpu.dynamic_gather %get3A_4[%gather3A_261] in [0] : vector<16xf32>, vector<16xi32> -> vector<16xf32>
        %add3A_263 = arith.addf %add3A_231, %gather3A_262 : vector<16xf32>
        %get3A_264 = arith.index_cast %scan3A_177 : i32 to index
        %get3A_265 = arith.constant 160 : index
        %get3A_266 = tpu.vector_load %arg7[%get3A_264, %get3A_265] {strides = array<i32>} : memref<16x512xi32, #tpu.memory_space<vmem>>, vector<1x16xi32>,
        %get3A_267 = vector.shape_cast %get3A_266 : vector<1x16xi32> to vector<16xi32>
        %broadcast_in_dim3A_268 = vector.shape_cast %get3A_267 : vector<16xi32> to vector<16x1xi32>
        %gather3A_269 = vector.shape_cast %broadcast_in_dim3A_268 : vector<16x1xi32> to vector<16xi32>
        %gather3A_270 = tpu.dynamic_gather %get3A_4[%gather3A_269] in [0] : vector<16xf32>, vector<16xi32> -> vector<16xf32>
        %add3A_271 = arith.addf %add3A_239, %gather3A_270 : vector<16xf32>
        %get3A_272 = arith.index_cast %scan3A_177 : i32 to index
        %get3A_273 = arith.constant 176 : index
        %get3A_274 = tpu.vector_load %arg7[%get3A_272, %get3A_273] {strides = array<i32>} : memref<16x512xi32, #tpu.memory_space<vmem>>, vector<1x16xi32>,
        %get3A_275 = vector.shape_cast %get3A_274 : vector<1x16xi32> to vector<16xi32>
        %broadcast_in_dim3A_276 = vector.shape_cast %get3A_275 : vector<16xi32> to vector<16x1xi32>
        %gather3A_277 = vector.shape_cast %broadcast_in_dim3A_276 : vector<16x1xi32> to vector<16xi32>
        %gather3A_278 = tpu.dynamic_gather %get3A_4[%gather3A_277] in [0] : vector<16xf32>, vector<16xi32> -> vector<16xf32>
        %add3A_279 = arith.addf %add3A_247, %gather3A_278 : vector<16xf32>
        %get3A_280 = arith.index_cast %scan3A_177 : i32 to index
        %get3A_281 = arith.constant 192 : index
        %get3A_282 = tpu.vector_load %arg7[%get3A_280, %get3A_281] {strides = array<i32>} : memref<16x512xi32, #tpu.memory_space<vmem>>, vector<1x16xi32>,
        %get3A_283 = vector.shape_cast %get3A_282 : vector<1x16xi32> to vector<16xi32>
        %broadcast_in_dim3A_284 = vector.shape_cast %get3A_283 : vector<16xi32> to vector<16x1xi32>
        %gather3A_285 = vector.shape_cast %broadcast_in_dim3A_284 : vector<16x1xi32> to vector<16xi32>
        %gather3A_286 = tpu.dynamic_gather %get3A_4[%gather3A_285] in [0] : vector<16xf32>, vector<16xi32> -> vector<16xf32>
        %add3A_287 = arith.addf %add3A_255, %gather3A_286 : vector<16xf32>
        %get3A_288 = arith.index_cast %scan3A_177 : i32 to index
        %get3A_289 = arith.constant 208 : index
        %get3A_290 = tpu.vector_load %arg7[%get3A_288, %get3A_289] {strides = array<i32>} : memref<16x512xi32, #tpu.memory_space<vmem>>, vector<1x16xi32>,
        %get3A_291 = vector.shape_cast %get3A_290 : vector<1x16xi32> to vector<16xi32>
        %broadcast_in_dim3A_292 = vector.shape_cast %get3A_291 : vector<16xi32> to vector<16x1xi32>
        %gather3A_293 = vector.shape_cast %broadcast_in_dim3A_292 : vector<16x1xi32> to vector<16xi32>
        %gather3A_294 = tpu.dynamic_gather %get3A_4[%gather3A_293] in [0] : vector<16xf32>, vector<16xi32> -> vector<16xf32>
        %add3A_295 = arith.addf %add3A_263, %gather3A_294 : vector<16xf32>
        %get3A_296 = arith.index_cast %scan3A_177 : i32 to index
        %get3A_297 = arith.constant 224 : index
        %get3A_298 = tpu.vector_load %arg7[%get3A_296, %get3A_297] {strides = array<i32>} : memref<16x512xi32, #tpu.memory_space<vmem>>, vector<1x16xi32>,
        %get3A_299 = vector.shape_cast %get3A_298 : vector<1x16xi32> to vector<16xi32>
        %broadcast_in_dim3A_300 = vector.shape_cast %get3A_299 : vector<16xi32> to vector<16x1xi32>
        %gather3A_301 = vector.shape_cast %broadcast_in_dim3A_300 : vector<16x1xi32> to vector<16xi32>
        %gather3A_302 = tpu.dynamic_gather %get3A_4[%gather3A_301] in [0] : vector<16xf32>, vector<16xi32> -> vector<16xf32>
        %add3A_303 = arith.addf %add3A_271, %gather3A_302 : vector<16xf32>
        %get3A_304 = arith.index_cast %scan3A_177 : i32 to index
        %get3A_305 = arith.constant 240 : index
        %get3A_306 = tpu.vector_load %arg7[%get3A_304, %get3A_305] {strides = array<i32>} : memref<16x512xi32, #tpu.memory_space<vmem>>, vector<1x16xi32>,
        %get3A_307 = vector.shape_cast %get3A_306 : vector<1x16xi32> to vector<16xi32>
        %broadcast_in_dim3A_308 = vector.shape_cast %get3A_307 : vector<16xi32> to vector<16x1xi32>
        %gather3A_309 = vector.shape_cast %broadcast_in_dim3A_308 : vector<16x1xi32> to vector<16xi32>
        %gather3A_310 = tpu.dynamic_gather %get3A_4[%gather3A_309] in [0] : vector<16xf32>, vector<16xi32> -> vector<16xf32>
        %add3A_311 = arith.addf %add3A_279, %gather3A_310 : vector<16xf32>
        %get3A_312 = arith.index_cast %scan3A_177 : i32 to index
        %get3A_313 = arith.constant 256 : index
        %get3A_314 = tpu.vector_load %arg7[%get3A_312, %get3A_313] {strides = array<i32>} : memref<16x512xi32, #tpu.memory_space<vmem>>, vector<1x16xi32>,
        %get3A_315 = vector.shape_cast %get3A_314 : vector<1x16xi32> to vector<16xi32>
        %broadcast_in_dim3A_316 = vector.shape_cast %get3A_315 : vector<16xi32> to vector<16x1xi32>
        %gather3A_317 = vector.shape_cast %broadcast_in_dim3A_316 : vector<16x1xi32> to vector<16xi32>
        %gather3A_318 = tpu.dynamic_gather %get3A_4[%gather3A_317] in [0] : vector<16xf32>, vector<16xi32> -> vector<16xf32>
        %add3A_319 = arith.addf %add3A_287, %gather3A_318 : vector<16xf32>
        %get3A_320 = arith.index_cast %scan3A_177 : i32 to index
        %get3A_321 = arith.constant 272 : index
        %get3A_322 = tpu.vector_load %arg7[%get3A_320, %get3A_321] {strides = array<i32>} : memref<16x512xi32, #tpu.memory_space<vmem>>, vector<1x16xi32>,
        %get3A_323 = vector.shape_cast %get3A_322 : vector<1x16xi32> to vector<16xi32>
        %broadcast_in_dim3A_324 = vector.shape_cast %get3A_323 : vector<16xi32> to vector<16x1xi32>
        %gather3A_325 = vector.shape_cast %broadcast_in_dim3A_324 : vector<16x1xi32> to vector<16xi32>
        %gather3A_326 = tpu.dynamic_gather %get3A_4[%gather3A_325] in [0] : vector<16xf32>, vector<16xi32> -> vector<16xf32>
        %add3A_327 = arith.addf %add3A_295, %gather3A_326 : vector<16xf32>
        %get3A_328 = arith.index_cast %scan3A_177 : i32 to index
        %get3A_329 = arith.constant 288 : index
        %get3A_330 = tpu.vector_load %arg7[%get3A_328, %get3A_329] {strides = array<i32>} : memref<16x512xi32, #tpu.memory_space<vmem>>, vector<1x16xi32>,
        %get3A_331 = vector.shape_cast %get3A_330 : vector<1x16xi32> to vector<16xi32>
        %broadcast_in_dim3A_332 = vector.shape_cast %get3A_331 : vector<16xi32> to vector<16x1xi32>
        %gather3A_333 = vector.shape_cast %broadcast_in_dim3A_332 : vector<16x1xi32> to vector<16xi32>
        %gather3A_334 = tpu.dynamic_gather %get3A_4[%gather3A_333] in [0] : vector<16xf32>, vector<16xi32> -> vector<16xf32>
        %add3A_335 = arith.addf %add3A_303, %gather3A_334 : vector<16xf32>
        %get3A_336 = arith.index_cast %scan3A_177 : i32 to index
        %get3A_337 = arith.constant 304 : index
        %get3A_338 = tpu.vector_load %arg7[%get3A_336, %get3A_337] {strides = array<i32>} : memref<16x512xi32, #tpu.memory_space<vmem>>, vector<1x16xi32>,
        %get3A_339 = vector.shape_cast %get3A_338 : vector<1x16xi32> to vector<16xi32>
        %broadcast_in_dim3A_340 = vector.shape_cast %get3A_339 : vector<16xi32> to vector<16x1xi32>
        %gather3A_341 = vector.shape_cast %broadcast_in_dim3A_340 : vector<16x1xi32> to vector<16xi32>
        %gather3A_342 = tpu.dynamic_gather %get3A_4[%gather3A_341] in [0] : vector<16xf32>, vector<16xi32> -> vector<16xf32>
        %add3A_343 = arith.addf %add3A_311, %gather3A_342 : vector<16xf32>
        %get3A_344 = arith.index_cast %scan3A_177 : i32 to index
        %get3A_345 = arith.constant 320 : index
        %get3A_346 = tpu.vector_load %arg7[%get3A_344, %get3A_345] {strides = array<i32>} : memref<16x512xi32, #tpu.memory_space<vmem>>, vector<1x16xi32>,
        %get3A_347 = vector.shape_cast %get3A_346 : vector<1x16xi32> to vector<16xi32>
        %broadcast_in_dim3A_348 = vector.shape_cast %get3A_347 : vector<16xi32> to vector<16x1xi32>
        %gather3A_349 = vector.shape_cast %broadcast_in_dim3A_348 : vector<16x1xi32> to vector<16xi32>
        %gather3A_350 = tpu.dynamic_gather %get3A_4[%gather3A_349] in [0] : vector<16xf32>, vector<16xi32> -> vector<16xf32>
        %add3A_351 = arith.addf %add3A_319, %gather3A_350 : vector<16xf32>
        %get3A_352 = arith.index_cast %scan3A_177 : i32 to index
        %get3A_353 = arith.constant 336 : index
        %get3A_354 = tpu.vector_load %arg7[%get3A_352, %get3A_353] {strides = array<i32>} : memref<16x512xi32, #tpu.memory_space<vmem>>, vector<1x16xi32>,
        %get3A_355 = vector.shape_cast %get3A_354 : vector<1x16xi32> to vector<16xi32>
        %broadcast_in_dim3A_356 = vector.shape_cast %get3A_355 : vector<16xi32> to vector<16x1xi32>
        %gather3A_357 = vector.shape_cast %broadcast_in_dim3A_356 : vector<16x1xi32> to vector<16xi32>
        %gather3A_358 = tpu.dynamic_gather %get3A_4[%gather3A_357] in [0] : vector<16xf32>, vector<16xi32> -> vector<16xf32>
        %add3A_359 = arith.addf %add3A_327, %gather3A_358 : vector<16xf32>
        %get3A_360 = arith.index_cast %scan3A_177 : i32 to index
        %get3A_361 = arith.constant 352 : index
        %get3A_362 = tpu.vector_load %arg7[%get3A_360, %get3A_361] {strides = array<i32>} : memref<16x512xi32, #tpu.memory_space<vmem>>, vector<1x16xi32>,
        %get3A_363 = vector.shape_cast %get3A_362 : vector<1x16xi32> to vector<16xi32>
        %broadcast_in_dim3A_364 = vector.shape_cast %get3A_363 : vector<16xi32> to vector<16x1xi32>
        %gather3A_365 = vector.shape_cast %broadcast_in_dim3A_364 : vector<16x1xi32> to vector<16xi32>
        %gather3A_366 = tpu.dynamic_gather %get3A_4[%gather3A_365] in [0] : vector<16xf32>, vector<16xi32> -> vector<16xf32>
        %add3A_367 = arith.addf %add3A_335, %gather3A_366 : vector<16xf32>
        %get3A_368 = arith.index_cast %scan3A_177 : i32 to index
        %get3A_369 = arith.constant 368 : index
        %get3A_370 = tpu.vector_load %arg7[%get3A_368, %get3A_369] {strides = array<i32>} : memref<16x512xi32, #tpu.memory_space<vmem>>, vector<1x16xi32>,
        %get3A_371 = vector.shape_cast %get3A_370 : vector<1x16xi32> to vector<16xi32>
        %broadcast_in_dim3A_372 = vector.shape_cast %get3A_371 : vector<16xi32> to vector<16x1xi32>
        %gather3A_373 = vector.shape_cast %broadcast_in_dim3A_372 : vector<16x1xi32> to vector<16xi32>
        %gather3A_374 = tpu.dynamic_gather %get3A_4[%gather3A_373] in [0] : vector<16xf32>, vector<16xi32> -> vector<16xf32>
        %add3A_375 = arith.addf %add3A_343, %gather3A_374 : vector<16xf32>
        %get3A_376 = arith.index_cast %scan3A_177 : i32 to index
        %get3A_377 = arith.constant 384 : index
        %get3A_378 = tpu.vector_load %arg7[%get3A_376, %get3A_377] {strides = array<i32>} : memref<16x512xi32, #tpu.memory_space<vmem>>, vector<1x16xi32>,
        %get3A_379 = vector.shape_cast %get3A_378 : vector<1x16xi32> to vector<16xi32>
        %broadcast_in_dim3A_380 = vector.shape_cast %get3A_379 : vector<16xi32> to vector<16x1xi32>
        %gather3A_381 = vector.shape_cast %broadcast_in_dim3A_380 : vector<16x1xi32> to vector<16xi32>
        %gather3A_382 = tpu.dynamic_gather %get3A_4[%gather3A_381] in [0] : vector<16xf32>, vector<16xi32> -> vector<16xf32>
        %add3A_383 = arith.addf %add3A_351, %gather3A_382 : vector<16xf32>
        %get3A_384 = arith.index_cast %scan3A_177 : i32 to index
        %get3A_385 = arith.constant 400 : index
        %get3A_386 = tpu.vector_load %arg7[%get3A_384, %get3A_385] {strides = array<i32>} : memref<16x512xi32, #tpu.memory_space<vmem>>, vector<1x16xi32>,
        %get3A_387 = vector.shape_cast %get3A_386 : vector<1x16xi32> to vector<16xi32>
        %broadcast_in_dim3A_388 = vector.shape_cast %get3A_387 : vector<16xi32> to vector<16x1xi32>
        %gather3A_389 = vector.shape_cast %broadcast_in_dim3A_388 : vector<16x1xi32> to vector<16xi32>
        %gather3A_390 = tpu.dynamic_gather %get3A_4[%gather3A_389] in [0] : vector<16xf32>, vector<16xi32> -> vector<16xf32>
        %add3A_391 = arith.addf %add3A_359, %gather3A_390 : vector<16xf32>
        %get3A_392 = arith.index_cast %scan3A_177 : i32 to index
        %get3A_393 = arith.constant 416 : index
        %get3A_394 = tpu.vector_load %arg7[%get3A_392, %get3A_393] {strides = array<i32>} : memref<16x512xi32, #tpu.memory_space<vmem>>, vector<1x16xi32>,
        %get3A_395 = vector.shape_cast %get3A_394 : vector<1x16xi32> to vector<16xi32>
        %broadcast_in_dim3A_396 = vector.shape_cast %get3A_395 : vector<16xi32> to vector<16x1xi32>
        %gather3A_397 = vector.shape_cast %broadcast_in_dim3A_396 : vector<16x1xi32> to vector<16xi32>
        %gather3A_398 = tpu.dynamic_gather %get3A_4[%gather3A_397] in [0] : vector<16xf32>, vector<16xi32> -> vector<16xf32>
        %add3A_399 = arith.addf %add3A_367, %gather3A_398 : vector<16xf32>
        %get3A_400 = arith.index_cast %scan3A_177 : i32 to index
        %get3A_401 = arith.constant 432 : index
        %get3A_402 = tpu.vector_load %arg7[%get3A_400, %get3A_401] {strides = array<i32>} : memref<16x512xi32, #tpu.memory_space<vmem>>, vector<1x16xi32>,
        %get3A_403 = vector.shape_cast %get3A_402 : vector<1x16xi32> to vector<16xi32>
        %broadcast_in_dim3A_404 = vector.shape_cast %get3A_403 : vector<16xi32> to vector<16x1xi32>
        %gather3A_405 = vector.shape_cast %broadcast_in_dim3A_404 : vector<16x1xi32> to vector<16xi32>
        %gather3A_406 = tpu.dynamic_gather %get3A_4[%gather3A_405] in [0] : vector<16xf32>, vector<16xi32> -> vector<16xf32>
        %add3A_407 = arith.addf %add3A_375, %gather3A_406 : vector<16xf32>
        %get3A_408 = arith.index_cast %scan3A_177 : i32 to index
        %get3A_409 = arith.constant 448 : index
        %get3A_410 = tpu.vector_load %arg7[%get3A_408, %get3A_409] {strides = array<i32>} : memref<16x512xi32, #tpu.memory_space<vmem>>, vector<1x16xi32>,
        %get3A_411 = vector.shape_cast %get3A_410 : vector<1x16xi32> to vector<16xi32>
        %broadcast_in_dim3A_412 = vector.shape_cast %get3A_411 : vector<16xi32> to vector<16x1xi32>
        %gather3A_413 = vector.shape_cast %broadcast_in_dim3A_412 : vector<16x1xi32> to vector<16xi32>
        %gather3A_414 = tpu.dynamic_gather %get3A_4[%gather3A_413] in [0] : vector<16xf32>, vector<16xi32> -> vector<16xf32>
        %add3A_415 = arith.addf %add3A_383, %gather3A_414 : vector<16xf32>
        %get3A_416 = arith.index_cast %scan3A_177 : i32 to index
        %get3A_417 = arith.constant 464 : index
        %get3A_418 = tpu.vector_load %arg7[%get3A_416, %get3A_417] {strides = array<i32>} : memref<16x512xi32, #tpu.memory_space<vmem>>, vector<1x16xi32>,
        %get3A_419 = vector.shape_cast %get3A_418 : vector<1x16xi32> to vector<16xi32>
        %broadcast_in_dim3A_420 = vector.shape_cast %get3A_419 : vector<16xi32> to vector<16x1xi32>
        %gather3A_421 = vector.shape_cast %broadcast_in_dim3A_420 : vector<16x1xi32> to vector<16xi32>
        %gather3A_422 = tpu.dynamic_gather %get3A_4[%gather3A_421] in [0] : vector<16xf32>, vector<16xi32> -> vector<16xf32>
        %add3A_423 = arith.addf %add3A_391, %gather3A_422 : vector<16xf32>
        %get3A_424 = arith.index_cast %scan3A_177 : i32 to index
        %get3A_425 = arith.constant 480 : index
        %get3A_426 = tpu.vector_load %arg7[%get3A_424, %get3A_425] {strides = array<i32>} : memref<16x512xi32, #tpu.memory_space<vmem>>, vector<1x16xi32>,
        %get3A_427 = vector.shape_cast %get3A_426 : vector<1x16xi32> to vector<16xi32>
        %broadcast_in_dim3A_428 = vector.shape_cast %get3A_427 : vector<16xi32> to vector<16x1xi32>
        %gather3A_429 = vector.shape_cast %broadcast_in_dim3A_428 : vector<16x1xi32> to vector<16xi32>
        %gather3A_430 = tpu.dynamic_gather %get3A_4[%gather3A_429] in [0] : vector<16xf32>, vector<16xi32> -> vector<16xf32>
        %add3A_431 = arith.addf %add3A_399, %gather3A_430 : vector<16xf32>
        %get3A_432 = arith.index_cast %scan3A_177 : i32 to index
        %get3A_433 = arith.constant 496 : index
        %get3A_434 = tpu.vector_load %arg7[%get3A_432, %get3A_433] {strides = array<i32>} : memref<16x512xi32, #tpu.memory_space<vmem>>, vector<1x16xi32>,
        %get3A_435 = vector.shape_cast %get3A_434 : vector<1x16xi32> to vector<16xi32>
        %broadcast_in_dim3A_436 = vector.shape_cast %get3A_435 : vector<16xi32> to vector<16x1xi32>
        %gather3A_437 = vector.shape_cast %broadcast_in_dim3A_436 : vector<16x1xi32> to vector<16xi32>
        %gather3A_438 = tpu.dynamic_gather %get3A_4[%gather3A_437] in [0] : vector<16xf32>, vector<16xi32> -> vector<16xf32>
        %add3A_439 = arith.addf %add3A_407, %gather3A_438 : vector<16xf32>
        %add3A_440 = arith.addf %add3A_415, %add3A_423 : vector<16xf32>
        %add3A_441 = arith.addf %add3A_431, %add3A_439 : vector<16xf32>
        %add3A_442 = arith.addf %add3A_440, %add3A_441 : vector<16xf32>
        %iota3A = tpu.iota {dimensions = array<i32: 0>} : vector<16xi32>
        %xor3A = arith.constant 8 : i32
        %xor3A_443 = vector.broadcast %xor3A : i32 to vector<16xi32>
        %xor3A_444 = arith.xori %iota3A, %xor3A_443 : vector<16xi32>
        %broadcast_in_dim3A_445 = vector.shape_cast %xor3A_444 : vector<16xi32> to vector<16x1xi32>
        %gather3A_446 = vector.shape_cast %broadcast_in_dim3A_445 : vector<16x1xi32> to vector<16xi32>
        %gather3A_447 = tpu.dynamic_gather %add3A_442[%gather3A_446] in [0] : vector<16xf32>, vector<16xi32> -> vector<16xf32>
        %add3A_448 = arith.addf %add3A_442, %gather3A_447 : vector<16xf32>
        %iota3A_449 = tpu.iota {dimensions = array<i32: 0>} : vector<16xi32>
        %xor3A_450 = arith.constant 4 : i32
        %xor3A_451 = vector.broadcast %xor3A_450 : i32 to vector<16xi32>
        %xor3A_452 = arith.xori %iota3A_449, %xor3A_451 : vector<16xi32>
        %broadcast_in_dim3A_453 = vector.shape_cast %xor3A_452 : vector<16xi32> to vector<16x1xi32>
        %gather3A_454 = vector.shape_cast %broadcast_in_dim3A_453 : vector<16x1xi32> to vector<16xi32>
        %gather3A_455 = tpu.dynamic_gather %add3A_448[%gather3A_454] in [0] : vector<16xf32>, vector<16xi32> -> vector<16xf32>
        %add3A_456 = arith.addf %add3A_448, %gather3A_455 : vector<16xf32>
        %iota3A_457 = tpu.iota {dimensions = array<i32: 0>} : vector<16xi32>
        %xor3A_458 = arith.constant 2 : i32
        %xor3A_459 = vector.broadcast %xor3A_458 : i32 to vector<16xi32>
        %xor3A_460 = arith.xori %iota3A_457, %xor3A_459 : vector<16xi32>
        %broadcast_in_dim3A_461 = vector.shape_cast %xor3A_460 : vector<16xi32> to vector<16x1xi32>
        %gather3A_462 = vector.shape_cast %broadcast_in_dim3A_461 : vector<16x1xi32> to vector<16xi32>
        %gather3A_463 = tpu.dynamic_gather %add3A_456[%gather3A_462] in [0] : vector<16xf32>, vector<16xi32> -> vector<16xf32>
        %add3A_464 = arith.addf %add3A_456, %gather3A_463 : vector<16xf32>
        %iota3A_465 = tpu.iota {dimensions = array<i32: 0>} : vector<16xi32>
        %xor3A_466 = arith.constant 1 : i32
        %xor3A_467 = vector.broadcast %xor3A_466 : i32 to vector<16xi32>
        %xor3A_468 = arith.xori %iota3A_465, %xor3A_467 : vector<16xi32>
        %broadcast_in_dim3A_469 = vector.shape_cast %xor3A_468 : vector<16xi32> to vector<16x1xi32>
        %gather3A_470 = vector.shape_cast %broadcast_in_dim3A_469 : vector<16x1xi32> to vector<16xi32>
        %gather3A_471 = tpu.dynamic_gather %add3A_464[%gather3A_470] in [0] : vector<16xf32>, vector<16xi32> -> vector<16xf32>
        %add3A_472 = arith.addf %add3A_464, %gather3A_471 : vector<16xf32>
        %div3A = arith.constant 1.000000e+00 : f32
        %div3A_473 = vector.broadcast %div3A : f32 to vector<16xf32>
        %div3A_474 = arith.divf %div3A_473, %add3A_472 : vector<16xf32>
        %mul3A_475 = arith.mulf %gather3A_190, %div3A_474 : vector<16xf32>
        %swap3A = arith.index_cast %scan3A_177 : i32 to index
        %swap3A_476 = arith.constant 0 : index
        %swap3A_477 = tpu.vector_load %arg11[%swap3A, %swap3A_476] {strides = array<i32>} : memref<16x512xf32, #tpu.memory_space<vmem>>, vector<1x16xf32>,
        %swap3A_478 = vector.shape_cast %swap3A_477 : vector<1x16xf32> to vector<16xf32>
        %swap3A_479 = vector.shape_cast %mul3A_475 : vector<16xf32> to vector<1x16xf32>
        tpu.vector_store %arg11[%swap3A, %swap3A_476], %swap3A_479 {strides = array<i32>} : memref<16x512xf32, #tpu.memory_space<vmem>>, vector<1x16xf32>,
        %mul3A_480 = arith.mulf %gather3A_198, %div3A_474 : vector<16xf32>
        %swap3A_481 = arith.index_cast %scan3A_177 : i32 to index
        %swap3A_482 = arith.constant 16 : index
        %swap3A_483 = tpu.vector_load %arg11[%swap3A_481, %swap3A_482] {strides = array<i32>} : memref<16x512xf32, #tpu.memory_space<vmem>>, vector<1x16xf32>,
        %swap3A_484 = vector.shape_cast %swap3A_483 : vector<1x16xf32> to vector<16xf32>
        %swap3A_485 = vector.shape_cast %mul3A_480 : vector<16xf32> to vector<1x16xf32>
        tpu.vector_store %arg11[%swap3A_481, %swap3A_482], %swap3A_485 {strides = array<i32>} : memref<16x512xf32, #tpu.memory_space<vmem>>, vector<1x16xf32>,
        %mul3A_486 = arith.mulf %gather3A_206, %div3A_474 : vector<16xf32>
        %swap3A_487 = arith.index_cast %scan3A_177 : i32 to index
        %swap3A_488 = arith.constant 32 : index
        %swap3A_489 = tpu.vector_load %arg11[%swap3A_487, %swap3A_488] {strides = array<i32>} : memref<16x512xf32, #tpu.memory_space<vmem>>, vector<1x16xf32>,
        %swap3A_490 = vector.shape_cast %swap3A_489 : vector<1x16xf32> to vector<16xf32>
        %swap3A_491 = vector.shape_cast %mul3A_486 : vector<16xf32> to vector<1x16xf32>
        tpu.vector_store %arg11[%swap3A_487, %swap3A_488], %swap3A_491 {strides = array<i32>} : memref<16x512xf32, #tpu.memory_space<vmem>>, vector<1x16xf32>,
        %mul3A_492 = arith.mulf %gather3A_214, %div3A_474 : vector<16xf32>
        %swap3A_493 = arith.index_cast %scan3A_177 : i32 to index
        %swap3A_494 = arith.constant 48 : index
        %swap3A_495 = tpu.vector_load %arg11[%swap3A_493, %swap3A_494] {strides = array<i32>} : memref<16x512xf32, #tpu.memory_space<vmem>>, vector<1x16xf32>,
        %swap3A_496 = vector.shape_cast %swap3A_495 : vector<1x16xf32> to vector<16xf32>
        %swap3A_497 = vector.shape_cast %mul3A_492 : vector<16xf32> to vector<1x16xf32>
        tpu.vector_store %arg11[%swap3A_493, %swap3A_494], %swap3A_497 {strides = array<i32>} : memref<16x512xf32, #tpu.memory_space<vmem>>, vector<1x16xf32>,
        %mul3A_498 = arith.mulf %gather3A_222, %div3A_474 : vector<16xf32>
        %swap3A_499 = arith.index_cast %scan3A_177 : i32 to index
        %swap3A_500 = arith.constant 64 : index
        %swap3A_501 = tpu.vector_load %arg11[%swap3A_499, %swap3A_500] {strides = array<i32>} : memref<16x512xf32, #tpu.memory_space<vmem>>, vector<1x16xf32>,
        %swap3A_502 = vector.shape_cast %swap3A_501 : vector<1x16xf32> to vector<16xf32>
        %swap3A_503 = vector.shape_cast %mul3A_498 : vector<16xf32> to vector<1x16xf32>
        tpu.vector_store %arg11[%swap3A_499, %swap3A_500], %swap3A_503 {strides = array<i32>} : memref<16x512xf32, #tpu.memory_space<vmem>>, vector<1x16xf32>,
        %mul3A_504 = arith.mulf %gather3A_230, %div3A_474 : vector<16xf32>
        %swap3A_505 = arith.index_cast %scan3A_177 : i32 to index
        %swap3A_506 = arith.constant 80 : index
        %swap3A_507 = tpu.vector_load %arg11[%swap3A_505, %swap3A_506] {strides = array<i32>} : memref<16x512xf32, #tpu.memory_space<vmem>>, vector<1x16xf32>,
        %swap3A_508 = vector.shape_cast %swap3A_507 : vector<1x16xf32> to vector<16xf32>
        %swap3A_509 = vector.shape_cast %mul3A_504 : vector<16xf32> to vector<1x16xf32>
        tpu.vector_store %arg11[%swap3A_505, %swap3A_506], %swap3A_509 {strides = array<i32>} : memref<16x512xf32, #tpu.memory_space<vmem>>, vector<1x16xf32>,
        %mul3A_510 = arith.mulf %gather3A_238, %div3A_474 : vector<16xf32>
        %swap3A_511 = arith.index_cast %scan3A_177 : i32 to index
        %swap3A_512 = arith.constant 96 : index
        %swap3A_513 = tpu.vector_load %arg11[%swap3A_511, %swap3A_512] {strides = array<i32>} : memref<16x512xf32, #tpu.memory_space<vmem>>, vector<1x16xf32>,
        %swap3A_514 = vector.shape_cast %swap3A_513 : vector<1x16xf32> to vector<16xf32>
        %swap3A_515 = vector.shape_cast %mul3A_510 : vector<16xf32> to vector<1x16xf32>
        tpu.vector_store %arg11[%swap3A_511, %swap3A_512], %swap3A_515 {strides = array<i32>} : memref<16x512xf32, #tpu.memory_space<vmem>>, vector<1x16xf32>,
        %mul3A_516 = arith.mulf %gather3A_246, %div3A_474 : vector<16xf32>
        %swap3A_517 = arith.index_cast %scan3A_177 : i32 to index
        %swap3A_518 = arith.constant 112 : index
        %swap3A_519 = tpu.vector_load %arg11[%swap3A_517, %swap3A_518] {strides = array<i32>} : memref<16x512xf32, #tpu.memory_space<vmem>>, vector<1x16xf32>,
        %swap3A_520 = vector.shape_cast %swap3A_519 : vector<1x16xf32> to vector<16xf32>
        %swap3A_521 = vector.shape_cast %mul3A_516 : vector<16xf32> to vector<1x16xf32>
        tpu.vector_store %arg11[%swap3A_517, %swap3A_518], %swap3A_521 {strides = array<i32>} : memref<16x512xf32, #tpu.memory_space<vmem>>, vector<1x16xf32>,
        %mul3A_522 = arith.mulf %gather3A_254, %div3A_474 : vector<16xf32>
        %swap3A_523 = arith.index_cast %scan3A_177 : i32 to index
        %swap3A_524 = arith.constant 128 : index
        %swap3A_525 = tpu.vector_load %arg11[%swap3A_523, %swap3A_524] {strides = array<i32>} : memref<16x512xf32, #tpu.memory_space<vmem>>, vector<1x16xf32>,
        %swap3A_526 = vector.shape_cast %swap3A_525 : vector<1x16xf32> to vector<16xf32>
        %swap3A_527 = vector.shape_cast %mul3A_522 : vector<16xf32> to vector<1x16xf32>
        tpu.vector_store %arg11[%swap3A_523, %swap3A_524], %swap3A_527 {strides = array<i32>} : memref<16x512xf32, #tpu.memory_space<vmem>>, vector<1x16xf32>,
        %mul3A_528 = arith.mulf %gather3A_262, %div3A_474 : vector<16xf32>
        %swap3A_529 = arith.index_cast %scan3A_177 : i32 to index
        %swap3A_530 = arith.constant 144 : index
        %swap3A_531 = tpu.vector_load %arg11[%swap3A_529, %swap3A_530] {strides = array<i32>} : memref<16x512xf32, #tpu.memory_space<vmem>>, vector<1x16xf32>,
        %swap3A_532 = vector.shape_cast %swap3A_531 : vector<1x16xf32> to vector<16xf32>
        %swap3A_533 = vector.shape_cast %mul3A_528 : vector<16xf32> to vector<1x16xf32>
        tpu.vector_store %arg11[%swap3A_529, %swap3A_530], %swap3A_533 {strides = array<i32>} : memref<16x512xf32, #tpu.memory_space<vmem>>, vector<1x16xf32>,
        %mul3A_534 = arith.mulf %gather3A_270, %div3A_474 : vector<16xf32>
        %swap3A_535 = arith.index_cast %scan3A_177 : i32 to index
        %swap3A_536 = arith.constant 160 : index
        %swap3A_537 = tpu.vector_load %arg11[%swap3A_535, %swap3A_536] {strides = array<i32>} : memref<16x512xf32, #tpu.memory_space<vmem>>, vector<1x16xf32>,
        %swap3A_538 = vector.shape_cast %swap3A_537 : vector<1x16xf32> to vector<16xf32>
        %swap3A_539 = vector.shape_cast %mul3A_534 : vector<16xf32> to vector<1x16xf32>
        tpu.vector_store %arg11[%swap3A_535, %swap3A_536], %swap3A_539 {strides = array<i32>} : memref<16x512xf32, #tpu.memory_space<vmem>>, vector<1x16xf32>,
        %mul3A_540 = arith.mulf %gather3A_278, %div3A_474 : vector<16xf32>
        %swap3A_541 = arith.index_cast %scan3A_177 : i32 to index
        %swap3A_542 = arith.constant 176 : index
        %swap3A_543 = tpu.vector_load %arg11[%swap3A_541, %swap3A_542] {strides = array<i32>} : memref<16x512xf32, #tpu.memory_space<vmem>>, vector<1x16xf32>,
        %swap3A_544 = vector.shape_cast %swap3A_543 : vector<1x16xf32> to vector<16xf32>
        %swap3A_545 = vector.shape_cast %mul3A_540 : vector<16xf32> to vector<1x16xf32>
        tpu.vector_store %arg11[%swap3A_541, %swap3A_542], %swap3A_545 {strides = array<i32>} : memref<16x512xf32, #tpu.memory_space<vmem>>, vector<1x16xf32>,
        %mul3A_546 = arith.mulf %gather3A_286, %div3A_474 : vector<16xf32>
        %swap3A_547 = arith.index_cast %scan3A_177 : i32 to index
        %swap3A_548 = arith.constant 192 : index
        %swap3A_549 = tpu.vector_load %arg11[%swap3A_547, %swap3A_548] {strides = array<i32>} : memref<16x512xf32, #tpu.memory_space<vmem>>, vector<1x16xf32>,
        %swap3A_550 = vector.shape_cast %swap3A_549 : vector<1x16xf32> to vector<16xf32>
        %swap3A_551 = vector.shape_cast %mul3A_546 : vector<16xf32> to vector<1x16xf32>
        tpu.vector_store %arg11[%swap3A_547, %swap3A_548], %swap3A_551 {strides = array<i32>} : memref<16x512xf32, #tpu.memory_space<vmem>>, vector<1x16xf32>,
        %mul3A_552 = arith.mulf %gather3A_294, %div3A_474 : vector<16xf32>
        %swap3A_553 = arith.index_cast %scan3A_177 : i32 to index
        %swap3A_554 = arith.constant 208 : index
        %swap3A_555 = tpu.vector_load %arg11[%swap3A_553, %swap3A_554] {strides = array<i32>} : memref<16x512xf32, #tpu.memory_space<vmem>>, vector<1x16xf32>,
        %swap3A_556 = vector.shape_cast %swap3A_555 : vector<1x16xf32> to vector<16xf32>
        %swap3A_557 = vector.shape_cast %mul3A_552 : vector<16xf32> to vector<1x16xf32>
        tpu.vector_store %arg11[%swap3A_553, %swap3A_554], %swap3A_557 {strides = array<i32>} : memref<16x512xf32, #tpu.memory_space<vmem>>, vector<1x16xf32>,
        %mul3A_558 = arith.mulf %gather3A_302, %div3A_474 : vector<16xf32>
        %swap3A_559 = arith.index_cast %scan3A_177 : i32 to index
        %swap3A_560 = arith.constant 224 : index
        %swap3A_561 = tpu.vector_load %arg11[%swap3A_559, %swap3A_560] {strides = array<i32>} : memref<16x512xf32, #tpu.memory_space<vmem>>, vector<1x16xf32>,
        %swap3A_562 = vector.shape_cast %swap3A_561 : vector<1x16xf32> to vector<16xf32>
        %swap3A_563 = vector.shape_cast %mul3A_558 : vector<16xf32> to vector<1x16xf32>
        tpu.vector_store %arg11[%swap3A_559, %swap3A_560], %swap3A_563 {strides = array<i32>} : memref<16x512xf32, #tpu.memory_space<vmem>>, vector<1x16xf32>,
        %mul3A_564 = arith.mulf %gather3A_310, %div3A_474 : vector<16xf32>
        %swap3A_565 = arith.index_cast %scan3A_177 : i32 to index
        %swap3A_566 = arith.constant 240 : index
        %swap3A_567 = tpu.vector_load %arg11[%swap3A_565, %swap3A_566] {strides = array<i32>} : memref<16x512xf32, #tpu.memory_space<vmem>>, vector<1x16xf32>,
        %swap3A_568 = vector.shape_cast %swap3A_567 : vector<1x16xf32> to vector<16xf32>
        %swap3A_569 = vector.shape_cast %mul3A_564 : vector<16xf32> to vector<1x16xf32>
        tpu.vector_store %arg11[%swap3A_565, %swap3A_566], %swap3A_569 {strides = array<i32>} : memref<16x512xf32, #tpu.memory_space<vmem>>, vector<1x16xf32>,
        %mul3A_570 = arith.mulf %gather3A_318, %div3A_474 : vector<16xf32>
        %swap3A_571 = arith.index_cast %scan3A_177 : i32 to index
        %swap3A_572 = arith.constant 256 : index
        %swap3A_573 = tpu.vector_load %arg11[%swap3A_571, %swap3A_572] {strides = array<i32>} : memref<16x512xf32, #tpu.memory_space<vmem>>, vector<1x16xf32>,
        %swap3A_574 = vector.shape_cast %swap3A_573 : vector<1x16xf32> to vector<16xf32>
        %swap3A_575 = vector.shape_cast %mul3A_570 : vector<16xf32> to vector<1x16xf32>
        tpu.vector_store %arg11[%swap3A_571, %swap3A_572], %swap3A_575 {strides = array<i32>} : memref<16x512xf32, #tpu.memory_space<vmem>>, vector<1x16xf32>,
        %mul3A_576 = arith.mulf %gather3A_326, %div3A_474 : vector<16xf32>
        %swap3A_577 = arith.index_cast %scan3A_177 : i32 to index
        %swap3A_578 = arith.constant 272 : index
        %swap3A_579 = tpu.vector_load %arg11[%swap3A_577, %swap3A_578] {strides = array<i32>} : memref<16x512xf32, #tpu.memory_space<vmem>>, vector<1x16xf32>,
        %swap3A_580 = vector.shape_cast %swap3A_579 : vector<1x16xf32> to vector<16xf32>
        %swap3A_581 = vector.shape_cast %mul3A_576 : vector<16xf32> to vector<1x16xf32>
        tpu.vector_store %arg11[%swap3A_577, %swap3A_578], %swap3A_581 {strides = array<i32>} : memref<16x512xf32, #tpu.memory_space<vmem>>, vector<1x16xf32>,
        %mul3A_582 = arith.mulf %gather3A_334, %div3A_474 : vector<16xf32>
        %swap3A_583 = arith.index_cast %scan3A_177 : i32 to index
        %swap3A_584 = arith.constant 288 : index
        %swap3A_585 = tpu.vector_load %arg11[%swap3A_583, %swap3A_584] {strides = array<i32>} : memref<16x512xf32, #tpu.memory_space<vmem>>, vector<1x16xf32>,
        %swap3A_586 = vector.shape_cast %swap3A_585 : vector<1x16xf32> to vector<16xf32>
        %swap3A_587 = vector.shape_cast %mul3A_582 : vector<16xf32> to vector<1x16xf32>
        tpu.vector_store %arg11[%swap3A_583, %swap3A_584], %swap3A_587 {strides = array<i32>} : memref<16x512xf32, #tpu.memory_space<vmem>>, vector<1x16xf32>,
        %mul3A_588 = arith.mulf %gather3A_342, %div3A_474 : vector<16xf32>
        %swap3A_589 = arith.index_cast %scan3A_177 : i32 to index
        %swap3A_590 = arith.constant 304 : index
        %swap3A_591 = tpu.vector_load %arg11[%swap3A_589, %swap3A_590] {strides = array<i32>} : memref<16x512xf32, #tpu.memory_space<vmem>>, vector<1x16xf32>,
        %swap3A_592 = vector.shape_cast %swap3A_591 : vector<1x16xf32> to vector<16xf32>
        %swap3A_593 = vector.shape_cast %mul3A_588 : vector<16xf32> to vector<1x16xf32>
        tpu.vector_store %arg11[%swap3A_589, %swap3A_590], %swap3A_593 {strides = array<i32>} : memref<16x512xf32, #tpu.memory_space<vmem>>, vector<1x16xf32>,
        %mul3A_594 = arith.mulf %gather3A_350, %div3A_474 : vector<16xf32>
        %swap3A_595 = arith.index_cast %scan3A_177 : i32 to index
        %swap3A_596 = arith.constant 320 : index
        %swap3A_597 = tpu.vector_load %arg11[%swap3A_595, %swap3A_596] {strides = array<i32>} : memref<16x512xf32, #tpu.memory_space<vmem>>, vector<1x16xf32>,
        %swap3A_598 = vector.shape_cast %swap3A_597 : vector<1x16xf32> to vector<16xf32>
        %swap3A_599 = vector.shape_cast %mul3A_594 : vector<16xf32> to vector<1x16xf32>
        tpu.vector_store %arg11[%swap3A_595, %swap3A_596], %swap3A_599 {strides = array<i32>} : memref<16x512xf32, #tpu.memory_space<vmem>>, vector<1x16xf32>,
        %mul3A_600 = arith.mulf %gather3A_358, %div3A_474 : vector<16xf32>
        %swap3A_601 = arith.index_cast %scan3A_177 : i32 to index
        %swap3A_602 = arith.constant 336 : index
        %swap3A_603 = tpu.vector_load %arg11[%swap3A_601, %swap3A_602] {strides = array<i32>} : memref<16x512xf32, #tpu.memory_space<vmem>>, vector<1x16xf32>,
        %swap3A_604 = vector.shape_cast %swap3A_603 : vector<1x16xf32> to vector<16xf32>
        %swap3A_605 = vector.shape_cast %mul3A_600 : vector<16xf32> to vector<1x16xf32>
        tpu.vector_store %arg11[%swap3A_601, %swap3A_602], %swap3A_605 {strides = array<i32>} : memref<16x512xf32, #tpu.memory_space<vmem>>, vector<1x16xf32>,
        %mul3A_606 = arith.mulf %gather3A_366, %div3A_474 : vector<16xf32>
        %swap3A_607 = arith.index_cast %scan3A_177 : i32 to index
        %swap3A_608 = arith.constant 352 : index
        %swap3A_609 = tpu.vector_load %arg11[%swap3A_607, %swap3A_608] {strides = array<i32>} : memref<16x512xf32, #tpu.memory_space<vmem>>, vector<1x16xf32>,
        %swap3A_610 = vector.shape_cast %swap3A_609 : vector<1x16xf32> to vector<16xf32>
        %swap3A_611 = vector.shape_cast %mul3A_606 : vector<16xf32> to vector<1x16xf32>
        tpu.vector_store %arg11[%swap3A_607, %swap3A_608], %swap3A_611 {strides = array<i32>} : memref<16x512xf32, #tpu.memory_space<vmem>>, vector<1x16xf32>,
        %mul3A_612 = arith.mulf %gather3A_374, %div3A_474 : vector<16xf32>
        %swap3A_613 = arith.index_cast %scan3A_177 : i32 to index
        %swap3A_614 = arith.constant 368 : index
        %swap3A_615 = tpu.vector_load %arg11[%swap3A_613, %swap3A_614] {strides = array<i32>} : memref<16x512xf32, #tpu.memory_space<vmem>>, vector<1x16xf32>,
        %swap3A_616 = vector.shape_cast %swap3A_615 : vector<1x16xf32> to vector<16xf32>
        %swap3A_617 = vector.shape_cast %mul3A_612 : vector<16xf32> to vector<1x16xf32>
        tpu.vector_store %arg11[%swap3A_613, %swap3A_614], %swap3A_617 {strides = array<i32>} : memref<16x512xf32, #tpu.memory_space<vmem>>, vector<1x16xf32>,
        %mul3A_618 = arith.mulf %gather3A_382, %div3A_474 : vector<16xf32>
        %swap3A_619 = arith.index_cast %scan3A_177 : i32 to index
        %swap3A_620 = arith.constant 384 : index
        %swap3A_621 = tpu.vector_load %arg11[%swap3A_619, %swap3A_620] {strides = array<i32>} : memref<16x512xf32, #tpu.memory_space<vmem>>, vector<1x16xf32>,
        %swap3A_622 = vector.shape_cast %swap3A_621 : vector<1x16xf32> to vector<16xf32>
        %swap3A_623 = vector.shape_cast %mul3A_618 : vector<16xf32> to vector<1x16xf32>
        tpu.vector_store %arg11[%swap3A_619, %swap3A_620], %swap3A_623 {strides = array<i32>} : memref<16x512xf32, #tpu.memory_space<vmem>>, vector<1x16xf32>,
        %mul3A_624 = arith.mulf %gather3A_390, %div3A_474 : vector<16xf32>
        %swap3A_625 = arith.index_cast %scan3A_177 : i32 to index
        %swap3A_626 = arith.constant 400 : index
        %swap3A_627 = tpu.vector_load %arg11[%swap3A_625, %swap3A_626] {strides = array<i32>} : memref<16x512xf32, #tpu.memory_space<vmem>>, vector<1x16xf32>,
        %swap3A_628 = vector.shape_cast %swap3A_627 : vector<1x16xf32> to vector<16xf32>
        %swap3A_629 = vector.shape_cast %mul3A_624 : vector<16xf32> to vector<1x16xf32>
        tpu.vector_store %arg11[%swap3A_625, %swap3A_626], %swap3A_629 {strides = array<i32>} : memref<16x512xf32, #tpu.memory_space<vmem>>, vector<1x16xf32>,
        %mul3A_630 = arith.mulf %gather3A_398, %div3A_474 : vector<16xf32>
        %swap3A_631 = arith.index_cast %scan3A_177 : i32 to index
        %swap3A_632 = arith.constant 416 : index
        %swap3A_633 = tpu.vector_load %arg11[%swap3A_631, %swap3A_632] {strides = array<i32>} : memref<16x512xf32, #tpu.memory_space<vmem>>, vector<1x16xf32>,
        %swap3A_634 = vector.shape_cast %swap3A_633 : vector<1x16xf32> to vector<16xf32>
        %swap3A_635 = vector.shape_cast %mul3A_630 : vector<16xf32> to vector<1x16xf32>
        tpu.vector_store %arg11[%swap3A_631, %swap3A_632], %swap3A_635 {strides = array<i32>} : memref<16x512xf32, #tpu.memory_space<vmem>>, vector<1x16xf32>,
        %mul3A_636 = arith.mulf %gather3A_406, %div3A_474 : vector<16xf32>
        %swap3A_637 = arith.index_cast %scan3A_177 : i32 to index
        %swap3A_638 = arith.constant 432 : index
        %swap3A_639 = tpu.vector_load %arg11[%swap3A_637, %swap3A_638] {strides = array<i32>} : memref<16x512xf32, #tpu.memory_space<vmem>>, vector<1x16xf32>,
        %swap3A_640 = vector.shape_cast %swap3A_639 : vector<1x16xf32> to vector<16xf32>
        %swap3A_641 = vector.shape_cast %mul3A_636 : vector<16xf32> to vector<1x16xf32>
        tpu.vector_store %arg11[%swap3A_637, %swap3A_638], %swap3A_641 {strides = array<i32>} : memref<16x512xf32, #tpu.memory_space<vmem>>, vector<1x16xf32>,
        %mul3A_642 = arith.mulf %gather3A_414, %div3A_474 : vector<16xf32>
        %swap3A_643 = arith.index_cast %scan3A_177 : i32 to index
        %swap3A_644 = arith.constant 448 : index
        %swap3A_645 = tpu.vector_load %arg11[%swap3A_643, %swap3A_644] {strides = array<i32>} : memref<16x512xf32, #tpu.memory_space<vmem>>, vector<1x16xf32>,
        %swap3A_646 = vector.shape_cast %swap3A_645 : vector<1x16xf32> to vector<16xf32>
        %swap3A_647 = vector.shape_cast %mul3A_642 : vector<16xf32> to vector<1x16xf32>
        tpu.vector_store %arg11[%swap3A_643, %swap3A_644], %swap3A_647 {strides = array<i32>} : memref<16x512xf32, #tpu.memory_space<vmem>>, vector<1x16xf32>,
        %mul3A_648 = arith.mulf %gather3A_422, %div3A_474 : vector<16xf32>
        %swap3A_649 = arith.index_cast %scan3A_177 : i32 to index
        %swap3A_650 = arith.constant 464 : index
        %swap3A_651 = tpu.vector_load %arg11[%swap3A_649, %swap3A_650] {strides = array<i32>} : memref<16x512xf32, #tpu.memory_space<vmem>>, vector<1x16xf32>,
        %swap3A_652 = vector.shape_cast %swap3A_651 : vector<1x16xf32> to vector<16xf32>
        %swap3A_653 = vector.shape_cast %mul3A_648 : vector<16xf32> to vector<1x16xf32>
        tpu.vector_store %arg11[%swap3A_649, %swap3A_650], %swap3A_653 {strides = array<i32>} : memref<16x512xf32, #tpu.memory_space<vmem>>, vector<1x16xf32>,
        %mul3A_654 = arith.mulf %gather3A_430, %div3A_474 : vector<16xf32>
        %swap3A_655 = arith.index_cast %scan3A_177 : i32 to index
        %swap3A_656 = arith.constant 480 : index
        %swap3A_657 = tpu.vector_load %arg11[%swap3A_655, %swap3A_656] {strides = array<i32>} : memref<16x512xf32, #tpu.memory_space<vmem>>, vector<1x16xf32>,
        %swap3A_658 = vector.shape_cast %swap3A_657 : vector<1x16xf32> to vector<16xf32>
        %swap3A_659 = vector.shape_cast %mul3A_654 : vector<16xf32> to vector<1x16xf32>
        tpu.vector_store %arg11[%swap3A_655, %swap3A_656], %swap3A_659 {strides = array<i32>} : memref<16x512xf32, #tpu.memory_space<vmem>>, vector<1x16xf32>,
        %mul3A_660 = arith.mulf %gather3A_438, %div3A_474 : vector<16xf32>
        %swap3A_661 = arith.index_cast %scan3A_177 : i32 to index
        %swap3A_662 = arith.constant 496 : index
        %swap3A_663 = tpu.vector_load %arg11[%swap3A_661, %swap3A_662] {strides = array<i32>} : memref<16x512xf32, #tpu.memory_space<vmem>>, vector<1x16xf32>,
        %swap3A_664 = vector.shape_cast %swap3A_663 : vector<1x16xf32> to vector<16xf32>
        %swap3A_665 = vector.shape_cast %mul3A_660 : vector<16xf32> to vector<1x16xf32>
        tpu.vector_store %arg11[%swap3A_661, %swap3A_662], %swap3A_665 {strides = array<i32>} : memref<16x512xf32, #tpu.memory_space<vmem>>, vector<1x16xf32>,
      }
      %scan3A_96 = arith.constant 16 : i32
      %mul3A_97 = arith.constant 16 : i32
      %mul3A_98 = arith.muli %add3A_81, %mul3A_97 : i32
      %add3A_99 = arith.addi %mul3A_2, %mul3A_98 : i32
      %dma_start3A_100 = arith.constant 0 : i32
      %dma_start3A_101 = tpu.memref_slice %arg4[%add3A_99, %dma_start3A_100] : memref<16384x512xf32, #tpu.memory_space<hbm>> -> memref<16x512xf32, #tpu.memory_space<hbm>>
      %dma_start3A_102 = arith.constant 0 : i32
      %dma_start3A_103 = tpu.memref_slice %arg4[%add3A_99, %dma_start3A_102] : memref<16384x512xf32, #tpu.memory_space<hbm>> -> memref<16x512xf32, #tpu.memory_space<hbm>>
      tpu.enqueue_dma source(%arg11 : memref<16x512xf32, #tpu.memory_space<vmem>>) target(%dma_start3A_103 : memref<16x512xf32, #tpu.memory_space<hbm>>) target_semaphore(%arg19 : memref<!tpu.dma_semaphore, #tpu.memory_space<semaphore_mem>>)
      %add3A_104 = arith.constant 4 : i32
      %add3A_105 = arith.addi %add3A_81, %add3A_104 : i32
      %lt3A_106 = arith.constant 32 : i32
      %lt3A_107 = arith.cmpi slt, %add3A_105, %lt3A_106 : i32
      %convert_element_type3A_108 = arith.extui %lt3A_107 : i1 to i32
      %cond3A_109 = arith.constant 0 : i32
      %cond3A_110 = arith.cmpi ne, %convert_element_type3A_108, %cond3A_109 : i32
      scf.if %cond3A_110 {
        %add3A_177 = arith.constant 4 : i32
        %add3A_178 = arith.addi %add3A_81, %add3A_177 : i32
        %mul3A_179 = arith.constant 16 : i32
        %mul3A_180 = arith.muli %add3A_178, %mul3A_179 : i32
        %add3A_181 = arith.addi %mul3A_2, %mul3A_180 : i32
        %dma_start3A_182 = arith.constant 0 : i32
        %dma_start3A_183 = tpu.memref_slice %arg2[%add3A_181, %dma_start3A_182] : memref<16384x512xi32, #tpu.memory_space<hbm>> -> memref<16x512xi32, #tpu.memory_space<hbm>>
        %dma_start3A_184 = arith.constant 0 : i32
        %dma_start3A_185 = tpu.memref_slice %arg2[%add3A_181, %dma_start3A_184] : memref<16384x512xi32, #tpu.memory_space<hbm>> -> memref<16x512xi32, #tpu.memory_space<hbm>>
        tpu.enqueue_dma source(%dma_start3A_185 : memref<16x512xi32, #tpu.memory_space<hbm>>) target(%arg7 : memref<16x512xi32, #tpu.memory_space<vmem>>) target_semaphore(%arg15 : memref<!tpu.dma_semaphore, #tpu.memory_space<semaphore_mem>>)
      } else {
      }
      %mul3A_111 = arith.constant 4 : i32
      %mul3A_112 = arith.muli %mul3A_111, %scan3A_48 : i32
      %add3A_113 = arith.constant 2 : i32
      %add3A_114 = arith.addi %mul3A_112, %add3A_113 : i32
      %dma_wait3A_115 = arith.constant 0 : i32
      %dma_wait3A_116 = tpu.memref_slice %arg2[%mul3A_2, %dma_wait3A_115] : memref<16384x512xi32, #tpu.memory_space<hbm>> -> memref<16x512xi32, #tpu.memory_space<hbm>>
      %dma_wait3A_117 = arith.constant 0 : i32
      %dma_wait3A_118 = tpu.memref_slice %arg2[%mul3A_2, %dma_wait3A_117] : memref<16384x512xi32, #tpu.memory_space<hbm>> -> memref<16x512xi32, #tpu.memory_space<hbm>>
      tpu.wait_dma2 semaphore(%arg16 : memref<!tpu.dma_semaphore, #tpu.memory_space<semaphore_mem>>) src(%dma_wait3A_118 : memref<16x512xi32, #tpu.memory_space<hbm>>) dst(%arg8 : memref<16x512xi32, #tpu.memory_space<vmem>>)
      %gt3A_119 = arith.constant 0 : i32
      %gt3A_120 = arith.cmpi sgt, %scan3A_48, %gt3A_119 : i32
      %convert_element_type3A_121 = arith.extui %gt3A_120 : i1 to i32
      %cond3A_122 = arith.constant 0 : i32
      %cond3A_123 = arith.cmpi ne, %convert_element_type3A_121, %cond3A_122 : i32
      scf.if %cond3A_123 {
        %dma_wait3A_177 = arith.constant 0 : i32
        %dma_wait3A_178 = tpu.memref_slice %arg4[%mul3A_2, %dma_wait3A_177] : memref<16384x512xf32, #tpu.memory_space<hbm>> -> memref<16x512xf32, #tpu.memory_space<hbm>>
        %dma_wait3A_179 = arith.constant 0 : i32
        %dma_wait3A_180 = tpu.memref_slice %arg4[%mul3A_2, %dma_wait3A_179] : memref<16384x512xf32, #tpu.memory_space<hbm>> -> memref<16x512xf32, #tpu.memory_space<hbm>>
        tpu.wait_dma2 semaphore(%arg20 : memref<!tpu.dma_semaphore, #tpu.memory_space<semaphore_mem>>) src(%arg12 : memref<16x512xf32, #tpu.memory_space<vmem>>) dst(%dma_wait3A_180 : memref<16x512xf32, #tpu.memory_space<hbm>>)
      } else {
      }
      %scan3A_124 = arith.constant 0 : i32
      %scan3A_125 = arith.constant 0 : i32
      %scan3A_126 = arith.constant 16 : i32
      %scan3A_127 = arith.addi %scan3A_125, %scan3A_126 : i32
      %scan3A_128 = arith.constant 1 : i32
      scf.for %scan3A_177 = %scan3A_125 to %scan3A_127 step %scan3A_128  : i32 {
        %broadcast_in_dim3A = arith.constant 0.000000e+00 : f32
        %broadcast_in_dim3A_178 = vector.broadcast %broadcast_in_dim3A : f32 to vector<16xf32>
        %broadcast_in_dim3A_179 = arith.constant 0.000000e+00 : f32
        %broadcast_in_dim3A_180 = vector.broadcast %broadcast_in_dim3A_179 : f32 to vector<16xf32>
        %broadcast_in_dim3A_181 = arith.constant 0.000000e+00 : f32
        %broadcast_in_dim3A_182 = vector.broadcast %broadcast_in_dim3A_181 : f32 to vector<16xf32>
        %broadcast_in_dim3A_183 = arith.constant 0.000000e+00 : f32
        %broadcast_in_dim3A_184 = vector.broadcast %broadcast_in_dim3A_183 : f32 to vector<16xf32>
        %get3A_185 = arith.index_cast %scan3A_177 : i32 to index
        %get3A_186 = arith.constant 0 : index
        %get3A_187 = tpu.vector_load %arg8[%get3A_185, %get3A_186] {strides = array<i32>} : memref<16x512xi32, #tpu.memory_space<vmem>>, vector<1x16xi32>,
        %get3A_188 = vector.shape_cast %get3A_187 : vector<1x16xi32> to vector<16xi32>
        %broadcast_in_dim3A_189 = vector.shape_cast %get3A_188 : vector<16xi32> to vector<16x1xi32>
        %gather3A = vector.shape_cast %broadcast_in_dim3A_189 : vector<16x1xi32> to vector<16xi32>
        %gather3A_190 = tpu.dynamic_gather %get3A_4[%gather3A] in [0] : vector<16xf32>, vector<16xi32> -> vector<16xf32>
        %add3A_191 = arith.addf %broadcast_in_dim3A_178, %gather3A_190 : vector<16xf32>
        %get3A_192 = arith.index_cast %scan3A_177 : i32 to index
        %get3A_193 = arith.constant 16 : index
        %get3A_194 = tpu.vector_load %arg8[%get3A_192, %get3A_193] {strides = array<i32>} : memref<16x512xi32, #tpu.memory_space<vmem>>, vector<1x16xi32>,
        %get3A_195 = vector.shape_cast %get3A_194 : vector<1x16xi32> to vector<16xi32>
        %broadcast_in_dim3A_196 = vector.shape_cast %get3A_195 : vector<16xi32> to vector<16x1xi32>
        %gather3A_197 = vector.shape_cast %broadcast_in_dim3A_196 : vector<16x1xi32> to vector<16xi32>
        %gather3A_198 = tpu.dynamic_gather %get3A_4[%gather3A_197] in [0] : vector<16xf32>, vector<16xi32> -> vector<16xf32>
        %add3A_199 = arith.addf %broadcast_in_dim3A_180, %gather3A_198 : vector<16xf32>
        %get3A_200 = arith.index_cast %scan3A_177 : i32 to index
        %get3A_201 = arith.constant 32 : index
        %get3A_202 = tpu.vector_load %arg8[%get3A_200, %get3A_201] {strides = array<i32>} : memref<16x512xi32, #tpu.memory_space<vmem>>, vector<1x16xi32>,
        %get3A_203 = vector.shape_cast %get3A_202 : vector<1x16xi32> to vector<16xi32>
        %broadcast_in_dim3A_204 = vector.shape_cast %get3A_203 : vector<16xi32> to vector<16x1xi32>
        %gather3A_205 = vector.shape_cast %broadcast_in_dim3A_204 : vector<16x1xi32> to vector<16xi32>
        %gather3A_206 = tpu.dynamic_gather %get3A_4[%gather3A_205] in [0] : vector<16xf32>, vector<16xi32> -> vector<16xf32>
        %add3A_207 = arith.addf %broadcast_in_dim3A_182, %gather3A_206 : vector<16xf32>
        %get3A_208 = arith.index_cast %scan3A_177 : i32 to index
        %get3A_209 = arith.constant 48 : index
        %get3A_210 = tpu.vector_load %arg8[%get3A_208, %get3A_209] {strides = array<i32>} : memref<16x512xi32, #tpu.memory_space<vmem>>, vector<1x16xi32>,
        %get3A_211 = vector.shape_cast %get3A_210 : vector<1x16xi32> to vector<16xi32>
        %broadcast_in_dim3A_212 = vector.shape_cast %get3A_211 : vector<16xi32> to vector<16x1xi32>
        %gather3A_213 = vector.shape_cast %broadcast_in_dim3A_212 : vector<16x1xi32> to vector<16xi32>
        %gather3A_214 = tpu.dynamic_gather %get3A_4[%gather3A_213] in [0] : vector<16xf32>, vector<16xi32> -> vector<16xf32>
        %add3A_215 = arith.addf %broadcast_in_dim3A_184, %gather3A_214 : vector<16xf32>
        %get3A_216 = arith.index_cast %scan3A_177 : i32 to index
        %get3A_217 = arith.constant 64 : index
        %get3A_218 = tpu.vector_load %arg8[%get3A_216, %get3A_217] {strides = array<i32>} : memref<16x512xi32, #tpu.memory_space<vmem>>, vector<1x16xi32>,
        %get3A_219 = vector.shape_cast %get3A_218 : vector<1x16xi32> to vector<16xi32>
        %broadcast_in_dim3A_220 = vector.shape_cast %get3A_219 : vector<16xi32> to vector<16x1xi32>
        %gather3A_221 = vector.shape_cast %broadcast_in_dim3A_220 : vector<16x1xi32> to vector<16xi32>
        %gather3A_222 = tpu.dynamic_gather %get3A_4[%gather3A_221] in [0] : vector<16xf32>, vector<16xi32> -> vector<16xf32>
        %add3A_223 = arith.addf %add3A_191, %gather3A_222 : vector<16xf32>
        %get3A_224 = arith.index_cast %scan3A_177 : i32 to index
        %get3A_225 = arith.constant 80 : index
        %get3A_226 = tpu.vector_load %arg8[%get3A_224, %get3A_225] {strides = array<i32>} : memref<16x512xi32, #tpu.memory_space<vmem>>, vector<1x16xi32>,
        %get3A_227 = vector.shape_cast %get3A_226 : vector<1x16xi32> to vector<16xi32>
        %broadcast_in_dim3A_228 = vector.shape_cast %get3A_227 : vector<16xi32> to vector<16x1xi32>
        %gather3A_229 = vector.shape_cast %broadcast_in_dim3A_228 : vector<16x1xi32> to vector<16xi32>
        %gather3A_230 = tpu.dynamic_gather %get3A_4[%gather3A_229] in [0] : vector<16xf32>, vector<16xi32> -> vector<16xf32>
        %add3A_231 = arith.addf %add3A_199, %gather3A_230 : vector<16xf32>
        %get3A_232 = arith.index_cast %scan3A_177 : i32 to index
        %get3A_233 = arith.constant 96 : index
        %get3A_234 = tpu.vector_load %arg8[%get3A_232, %get3A_233] {strides = array<i32>} : memref<16x512xi32, #tpu.memory_space<vmem>>, vector<1x16xi32>,
        %get3A_235 = vector.shape_cast %get3A_234 : vector<1x16xi32> to vector<16xi32>
        %broadcast_in_dim3A_236 = vector.shape_cast %get3A_235 : vector<16xi32> to vector<16x1xi32>
        %gather3A_237 = vector.shape_cast %broadcast_in_dim3A_236 : vector<16x1xi32> to vector<16xi32>
        %gather3A_238 = tpu.dynamic_gather %get3A_4[%gather3A_237] in [0] : vector<16xf32>, vector<16xi32> -> vector<16xf32>
        %add3A_239 = arith.addf %add3A_207, %gather3A_238 : vector<16xf32>
        %get3A_240 = arith.index_cast %scan3A_177 : i32 to index
        %get3A_241 = arith.constant 112 : index
        %get3A_242 = tpu.vector_load %arg8[%get3A_240, %get3A_241] {strides = array<i32>} : memref<16x512xi32, #tpu.memory_space<vmem>>, vector<1x16xi32>,
        %get3A_243 = vector.shape_cast %get3A_242 : vector<1x16xi32> to vector<16xi32>
        %broadcast_in_dim3A_244 = vector.shape_cast %get3A_243 : vector<16xi32> to vector<16x1xi32>
        %gather3A_245 = vector.shape_cast %broadcast_in_dim3A_244 : vector<16x1xi32> to vector<16xi32>
        %gather3A_246 = tpu.dynamic_gather %get3A_4[%gather3A_245] in [0] : vector<16xf32>, vector<16xi32> -> vector<16xf32>
        %add3A_247 = arith.addf %add3A_215, %gather3A_246 : vector<16xf32>
        %get3A_248 = arith.index_cast %scan3A_177 : i32 to index
        %get3A_249 = arith.constant 128 : index
        %get3A_250 = tpu.vector_load %arg8[%get3A_248, %get3A_249] {strides = array<i32>} : memref<16x512xi32, #tpu.memory_space<vmem>>, vector<1x16xi32>,
        %get3A_251 = vector.shape_cast %get3A_250 : vector<1x16xi32> to vector<16xi32>
        %broadcast_in_dim3A_252 = vector.shape_cast %get3A_251 : vector<16xi32> to vector<16x1xi32>
        %gather3A_253 = vector.shape_cast %broadcast_in_dim3A_252 : vector<16x1xi32> to vector<16xi32>
        %gather3A_254 = tpu.dynamic_gather %get3A_4[%gather3A_253] in [0] : vector<16xf32>, vector<16xi32> -> vector<16xf32>
        %add3A_255 = arith.addf %add3A_223, %gather3A_254 : vector<16xf32>
        %get3A_256 = arith.index_cast %scan3A_177 : i32 to index
        %get3A_257 = arith.constant 144 : index
        %get3A_258 = tpu.vector_load %arg8[%get3A_256, %get3A_257] {strides = array<i32>} : memref<16x512xi32, #tpu.memory_space<vmem>>, vector<1x16xi32>,
        %get3A_259 = vector.shape_cast %get3A_258 : vector<1x16xi32> to vector<16xi32>
        %broadcast_in_dim3A_260 = vector.shape_cast %get3A_259 : vector<16xi32> to vector<16x1xi32>
        %gather3A_261 = vector.shape_cast %broadcast_in_dim3A_260 : vector<16x1xi32> to vector<16xi32>
        %gather3A_262 = tpu.dynamic_gather %get3A_4[%gather3A_261] in [0] : vector<16xf32>, vector<16xi32> -> vector<16xf32>
        %add3A_263 = arith.addf %add3A_231, %gather3A_262 : vector<16xf32>
        %get3A_264 = arith.index_cast %scan3A_177 : i32 to index
        %get3A_265 = arith.constant 160 : index
        %get3A_266 = tpu.vector_load %arg8[%get3A_264, %get3A_265] {strides = array<i32>} : memref<16x512xi32, #tpu.memory_space<vmem>>, vector<1x16xi32>,
        %get3A_267 = vector.shape_cast %get3A_266 : vector<1x16xi32> to vector<16xi32>
        %broadcast_in_dim3A_268 = vector.shape_cast %get3A_267 : vector<16xi32> to vector<16x1xi32>
        %gather3A_269 = vector.shape_cast %broadcast_in_dim3A_268 : vector<16x1xi32> to vector<16xi32>
        %gather3A_270 = tpu.dynamic_gather %get3A_4[%gather3A_269] in [0] : vector<16xf32>, vector<16xi32> -> vector<16xf32>
        %add3A_271 = arith.addf %add3A_239, %gather3A_270 : vector<16xf32>
        %get3A_272 = arith.index_cast %scan3A_177 : i32 to index
        %get3A_273 = arith.constant 176 : index
        %get3A_274 = tpu.vector_load %arg8[%get3A_272, %get3A_273] {strides = array<i32>} : memref<16x512xi32, #tpu.memory_space<vmem>>, vector<1x16xi32>,
        %get3A_275 = vector.shape_cast %get3A_274 : vector<1x16xi32> to vector<16xi32>
        %broadcast_in_dim3A_276 = vector.shape_cast %get3A_275 : vector<16xi32> to vector<16x1xi32>
        %gather3A_277 = vector.shape_cast %broadcast_in_dim3A_276 : vector<16x1xi32> to vector<16xi32>
        %gather3A_278 = tpu.dynamic_gather %get3A_4[%gather3A_277] in [0] : vector<16xf32>, vector<16xi32> -> vector<16xf32>
        %add3A_279 = arith.addf %add3A_247, %gather3A_278 : vector<16xf32>
        %get3A_280 = arith.index_cast %scan3A_177 : i32 to index
        %get3A_281 = arith.constant 192 : index
        %get3A_282 = tpu.vector_load %arg8[%get3A_280, %get3A_281] {strides = array<i32>} : memref<16x512xi32, #tpu.memory_space<vmem>>, vector<1x16xi32>,
        %get3A_283 = vector.shape_cast %get3A_282 : vector<1x16xi32> to vector<16xi32>
        %broadcast_in_dim3A_284 = vector.shape_cast %get3A_283 : vector<16xi32> to vector<16x1xi32>
        %gather3A_285 = vector.shape_cast %broadcast_in_dim3A_284 : vector<16x1xi32> to vector<16xi32>
        %gather3A_286 = tpu.dynamic_gather %get3A_4[%gather3A_285] in [0] : vector<16xf32>, vector<16xi32> -> vector<16xf32>
        %add3A_287 = arith.addf %add3A_255, %gather3A_286 : vector<16xf32>
        %get3A_288 = arith.index_cast %scan3A_177 : i32 to index
        %get3A_289 = arith.constant 208 : index
        %get3A_290 = tpu.vector_load %arg8[%get3A_288, %get3A_289] {strides = array<i32>} : memref<16x512xi32, #tpu.memory_space<vmem>>, vector<1x16xi32>,
        %get3A_291 = vector.shape_cast %get3A_290 : vector<1x16xi32> to vector<16xi32>
        %broadcast_in_dim3A_292 = vector.shape_cast %get3A_291 : vector<16xi32> to vector<16x1xi32>
        %gather3A_293 = vector.shape_cast %broadcast_in_dim3A_292 : vector<16x1xi32> to vector<16xi32>
        %gather3A_294 = tpu.dynamic_gather %get3A_4[%gather3A_293] in [0] : vector<16xf32>, vector<16xi32> -> vector<16xf32>
        %add3A_295 = arith.addf %add3A_263, %gather3A_294 : vector<16xf32>
        %get3A_296 = arith.index_cast %scan3A_177 : i32 to index
        %get3A_297 = arith.constant 224 : index
        %get3A_298 = tpu.vector_load %arg8[%get3A_296, %get3A_297] {strides = array<i32>} : memref<16x512xi32, #tpu.memory_space<vmem>>, vector<1x16xi32>,
        %get3A_299 = vector.shape_cast %get3A_298 : vector<1x16xi32> to vector<16xi32>
        %broadcast_in_dim3A_300 = vector.shape_cast %get3A_299 : vector<16xi32> to vector<16x1xi32>
        %gather3A_301 = vector.shape_cast %broadcast_in_dim3A_300 : vector<16x1xi32> to vector<16xi32>
        %gather3A_302 = tpu.dynamic_gather %get3A_4[%gather3A_301] in [0] : vector<16xf32>, vector<16xi32> -> vector<16xf32>
        %add3A_303 = arith.addf %add3A_271, %gather3A_302 : vector<16xf32>
        %get3A_304 = arith.index_cast %scan3A_177 : i32 to index
        %get3A_305 = arith.constant 240 : index
        %get3A_306 = tpu.vector_load %arg8[%get3A_304, %get3A_305] {strides = array<i32>} : memref<16x512xi32, #tpu.memory_space<vmem>>, vector<1x16xi32>,
        %get3A_307 = vector.shape_cast %get3A_306 : vector<1x16xi32> to vector<16xi32>
        %broadcast_in_dim3A_308 = vector.shape_cast %get3A_307 : vector<16xi32> to vector<16x1xi32>
        %gather3A_309 = vector.shape_cast %broadcast_in_dim3A_308 : vector<16x1xi32> to vector<16xi32>
        %gather3A_310 = tpu.dynamic_gather %get3A_4[%gather3A_309] in [0] : vector<16xf32>, vector<16xi32> -> vector<16xf32>
        %add3A_311 = arith.addf %add3A_279, %gather3A_310 : vector<16xf32>
        %get3A_312 = arith.index_cast %scan3A_177 : i32 to index
        %get3A_313 = arith.constant 256 : index
        %get3A_314 = tpu.vector_load %arg8[%get3A_312, %get3A_313] {strides = array<i32>} : memref<16x512xi32, #tpu.memory_space<vmem>>, vector<1x16xi32>,
        %get3A_315 = vector.shape_cast %get3A_314 : vector<1x16xi32> to vector<16xi32>
        %broadcast_in_dim3A_316 = vector.shape_cast %get3A_315 : vector<16xi32> to vector<16x1xi32>
        %gather3A_317 = vector.shape_cast %broadcast_in_dim3A_316 : vector<16x1xi32> to vector<16xi32>
        %gather3A_318 = tpu.dynamic_gather %get3A_4[%gather3A_317] in [0] : vector<16xf32>, vector<16xi32> -> vector<16xf32>
        %add3A_319 = arith.addf %add3A_287, %gather3A_318 : vector<16xf32>
        %get3A_320 = arith.index_cast %scan3A_177 : i32 to index
        %get3A_321 = arith.constant 272 : index
        %get3A_322 = tpu.vector_load %arg8[%get3A_320, %get3A_321] {strides = array<i32>} : memref<16x512xi32, #tpu.memory_space<vmem>>, vector<1x16xi32>,
        %get3A_323 = vector.shape_cast %get3A_322 : vector<1x16xi32> to vector<16xi32>
        %broadcast_in_dim3A_324 = vector.shape_cast %get3A_323 : vector<16xi32> to vector<16x1xi32>
        %gather3A_325 = vector.shape_cast %broadcast_in_dim3A_324 : vector<16x1xi32> to vector<16xi32>
        %gather3A_326 = tpu.dynamic_gather %get3A_4[%gather3A_325] in [0] : vector<16xf32>, vector<16xi32> -> vector<16xf32>
        %add3A_327 = arith.addf %add3A_295, %gather3A_326 : vector<16xf32>
        %get3A_328 = arith.index_cast %scan3A_177 : i32 to index
        %get3A_329 = arith.constant 288 : index
        %get3A_330 = tpu.vector_load %arg8[%get3A_328, %get3A_329] {strides = array<i32>} : memref<16x512xi32, #tpu.memory_space<vmem>>, vector<1x16xi32>,
        %get3A_331 = vector.shape_cast %get3A_330 : vector<1x16xi32> to vector<16xi32>
        %broadcast_in_dim3A_332 = vector.shape_cast %get3A_331 : vector<16xi32> to vector<16x1xi32>
        %gather3A_333 = vector.shape_cast %broadcast_in_dim3A_332 : vector<16x1xi32> to vector<16xi32>
        %gather3A_334 = tpu.dynamic_gather %get3A_4[%gather3A_333] in [0] : vector<16xf32>, vector<16xi32> -> vector<16xf32>
        %add3A_335 = arith.addf %add3A_303, %gather3A_334 : vector<16xf32>
        %get3A_336 = arith.index_cast %scan3A_177 : i32 to index
        %get3A_337 = arith.constant 304 : index
        %get3A_338 = tpu.vector_load %arg8[%get3A_336, %get3A_337] {strides = array<i32>} : memref<16x512xi32, #tpu.memory_space<vmem>>, vector<1x16xi32>,
        %get3A_339 = vector.shape_cast %get3A_338 : vector<1x16xi32> to vector<16xi32>
        %broadcast_in_dim3A_340 = vector.shape_cast %get3A_339 : vector<16xi32> to vector<16x1xi32>
        %gather3A_341 = vector.shape_cast %broadcast_in_dim3A_340 : vector<16x1xi32> to vector<16xi32>
        %gather3A_342 = tpu.dynamic_gather %get3A_4[%gather3A_341] in [0] : vector<16xf32>, vector<16xi32> -> vector<16xf32>
        %add3A_343 = arith.addf %add3A_311, %gather3A_342 : vector<16xf32>
        %get3A_344 = arith.index_cast %scan3A_177 : i32 to index
        %get3A_345 = arith.constant 320 : index
        %get3A_346 = tpu.vector_load %arg8[%get3A_344, %get3A_345] {strides = array<i32>} : memref<16x512xi32, #tpu.memory_space<vmem>>, vector<1x16xi32>,
        %get3A_347 = vector.shape_cast %get3A_346 : vector<1x16xi32> to vector<16xi32>
        %broadcast_in_dim3A_348 = vector.shape_cast %get3A_347 : vector<16xi32> to vector<16x1xi32>
        %gather3A_349 = vector.shape_cast %broadcast_in_dim3A_348 : vector<16x1xi32> to vector<16xi32>
        %gather3A_350 = tpu.dynamic_gather %get3A_4[%gather3A_349] in [0] : vector<16xf32>, vector<16xi32> -> vector<16xf32>
        %add3A_351 = arith.addf %add3A_319, %gather3A_350 : vector<16xf32>
        %get3A_352 = arith.index_cast %scan3A_177 : i32 to index
        %get3A_353 = arith.constant 336 : index
        %get3A_354 = tpu.vector_load %arg8[%get3A_352, %get3A_353] {strides = array<i32>} : memref<16x512xi32, #tpu.memory_space<vmem>>, vector<1x16xi32>,
        %get3A_355 = vector.shape_cast %get3A_354 : vector<1x16xi32> to vector<16xi32>
        %broadcast_in_dim3A_356 = vector.shape_cast %get3A_355 : vector<16xi32> to vector<16x1xi32>
        %gather3A_357 = vector.shape_cast %broadcast_in_dim3A_356 : vector<16x1xi32> to vector<16xi32>
        %gather3A_358 = tpu.dynamic_gather %get3A_4[%gather3A_357] in [0] : vector<16xf32>, vector<16xi32> -> vector<16xf32>
        %add3A_359 = arith.addf %add3A_327, %gather3A_358 : vector<16xf32>
        %get3A_360 = arith.index_cast %scan3A_177 : i32 to index
        %get3A_361 = arith.constant 352 : index
        %get3A_362 = tpu.vector_load %arg8[%get3A_360, %get3A_361] {strides = array<i32>} : memref<16x512xi32, #tpu.memory_space<vmem>>, vector<1x16xi32>,
        %get3A_363 = vector.shape_cast %get3A_362 : vector<1x16xi32> to vector<16xi32>
        %broadcast_in_dim3A_364 = vector.shape_cast %get3A_363 : vector<16xi32> to vector<16x1xi32>
        %gather3A_365 = vector.shape_cast %broadcast_in_dim3A_364 : vector<16x1xi32> to vector<16xi32>
        %gather3A_366 = tpu.dynamic_gather %get3A_4[%gather3A_365] in [0] : vector<16xf32>, vector<16xi32> -> vector<16xf32>
        %add3A_367 = arith.addf %add3A_335, %gather3A_366 : vector<16xf32>
        %get3A_368 = arith.index_cast %scan3A_177 : i32 to index
        %get3A_369 = arith.constant 368 : index
        %get3A_370 = tpu.vector_load %arg8[%get3A_368, %get3A_369] {strides = array<i32>} : memref<16x512xi32, #tpu.memory_space<vmem>>, vector<1x16xi32>,
        %get3A_371 = vector.shape_cast %get3A_370 : vector<1x16xi32> to vector<16xi32>
        %broadcast_in_dim3A_372 = vector.shape_cast %get3A_371 : vector<16xi32> to vector<16x1xi32>
        %gather3A_373 = vector.shape_cast %broadcast_in_dim3A_372 : vector<16x1xi32> to vector<16xi32>
        %gather3A_374 = tpu.dynamic_gather %get3A_4[%gather3A_373] in [0] : vector<16xf32>, vector<16xi32> -> vector<16xf32>
        %add3A_375 = arith.addf %add3A_343, %gather3A_374 : vector<16xf32>
        %get3A_376 = arith.index_cast %scan3A_177 : i32 to index
        %get3A_377 = arith.constant 384 : index
        %get3A_378 = tpu.vector_load %arg8[%get3A_376, %get3A_377] {strides = array<i32>} : memref<16x512xi32, #tpu.memory_space<vmem>>, vector<1x16xi32>,
        %get3A_379 = vector.shape_cast %get3A_378 : vector<1x16xi32> to vector<16xi32>
        %broadcast_in_dim3A_380 = vector.shape_cast %get3A_379 : vector<16xi32> to vector<16x1xi32>
        %gather3A_381 = vector.shape_cast %broadcast_in_dim3A_380 : vector<16x1xi32> to vector<16xi32>
        %gather3A_382 = tpu.dynamic_gather %get3A_4[%gather3A_381] in [0] : vector<16xf32>, vector<16xi32> -> vector<16xf32>
        %add3A_383 = arith.addf %add3A_351, %gather3A_382 : vector<16xf32>
        %get3A_384 = arith.index_cast %scan3A_177 : i32 to index
        %get3A_385 = arith.constant 400 : index
        %get3A_386 = tpu.vector_load %arg8[%get3A_384, %get3A_385] {strides = array<i32>} : memref<16x512xi32, #tpu.memory_space<vmem>>, vector<1x16xi32>,
        %get3A_387 = vector.shape_cast %get3A_386 : vector<1x16xi32> to vector<16xi32>
        %broadcast_in_dim3A_388 = vector.shape_cast %get3A_387 : vector<16xi32> to vector<16x1xi32>
        %gather3A_389 = vector.shape_cast %broadcast_in_dim3A_388 : vector<16x1xi32> to vector<16xi32>
        %gather3A_390 = tpu.dynamic_gather %get3A_4[%gather3A_389] in [0] : vector<16xf32>, vector<16xi32> -> vector<16xf32>
        %add3A_391 = arith.addf %add3A_359, %gather3A_390 : vector<16xf32>
        %get3A_392 = arith.index_cast %scan3A_177 : i32 to index
        %get3A_393 = arith.constant 416 : index
        %get3A_394 = tpu.vector_load %arg8[%get3A_392, %get3A_393] {strides = array<i32>} : memref<16x512xi32, #tpu.memory_space<vmem>>, vector<1x16xi32>,
        %get3A_395 = vector.shape_cast %get3A_394 : vector<1x16xi32> to vector<16xi32>
        %broadcast_in_dim3A_396 = vector.shape_cast %get3A_395 : vector<16xi32> to vector<16x1xi32>
        %gather3A_397 = vector.shape_cast %broadcast_in_dim3A_396 : vector<16x1xi32> to vector<16xi32>
        %gather3A_398 = tpu.dynamic_gather %get3A_4[%gather3A_397] in [0] : vector<16xf32>, vector<16xi32> -> vector<16xf32>
        %add3A_399 = arith.addf %add3A_367, %gather3A_398 : vector<16xf32>
        %get3A_400 = arith.index_cast %scan3A_177 : i32 to index
        %get3A_401 = arith.constant 432 : index
        %get3A_402 = tpu.vector_load %arg8[%get3A_400, %get3A_401] {strides = array<i32>} : memref<16x512xi32, #tpu.memory_space<vmem>>, vector<1x16xi32>,
        %get3A_403 = vector.shape_cast %get3A_402 : vector<1x16xi32> to vector<16xi32>
        %broadcast_in_dim3A_404 = vector.shape_cast %get3A_403 : vector<16xi32> to vector<16x1xi32>
        %gather3A_405 = vector.shape_cast %broadcast_in_dim3A_404 : vector<16x1xi32> to vector<16xi32>
        %gather3A_406 = tpu.dynamic_gather %get3A_4[%gather3A_405] in [0] : vector<16xf32>, vector<16xi32> -> vector<16xf32>
        %add3A_407 = arith.addf %add3A_375, %gather3A_406 : vector<16xf32>
        %get3A_408 = arith.index_cast %scan3A_177 : i32 to index
        %get3A_409 = arith.constant 448 : index
        %get3A_410 = tpu.vector_load %arg8[%get3A_408, %get3A_409] {strides = array<i32>} : memref<16x512xi32, #tpu.memory_space<vmem>>, vector<1x16xi32>,
        %get3A_411 = vector.shape_cast %get3A_410 : vector<1x16xi32> to vector<16xi32>
        %broadcast_in_dim3A_412 = vector.shape_cast %get3A_411 : vector<16xi32> to vector<16x1xi32>
        %gather3A_413 = vector.shape_cast %broadcast_in_dim3A_412 : vector<16x1xi32> to vector<16xi32>
        %gather3A_414 = tpu.dynamic_gather %get3A_4[%gather3A_413] in [0] : vector<16xf32>, vector<16xi32> -> vector<16xf32>
        %add3A_415 = arith.addf %add3A_383, %gather3A_414 : vector<16xf32>
        %get3A_416 = arith.index_cast %scan3A_177 : i32 to index
        %get3A_417 = arith.constant 464 : index
        %get3A_418 = tpu.vector_load %arg8[%get3A_416, %get3A_417] {strides = array<i32>} : memref<16x512xi32, #tpu.memory_space<vmem>>, vector<1x16xi32>,
        %get3A_419 = vector.shape_cast %get3A_418 : vector<1x16xi32> to vector<16xi32>
        %broadcast_in_dim3A_420 = vector.shape_cast %get3A_419 : vector<16xi32> to vector<16x1xi32>
        %gather3A_421 = vector.shape_cast %broadcast_in_dim3A_420 : vector<16x1xi32> to vector<16xi32>
        %gather3A_422 = tpu.dynamic_gather %get3A_4[%gather3A_421] in [0] : vector<16xf32>, vector<16xi32> -> vector<16xf32>
        %add3A_423 = arith.addf %add3A_391, %gather3A_422 : vector<16xf32>
        %get3A_424 = arith.index_cast %scan3A_177 : i32 to index
        %get3A_425 = arith.constant 480 : index
        %get3A_426 = tpu.vector_load %arg8[%get3A_424, %get3A_425] {strides = array<i32>} : memref<16x512xi32, #tpu.memory_space<vmem>>, vector<1x16xi32>,
        %get3A_427 = vector.shape_cast %get3A_426 : vector<1x16xi32> to vector<16xi32>
        %broadcast_in_dim3A_428 = vector.shape_cast %get3A_427 : vector<16xi32> to vector<16x1xi32>
        %gather3A_429 = vector.shape_cast %broadcast_in_dim3A_428 : vector<16x1xi32> to vector<16xi32>
        %gather3A_430 = tpu.dynamic_gather %get3A_4[%gather3A_429] in [0] : vector<16xf32>, vector<16xi32> -> vector<16xf32>
        %add3A_431 = arith.addf %add3A_399, %gather3A_430 : vector<16xf32>
        %get3A_432 = arith.index_cast %scan3A_177 : i32 to index
        %get3A_433 = arith.constant 496 : index
        %get3A_434 = tpu.vector_load %arg8[%get3A_432, %get3A_433] {strides = array<i32>} : memref<16x512xi32, #tpu.memory_space<vmem>>, vector<1x16xi32>,
        %get3A_435 = vector.shape_cast %get3A_434 : vector<1x16xi32> to vector<16xi32>
        %broadcast_in_dim3A_436 = vector.shape_cast %get3A_435 : vector<16xi32> to vector<16x1xi32>
        %gather3A_437 = vector.shape_cast %broadcast_in_dim3A_436 : vector<16x1xi32> to vector<16xi32>
        %gather3A_438 = tpu.dynamic_gather %get3A_4[%gather3A_437] in [0] : vector<16xf32>, vector<16xi32> -> vector<16xf32>
        %add3A_439 = arith.addf %add3A_407, %gather3A_438 : vector<16xf32>
        %add3A_440 = arith.addf %add3A_415, %add3A_423 : vector<16xf32>
        %add3A_441 = arith.addf %add3A_431, %add3A_439 : vector<16xf32>
        %add3A_442 = arith.addf %add3A_440, %add3A_441 : vector<16xf32>
        %iota3A = tpu.iota {dimensions = array<i32: 0>} : vector<16xi32>
        %xor3A = arith.constant 8 : i32
        %xor3A_443 = vector.broadcast %xor3A : i32 to vector<16xi32>
        %xor3A_444 = arith.xori %iota3A, %xor3A_443 : vector<16xi32>
        %broadcast_in_dim3A_445 = vector.shape_cast %xor3A_444 : vector<16xi32> to vector<16x1xi32>
        %gather3A_446 = vector.shape_cast %broadcast_in_dim3A_445 : vector<16x1xi32> to vector<16xi32>
        %gather3A_447 = tpu.dynamic_gather %add3A_442[%gather3A_446] in [0] : vector<16xf32>, vector<16xi32> -> vector<16xf32>
        %add3A_448 = arith.addf %add3A_442, %gather3A_447 : vector<16xf32>
        %iota3A_449 = tpu.iota {dimensions = array<i32: 0>} : vector<16xi32>
        %xor3A_450 = arith.constant 4 : i32
        %xor3A_451 = vector.broadcast %xor3A_450 : i32 to vector<16xi32>
        %xor3A_452 = arith.xori %iota3A_449, %xor3A_451 : vector<16xi32>
        %broadcast_in_dim3A_453 = vector.shape_cast %xor3A_452 : vector<16xi32> to vector<16x1xi32>
        %gather3A_454 = vector.shape_cast %broadcast_in_dim3A_453 : vector<16x1xi32> to vector<16xi32>
        %gather3A_455 = tpu.dynamic_gather %add3A_448[%gather3A_454] in [0] : vector<16xf32>, vector<16xi32> -> vector<16xf32>
        %add3A_456 = arith.addf %add3A_448, %gather3A_455 : vector<16xf32>
        %iota3A_457 = tpu.iota {dimensions = array<i32: 0>} : vector<16xi32>
        %xor3A_458 = arith.constant 2 : i32
        %xor3A_459 = vector.broadcast %xor3A_458 : i32 to vector<16xi32>
        %xor3A_460 = arith.xori %iota3A_457, %xor3A_459 : vector<16xi32>
        %broadcast_in_dim3A_461 = vector.shape_cast %xor3A_460 : vector<16xi32> to vector<16x1xi32>
        %gather3A_462 = vector.shape_cast %broadcast_in_dim3A_461 : vector<16x1xi32> to vector<16xi32>
        %gather3A_463 = tpu.dynamic_gather %add3A_456[%gather3A_462] in [0] : vector<16xf32>, vector<16xi32> -> vector<16xf32>
        %add3A_464 = arith.addf %add3A_456, %gather3A_463 : vector<16xf32>
        %iota3A_465 = tpu.iota {dimensions = array<i32: 0>} : vector<16xi32>
        %xor3A_466 = arith.constant 1 : i32
        %xor3A_467 = vector.broadcast %xor3A_466 : i32 to vector<16xi32>
        %xor3A_468 = arith.xori %iota3A_465, %xor3A_467 : vector<16xi32>
        %broadcast_in_dim3A_469 = vector.shape_cast %xor3A_468 : vector<16xi32> to vector<16x1xi32>
        %gather3A_470 = vector.shape_cast %broadcast_in_dim3A_469 : vector<16x1xi32> to vector<16xi32>
        %gather3A_471 = tpu.dynamic_gather %add3A_464[%gather3A_470] in [0] : vector<16xf32>, vector<16xi32> -> vector<16xf32>
        %add3A_472 = arith.addf %add3A_464, %gather3A_471 : vector<16xf32>
        %div3A = arith.constant 1.000000e+00 : f32
        %div3A_473 = vector.broadcast %div3A : f32 to vector<16xf32>
        %div3A_474 = arith.divf %div3A_473, %add3A_472 : vector<16xf32>
        %mul3A_475 = arith.mulf %gather3A_190, %div3A_474 : vector<16xf32>
        %swap3A = arith.index_cast %scan3A_177 : i32 to index
        %swap3A_476 = arith.constant 0 : index
        %swap3A_477 = tpu.vector_load %arg12[%swap3A, %swap3A_476] {strides = array<i32>} : memref<16x512xf32, #tpu.memory_space<vmem>>, vector<1x16xf32>,
        %swap3A_478 = vector.shape_cast %swap3A_477 : vector<1x16xf32> to vector<16xf32>
        %swap3A_479 = vector.shape_cast %mul3A_475 : vector<16xf32> to vector<1x16xf32>
        tpu.vector_store %arg12[%swap3A, %swap3A_476], %swap3A_479 {strides = array<i32>} : memref<16x512xf32, #tpu.memory_space<vmem>>, vector<1x16xf32>,
        %mul3A_480 = arith.mulf %gather3A_198, %div3A_474 : vector<16xf32>
        %swap3A_481 = arith.index_cast %scan3A_177 : i32 to index
        %swap3A_482 = arith.constant 16 : index
        %swap3A_483 = tpu.vector_load %arg12[%swap3A_481, %swap3A_482] {strides = array<i32>} : memref<16x512xf32, #tpu.memory_space<vmem>>, vector<1x16xf32>,
        %swap3A_484 = vector.shape_cast %swap3A_483 : vector<1x16xf32> to vector<16xf32>
        %swap3A_485 = vector.shape_cast %mul3A_480 : vector<16xf32> to vector<1x16xf32>
        tpu.vector_store %arg12[%swap3A_481, %swap3A_482], %swap3A_485 {strides = array<i32>} : memref<16x512xf32, #tpu.memory_space<vmem>>, vector<1x16xf32>,
        %mul3A_486 = arith.mulf %gather3A_206, %div3A_474 : vector<16xf32>
        %swap3A_487 = arith.index_cast %scan3A_177 : i32 to index
        %swap3A_488 = arith.constant 32 : index
        %swap3A_489 = tpu.vector_load %arg12[%swap3A_487, %swap3A_488] {strides = array<i32>} : memref<16x512xf32, #tpu.memory_space<vmem>>, vector<1x16xf32>,
        %swap3A_490 = vector.shape_cast %swap3A_489 : vector<1x16xf32> to vector<16xf32>
        %swap3A_491 = vector.shape_cast %mul3A_486 : vector<16xf32> to vector<1x16xf32>
        tpu.vector_store %arg12[%swap3A_487, %swap3A_488], %swap3A_491 {strides = array<i32>} : memref<16x512xf32, #tpu.memory_space<vmem>>, vector<1x16xf32>,
        %mul3A_492 = arith.mulf %gather3A_214, %div3A_474 : vector<16xf32>
        %swap3A_493 = arith.index_cast %scan3A_177 : i32 to index
        %swap3A_494 = arith.constant 48 : index
        %swap3A_495 = tpu.vector_load %arg12[%swap3A_493, %swap3A_494] {strides = array<i32>} : memref<16x512xf32, #tpu.memory_space<vmem>>, vector<1x16xf32>,
        %swap3A_496 = vector.shape_cast %swap3A_495 : vector<1x16xf32> to vector<16xf32>
        %swap3A_497 = vector.shape_cast %mul3A_492 : vector<16xf32> to vector<1x16xf32>
        tpu.vector_store %arg12[%swap3A_493, %swap3A_494], %swap3A_497 {strides = array<i32>} : memref<16x512xf32, #tpu.memory_space<vmem>>, vector<1x16xf32>,
        %mul3A_498 = arith.mulf %gather3A_222, %div3A_474 : vector<16xf32>
        %swap3A_499 = arith.index_cast %scan3A_177 : i32 to index
        %swap3A_500 = arith.constant 64 : index
        %swap3A_501 = tpu.vector_load %arg12[%swap3A_499, %swap3A_500] {strides = array<i32>} : memref<16x512xf32, #tpu.memory_space<vmem>>, vector<1x16xf32>,
        %swap3A_502 = vector.shape_cast %swap3A_501 : vector<1x16xf32> to vector<16xf32>
        %swap3A_503 = vector.shape_cast %mul3A_498 : vector<16xf32> to vector<1x16xf32>
        tpu.vector_store %arg12[%swap3A_499, %swap3A_500], %swap3A_503 {strides = array<i32>} : memref<16x512xf32, #tpu.memory_space<vmem>>, vector<1x16xf32>,
        %mul3A_504 = arith.mulf %gather3A_230, %div3A_474 : vector<16xf32>
        %swap3A_505 = arith.index_cast %scan3A_177 : i32 to index
        %swap3A_506 = arith.constant 80 : index
        %swap3A_507 = tpu.vector_load %arg12[%swap3A_505, %swap3A_506] {strides = array<i32>} : memref<16x512xf32, #tpu.memory_space<vmem>>, vector<1x16xf32>,
        %swap3A_508 = vector.shape_cast %swap3A_507 : vector<1x16xf32> to vector<16xf32>
        %swap3A_509 = vector.shape_cast %mul3A_504 : vector<16xf32> to vector<1x16xf32>
        tpu.vector_store %arg12[%swap3A_505, %swap3A_506], %swap3A_509 {strides = array<i32>} : memref<16x512xf32, #tpu.memory_space<vmem>>, vector<1x16xf32>,
        %mul3A_510 = arith.mulf %gather3A_238, %div3A_474 : vector<16xf32>
        %swap3A_511 = arith.index_cast %scan3A_177 : i32 to index
        %swap3A_512 = arith.constant 96 : index
        %swap3A_513 = tpu.vector_load %arg12[%swap3A_511, %swap3A_512] {strides = array<i32>} : memref<16x512xf32, #tpu.memory_space<vmem>>, vector<1x16xf32>,
        %swap3A_514 = vector.shape_cast %swap3A_513 : vector<1x16xf32> to vector<16xf32>
        %swap3A_515 = vector.shape_cast %mul3A_510 : vector<16xf32> to vector<1x16xf32>
        tpu.vector_store %arg12[%swap3A_511, %swap3A_512], %swap3A_515 {strides = array<i32>} : memref<16x512xf32, #tpu.memory_space<vmem>>, vector<1x16xf32>,
        %mul3A_516 = arith.mulf %gather3A_246, %div3A_474 : vector<16xf32>
        %swap3A_517 = arith.index_cast %scan3A_177 : i32 to index
        %swap3A_518 = arith.constant 112 : index
        %swap3A_519 = tpu.vector_load %arg12[%swap3A_517, %swap3A_518] {strides = array<i32>} : memref<16x512xf32, #tpu.memory_space<vmem>>, vector<1x16xf32>,
        %swap3A_520 = vector.shape_cast %swap3A_519 : vector<1x16xf32> to vector<16xf32>
        %swap3A_521 = vector.shape_cast %mul3A_516 : vector<16xf32> to vector<1x16xf32>
        tpu.vector_store %arg12[%swap3A_517, %swap3A_518], %swap3A_521 {strides = array<i32>} : memref<16x512xf32, #tpu.memory_space<vmem>>, vector<1x16xf32>,
        %mul3A_522 = arith.mulf %gather3A_254, %div3A_474 : vector<16xf32>
        %swap3A_523 = arith.index_cast %scan3A_177 : i32 to index
        %swap3A_524 = arith.constant 128 : index
        %swap3A_525 = tpu.vector_load %arg12[%swap3A_523, %swap3A_524] {strides = array<i32>} : memref<16x512xf32, #tpu.memory_space<vmem>>, vector<1x16xf32>,
        %swap3A_526 = vector.shape_cast %swap3A_525 : vector<1x16xf32> to vector<16xf32>
        %swap3A_527 = vector.shape_cast %mul3A_522 : vector<16xf32> to vector<1x16xf32>
        tpu.vector_store %arg12[%swap3A_523, %swap3A_524], %swap3A_527 {strides = array<i32>} : memref<16x512xf32, #tpu.memory_space<vmem>>, vector<1x16xf32>,
        %mul3A_528 = arith.mulf %gather3A_262, %div3A_474 : vector<16xf32>
        %swap3A_529 = arith.index_cast %scan3A_177 : i32 to index
        %swap3A_530 = arith.constant 144 : index
        %swap3A_531 = tpu.vector_load %arg12[%swap3A_529, %swap3A_530] {strides = array<i32>} : memref<16x512xf32, #tpu.memory_space<vmem>>, vector<1x16xf32>,
        %swap3A_532 = vector.shape_cast %swap3A_531 : vector<1x16xf32> to vector<16xf32>
        %swap3A_533 = vector.shape_cast %mul3A_528 : vector<16xf32> to vector<1x16xf32>
        tpu.vector_store %arg12[%swap3A_529, %swap3A_530], %swap3A_533 {strides = array<i32>} : memref<16x512xf32, #tpu.memory_space<vmem>>, vector<1x16xf32>,
        %mul3A_534 = arith.mulf %gather3A_270, %div3A_474 : vector<16xf32>
        %swap3A_535 = arith.index_cast %scan3A_177 : i32 to index
        %swap3A_536 = arith.constant 160 : index
        %swap3A_537 = tpu.vector_load %arg12[%swap3A_535, %swap3A_536] {strides = array<i32>} : memref<16x512xf32, #tpu.memory_space<vmem>>, vector<1x16xf32>,
        %swap3A_538 = vector.shape_cast %swap3A_537 : vector<1x16xf32> to vector<16xf32>
        %swap3A_539 = vector.shape_cast %mul3A_534 : vector<16xf32> to vector<1x16xf32>
        tpu.vector_store %arg12[%swap3A_535, %swap3A_536], %swap3A_539 {strides = array<i32>} : memref<16x512xf32, #tpu.memory_space<vmem>>, vector<1x16xf32>,
        %mul3A_540 = arith.mulf %gather3A_278, %div3A_474 : vector<16xf32>
        %swap3A_541 = arith.index_cast %scan3A_177 : i32 to index
        %swap3A_542 = arith.constant 176 : index
        %swap3A_543 = tpu.vector_load %arg12[%swap3A_541, %swap3A_542] {strides = array<i32>} : memref<16x512xf32, #tpu.memory_space<vmem>>, vector<1x16xf32>,
        %swap3A_544 = vector.shape_cast %swap3A_543 : vector<1x16xf32> to vector<16xf32>
        %swap3A_545 = vector.shape_cast %mul3A_540 : vector<16xf32> to vector<1x16xf32>
        tpu.vector_store %arg12[%swap3A_541, %swap3A_542], %swap3A_545 {strides = array<i32>} : memref<16x512xf32, #tpu.memory_space<vmem>>, vector<1x16xf32>,
        %mul3A_546 = arith.mulf %gather3A_286, %div3A_474 : vector<16xf32>
        %swap3A_547 = arith.index_cast %scan3A_177 : i32 to index
        %swap3A_548 = arith.constant 192 : index
        %swap3A_549 = tpu.vector_load %arg12[%swap3A_547, %swap3A_548] {strides = array<i32>} : memref<16x512xf32, #tpu.memory_space<vmem>>, vector<1x16xf32>,
        %swap3A_550 = vector.shape_cast %swap3A_549 : vector<1x16xf32> to vector<16xf32>
        %swap3A_551 = vector.shape_cast %mul3A_546 : vector<16xf32> to vector<1x16xf32>
        tpu.vector_store %arg12[%swap3A_547, %swap3A_548], %swap3A_551 {strides = array<i32>} : memref<16x512xf32, #tpu.memory_space<vmem>>, vector<1x16xf32>,
        %mul3A_552 = arith.mulf %gather3A_294, %div3A_474 : vector<16xf32>
        %swap3A_553 = arith.index_cast %scan3A_177 : i32 to index
        %swap3A_554 = arith.constant 208 : index
        %swap3A_555 = tpu.vector_load %arg12[%swap3A_553, %swap3A_554] {strides = array<i32>} : memref<16x512xf32, #tpu.memory_space<vmem>>, vector<1x16xf32>,
        %swap3A_556 = vector.shape_cast %swap3A_555 : vector<1x16xf32> to vector<16xf32>
        %swap3A_557 = vector.shape_cast %mul3A_552 : vector<16xf32> to vector<1x16xf32>
        tpu.vector_store %arg12[%swap3A_553, %swap3A_554], %swap3A_557 {strides = array<i32>} : memref<16x512xf32, #tpu.memory_space<vmem>>, vector<1x16xf32>,
        %mul3A_558 = arith.mulf %gather3A_302, %div3A_474 : vector<16xf32>
        %swap3A_559 = arith.index_cast %scan3A_177 : i32 to index
        %swap3A_560 = arith.constant 224 : index
        %swap3A_561 = tpu.vector_load %arg12[%swap3A_559, %swap3A_560] {strides = array<i32>} : memref<16x512xf32, #tpu.memory_space<vmem>>, vector<1x16xf32>,
        %swap3A_562 = vector.shape_cast %swap3A_561 : vector<1x16xf32> to vector<16xf32>
        %swap3A_563 = vector.shape_cast %mul3A_558 : vector<16xf32> to vector<1x16xf32>
        tpu.vector_store %arg12[%swap3A_559, %swap3A_560], %swap3A_563 {strides = array<i32>} : memref<16x512xf32, #tpu.memory_space<vmem>>, vector<1x16xf32>,
        %mul3A_564 = arith.mulf %gather3A_310, %div3A_474 : vector<16xf32>
        %swap3A_565 = arith.index_cast %scan3A_177 : i32 to index
        %swap3A_566 = arith.constant 240 : index
        %swap3A_567 = tpu.vector_load %arg12[%swap3A_565, %swap3A_566] {strides = array<i32>} : memref<16x512xf32, #tpu.memory_space<vmem>>, vector<1x16xf32>,
        %swap3A_568 = vector.shape_cast %swap3A_567 : vector<1x16xf32> to vector<16xf32>
        %swap3A_569 = vector.shape_cast %mul3A_564 : vector<16xf32> to vector<1x16xf32>
        tpu.vector_store %arg12[%swap3A_565, %swap3A_566], %swap3A_569 {strides = array<i32>} : memref<16x512xf32, #tpu.memory_space<vmem>>, vector<1x16xf32>,
        %mul3A_570 = arith.mulf %gather3A_318, %div3A_474 : vector<16xf32>
        %swap3A_571 = arith.index_cast %scan3A_177 : i32 to index
        %swap3A_572 = arith.constant 256 : index
        %swap3A_573 = tpu.vector_load %arg12[%swap3A_571, %swap3A_572] {strides = array<i32>} : memref<16x512xf32, #tpu.memory_space<vmem>>, vector<1x16xf32>,
        %swap3A_574 = vector.shape_cast %swap3A_573 : vector<1x16xf32> to vector<16xf32>
        %swap3A_575 = vector.shape_cast %mul3A_570 : vector<16xf32> to vector<1x16xf32>
        tpu.vector_store %arg12[%swap3A_571, %swap3A_572], %swap3A_575 {strides = array<i32>} : memref<16x512xf32, #tpu.memory_space<vmem>>, vector<1x16xf32>,
        %mul3A_576 = arith.mulf %gather3A_326, %div3A_474 : vector<16xf32>
        %swap3A_577 = arith.index_cast %scan3A_177 : i32 to index
        %swap3A_578 = arith.constant 272 : index
        %swap3A_579 = tpu.vector_load %arg12[%swap3A_577, %swap3A_578] {strides = array<i32>} : memref<16x512xf32, #tpu.memory_space<vmem>>, vector<1x16xf32>,
        %swap3A_580 = vector.shape_cast %swap3A_579 : vector<1x16xf32> to vector<16xf32>
        %swap3A_581 = vector.shape_cast %mul3A_576 : vector<16xf32> to vector<1x16xf32>
        tpu.vector_store %arg12[%swap3A_577, %swap3A_578], %swap3A_581 {strides = array<i32>} : memref<16x512xf32, #tpu.memory_space<vmem>>, vector<1x16xf32>,
        %mul3A_582 = arith.mulf %gather3A_334, %div3A_474 : vector<16xf32>
        %swap3A_583 = arith.index_cast %scan3A_177 : i32 to index
        %swap3A_584 = arith.constant 288 : index
        %swap3A_585 = tpu.vector_load %arg12[%swap3A_583, %swap3A_584] {strides = array<i32>} : memref<16x512xf32, #tpu.memory_space<vmem>>, vector<1x16xf32>,
        %swap3A_586 = vector.shape_cast %swap3A_585 : vector<1x16xf32> to vector<16xf32>
        %swap3A_587 = vector.shape_cast %mul3A_582 : vector<16xf32> to vector<1x16xf32>
        tpu.vector_store %arg12[%swap3A_583, %swap3A_584], %swap3A_587 {strides = array<i32>} : memref<16x512xf32, #tpu.memory_space<vmem>>, vector<1x16xf32>,
        %mul3A_588 = arith.mulf %gather3A_342, %div3A_474 : vector<16xf32>
        %swap3A_589 = arith.index_cast %scan3A_177 : i32 to index
        %swap3A_590 = arith.constant 304 : index
        %swap3A_591 = tpu.vector_load %arg12[%swap3A_589, %swap3A_590] {strides = array<i32>} : memref<16x512xf32, #tpu.memory_space<vmem>>, vector<1x16xf32>,
        %swap3A_592 = vector.shape_cast %swap3A_591 : vector<1x16xf32> to vector<16xf32>
        %swap3A_593 = vector.shape_cast %mul3A_588 : vector<16xf32> to vector<1x16xf32>
        tpu.vector_store %arg12[%swap3A_589, %swap3A_590], %swap3A_593 {strides = array<i32>} : memref<16x512xf32, #tpu.memory_space<vmem>>, vector<1x16xf32>,
        %mul3A_594 = arith.mulf %gather3A_350, %div3A_474 : vector<16xf32>
        %swap3A_595 = arith.index_cast %scan3A_177 : i32 to index
        %swap3A_596 = arith.constant 320 : index
        %swap3A_597 = tpu.vector_load %arg12[%swap3A_595, %swap3A_596] {strides = array<i32>} : memref<16x512xf32, #tpu.memory_space<vmem>>, vector<1x16xf32>,
        %swap3A_598 = vector.shape_cast %swap3A_597 : vector<1x16xf32> to vector<16xf32>
        %swap3A_599 = vector.shape_cast %mul3A_594 : vector<16xf32> to vector<1x16xf32>
        tpu.vector_store %arg12[%swap3A_595, %swap3A_596], %swap3A_599 {strides = array<i32>} : memref<16x512xf32, #tpu.memory_space<vmem>>, vector<1x16xf32>,
        %mul3A_600 = arith.mulf %gather3A_358, %div3A_474 : vector<16xf32>
        %swap3A_601 = arith.index_cast %scan3A_177 : i32 to index
        %swap3A_602 = arith.constant 336 : index
        %swap3A_603 = tpu.vector_load %arg12[%swap3A_601, %swap3A_602] {strides = array<i32>} : memref<16x512xf32, #tpu.memory_space<vmem>>, vector<1x16xf32>,
        %swap3A_604 = vector.shape_cast %swap3A_603 : vector<1x16xf32> to vector<16xf32>
        %swap3A_605 = vector.shape_cast %mul3A_600 : vector<16xf32> to vector<1x16xf32>
        tpu.vector_store %arg12[%swap3A_601, %swap3A_602], %swap3A_605 {strides = array<i32>} : memref<16x512xf32, #tpu.memory_space<vmem>>, vector<1x16xf32>,
        %mul3A_606 = arith.mulf %gather3A_366, %div3A_474 : vector<16xf32>
        %swap3A_607 = arith.index_cast %scan3A_177 : i32 to index
        %swap3A_608 = arith.constant 352 : index
        %swap3A_609 = tpu.vector_load %arg12[%swap3A_607, %swap3A_608] {strides = array<i32>} : memref<16x512xf32, #tpu.memory_space<vmem>>, vector<1x16xf32>,
        %swap3A_610 = vector.shape_cast %swap3A_609 : vector<1x16xf32> to vector<16xf32>
        %swap3A_611 = vector.shape_cast %mul3A_606 : vector<16xf32> to vector<1x16xf32>
        tpu.vector_store %arg12[%swap3A_607, %swap3A_608], %swap3A_611 {strides = array<i32>} : memref<16x512xf32, #tpu.memory_space<vmem>>, vector<1x16xf32>,
        %mul3A_612 = arith.mulf %gather3A_374, %div3A_474 : vector<16xf32>
        %swap3A_613 = arith.index_cast %scan3A_177 : i32 to index
        %swap3A_614 = arith.constant 368 : index
        %swap3A_615 = tpu.vector_load %arg12[%swap3A_613, %swap3A_614] {strides = array<i32>} : memref<16x512xf32, #tpu.memory_space<vmem>>, vector<1x16xf32>,
        %swap3A_616 = vector.shape_cast %swap3A_615 : vector<1x16xf32> to vector<16xf32>
        %swap3A_617 = vector.shape_cast %mul3A_612 : vector<16xf32> to vector<1x16xf32>
        tpu.vector_store %arg12[%swap3A_613, %swap3A_614], %swap3A_617 {strides = array<i32>} : memref<16x512xf32, #tpu.memory_space<vmem>>, vector<1x16xf32>,
        %mul3A_618 = arith.mulf %gather3A_382, %div3A_474 : vector<16xf32>
        %swap3A_619 = arith.index_cast %scan3A_177 : i32 to index
        %swap3A_620 = arith.constant 384 : index
        %swap3A_621 = tpu.vector_load %arg12[%swap3A_619, %swap3A_620] {strides = array<i32>} : memref<16x512xf32, #tpu.memory_space<vmem>>, vector<1x16xf32>,
        %swap3A_622 = vector.shape_cast %swap3A_621 : vector<1x16xf32> to vector<16xf32>
        %swap3A_623 = vector.shape_cast %mul3A_618 : vector<16xf32> to vector<1x16xf32>
        tpu.vector_store %arg12[%swap3A_619, %swap3A_620], %swap3A_623 {strides = array<i32>} : memref<16x512xf32, #tpu.memory_space<vmem>>, vector<1x16xf32>,
        %mul3A_624 = arith.mulf %gather3A_390, %div3A_474 : vector<16xf32>
        %swap3A_625 = arith.index_cast %scan3A_177 : i32 to index
        %swap3A_626 = arith.constant 400 : index
        %swap3A_627 = tpu.vector_load %arg12[%swap3A_625, %swap3A_626] {strides = array<i32>} : memref<16x512xf32, #tpu.memory_space<vmem>>, vector<1x16xf32>,
        %swap3A_628 = vector.shape_cast %swap3A_627 : vector<1x16xf32> to vector<16xf32>
        %swap3A_629 = vector.shape_cast %mul3A_624 : vector<16xf32> to vector<1x16xf32>
        tpu.vector_store %arg12[%swap3A_625, %swap3A_626], %swap3A_629 {strides = array<i32>} : memref<16x512xf32, #tpu.memory_space<vmem>>, vector<1x16xf32>,
        %mul3A_630 = arith.mulf %gather3A_398, %div3A_474 : vector<16xf32>
        %swap3A_631 = arith.index_cast %scan3A_177 : i32 to index
        %swap3A_632 = arith.constant 416 : index
        %swap3A_633 = tpu.vector_load %arg12[%swap3A_631, %swap3A_632] {strides = array<i32>} : memref<16x512xf32, #tpu.memory_space<vmem>>, vector<1x16xf32>,
        %swap3A_634 = vector.shape_cast %swap3A_633 : vector<1x16xf32> to vector<16xf32>
        %swap3A_635 = vector.shape_cast %mul3A_630 : vector<16xf32> to vector<1x16xf32>
        tpu.vector_store %arg12[%swap3A_631, %swap3A_632], %swap3A_635 {strides = array<i32>} : memref<16x512xf32, #tpu.memory_space<vmem>>, vector<1x16xf32>,
        %mul3A_636 = arith.mulf %gather3A_406, %div3A_474 : vector<16xf32>
        %swap3A_637 = arith.index_cast %scan3A_177 : i32 to index
        %swap3A_638 = arith.constant 432 : index
        %swap3A_639 = tpu.vector_load %arg12[%swap3A_637, %swap3A_638] {strides = array<i32>} : memref<16x512xf32, #tpu.memory_space<vmem>>, vector<1x16xf32>,
        %swap3A_640 = vector.shape_cast %swap3A_639 : vector<1x16xf32> to vector<16xf32>
        %swap3A_641 = vector.shape_cast %mul3A_636 : vector<16xf32> to vector<1x16xf32>
        tpu.vector_store %arg12[%swap3A_637, %swap3A_638], %swap3A_641 {strides = array<i32>} : memref<16x512xf32, #tpu.memory_space<vmem>>, vector<1x16xf32>,
        %mul3A_642 = arith.mulf %gather3A_414, %div3A_474 : vector<16xf32>
        %swap3A_643 = arith.index_cast %scan3A_177 : i32 to index
        %swap3A_644 = arith.constant 448 : index
        %swap3A_645 = tpu.vector_load %arg12[%swap3A_643, %swap3A_644] {strides = array<i32>} : memref<16x512xf32, #tpu.memory_space<vmem>>, vector<1x16xf32>,
        %swap3A_646 = vector.shape_cast %swap3A_645 : vector<1x16xf32> to vector<16xf32>
        %swap3A_647 = vector.shape_cast %mul3A_642 : vector<16xf32> to vector<1x16xf32>
        tpu.vector_store %arg12[%swap3A_643, %swap3A_644], %swap3A_647 {strides = array<i32>} : memref<16x512xf32, #tpu.memory_space<vmem>>, vector<1x16xf32>,
        %mul3A_648 = arith.mulf %gather3A_422, %div3A_474 : vector<16xf32>
        %swap3A_649 = arith.index_cast %scan3A_177 : i32 to index
        %swap3A_650 = arith.constant 464 : index
        %swap3A_651 = tpu.vector_load %arg12[%swap3A_649, %swap3A_650] {strides = array<i32>} : memref<16x512xf32, #tpu.memory_space<vmem>>, vector<1x16xf32>,
        %swap3A_652 = vector.shape_cast %swap3A_651 : vector<1x16xf32> to vector<16xf32>
        %swap3A_653 = vector.shape_cast %mul3A_648 : vector<16xf32> to vector<1x16xf32>
        tpu.vector_store %arg12[%swap3A_649, %swap3A_650], %swap3A_653 {strides = array<i32>} : memref<16x512xf32, #tpu.memory_space<vmem>>, vector<1x16xf32>,
        %mul3A_654 = arith.mulf %gather3A_430, %div3A_474 : vector<16xf32>
        %swap3A_655 = arith.index_cast %scan3A_177 : i32 to index
        %swap3A_656 = arith.constant 480 : index
        %swap3A_657 = tpu.vector_load %arg12[%swap3A_655, %swap3A_656] {strides = array<i32>} : memref<16x512xf32, #tpu.memory_space<vmem>>, vector<1x16xf32>,
        %swap3A_658 = vector.shape_cast %swap3A_657 : vector<1x16xf32> to vector<16xf32>
        %swap3A_659 = vector.shape_cast %mul3A_654 : vector<16xf32> to vector<1x16xf32>
        tpu.vector_store %arg12[%swap3A_655, %swap3A_656], %swap3A_659 {strides = array<i32>} : memref<16x512xf32, #tpu.memory_space<vmem>>, vector<1x16xf32>,
        %mul3A_660 = arith.mulf %gather3A_438, %div3A_474 : vector<16xf32>
        %swap3A_661 = arith.index_cast %scan3A_177 : i32 to index
        %swap3A_662 = arith.constant 496 : index
        %swap3A_663 = tpu.vector_load %arg12[%swap3A_661, %swap3A_662] {strides = array<i32>} : memref<16x512xf32, #tpu.memory_space<vmem>>, vector<1x16xf32>,
        %swap3A_664 = vector.shape_cast %swap3A_663 : vector<1x16xf32> to vector<16xf32>
        %swap3A_665 = vector.shape_cast %mul3A_660 : vector<16xf32> to vector<1x16xf32>
        tpu.vector_store %arg12[%swap3A_661, %swap3A_662], %swap3A_665 {strides = array<i32>} : memref<16x512xf32, #tpu.memory_space<vmem>>, vector<1x16xf32>,
      }
      %scan3A_129 = arith.constant 16 : i32
      %mul3A_130 = arith.constant 16 : i32
      %mul3A_131 = arith.muli %add3A_114, %mul3A_130 : i32
      %add3A_132 = arith.addi %mul3A_2, %mul3A_131 : i32
      %dma_start3A_133 = arith.constant 0 : i32
      %dma_start3A_134 = tpu.memref_slice %arg4[%add3A_132, %dma_start3A_133] : memref<16384x512xf32, #tpu.memory_space<hbm>> -> memref<16x512xf32, #tpu.memory_space<hbm>>
      %dma_start3A_135 = arith.constant 0 : i32
      %dma_start3A_136 = tpu.memref_slice %arg4[%add3A_132, %dma_start3A_135] : memref<16384x512xf32, #tpu.memory_space<hbm>> -> memref<16x512xf32, #tpu.memory_space<hbm>>
      tpu.enqueue_dma source(%arg12 : memref<16x512xf32, #tpu.memory_space<vmem>>) target(%dma_start3A_136 : memref<16x512xf32, #tpu.memory_space<hbm>>) target_semaphore(%arg20 : memref<!tpu.dma_semaphore, #tpu.memory_space<semaphore_mem>>)
      %add3A_137 = arith.constant 4 : i32
      %add3A_138 = arith.addi %add3A_114, %add3A_137 : i32
      %lt3A_139 = arith.constant 32 : i32
      %lt3A_140 = arith.cmpi slt, %add3A_138, %lt3A_139 : i32
      %convert_element_type3A_141 = arith.extui %lt3A_140 : i1 to i32
      %cond3A_142 = arith.constant 0 : i32
      %cond3A_143 = arith.cmpi ne, %convert_element_type3A_141, %cond3A_142 : i32
      scf.if %cond3A_143 {
        %add3A_177 = arith.constant 4 : i32
        %add3A_178 = arith.addi %add3A_114, %add3A_177 : i32
        %mul3A_179 = arith.constant 16 : i32
        %mul3A_180 = arith.muli %add3A_178, %mul3A_179 : i32
        %add3A_181 = arith.addi %mul3A_2, %mul3A_180 : i32
        %dma_start3A_182 = arith.constant 0 : i32
        %dma_start3A_183 = tpu.memref_slice %arg2[%add3A_181, %dma_start3A_182] : memref<16384x512xi32, #tpu.memory_space<hbm>> -> memref<16x512xi32, #tpu.memory_space<hbm>>
        %dma_start3A_184 = arith.constant 0 : i32
        %dma_start3A_185 = tpu.memref_slice %arg2[%add3A_181, %dma_start3A_184] : memref<16384x512xi32, #tpu.memory_space<hbm>> -> memref<16x512xi32, #tpu.memory_space<hbm>>
        tpu.enqueue_dma source(%dma_start3A_185 : memref<16x512xi32, #tpu.memory_space<hbm>>) target(%arg8 : memref<16x512xi32, #tpu.memory_space<vmem>>) target_semaphore(%arg16 : memref<!tpu.dma_semaphore, #tpu.memory_space<semaphore_mem>>)
      } else {
      }
      %mul3A_144 = arith.constant 4 : i32
      %mul3A_145 = arith.muli %mul3A_144, %scan3A_48 : i32
      %add3A_146 = arith.constant 3 : i32
      %add3A_147 = arith.addi %mul3A_145, %add3A_146 : i32
      %dma_wait3A_148 = arith.constant 0 : i32
      %dma_wait3A_149 = tpu.memref_slice %arg2[%mul3A_2, %dma_wait3A_148] : memref<16384x512xi32, #tpu.memory_space<hbm>> -> memref<16x512xi32, #tpu.memory_space<hbm>>
      %dma_wait3A_150 = arith.constant 0 : i32
      %dma_wait3A_151 = tpu.memref_slice %arg2[%mul3A_2, %dma_wait3A_150] : memref<16384x512xi32, #tpu.memory_space<hbm>> -> memref<16x512xi32, #tpu.memory_space<hbm>>
      tpu.wait_dma2 semaphore(%arg17 : memref<!tpu.dma_semaphore, #tpu.memory_space<semaphore_mem>>) src(%dma_wait3A_151 : memref<16x512xi32, #tpu.memory_space<hbm>>) dst(%arg9 : memref<16x512xi32, #tpu.memory_space<vmem>>)
      %gt3A_152 = arith.constant 0 : i32
      %gt3A_153 = arith.cmpi sgt, %scan3A_48, %gt3A_152 : i32
      %convert_element_type3A_154 = arith.extui %gt3A_153 : i1 to i32
      %cond3A_155 = arith.constant 0 : i32
      %cond3A_156 = arith.cmpi ne, %convert_element_type3A_154, %cond3A_155 : i32
      scf.if %cond3A_156 {
        %dma_wait3A_177 = arith.constant 0 : i32
        %dma_wait3A_178 = tpu.memref_slice %arg4[%mul3A_2, %dma_wait3A_177] : memref<16384x512xf32, #tpu.memory_space<hbm>> -> memref<16x512xf32, #tpu.memory_space<hbm>>
        %dma_wait3A_179 = arith.constant 0 : i32
        %dma_wait3A_180 = tpu.memref_slice %arg4[%mul3A_2, %dma_wait3A_179] : memref<16384x512xf32, #tpu.memory_space<hbm>> -> memref<16x512xf32, #tpu.memory_space<hbm>>
        tpu.wait_dma2 semaphore(%arg21 : memref<!tpu.dma_semaphore, #tpu.memory_space<semaphore_mem>>) src(%arg13 : memref<16x512xf32, #tpu.memory_space<vmem>>) dst(%dma_wait3A_180 : memref<16x512xf32, #tpu.memory_space<hbm>>)
      } else {
      }
      %scan3A_157 = arith.constant 0 : i32
      %scan3A_158 = arith.constant 0 : i32
      %scan3A_159 = arith.constant 16 : i32
      %scan3A_160 = arith.addi %scan3A_158, %scan3A_159 : i32
      %scan3A_161 = arith.constant 1 : i32
      scf.for %scan3A_177 = %scan3A_158 to %scan3A_160 step %scan3A_161  : i32 {
        %broadcast_in_dim3A = arith.constant 0.000000e+00 : f32
        %broadcast_in_dim3A_178 = vector.broadcast %broadcast_in_dim3A : f32 to vector<16xf32>
        %broadcast_in_dim3A_179 = arith.constant 0.000000e+00 : f32
        %broadcast_in_dim3A_180 = vector.broadcast %broadcast_in_dim3A_179 : f32 to vector<16xf32>
        %broadcast_in_dim3A_181 = arith.constant 0.000000e+00 : f32
        %broadcast_in_dim3A_182 = vector.broadcast %broadcast_in_dim3A_181 : f32 to vector<16xf32>
        %broadcast_in_dim3A_183 = arith.constant 0.000000e+00 : f32
        %broadcast_in_dim3A_184 = vector.broadcast %broadcast_in_dim3A_183 : f32 to vector<16xf32>
        %get3A_185 = arith.index_cast %scan3A_177 : i32 to index
        %get3A_186 = arith.constant 0 : index
        %get3A_187 = tpu.vector_load %arg9[%get3A_185, %get3A_186] {strides = array<i32>} : memref<16x512xi32, #tpu.memory_space<vmem>>, vector<1x16xi32>,
        %get3A_188 = vector.shape_cast %get3A_187 : vector<1x16xi32> to vector<16xi32>
        %broadcast_in_dim3A_189 = vector.shape_cast %get3A_188 : vector<16xi32> to vector<16x1xi32>
        %gather3A = vector.shape_cast %broadcast_in_dim3A_189 : vector<16x1xi32> to vector<16xi32>
        %gather3A_190 = tpu.dynamic_gather %get3A_4[%gather3A] in [0] : vector<16xf32>, vector<16xi32> -> vector<16xf32>
        %add3A_191 = arith.addf %broadcast_in_dim3A_178, %gather3A_190 : vector<16xf32>
        %get3A_192 = arith.index_cast %scan3A_177 : i32 to index
        %get3A_193 = arith.constant 16 : index
        %get3A_194 = tpu.vector_load %arg9[%get3A_192, %get3A_193] {strides = array<i32>} : memref<16x512xi32, #tpu.memory_space<vmem>>, vector<1x16xi32>,
        %get3A_195 = vector.shape_cast %get3A_194 : vector<1x16xi32> to vector<16xi32>
        %broadcast_in_dim3A_196 = vector.shape_cast %get3A_195 : vector<16xi32> to vector<16x1xi32>
        %gather3A_197 = vector.shape_cast %broadcast_in_dim3A_196 : vector<16x1xi32> to vector<16xi32>
        %gather3A_198 = tpu.dynamic_gather %get3A_4[%gather3A_197] in [0] : vector<16xf32>, vector<16xi32> -> vector<16xf32>
        %add3A_199 = arith.addf %broadcast_in_dim3A_180, %gather3A_198 : vector<16xf32>
        %get3A_200 = arith.index_cast %scan3A_177 : i32 to index
        %get3A_201 = arith.constant 32 : index
        %get3A_202 = tpu.vector_load %arg9[%get3A_200, %get3A_201] {strides = array<i32>} : memref<16x512xi32, #tpu.memory_space<vmem>>, vector<1x16xi32>,
        %get3A_203 = vector.shape_cast %get3A_202 : vector<1x16xi32> to vector<16xi32>
        %broadcast_in_dim3A_204 = vector.shape_cast %get3A_203 : vector<16xi32> to vector<16x1xi32>
        %gather3A_205 = vector.shape_cast %broadcast_in_dim3A_204 : vector<16x1xi32> to vector<16xi32>
        %gather3A_206 = tpu.dynamic_gather %get3A_4[%gather3A_205] in [0] : vector<16xf32>, vector<16xi32> -> vector<16xf32>
        %add3A_207 = arith.addf %broadcast_in_dim3A_182, %gather3A_206 : vector<16xf32>
        %get3A_208 = arith.index_cast %scan3A_177 : i32 to index
        %get3A_209 = arith.constant 48 : index
        %get3A_210 = tpu.vector_load %arg9[%get3A_208, %get3A_209] {strides = array<i32>} : memref<16x512xi32, #tpu.memory_space<vmem>>, vector<1x16xi32>,
        %get3A_211 = vector.shape_cast %get3A_210 : vector<1x16xi32> to vector<16xi32>
        %broadcast_in_dim3A_212 = vector.shape_cast %get3A_211 : vector<16xi32> to vector<16x1xi32>
        %gather3A_213 = vector.shape_cast %broadcast_in_dim3A_212 : vector<16x1xi32> to vector<16xi32>
        %gather3A_214 = tpu.dynamic_gather %get3A_4[%gather3A_213] in [0] : vector<16xf32>, vector<16xi32> -> vector<16xf32>
        %add3A_215 = arith.addf %broadcast_in_dim3A_184, %gather3A_214 : vector<16xf32>
        %get3A_216 = arith.index_cast %scan3A_177 : i32 to index
        %get3A_217 = arith.constant 64 : index
        %get3A_218 = tpu.vector_load %arg9[%get3A_216, %get3A_217] {strides = array<i32>} : memref<16x512xi32, #tpu.memory_space<vmem>>, vector<1x16xi32>,
        %get3A_219 = vector.shape_cast %get3A_218 : vector<1x16xi32> to vector<16xi32>
        %broadcast_in_dim3A_220 = vector.shape_cast %get3A_219 : vector<16xi32> to vector<16x1xi32>
        %gather3A_221 = vector.shape_cast %broadcast_in_dim3A_220 : vector<16x1xi32> to vector<16xi32>
        %gather3A_222 = tpu.dynamic_gather %get3A_4[%gather3A_221] in [0] : vector<16xf32>, vector<16xi32> -> vector<16xf32>
        %add3A_223 = arith.addf %add3A_191, %gather3A_222 : vector<16xf32>
        %get3A_224 = arith.index_cast %scan3A_177 : i32 to index
        %get3A_225 = arith.constant 80 : index
        %get3A_226 = tpu.vector_load %arg9[%get3A_224, %get3A_225] {strides = array<i32>} : memref<16x512xi32, #tpu.memory_space<vmem>>, vector<1x16xi32>,
        %get3A_227 = vector.shape_cast %get3A_226 : vector<1x16xi32> to vector<16xi32>
        %broadcast_in_dim3A_228 = vector.shape_cast %get3A_227 : vector<16xi32> to vector<16x1xi32>
        %gather3A_229 = vector.shape_cast %broadcast_in_dim3A_228 : vector<16x1xi32> to vector<16xi32>
        %gather3A_230 = tpu.dynamic_gather %get3A_4[%gather3A_229] in [0] : vector<16xf32>, vector<16xi32> -> vector<16xf32>
        %add3A_231 = arith.addf %add3A_199, %gather3A_230 : vector<16xf32>
        %get3A_232 = arith.index_cast %scan3A_177 : i32 to index
        %get3A_233 = arith.constant 96 : index
        %get3A_234 = tpu.vector_load %arg9[%get3A_232, %get3A_233] {strides = array<i32>} : memref<16x512xi32, #tpu.memory_space<vmem>>, vector<1x16xi32>,
        %get3A_235 = vector.shape_cast %get3A_234 : vector<1x16xi32> to vector<16xi32>
        %broadcast_in_dim3A_236 = vector.shape_cast %get3A_235 : vector<16xi32> to vector<16x1xi32>
        %gather3A_237 = vector.shape_cast %broadcast_in_dim3A_236 : vector<16x1xi32> to vector<16xi32>
        %gather3A_238 = tpu.dynamic_gather %get3A_4[%gather3A_237] in [0] : vector<16xf32>, vector<16xi32> -> vector<16xf32>
        %add3A_239 = arith.addf %add3A_207, %gather3A_238 : vector<16xf32>
        %get3A_240 = arith.index_cast %scan3A_177 : i32 to index
        %get3A_241 = arith.constant 112 : index
        %get3A_242 = tpu.vector_load %arg9[%get3A_240, %get3A_241] {strides = array<i32>} : memref<16x512xi32, #tpu.memory_space<vmem>>, vector<1x16xi32>,
        %get3A_243 = vector.shape_cast %get3A_242 : vector<1x16xi32> to vector<16xi32>
        %broadcast_in_dim3A_244 = vector.shape_cast %get3A_243 : vector<16xi32> to vector<16x1xi32>
        %gather3A_245 = vector.shape_cast %broadcast_in_dim3A_244 : vector<16x1xi32> to vector<16xi32>
        %gather3A_246 = tpu.dynamic_gather %get3A_4[%gather3A_245] in [0] : vector<16xf32>, vector<16xi32> -> vector<16xf32>
        %add3A_247 = arith.addf %add3A_215, %gather3A_246 : vector<16xf32>
        %get3A_248 = arith.index_cast %scan3A_177 : i32 to index
        %get3A_249 = arith.constant 128 : index
        %get3A_250 = tpu.vector_load %arg9[%get3A_248, %get3A_249] {strides = array<i32>} : memref<16x512xi32, #tpu.memory_space<vmem>>, vector<1x16xi32>,
        %get3A_251 = vector.shape_cast %get3A_250 : vector<1x16xi32> to vector<16xi32>
        %broadcast_in_dim3A_252 = vector.shape_cast %get3A_251 : vector<16xi32> to vector<16x1xi32>
        %gather3A_253 = vector.shape_cast %broadcast_in_dim3A_252 : vector<16x1xi32> to vector<16xi32>
        %gather3A_254 = tpu.dynamic_gather %get3A_4[%gather3A_253] in [0] : vector<16xf32>, vector<16xi32> -> vector<16xf32>
        %add3A_255 = arith.addf %add3A_223, %gather3A_254 : vector<16xf32>
        %get3A_256 = arith.index_cast %scan3A_177 : i32 to index
        %get3A_257 = arith.constant 144 : index
        %get3A_258 = tpu.vector_load %arg9[%get3A_256, %get3A_257] {strides = array<i32>} : memref<16x512xi32, #tpu.memory_space<vmem>>, vector<1x16xi32>,
        %get3A_259 = vector.shape_cast %get3A_258 : vector<1x16xi32> to vector<16xi32>
        %broadcast_in_dim3A_260 = vector.shape_cast %get3A_259 : vector<16xi32> to vector<16x1xi32>
        %gather3A_261 = vector.shape_cast %broadcast_in_dim3A_260 : vector<16x1xi32> to vector<16xi32>
        %gather3A_262 = tpu.dynamic_gather %get3A_4[%gather3A_261] in [0] : vector<16xf32>, vector<16xi32> -> vector<16xf32>
        %add3A_263 = arith.addf %add3A_231, %gather3A_262 : vector<16xf32>
        %get3A_264 = arith.index_cast %scan3A_177 : i32 to index
        %get3A_265 = arith.constant 160 : index
        %get3A_266 = tpu.vector_load %arg9[%get3A_264, %get3A_265] {strides = array<i32>} : memref<16x512xi32, #tpu.memory_space<vmem>>, vector<1x16xi32>,
        %get3A_267 = vector.shape_cast %get3A_266 : vector<1x16xi32> to vector<16xi32>
        %broadcast_in_dim3A_268 = vector.shape_cast %get3A_267 : vector<16xi32> to vector<16x1xi32>
        %gather3A_269 = vector.shape_cast %broadcast_in_dim3A_268 : vector<16x1xi32> to vector<16xi32>
        %gather3A_270 = tpu.dynamic_gather %get3A_4[%gather3A_269] in [0] : vector<16xf32>, vector<16xi32> -> vector<16xf32>
        %add3A_271 = arith.addf %add3A_239, %gather3A_270 : vector<16xf32>
        %get3A_272 = arith.index_cast %scan3A_177 : i32 to index
        %get3A_273 = arith.constant 176 : index
        %get3A_274 = tpu.vector_load %arg9[%get3A_272, %get3A_273] {strides = array<i32>} : memref<16x512xi32, #tpu.memory_space<vmem>>, vector<1x16xi32>,
        %get3A_275 = vector.shape_cast %get3A_274 : vector<1x16xi32> to vector<16xi32>
        %broadcast_in_dim3A_276 = vector.shape_cast %get3A_275 : vector<16xi32> to vector<16x1xi32>
        %gather3A_277 = vector.shape_cast %broadcast_in_dim3A_276 : vector<16x1xi32> to vector<16xi32>
        %gather3A_278 = tpu.dynamic_gather %get3A_4[%gather3A_277] in [0] : vector<16xf32>, vector<16xi32> -> vector<16xf32>
        %add3A_279 = arith.addf %add3A_247, %gather3A_278 : vector<16xf32>
        %get3A_280 = arith.index_cast %scan3A_177 : i32 to index
        %get3A_281 = arith.constant 192 : index
        %get3A_282 = tpu.vector_load %arg9[%get3A_280, %get3A_281] {strides = array<i32>} : memref<16x512xi32, #tpu.memory_space<vmem>>, vector<1x16xi32>,
        %get3A_283 = vector.shape_cast %get3A_282 : vector<1x16xi32> to vector<16xi32>
        %broadcast_in_dim3A_284 = vector.shape_cast %get3A_283 : vector<16xi32> to vector<16x1xi32>
        %gather3A_285 = vector.shape_cast %broadcast_in_dim3A_284 : vector<16x1xi32> to vector<16xi32>
        %gather3A_286 = tpu.dynamic_gather %get3A_4[%gather3A_285] in [0] : vector<16xf32>, vector<16xi32> -> vector<16xf32>
        %add3A_287 = arith.addf %add3A_255, %gather3A_286 : vector<16xf32>
        %get3A_288 = arith.index_cast %scan3A_177 : i32 to index
        %get3A_289 = arith.constant 208 : index
        %get3A_290 = tpu.vector_load %arg9[%get3A_288, %get3A_289] {strides = array<i32>} : memref<16x512xi32, #tpu.memory_space<vmem>>, vector<1x16xi32>,
        %get3A_291 = vector.shape_cast %get3A_290 : vector<1x16xi32> to vector<16xi32>
        %broadcast_in_dim3A_292 = vector.shape_cast %get3A_291 : vector<16xi32> to vector<16x1xi32>
        %gather3A_293 = vector.shape_cast %broadcast_in_dim3A_292 : vector<16x1xi32> to vector<16xi32>
        %gather3A_294 = tpu.dynamic_gather %get3A_4[%gather3A_293] in [0] : vector<16xf32>, vector<16xi32> -> vector<16xf32>
        %add3A_295 = arith.addf %add3A_263, %gather3A_294 : vector<16xf32>
        %get3A_296 = arith.index_cast %scan3A_177 : i32 to index
        %get3A_297 = arith.constant 224 : index
        %get3A_298 = tpu.vector_load %arg9[%get3A_296, %get3A_297] {strides = array<i32>} : memref<16x512xi32, #tpu.memory_space<vmem>>, vector<1x16xi32>,
        %get3A_299 = vector.shape_cast %get3A_298 : vector<1x16xi32> to vector<16xi32>
        %broadcast_in_dim3A_300 = vector.shape_cast %get3A_299 : vector<16xi32> to vector<16x1xi32>
        %gather3A_301 = vector.shape_cast %broadcast_in_dim3A_300 : vector<16x1xi32> to vector<16xi32>
        %gather3A_302 = tpu.dynamic_gather %get3A_4[%gather3A_301] in [0] : vector<16xf32>, vector<16xi32> -> vector<16xf32>
        %add3A_303 = arith.addf %add3A_271, %gather3A_302 : vector<16xf32>
        %get3A_304 = arith.index_cast %scan3A_177 : i32 to index
        %get3A_305 = arith.constant 240 : index
        %get3A_306 = tpu.vector_load %arg9[%get3A_304, %get3A_305] {strides = array<i32>} : memref<16x512xi32, #tpu.memory_space<vmem>>, vector<1x16xi32>,
        %get3A_307 = vector.shape_cast %get3A_306 : vector<1x16xi32> to vector<16xi32>
        %broadcast_in_dim3A_308 = vector.shape_cast %get3A_307 : vector<16xi32> to vector<16x1xi32>
        %gather3A_309 = vector.shape_cast %broadcast_in_dim3A_308 : vector<16x1xi32> to vector<16xi32>
        %gather3A_310 = tpu.dynamic_gather %get3A_4[%gather3A_309] in [0] : vector<16xf32>, vector<16xi32> -> vector<16xf32>
        %add3A_311 = arith.addf %add3A_279, %gather3A_310 : vector<16xf32>
        %get3A_312 = arith.index_cast %scan3A_177 : i32 to index
        %get3A_313 = arith.constant 256 : index
        %get3A_314 = tpu.vector_load %arg9[%get3A_312, %get3A_313] {strides = array<i32>} : memref<16x512xi32, #tpu.memory_space<vmem>>, vector<1x16xi32>,
        %get3A_315 = vector.shape_cast %get3A_314 : vector<1x16xi32> to vector<16xi32>
        %broadcast_in_dim3A_316 = vector.shape_cast %get3A_315 : vector<16xi32> to vector<16x1xi32>
        %gather3A_317 = vector.shape_cast %broadcast_in_dim3A_316 : vector<16x1xi32> to vector<16xi32>
        %gather3A_318 = tpu.dynamic_gather %get3A_4[%gather3A_317] in [0] : vector<16xf32>, vector<16xi32> -> vector<16xf32>
        %add3A_319 = arith.addf %add3A_287, %gather3A_318 : vector<16xf32>
        %get3A_320 = arith.index_cast %scan3A_177 : i32 to index
        %get3A_321 = arith.constant 272 : index
        %get3A_322 = tpu.vector_load %arg9[%get3A_320, %get3A_321] {strides = array<i32>} : memref<16x512xi32, #tpu.memory_space<vmem>>, vector<1x16xi32>,
        %get3A_323 = vector.shape_cast %get3A_322 : vector<1x16xi32> to vector<16xi32>
        %broadcast_in_dim3A_324 = vector.shape_cast %get3A_323 : vector<16xi32> to vector<16x1xi32>
        %gather3A_325 = vector.shape_cast %broadcast_in_dim3A_324 : vector<16x1xi32> to vector<16xi32>
        %gather3A_326 = tpu.dynamic_gather %get3A_4[%gather3A_325] in [0] : vector<16xf32>, vector<16xi32> -> vector<16xf32>
        %add3A_327 = arith.addf %add3A_295, %gather3A_326 : vector<16xf32>
        %get3A_328 = arith.index_cast %scan3A_177 : i32 to index
        %get3A_329 = arith.constant 288 : index
        %get3A_330 = tpu.vector_load %arg9[%get3A_328, %get3A_329] {strides = array<i32>} : memref<16x512xi32, #tpu.memory_space<vmem>>, vector<1x16xi32>,
        %get3A_331 = vector.shape_cast %get3A_330 : vector<1x16xi32> to vector<16xi32>
        %broadcast_in_dim3A_332 = vector.shape_cast %get3A_331 : vector<16xi32> to vector<16x1xi32>
        %gather3A_333 = vector.shape_cast %broadcast_in_dim3A_332 : vector<16x1xi32> to vector<16xi32>
        %gather3A_334 = tpu.dynamic_gather %get3A_4[%gather3A_333] in [0] : vector<16xf32>, vector<16xi32> -> vector<16xf32>
        %add3A_335 = arith.addf %add3A_303, %gather3A_334 : vector<16xf32>
        %get3A_336 = arith.index_cast %scan3A_177 : i32 to index
        %get3A_337 = arith.constant 304 : index
        %get3A_338 = tpu.vector_load %arg9[%get3A_336, %get3A_337] {strides = array<i32>} : memref<16x512xi32, #tpu.memory_space<vmem>>, vector<1x16xi32>,
        %get3A_339 = vector.shape_cast %get3A_338 : vector<1x16xi32> to vector<16xi32>
        %broadcast_in_dim3A_340 = vector.shape_cast %get3A_339 : vector<16xi32> to vector<16x1xi32>
        %gather3A_341 = vector.shape_cast %broadcast_in_dim3A_340 : vector<16x1xi32> to vector<16xi32>
        %gather3A_342 = tpu.dynamic_gather %get3A_4[%gather3A_341] in [0] : vector<16xf32>, vector<16xi32> -> vector<16xf32>
        %add3A_343 = arith.addf %add3A_311, %gather3A_342 : vector<16xf32>
        %get3A_344 = arith.index_cast %scan3A_177 : i32 to index
        %get3A_345 = arith.constant 320 : index
        %get3A_346 = tpu.vector_load %arg9[%get3A_344, %get3A_345] {strides = array<i32>} : memref<16x512xi32, #tpu.memory_space<vmem>>, vector<1x16xi32>,
        %get3A_347 = vector.shape_cast %get3A_346 : vector<1x16xi32> to vector<16xi32>
        %broadcast_in_dim3A_348 = vector.shape_cast %get3A_347 : vector<16xi32> to vector<16x1xi32>
        %gather3A_349 = vector.shape_cast %broadcast_in_dim3A_348 : vector<16x1xi32> to vector<16xi32>
        %gather3A_350 = tpu.dynamic_gather %get3A_4[%gather3A_349] in [0] : vector<16xf32>, vector<16xi32> -> vector<16xf32>
        %add3A_351 = arith.addf %add3A_319, %gather3A_350 : vector<16xf32>
        %get3A_352 = arith.index_cast %scan3A_177 : i32 to index
        %get3A_353 = arith.constant 336 : index
        %get3A_354 = tpu.vector_load %arg9[%get3A_352, %get3A_353] {strides = array<i32>} : memref<16x512xi32, #tpu.memory_space<vmem>>, vector<1x16xi32>,
        %get3A_355 = vector.shape_cast %get3A_354 : vector<1x16xi32> to vector<16xi32>
        %broadcast_in_dim3A_356 = vector.shape_cast %get3A_355 : vector<16xi32> to vector<16x1xi32>
        %gather3A_357 = vector.shape_cast %broadcast_in_dim3A_356 : vector<16x1xi32> to vector<16xi32>
        %gather3A_358 = tpu.dynamic_gather %get3A_4[%gather3A_357] in [0] : vector<16xf32>, vector<16xi32> -> vector<16xf32>
        %add3A_359 = arith.addf %add3A_327, %gather3A_358 : vector<16xf32>
        %get3A_360 = arith.index_cast %scan3A_177 : i32 to index
        %get3A_361 = arith.constant 352 : index
        %get3A_362 = tpu.vector_load %arg9[%get3A_360, %get3A_361] {strides = array<i32>} : memref<16x512xi32, #tpu.memory_space<vmem>>, vector<1x16xi32>,
        %get3A_363 = vector.shape_cast %get3A_362 : vector<1x16xi32> to vector<16xi32>
        %broadcast_in_dim3A_364 = vector.shape_cast %get3A_363 : vector<16xi32> to vector<16x1xi32>
        %gather3A_365 = vector.shape_cast %broadcast_in_dim3A_364 : vector<16x1xi32> to vector<16xi32>
        %gather3A_366 = tpu.dynamic_gather %get3A_4[%gather3A_365] in [0] : vector<16xf32>, vector<16xi32> -> vector<16xf32>
        %add3A_367 = arith.addf %add3A_335, %gather3A_366 : vector<16xf32>
        %get3A_368 = arith.index_cast %scan3A_177 : i32 to index
        %get3A_369 = arith.constant 368 : index
        %get3A_370 = tpu.vector_load %arg9[%get3A_368, %get3A_369] {strides = array<i32>} : memref<16x512xi32, #tpu.memory_space<vmem>>, vector<1x16xi32>,
        %get3A_371 = vector.shape_cast %get3A_370 : vector<1x16xi32> to vector<16xi32>
        %broadcast_in_dim3A_372 = vector.shape_cast %get3A_371 : vector<16xi32> to vector<16x1xi32>
        %gather3A_373 = vector.shape_cast %broadcast_in_dim3A_372 : vector<16x1xi32> to vector<16xi32>
        %gather3A_374 = tpu.dynamic_gather %get3A_4[%gather3A_373] in [0] : vector<16xf32>, vector<16xi32> -> vector<16xf32>
        %add3A_375 = arith.addf %add3A_343, %gather3A_374 : vector<16xf32>
        %get3A_376 = arith.index_cast %scan3A_177 : i32 to index
        %get3A_377 = arith.constant 384 : index
        %get3A_378 = tpu.vector_load %arg9[%get3A_376, %get3A_377] {strides = array<i32>} : memref<16x512xi32, #tpu.memory_space<vmem>>, vector<1x16xi32>,
        %get3A_379 = vector.shape_cast %get3A_378 : vector<1x16xi32> to vector<16xi32>
        %broadcast_in_dim3A_380 = vector.shape_cast %get3A_379 : vector<16xi32> to vector<16x1xi32>
        %gather3A_381 = vector.shape_cast %broadcast_in_dim3A_380 : vector<16x1xi32> to vector<16xi32>
        %gather3A_382 = tpu.dynamic_gather %get3A_4[%gather3A_381] in [0] : vector<16xf32>, vector<16xi32> -> vector<16xf32>
        %add3A_383 = arith.addf %add3A_351, %gather3A_382 : vector<16xf32>
        %get3A_384 = arith.index_cast %scan3A_177 : i32 to index
        %get3A_385 = arith.constant 400 : index
        %get3A_386 = tpu.vector_load %arg9[%get3A_384, %get3A_385] {strides = array<i32>} : memref<16x512xi32, #tpu.memory_space<vmem>>, vector<1x16xi32>,
        %get3A_387 = vector.shape_cast %get3A_386 : vector<1x16xi32> to vector<16xi32>
        %broadcast_in_dim3A_388 = vector.shape_cast %get3A_387 : vector<16xi32> to vector<16x1xi32>
        %gather3A_389 = vector.shape_cast %broadcast_in_dim3A_388 : vector<16x1xi32> to vector<16xi32>
        %gather3A_390 = tpu.dynamic_gather %get3A_4[%gather3A_389] in [0] : vector<16xf32>, vector<16xi32> -> vector<16xf32>
        %add3A_391 = arith.addf %add3A_359, %gather3A_390 : vector<16xf32>
        %get3A_392 = arith.index_cast %scan3A_177 : i32 to index
        %get3A_393 = arith.constant 416 : index
        %get3A_394 = tpu.vector_load %arg9[%get3A_392, %get3A_393] {strides = array<i32>} : memref<16x512xi32, #tpu.memory_space<vmem>>, vector<1x16xi32>,
        %get3A_395 = vector.shape_cast %get3A_394 : vector<1x16xi32> to vector<16xi32>
        %broadcast_in_dim3A_396 = vector.shape_cast %get3A_395 : vector<16xi32> to vector<16x1xi32>
        %gather3A_397 = vector.shape_cast %broadcast_in_dim3A_396 : vector<16x1xi32> to vector<16xi32>
        %gather3A_398 = tpu.dynamic_gather %get3A_4[%gather3A_397] in [0] : vector<16xf32>, vector<16xi32> -> vector<16xf32>
        %add3A_399 = arith.addf %add3A_367, %gather3A_398 : vector<16xf32>
        %get3A_400 = arith.index_cast %scan3A_177 : i32 to index
        %get3A_401 = arith.constant 432 : index
        %get3A_402 = tpu.vector_load %arg9[%get3A_400, %get3A_401] {strides = array<i32>} : memref<16x512xi32, #tpu.memory_space<vmem>>, vector<1x16xi32>,
        %get3A_403 = vector.shape_cast %get3A_402 : vector<1x16xi32> to vector<16xi32>
        %broadcast_in_dim3A_404 = vector.shape_cast %get3A_403 : vector<16xi32> to vector<16x1xi32>
        %gather3A_405 = vector.shape_cast %broadcast_in_dim3A_404 : vector<16x1xi32> to vector<16xi32>
        %gather3A_406 = tpu.dynamic_gather %get3A_4[%gather3A_405] in [0] : vector<16xf32>, vector<16xi32> -> vector<16xf32>
        %add3A_407 = arith.addf %add3A_375, %gather3A_406 : vector<16xf32>
        %get3A_408 = arith.index_cast %scan3A_177 : i32 to index
        %get3A_409 = arith.constant 448 : index
        %get3A_410 = tpu.vector_load %arg9[%get3A_408, %get3A_409] {strides = array<i32>} : memref<16x512xi32, #tpu.memory_space<vmem>>, vector<1x16xi32>,
        %get3A_411 = vector.shape_cast %get3A_410 : vector<1x16xi32> to vector<16xi32>
        %broadcast_in_dim3A_412 = vector.shape_cast %get3A_411 : vector<16xi32> to vector<16x1xi32>
        %gather3A_413 = vector.shape_cast %broadcast_in_dim3A_412 : vector<16x1xi32> to vector<16xi32>
        %gather3A_414 = tpu.dynamic_gather %get3A_4[%gather3A_413] in [0] : vector<16xf32>, vector<16xi32> -> vector<16xf32>
        %add3A_415 = arith.addf %add3A_383, %gather3A_414 : vector<16xf32>
        %get3A_416 = arith.index_cast %scan3A_177 : i32 to index
        %get3A_417 = arith.constant 464 : index
        %get3A_418 = tpu.vector_load %arg9[%get3A_416, %get3A_417] {strides = array<i32>} : memref<16x512xi32, #tpu.memory_space<vmem>>, vector<1x16xi32>,
        %get3A_419 = vector.shape_cast %get3A_418 : vector<1x16xi32> to vector<16xi32>
        %broadcast_in_dim3A_420 = vector.shape_cast %get3A_419 : vector<16xi32> to vector<16x1xi32>
        %gather3A_421 = vector.shape_cast %broadcast_in_dim3A_420 : vector<16x1xi32> to vector<16xi32>
        %gather3A_422 = tpu.dynamic_gather %get3A_4[%gather3A_421] in [0] : vector<16xf32>, vector<16xi32> -> vector<16xf32>
        %add3A_423 = arith.addf %add3A_391, %gather3A_422 : vector<16xf32>
        %get3A_424 = arith.index_cast %scan3A_177 : i32 to index
        %get3A_425 = arith.constant 480 : index
        %get3A_426 = tpu.vector_load %arg9[%get3A_424, %get3A_425] {strides = array<i32>} : memref<16x512xi32, #tpu.memory_space<vmem>>, vector<1x16xi32>,
        %get3A_427 = vector.shape_cast %get3A_426 : vector<1x16xi32> to vector<16xi32>
        %broadcast_in_dim3A_428 = vector.shape_cast %get3A_427 : vector<16xi32> to vector<16x1xi32>
        %gather3A_429 = vector.shape_cast %broadcast_in_dim3A_428 : vector<16x1xi32> to vector<16xi32>
        %gather3A_430 = tpu.dynamic_gather %get3A_4[%gather3A_429] in [0] : vector<16xf32>, vector<16xi32> -> vector<16xf32>
        %add3A_431 = arith.addf %add3A_399, %gather3A_430 : vector<16xf32>
        %get3A_432 = arith.index_cast %scan3A_177 : i32 to index
        %get3A_433 = arith.constant 496 : index
        %get3A_434 = tpu.vector_load %arg9[%get3A_432, %get3A_433] {strides = array<i32>} : memref<16x512xi32, #tpu.memory_space<vmem>>, vector<1x16xi32>,
        %get3A_435 = vector.shape_cast %get3A_434 : vector<1x16xi32> to vector<16xi32>
        %broadcast_in_dim3A_436 = vector.shape_cast %get3A_435 : vector<16xi32> to vector<16x1xi32>
        %gather3A_437 = vector.shape_cast %broadcast_in_dim3A_436 : vector<16x1xi32> to vector<16xi32>
        %gather3A_438 = tpu.dynamic_gather %get3A_4[%gather3A_437] in [0] : vector<16xf32>, vector<16xi32> -> vector<16xf32>
        %add3A_439 = arith.addf %add3A_407, %gather3A_438 : vector<16xf32>
        %add3A_440 = arith.addf %add3A_415, %add3A_423 : vector<16xf32>
        %add3A_441 = arith.addf %add3A_431, %add3A_439 : vector<16xf32>
        %add3A_442 = arith.addf %add3A_440, %add3A_441 : vector<16xf32>
        %iota3A = tpu.iota {dimensions = array<i32: 0>} : vector<16xi32>
        %xor3A = arith.constant 8 : i32
        %xor3A_443 = vector.broadcast %xor3A : i32 to vector<16xi32>
        %xor3A_444 = arith.xori %iota3A, %xor3A_443 : vector<16xi32>
        %broadcast_in_dim3A_445 = vector.shape_cast %xor3A_444 : vector<16xi32> to vector<16x1xi32>
        %gather3A_446 = vector.shape_cast %broadcast_in_dim3A_445 : vector<16x1xi32> to vector<16xi32>
        %gather3A_447 = tpu.dynamic_gather %add3A_442[%gather3A_446] in [0] : vector<16xf32>, vector<16xi32> -> vector<16xf32>
        %add3A_448 = arith.addf %add3A_442, %gather3A_447 : vector<16xf32>
        %iota3A_449 = tpu.iota {dimensions = array<i32: 0>} : vector<16xi32>
        %xor3A_450 = arith.constant 4 : i32
        %xor3A_451 = vector.broadcast %xor3A_450 : i32 to vector<16xi32>
        %xor3A_452 = arith.xori %iota3A_449, %xor3A_451 : vector<16xi32>
        %broadcast_in_dim3A_453 = vector.shape_cast %xor3A_452 : vector<16xi32> to vector<16x1xi32>
        %gather3A_454 = vector.shape_cast %broadcast_in_dim3A_453 : vector<16x1xi32> to vector<16xi32>
        %gather3A_455 = tpu.dynamic_gather %add3A_448[%gather3A_454] in [0] : vector<16xf32>, vector<16xi32> -> vector<16xf32>
        %add3A_456 = arith.addf %add3A_448, %gather3A_455 : vector<16xf32>
        %iota3A_457 = tpu.iota {dimensions = array<i32: 0>} : vector<16xi32>
        %xor3A_458 = arith.constant 2 : i32
        %xor3A_459 = vector.broadcast %xor3A_458 : i32 to vector<16xi32>
        %xor3A_460 = arith.xori %iota3A_457, %xor3A_459 : vector<16xi32>
        %broadcast_in_dim3A_461 = vector.shape_cast %xor3A_460 : vector<16xi32> to vector<16x1xi32>
        %gather3A_462 = vector.shape_cast %broadcast_in_dim3A_461 : vector<16x1xi32> to vector<16xi32>
        %gather3A_463 = tpu.dynamic_gather %add3A_456[%gather3A_462] in [0] : vector<16xf32>, vector<16xi32> -> vector<16xf32>
        %add3A_464 = arith.addf %add3A_456, %gather3A_463 : vector<16xf32>
        %iota3A_465 = tpu.iota {dimensions = array<i32: 0>} : vector<16xi32>
        %xor3A_466 = arith.constant 1 : i32
        %xor3A_467 = vector.broadcast %xor3A_466 : i32 to vector<16xi32>
        %xor3A_468 = arith.xori %iota3A_465, %xor3A_467 : vector<16xi32>
        %broadcast_in_dim3A_469 = vector.shape_cast %xor3A_468 : vector<16xi32> to vector<16x1xi32>
        %gather3A_470 = vector.shape_cast %broadcast_in_dim3A_469 : vector<16x1xi32> to vector<16xi32>
        %gather3A_471 = tpu.dynamic_gather %add3A_464[%gather3A_470] in [0] : vector<16xf32>, vector<16xi32> -> vector<16xf32>
        %add3A_472 = arith.addf %add3A_464, %gather3A_471 : vector<16xf32>
        %div3A = arith.constant 1.000000e+00 : f32
        %div3A_473 = vector.broadcast %div3A : f32 to vector<16xf32>
        %div3A_474 = arith.divf %div3A_473, %add3A_472 : vector<16xf32>
        %mul3A_475 = arith.mulf %gather3A_190, %div3A_474 : vector<16xf32>
        %swap3A = arith.index_cast %scan3A_177 : i32 to index
        %swap3A_476 = arith.constant 0 : index
        %swap3A_477 = tpu.vector_load %arg13[%swap3A, %swap3A_476] {strides = array<i32>} : memref<16x512xf32, #tpu.memory_space<vmem>>, vector<1x16xf32>,
        %swap3A_478 = vector.shape_cast %swap3A_477 : vector<1x16xf32> to vector<16xf32>
        %swap3A_479 = vector.shape_cast %mul3A_475 : vector<16xf32> to vector<1x16xf32>
        tpu.vector_store %arg13[%swap3A, %swap3A_476], %swap3A_479 {strides = array<i32>} : memref<16x512xf32, #tpu.memory_space<vmem>>, vector<1x16xf32>,
        %mul3A_480 = arith.mulf %gather3A_198, %div3A_474 : vector<16xf32>
        %swap3A_481 = arith.index_cast %scan3A_177 : i32 to index
        %swap3A_482 = arith.constant 16 : index
        %swap3A_483 = tpu.vector_load %arg13[%swap3A_481, %swap3A_482] {strides = array<i32>} : memref<16x512xf32, #tpu.memory_space<vmem>>, vector<1x16xf32>,
        %swap3A_484 = vector.shape_cast %swap3A_483 : vector<1x16xf32> to vector<16xf32>
        %swap3A_485 = vector.shape_cast %mul3A_480 : vector<16xf32> to vector<1x16xf32>
        tpu.vector_store %arg13[%swap3A_481, %swap3A_482], %swap3A_485 {strides = array<i32>} : memref<16x512xf32, #tpu.memory_space<vmem>>, vector<1x16xf32>,
        %mul3A_486 = arith.mulf %gather3A_206, %div3A_474 : vector<16xf32>
        %swap3A_487 = arith.index_cast %scan3A_177 : i32 to index
        %swap3A_488 = arith.constant 32 : index
        %swap3A_489 = tpu.vector_load %arg13[%swap3A_487, %swap3A_488] {strides = array<i32>} : memref<16x512xf32, #tpu.memory_space<vmem>>, vector<1x16xf32>,
        %swap3A_490 = vector.shape_cast %swap3A_489 : vector<1x16xf32> to vector<16xf32>
        %swap3A_491 = vector.shape_cast %mul3A_486 : vector<16xf32> to vector<1x16xf32>
        tpu.vector_store %arg13[%swap3A_487, %swap3A_488], %swap3A_491 {strides = array<i32>} : memref<16x512xf32, #tpu.memory_space<vmem>>, vector<1x16xf32>,
        %mul3A_492 = arith.mulf %gather3A_214, %div3A_474 : vector<16xf32>
        %swap3A_493 = arith.index_cast %scan3A_177 : i32 to index
        %swap3A_494 = arith.constant 48 : index
        %swap3A_495 = tpu.vector_load %arg13[%swap3A_493, %swap3A_494] {strides = array<i32>} : memref<16x512xf32, #tpu.memory_space<vmem>>, vector<1x16xf32>,
        %swap3A_496 = vector.shape_cast %swap3A_495 : vector<1x16xf32> to vector<16xf32>
        %swap3A_497 = vector.shape_cast %mul3A_492 : vector<16xf32> to vector<1x16xf32>
        tpu.vector_store %arg13[%swap3A_493, %swap3A_494], %swap3A_497 {strides = array<i32>} : memref<16x512xf32, #tpu.memory_space<vmem>>, vector<1x16xf32>,
        %mul3A_498 = arith.mulf %gather3A_222, %div3A_474 : vector<16xf32>
        %swap3A_499 = arith.index_cast %scan3A_177 : i32 to index
        %swap3A_500 = arith.constant 64 : index
        %swap3A_501 = tpu.vector_load %arg13[%swap3A_499, %swap3A_500] {strides = array<i32>} : memref<16x512xf32, #tpu.memory_space<vmem>>, vector<1x16xf32>,
        %swap3A_502 = vector.shape_cast %swap3A_501 : vector<1x16xf32> to vector<16xf32>
        %swap3A_503 = vector.shape_cast %mul3A_498 : vector<16xf32> to vector<1x16xf32>
        tpu.vector_store %arg13[%swap3A_499, %swap3A_500], %swap3A_503 {strides = array<i32>} : memref<16x512xf32, #tpu.memory_space<vmem>>, vector<1x16xf32>,
        %mul3A_504 = arith.mulf %gather3A_230, %div3A_474 : vector<16xf32>
        %swap3A_505 = arith.index_cast %scan3A_177 : i32 to index
        %swap3A_506 = arith.constant 80 : index
        %swap3A_507 = tpu.vector_load %arg13[%swap3A_505, %swap3A_506] {strides = array<i32>} : memref<16x512xf32, #tpu.memory_space<vmem>>, vector<1x16xf32>,
        %swap3A_508 = vector.shape_cast %swap3A_507 : vector<1x16xf32> to vector<16xf32>
        %swap3A_509 = vector.shape_cast %mul3A_504 : vector<16xf32> to vector<1x16xf32>
        tpu.vector_store %arg13[%swap3A_505, %swap3A_506], %swap3A_509 {strides = array<i32>} : memref<16x512xf32, #tpu.memory_space<vmem>>, vector<1x16xf32>,
        %mul3A_510 = arith.mulf %gather3A_238, %div3A_474 : vector<16xf32>
        %swap3A_511 = arith.index_cast %scan3A_177 : i32 to index
        %swap3A_512 = arith.constant 96 : index
        %swap3A_513 = tpu.vector_load %arg13[%swap3A_511, %swap3A_512] {strides = array<i32>} : memref<16x512xf32, #tpu.memory_space<vmem>>, vector<1x16xf32>,
        %swap3A_514 = vector.shape_cast %swap3A_513 : vector<1x16xf32> to vector<16xf32>
        %swap3A_515 = vector.shape_cast %mul3A_510 : vector<16xf32> to vector<1x16xf32>
        tpu.vector_store %arg13[%swap3A_511, %swap3A_512], %swap3A_515 {strides = array<i32>} : memref<16x512xf32, #tpu.memory_space<vmem>>, vector<1x16xf32>,
        %mul3A_516 = arith.mulf %gather3A_246, %div3A_474 : vector<16xf32>
        %swap3A_517 = arith.index_cast %scan3A_177 : i32 to index
        %swap3A_518 = arith.constant 112 : index
        %swap3A_519 = tpu.vector_load %arg13[%swap3A_517, %swap3A_518] {strides = array<i32>} : memref<16x512xf32, #tpu.memory_space<vmem>>, vector<1x16xf32>,
        %swap3A_520 = vector.shape_cast %swap3A_519 : vector<1x16xf32> to vector<16xf32>
        %swap3A_521 = vector.shape_cast %mul3A_516 : vector<16xf32> to vector<1x16xf32>
        tpu.vector_store %arg13[%swap3A_517, %swap3A_518], %swap3A_521 {strides = array<i32>} : memref<16x512xf32, #tpu.memory_space<vmem>>, vector<1x16xf32>,
        %mul3A_522 = arith.mulf %gather3A_254, %div3A_474 : vector<16xf32>
        %swap3A_523 = arith.index_cast %scan3A_177 : i32 to index
        %swap3A_524 = arith.constant 128 : index
        %swap3A_525 = tpu.vector_load %arg13[%swap3A_523, %swap3A_524] {strides = array<i32>} : memref<16x512xf32, #tpu.memory_space<vmem>>, vector<1x16xf32>,
        %swap3A_526 = vector.shape_cast %swap3A_525 : vector<1x16xf32> to vector<16xf32>
        %swap3A_527 = vector.shape_cast %mul3A_522 : vector<16xf32> to vector<1x16xf32>
        tpu.vector_store %arg13[%swap3A_523, %swap3A_524], %swap3A_527 {strides = array<i32>} : memref<16x512xf32, #tpu.memory_space<vmem>>, vector<1x16xf32>,
        %mul3A_528 = arith.mulf %gather3A_262, %div3A_474 : vector<16xf32>
        %swap3A_529 = arith.index_cast %scan3A_177 : i32 to index
        %swap3A_530 = arith.constant 144 : index
        %swap3A_531 = tpu.vector_load %arg13[%swap3A_529, %swap3A_530] {strides = array<i32>} : memref<16x512xf32, #tpu.memory_space<vmem>>, vector<1x16xf32>,
        %swap3A_532 = vector.shape_cast %swap3A_531 : vector<1x16xf32> to vector<16xf32>
        %swap3A_533 = vector.shape_cast %mul3A_528 : vector<16xf32> to vector<1x16xf32>
        tpu.vector_store %arg13[%swap3A_529, %swap3A_530], %swap3A_533 {strides = array<i32>} : memref<16x512xf32, #tpu.memory_space<vmem>>, vector<1x16xf32>,
        %mul3A_534 = arith.mulf %gather3A_270, %div3A_474 : vector<16xf32>
        %swap3A_535 = arith.index_cast %scan3A_177 : i32 to index
        %swap3A_536 = arith.constant 160 : index
        %swap3A_537 = tpu.vector_load %arg13[%swap3A_535, %swap3A_536] {strides = array<i32>} : memref<16x512xf32, #tpu.memory_space<vmem>>, vector<1x16xf32>,
        %swap3A_538 = vector.shape_cast %swap3A_537 : vector<1x16xf32> to vector<16xf32>
        %swap3A_539 = vector.shape_cast %mul3A_534 : vector<16xf32> to vector<1x16xf32>
        tpu.vector_store %arg13[%swap3A_535, %swap3A_536], %swap3A_539 {strides = array<i32>} : memref<16x512xf32, #tpu.memory_space<vmem>>, vector<1x16xf32>,
        %mul3A_540 = arith.mulf %gather3A_278, %div3A_474 : vector<16xf32>
        %swap3A_541 = arith.index_cast %scan3A_177 : i32 to index
        %swap3A_542 = arith.constant 176 : index
        %swap3A_543 = tpu.vector_load %arg13[%swap3A_541, %swap3A_542] {strides = array<i32>} : memref<16x512xf32, #tpu.memory_space<vmem>>, vector<1x16xf32>,
        %swap3A_544 = vector.shape_cast %swap3A_543 : vector<1x16xf32> to vector<16xf32>
        %swap3A_545 = vector.shape_cast %mul3A_540 : vector<16xf32> to vector<1x16xf32>
        tpu.vector_store %arg13[%swap3A_541, %swap3A_542], %swap3A_545 {strides = array<i32>} : memref<16x512xf32, #tpu.memory_space<vmem>>, vector<1x16xf32>,
        %mul3A_546 = arith.mulf %gather3A_286, %div3A_474 : vector<16xf32>
        %swap3A_547 = arith.index_cast %scan3A_177 : i32 to index
        %swap3A_548 = arith.constant 192 : index
        %swap3A_549 = tpu.vector_load %arg13[%swap3A_547, %swap3A_548] {strides = array<i32>} : memref<16x512xf32, #tpu.memory_space<vmem>>, vector<1x16xf32>,
        %swap3A_550 = vector.shape_cast %swap3A_549 : vector<1x16xf32> to vector<16xf32>
        %swap3A_551 = vector.shape_cast %mul3A_546 : vector<16xf32> to vector<1x16xf32>
        tpu.vector_store %arg13[%swap3A_547, %swap3A_548], %swap3A_551 {strides = array<i32>} : memref<16x512xf32, #tpu.memory_space<vmem>>, vector<1x16xf32>,
        %mul3A_552 = arith.mulf %gather3A_294, %div3A_474 : vector<16xf32>
        %swap3A_553 = arith.index_cast %scan3A_177 : i32 to index
        %swap3A_554 = arith.constant 208 : index
        %swap3A_555 = tpu.vector_load %arg13[%swap3A_553, %swap3A_554] {strides = array<i32>} : memref<16x512xf32, #tpu.memory_space<vmem>>, vector<1x16xf32>,
        %swap3A_556 = vector.shape_cast %swap3A_555 : vector<1x16xf32> to vector<16xf32>
        %swap3A_557 = vector.shape_cast %mul3A_552 : vector<16xf32> to vector<1x16xf32>
        tpu.vector_store %arg13[%swap3A_553, %swap3A_554], %swap3A_557 {strides = array<i32>} : memref<16x512xf32, #tpu.memory_space<vmem>>, vector<1x16xf32>,
        %mul3A_558 = arith.mulf %gather3A_302, %div3A_474 : vector<16xf32>
        %swap3A_559 = arith.index_cast %scan3A_177 : i32 to index
        %swap3A_560 = arith.constant 224 : index
        %swap3A_561 = tpu.vector_load %arg13[%swap3A_559, %swap3A_560] {strides = array<i32>} : memref<16x512xf32, #tpu.memory_space<vmem>>, vector<1x16xf32>,
        %swap3A_562 = vector.shape_cast %swap3A_561 : vector<1x16xf32> to vector<16xf32>
        %swap3A_563 = vector.shape_cast %mul3A_558 : vector<16xf32> to vector<1x16xf32>
        tpu.vector_store %arg13[%swap3A_559, %swap3A_560], %swap3A_563 {strides = array<i32>} : memref<16x512xf32, #tpu.memory_space<vmem>>, vector<1x16xf32>,
        %mul3A_564 = arith.mulf %gather3A_310, %div3A_474 : vector<16xf32>
        %swap3A_565 = arith.index_cast %scan3A_177 : i32 to index
        %swap3A_566 = arith.constant 240 : index
        %swap3A_567 = tpu.vector_load %arg13[%swap3A_565, %swap3A_566] {strides = array<i32>} : memref<16x512xf32, #tpu.memory_space<vmem>>, vector<1x16xf32>,
        %swap3A_568 = vector.shape_cast %swap3A_567 : vector<1x16xf32> to vector<16xf32>
        %swap3A_569 = vector.shape_cast %mul3A_564 : vector<16xf32> to vector<1x16xf32>
        tpu.vector_store %arg13[%swap3A_565, %swap3A_566], %swap3A_569 {strides = array<i32>} : memref<16x512xf32, #tpu.memory_space<vmem>>, vector<1x16xf32>,
        %mul3A_570 = arith.mulf %gather3A_318, %div3A_474 : vector<16xf32>
        %swap3A_571 = arith.index_cast %scan3A_177 : i32 to index
        %swap3A_572 = arith.constant 256 : index
        %swap3A_573 = tpu.vector_load %arg13[%swap3A_571, %swap3A_572] {strides = array<i32>} : memref<16x512xf32, #tpu.memory_space<vmem>>, vector<1x16xf32>,
        %swap3A_574 = vector.shape_cast %swap3A_573 : vector<1x16xf32> to vector<16xf32>
        %swap3A_575 = vector.shape_cast %mul3A_570 : vector<16xf32> to vector<1x16xf32>
        tpu.vector_store %arg13[%swap3A_571, %swap3A_572], %swap3A_575 {strides = array<i32>} : memref<16x512xf32, #tpu.memory_space<vmem>>, vector<1x16xf32>,
        %mul3A_576 = arith.mulf %gather3A_326, %div3A_474 : vector<16xf32>
        %swap3A_577 = arith.index_cast %scan3A_177 : i32 to index
        %swap3A_578 = arith.constant 272 : index
        %swap3A_579 = tpu.vector_load %arg13[%swap3A_577, %swap3A_578] {strides = array<i32>} : memref<16x512xf32, #tpu.memory_space<vmem>>, vector<1x16xf32>,
        %swap3A_580 = vector.shape_cast %swap3A_579 : vector<1x16xf32> to vector<16xf32>
        %swap3A_581 = vector.shape_cast %mul3A_576 : vector<16xf32> to vector<1x16xf32>
        tpu.vector_store %arg13[%swap3A_577, %swap3A_578], %swap3A_581 {strides = array<i32>} : memref<16x512xf32, #tpu.memory_space<vmem>>, vector<1x16xf32>,
        %mul3A_582 = arith.mulf %gather3A_334, %div3A_474 : vector<16xf32>
        %swap3A_583 = arith.index_cast %scan3A_177 : i32 to index
        %swap3A_584 = arith.constant 288 : index
        %swap3A_585 = tpu.vector_load %arg13[%swap3A_583, %swap3A_584] {strides = array<i32>} : memref<16x512xf32, #tpu.memory_space<vmem>>, vector<1x16xf32>,
        %swap3A_586 = vector.shape_cast %swap3A_585 : vector<1x16xf32> to vector<16xf32>
        %swap3A_587 = vector.shape_cast %mul3A_582 : vector<16xf32> to vector<1x16xf32>
        tpu.vector_store %arg13[%swap3A_583, %swap3A_584], %swap3A_587 {strides = array<i32>} : memref<16x512xf32, #tpu.memory_space<vmem>>, vector<1x16xf32>,
        %mul3A_588 = arith.mulf %gather3A_342, %div3A_474 : vector<16xf32>
        %swap3A_589 = arith.index_cast %scan3A_177 : i32 to index
        %swap3A_590 = arith.constant 304 : index
        %swap3A_591 = tpu.vector_load %arg13[%swap3A_589, %swap3A_590] {strides = array<i32>} : memref<16x512xf32, #tpu.memory_space<vmem>>, vector<1x16xf32>,
        %swap3A_592 = vector.shape_cast %swap3A_591 : vector<1x16xf32> to vector<16xf32>
        %swap3A_593 = vector.shape_cast %mul3A_588 : vector<16xf32> to vector<1x16xf32>
        tpu.vector_store %arg13[%swap3A_589, %swap3A_590], %swap3A_593 {strides = array<i32>} : memref<16x512xf32, #tpu.memory_space<vmem>>, vector<1x16xf32>,
        %mul3A_594 = arith.mulf %gather3A_350, %div3A_474 : vector<16xf32>
        %swap3A_595 = arith.index_cast %scan3A_177 : i32 to index
        %swap3A_596 = arith.constant 320 : index
        %swap3A_597 = tpu.vector_load %arg13[%swap3A_595, %swap3A_596] {strides = array<i32>} : memref<16x512xf32, #tpu.memory_space<vmem>>, vector<1x16xf32>,
        %swap3A_598 = vector.shape_cast %swap3A_597 : vector<1x16xf32> to vector<16xf32>
        %swap3A_599 = vector.shape_cast %mul3A_594 : vector<16xf32> to vector<1x16xf32>
        tpu.vector_store %arg13[%swap3A_595, %swap3A_596], %swap3A_599 {strides = array<i32>} : memref<16x512xf32, #tpu.memory_space<vmem>>, vector<1x16xf32>,
        %mul3A_600 = arith.mulf %gather3A_358, %div3A_474 : vector<16xf32>
        %swap3A_601 = arith.index_cast %scan3A_177 : i32 to index
        %swap3A_602 = arith.constant 336 : index
        %swap3A_603 = tpu.vector_load %arg13[%swap3A_601, %swap3A_602] {strides = array<i32>} : memref<16x512xf32, #tpu.memory_space<vmem>>, vector<1x16xf32>,
        %swap3A_604 = vector.shape_cast %swap3A_603 : vector<1x16xf32> to vector<16xf32>
        %swap3A_605 = vector.shape_cast %mul3A_600 : vector<16xf32> to vector<1x16xf32>
        tpu.vector_store %arg13[%swap3A_601, %swap3A_602], %swap3A_605 {strides = array<i32>} : memref<16x512xf32, #tpu.memory_space<vmem>>, vector<1x16xf32>,
        %mul3A_606 = arith.mulf %gather3A_366, %div3A_474 : vector<16xf32>
        %swap3A_607 = arith.index_cast %scan3A_177 : i32 to index
        %swap3A_608 = arith.constant 352 : index
        %swap3A_609 = tpu.vector_load %arg13[%swap3A_607, %swap3A_608] {strides = array<i32>} : memref<16x512xf32, #tpu.memory_space<vmem>>, vector<1x16xf32>,
        %swap3A_610 = vector.shape_cast %swap3A_609 : vector<1x16xf32> to vector<16xf32>
        %swap3A_611 = vector.shape_cast %mul3A_606 : vector<16xf32> to vector<1x16xf32>
        tpu.vector_store %arg13[%swap3A_607, %swap3A_608], %swap3A_611 {strides = array<i32>} : memref<16x512xf32, #tpu.memory_space<vmem>>, vector<1x16xf32>,
        %mul3A_612 = arith.mulf %gather3A_374, %div3A_474 : vector<16xf32>
        %swap3A_613 = arith.index_cast %scan3A_177 : i32 to index
        %swap3A_614 = arith.constant 368 : index
        %swap3A_615 = tpu.vector_load %arg13[%swap3A_613, %swap3A_614] {strides = array<i32>} : memref<16x512xf32, #tpu.memory_space<vmem>>, vector<1x16xf32>,
        %swap3A_616 = vector.shape_cast %swap3A_615 : vector<1x16xf32> to vector<16xf32>
        %swap3A_617 = vector.shape_cast %mul3A_612 : vector<16xf32> to vector<1x16xf32>
        tpu.vector_store %arg13[%swap3A_613, %swap3A_614], %swap3A_617 {strides = array<i32>} : memref<16x512xf32, #tpu.memory_space<vmem>>, vector<1x16xf32>,
        %mul3A_618 = arith.mulf %gather3A_382, %div3A_474 : vector<16xf32>
        %swap3A_619 = arith.index_cast %scan3A_177 : i32 to index
        %swap3A_620 = arith.constant 384 : index
        %swap3A_621 = tpu.vector_load %arg13[%swap3A_619, %swap3A_620] {strides = array<i32>} : memref<16x512xf32, #tpu.memory_space<vmem>>, vector<1x16xf32>,
        %swap3A_622 = vector.shape_cast %swap3A_621 : vector<1x16xf32> to vector<16xf32>
        %swap3A_623 = vector.shape_cast %mul3A_618 : vector<16xf32> to vector<1x16xf32>
        tpu.vector_store %arg13[%swap3A_619, %swap3A_620], %swap3A_623 {strides = array<i32>} : memref<16x512xf32, #tpu.memory_space<vmem>>, vector<1x16xf32>,
        %mul3A_624 = arith.mulf %gather3A_390, %div3A_474 : vector<16xf32>
        %swap3A_625 = arith.index_cast %scan3A_177 : i32 to index
        %swap3A_626 = arith.constant 400 : index
        %swap3A_627 = tpu.vector_load %arg13[%swap3A_625, %swap3A_626] {strides = array<i32>} : memref<16x512xf32, #tpu.memory_space<vmem>>, vector<1x16xf32>,
        %swap3A_628 = vector.shape_cast %swap3A_627 : vector<1x16xf32> to vector<16xf32>
        %swap3A_629 = vector.shape_cast %mul3A_624 : vector<16xf32> to vector<1x16xf32>
        tpu.vector_store %arg13[%swap3A_625, %swap3A_626], %swap3A_629 {strides = array<i32>} : memref<16x512xf32, #tpu.memory_space<vmem>>, vector<1x16xf32>,
        %mul3A_630 = arith.mulf %gather3A_398, %div3A_474 : vector<16xf32>
        %swap3A_631 = arith.index_cast %scan3A_177 : i32 to index
        %swap3A_632 = arith.constant 416 : index
        %swap3A_633 = tpu.vector_load %arg13[%swap3A_631, %swap3A_632] {strides = array<i32>} : memref<16x512xf32, #tpu.memory_space<vmem>>, vector<1x16xf32>,
        %swap3A_634 = vector.shape_cast %swap3A_633 : vector<1x16xf32> to vector<16xf32>
        %swap3A_635 = vector.shape_cast %mul3A_630 : vector<16xf32> to vector<1x16xf32>
        tpu.vector_store %arg13[%swap3A_631, %swap3A_632], %swap3A_635 {strides = array<i32>} : memref<16x512xf32, #tpu.memory_space<vmem>>, vector<1x16xf32>,
        %mul3A_636 = arith.mulf %gather3A_406, %div3A_474 : vector<16xf32>
        %swap3A_637 = arith.index_cast %scan3A_177 : i32 to index
        %swap3A_638 = arith.constant 432 : index
        %swap3A_639 = tpu.vector_load %arg13[%swap3A_637, %swap3A_638] {strides = array<i32>} : memref<16x512xf32, #tpu.memory_space<vmem>>, vector<1x16xf32>,
        %swap3A_640 = vector.shape_cast %swap3A_639 : vector<1x16xf32> to vector<16xf32>
        %swap3A_641 = vector.shape_cast %mul3A_636 : vector<16xf32> to vector<1x16xf32>
        tpu.vector_store %arg13[%swap3A_637, %swap3A_638], %swap3A_641 {strides = array<i32>} : memref<16x512xf32, #tpu.memory_space<vmem>>, vector<1x16xf32>,
        %mul3A_642 = arith.mulf %gather3A_414, %div3A_474 : vector<16xf32>
        %swap3A_643 = arith.index_cast %scan3A_177 : i32 to index
        %swap3A_644 = arith.constant 448 : index
        %swap3A_645 = tpu.vector_load %arg13[%swap3A_643, %swap3A_644] {strides = array<i32>} : memref<16x512xf32, #tpu.memory_space<vmem>>, vector<1x16xf32>,
        %swap3A_646 = vector.shape_cast %swap3A_645 : vector<1x16xf32> to vector<16xf32>
        %swap3A_647 = vector.shape_cast %mul3A_642 : vector<16xf32> to vector<1x16xf32>
        tpu.vector_store %arg13[%swap3A_643, %swap3A_644], %swap3A_647 {strides = array<i32>} : memref<16x512xf32, #tpu.memory_space<vmem>>, vector<1x16xf32>,
        %mul3A_648 = arith.mulf %gather3A_422, %div3A_474 : vector<16xf32>
        %swap3A_649 = arith.index_cast %scan3A_177 : i32 to index
        %swap3A_650 = arith.constant 464 : index
        %swap3A_651 = tpu.vector_load %arg13[%swap3A_649, %swap3A_650] {strides = array<i32>} : memref<16x512xf32, #tpu.memory_space<vmem>>, vector<1x16xf32>,
        %swap3A_652 = vector.shape_cast %swap3A_651 : vector<1x16xf32> to vector<16xf32>
        %swap3A_653 = vector.shape_cast %mul3A_648 : vector<16xf32> to vector<1x16xf32>
        tpu.vector_store %arg13[%swap3A_649, %swap3A_650], %swap3A_653 {strides = array<i32>} : memref<16x512xf32, #tpu.memory_space<vmem>>, vector<1x16xf32>,
        %mul3A_654 = arith.mulf %gather3A_430, %div3A_474 : vector<16xf32>
        %swap3A_655 = arith.index_cast %scan3A_177 : i32 to index
        %swap3A_656 = arith.constant 480 : index
        %swap3A_657 = tpu.vector_load %arg13[%swap3A_655, %swap3A_656] {strides = array<i32>} : memref<16x512xf32, #tpu.memory_space<vmem>>, vector<1x16xf32>,
        %swap3A_658 = vector.shape_cast %swap3A_657 : vector<1x16xf32> to vector<16xf32>
        %swap3A_659 = vector.shape_cast %mul3A_654 : vector<16xf32> to vector<1x16xf32>
        tpu.vector_store %arg13[%swap3A_655, %swap3A_656], %swap3A_659 {strides = array<i32>} : memref<16x512xf32, #tpu.memory_space<vmem>>, vector<1x16xf32>,
        %mul3A_660 = arith.mulf %gather3A_438, %div3A_474 : vector<16xf32>
        %swap3A_661 = arith.index_cast %scan3A_177 : i32 to index
        %swap3A_662 = arith.constant 496 : index
        %swap3A_663 = tpu.vector_load %arg13[%swap3A_661, %swap3A_662] {strides = array<i32>} : memref<16x512xf32, #tpu.memory_space<vmem>>, vector<1x16xf32>,
        %swap3A_664 = vector.shape_cast %swap3A_663 : vector<1x16xf32> to vector<16xf32>
        %swap3A_665 = vector.shape_cast %mul3A_660 : vector<16xf32> to vector<1x16xf32>
        tpu.vector_store %arg13[%swap3A_661, %swap3A_662], %swap3A_665 {strides = array<i32>} : memref<16x512xf32, #tpu.memory_space<vmem>>, vector<1x16xf32>,
      }
      %scan3A_162 = arith.constant 16 : i32
      %mul3A_163 = arith.constant 16 : i32
      %mul3A_164 = arith.muli %add3A_147, %mul3A_163 : i32
      %add3A_165 = arith.addi %mul3A_2, %mul3A_164 : i32
      %dma_start3A_166 = arith.constant 0 : i32
      %dma_start3A_167 = tpu.memref_slice %arg4[%add3A_165, %dma_start3A_166] : memref<16384x512xf32, #tpu.memory_space<hbm>> -> memref<16x512xf32, #tpu.memory_space<hbm>>
      %dma_start3A_168 = arith.constant 0 : i32
      %dma_start3A_169 = tpu.memref_slice %arg4[%add3A_165, %dma_start3A_168] : memref<16384x512xf32, #tpu.memory_space<hbm>> -> memref<16x512xf32, #tpu.memory_space<hbm>>
      tpu.enqueue_dma source(%arg13 : memref<16x512xf32, #tpu.memory_space<vmem>>) target(%dma_start3A_169 : memref<16x512xf32, #tpu.memory_space<hbm>>) target_semaphore(%arg21 : memref<!tpu.dma_semaphore, #tpu.memory_space<semaphore_mem>>)
      %add3A_170 = arith.constant 4 : i32
      %add3A_171 = arith.addi %add3A_147, %add3A_170 : i32
      %lt3A_172 = arith.constant 32 : i32
      %lt3A_173 = arith.cmpi slt, %add3A_171, %lt3A_172 : i32
      %convert_element_type3A_174 = arith.extui %lt3A_173 : i1 to i32
      %cond3A_175 = arith.constant 0 : i32
      %cond3A_176 = arith.cmpi ne, %convert_element_type3A_174, %cond3A_175 : i32
      scf.if %cond3A_176 {
        %add3A_177 = arith.constant 4 : i32
        %add3A_178 = arith.addi %add3A_147, %add3A_177 : i32
        %mul3A_179 = arith.constant 16 : i32
        %mul3A_180 = arith.muli %add3A_178, %mul3A_179 : i32
        %add3A_181 = arith.addi %mul3A_2, %mul3A_180 : i32
        %dma_start3A_182 = arith.constant 0 : i32
        %dma_start3A_183 = tpu.memref_slice %arg2[%add3A_181, %dma_start3A_182] : memref<16384x512xi32, #tpu.memory_space<hbm>> -> memref<16x512xi32, #tpu.memory_space<hbm>>
        %dma_start3A_184 = arith.constant 0 : i32
        %dma_start3A_185 = tpu.memref_slice %arg2[%add3A_181, %dma_start3A_184] : memref<16384x512xi32, #tpu.memory_space<hbm>> -> memref<16x512xi32, #tpu.memory_space<hbm>>
        tpu.enqueue_dma source(%dma_start3A_185 : memref<16x512xi32, #tpu.memory_space<hbm>>) target(%arg9 : memref<16x512xi32, #tpu.memory_space<vmem>>) target_semaphore(%arg17 : memref<!tpu.dma_semaphore, #tpu.memory_space<semaphore_mem>>)
      } else {
      }
    }
    %scan3A_32 = arith.constant 8 : i32
    %dma_wait3A = arith.constant 0 : i32
    %dma_wait3A_33 = tpu.memref_slice %arg4[%mul3A_2, %dma_wait3A] : memref<16384x512xf32, #tpu.memory_space<hbm>> -> memref<16x512xf32, #tpu.memory_space<hbm>>
    %dma_wait3A_34 = arith.constant 0 : i32
    %dma_wait3A_35 = tpu.memref_slice %arg4[%mul3A_2, %dma_wait3A_34] : memref<16384x512xf32, #tpu.memory_space<hbm>> -> memref<16x512xf32, #tpu.memory_space<hbm>>
    tpu.wait_dma2 semaphore(%arg18 : memref<!tpu.dma_semaphore, #tpu.memory_space<semaphore_mem>>) src(%arg10 : memref<16x512xf32, #tpu.memory_space<vmem>>) dst(%dma_wait3A_35 : memref<16x512xf32, #tpu.memory_space<hbm>>)
    %dma_wait3A_36 = arith.constant 0 : i32
    %dma_wait3A_37 = tpu.memref_slice %arg4[%mul3A_2, %dma_wait3A_36] : memref<16384x512xf32, #tpu.memory_space<hbm>> -> memref<16x512xf32, #tpu.memory_space<hbm>>
    %dma_wait3A_38 = arith.constant 0 : i32
    %dma_wait3A_39 = tpu.memref_slice %arg4[%mul3A_2, %dma_wait3A_38] : memref<16384x512xf32, #tpu.memory_space<hbm>> -> memref<16x512xf32, #tpu.memory_space<hbm>>
    tpu.wait_dma2 semaphore(%arg19 : memref<!tpu.dma_semaphore, #tpu.memory_space<semaphore_mem>>) src(%arg11 : memref<16x512xf32, #tpu.memory_space<vmem>>) dst(%dma_wait3A_39 : memref<16x512xf32, #tpu.memory_space<hbm>>)
    %dma_wait3A_40 = arith.constant 0 : i32
    %dma_wait3A_41 = tpu.memref_slice %arg4[%mul3A_2, %dma_wait3A_40] : memref<16384x512xf32, #tpu.memory_space<hbm>> -> memref<16x512xf32, #tpu.memory_space<hbm>>
    %dma_wait3A_42 = arith.constant 0 : i32
    %dma_wait3A_43 = tpu.memref_slice %arg4[%mul3A_2, %dma_wait3A_42] : memref<16384x512xf32, #tpu.memory_space<hbm>> -> memref<16x512xf32, #tpu.memory_space<hbm>>
    tpu.wait_dma2 semaphore(%arg20 : memref<!tpu.dma_semaphore, #tpu.memory_space<semaphore_mem>>) src(%arg12 : memref<16x512xf32, #tpu.memory_space<vmem>>) dst(%dma_wait3A_43 : memref<16x512xf32, #tpu.memory_space<hbm>>)
    %dma_wait3A_44 = arith.constant 0 : i32
    %dma_wait3A_45 = tpu.memref_slice %arg4[%mul3A_2, %dma_wait3A_44] : memref<16384x512xf32, #tpu.memory_space<hbm>> -> memref<16x512xf32, #tpu.memory_space<hbm>>
    %dma_wait3A_46 = arith.constant 0 : i32
    %dma_wait3A_47 = tpu.memref_slice %arg4[%mul3A_2, %dma_wait3A_46] : memref<16384x512xf32, #tpu.memory_space<hbm>> -> memref<16x512xf32, #tpu.memory_space<hbm>>
    tpu.wait_dma2 semaphore(%arg21 : memref<!tpu.dma_semaphore, #tpu.memory_space<semaphore_mem>>) src(%arg13 : memref<16x512xf32, #tpu.memory_space<vmem>>) dst(%dma_wait3A_47 : memref<16x512xf32, #tpu.memory_space<hbm>>)
    return
  }
}

</mosaic_0001>

<sc_bundles>
// kernel: kernel.3.cloned.1.call-start
scs
__scs_entry_jumppad:
0x0: {  	(pc) =	sbr.rel $0x88, $3  }
0x1: {  	(tag) =	ssettag $0x0;
	lr =	simm.s32 $0x1  }
0x2: {  	[smem:$0x3F9F] =	sst lr;
	_ =	strace $0xD0000000  }
0x3: {  	_ = 	snop  }
0x4: {  	_ = 	snop  }
0x5: {  	_ = 	snop  }
0x6: {  	_ = 	snop  }
0x7: {  	_ = 	snop  }
__scs_overlays_trampoline_lowered:
0x8: {  	[smem:$0x3FAE] =	sst s0  }
0x9: {  	[smem:$0x3FAF] =	sst s1  }
0xa: {  	[smem:$0x3FB0] =	sst s2  }
0xb: {  	[smem:$0x3FB1] =	sst s3  }
0xc: {  	[smem:$0x3FB2] =	sst s4  }
0xd: {  	[smem:$0x3FB3] =	sst s5  }
0xe: {  	[smem:$0x3FB4] =	sst s6  }
0xf: {  	[smem:$0x3FB5] =	sst s7  }
0x10: {  	[smem:$0x3FB6] =	sst s8  }
0x11: {  	[smem:$0x3FB7] =	sst s9;
	s0 =	simm.s32 @!p0 $0x0  }
0x12: {  	s1 =	sld [smem:$0x3F9D];
	s0 =	simm.s32 @p0 $0x1  }
0x13: {  	[smem:$0x3FB8] =	sst s0;
	s0 =	simm.s32 @!p1 $0x0  }
0x14: {  	s2 =	sld [smem:$0x3F9C];
	s0 =	simm.s32 @p1 $0x1  }
0x15: {  	[smem:$0x3FB9] =	sst s0;
	s0 =	simm.s32 @!p2 $0x0  }
0x16: {  	s3 =	sld [smem:$0x3FDB];
	s0 =	simm.s32 @p2 $0x1  }
0x17: {  	s4 =	simm.s32 $0x1BF5;
	[smem:$0x3FBB] =	sst s0  }
0x18: {  	s0 =	sld [smem:$0x3F9E];
	_ =	swait.ge [sflag:s4], $0x0  }
0x19: {  	s7 =	sld [smem:$0x3F9F]  }
0x1a: {  	s8 =	sadd.s32 $0xFFFFE003, lr  }
0x1b: {  	s9 =	sadd.s32 $0xFFFFFEF7, lr;
	s5 =	simm.s32 $0xFFFFFFFF;
	p2 =	slt.u32 s8, $0xFFFFF086  }
0x1c: {  	p1 =	slt.u32 s9, $0xF7A;
	s5 =	simm.s32 @!p2 $0x0  }
0x1d: {  	s5 =	simm.s32 @p1 $0x1;
	p0 =	seq.s32 s7, s2  }
0x1e: {  	s7 =	smul.u32 @!p0 $0xF7A, s2;
	p2 =	seq.s32 @!p0 s5, $0x0  }
0x1f: {  	s9 =	smul.u32 $0xF7A, s1;
	s8 =	simm.s32 @!p0 $0x1BF5;
	p2 =	por !p2, p0  }
0x20: {  	[sflag:s8] =	ssyncset.s32 @!p0 $0xFFFFF086;
	s6 =	sadd.s32 @!p0 s3, s7;
	s7 =	simm.s32 @!p0 $0x108  }
0x21: {  	s3 =	sadd.s32 s3, s9;
	s6 =	sadd.s32 @!p0 $0x88, s6;
	s7 =	simm.s32 @p2 $0x1082  }
0x22: {  	[simem:s7], [sflag:s8] =	dma.local @!p0 [hbm:s6], $0xF7A  }
0x23: {  	s9 =	sor.u32 $0xD0000000, s2;
	s6 =	simm.s32 $0x108;
	_ =	swait.ge @!p0 [sflag:s8], $0x0  }
0x24: {  	s3 =	sadd.s32 $0x88, s3;
	s6 =	simm.s32 @!p1 $0x1082;
	[sflag:s4] =	ssyncset.s32 $0xFFFFF086  }
0x25: {  	[simem:s6], [sflag:s4] =	dma.local [hbm:s3], $0xF7A  }
0x26: {  	[smem:$0x3F9F] =	sst s1;
	(tag) =	ssettag s2;
	_ =	strace s9  }
0x27: {  	s1 =	sld [smem:$0x3FAF]  }
0x28: {  	s2 =	sld [smem:$0x3FB0]  }
0x29: {  	s4 =	sld [smem:$0x3FB2]  }
0x2a: {  	p0 =	seq.s32 s5, $0x0;
	s5 =	sld [smem:$0x3FB3]  }
0x2b: {  	s6 =	sld [smem:$0x3FB4]  }
0x2c: {  	s7 =	sld [smem:$0x3FB5]  }
0x2d: {  	s3 =	simm.s32 $0x108;
	s8 =	sld [smem:$0x3FB6]  }
0x2e: {  	s3 =	simm.s32 @!p0 $0x1082;
	s9 =	sld [smem:$0x3FB7]  }
0x2f: {  	lr =	sadd.s32 s0, s3;
	s0 =	sld [smem:$0x3FAE]  }
0x30: {  	s3 =	sld [smem:$0x3FB1]  }
0x31: {  	[smem:$0x3FBA] =	sst s10  }
0x32: {  	s10 =	sld [smem:$0x3FB8];
	_ =	sdelay $0x3  }
0x33: {  	p0 =	seq.s32 s10, $0x1;
	s10 =	sld [smem:$0x3FBA];
	_ =	sdelay $0x3  }
0x34: {  	[smem:$0x3FBA] =	sst s10  }
0x35: {  	s10 =	sld [smem:$0x3FB9];
	_ =	sdelay $0x3  }
0x36: {  	p1 =	seq.s32 s10, $0x1;
	s10 =	sld [smem:$0x3FBA];
	_ =	sdelay $0x3  }
0x37: {  	[smem:$0x3FBA] =	sst s10  }
0x38: {  	s10 =	sld [smem:$0x3FBB]  }
0x39: {  	_ = 	snop;
	(pc) =	sbr.ind lr, $3  }
0x3a: {  	_ = 	snop  }
0x3b: {  	_ = 	snop  }
0x3c: {  	p2 =	seq.s32 s10, $0x1;
	s10 =	sld [smem:$0x3FBA]  }
0x3d: {  	_ =	shalt  }
0x3e: {  	_ =	shalt  }
0x3f: {  	_ =	shalt  }
0x40: {  	_ =	shalt  }
0x41: {  	_ =	shalt  }
0x42: {  	_ =	shalt  }
0x43: {  	_ =	shalt  }
0x44: {  	_ =	shalt  }
0x45: {  	_ =	shalt  }
0x46: {  	_ =	shalt  }
0x47: {  	_ =	shalt  }
0x48: {  	_ =	shalt  }
0x49: {  	_ =	shalt  }
0x4a: {  	_ =	shalt  }
0x4b: {  	_ =	shalt  }
0x4c: {  	_ =	shalt  }
0x4d: {  	_ =	shalt  }
0x4e: {  	_ =	shalt  }
0x4f: {  	_ =	shalt  }
0x50: {  	_ =	shalt  }
0x51: {  	_ =	shalt  }
0x52: {  	_ =	shalt  }
0x53: {  	_ =	shalt  }
0x54: {  	_ =	shalt  }
0x55: {  	_ =	shalt  }
0x56: {  	_ =	shalt  }
0x57: {  	_ =	shalt  }
0x58: {  	_ =	shalt  }
0x59: {  	_ =	shalt  }
0x5a: {  	_ =	shalt  }
0x5b: {  	_ =	shalt  }
0x5c: {  	_ =	shalt  }
0x5d: {  	_ =	shalt  }
0x5e: {  	_ =	shalt  }
0x5f: {  	_ =	shalt  }
0x60: {  	_ =	shalt  }
0x61: {  	_ =	shalt  }
0x62: {  	_ =	shalt  }
0x63: {  	_ =	shalt  }
0x64: {  	_ =	shalt  }
0x65: {  	_ =	shalt  }
0x66: {  	_ =	shalt  }
0x67: {  	_ =	shalt  }
0x68: {  	_ =	shalt  }
0x69: {  	_ =	shalt  }
0x6a: {  	_ =	shalt  }
0x6b: {  	_ =	shalt  }
0x6c: {  	_ =	shalt  }
0x6d: {  	_ =	shalt  }
0x6e: {  	_ =	shalt  }
0x6f: {  	_ =	shalt  }
0x70: {  	_ =	shalt  }
0x71: {  	_ =	shalt  }
0x72: {  	_ =	shalt  }
0x73: {  	_ =	shalt  }
0x74: {  	_ =	shalt  }
0x75: {  	_ =	shalt  }
0x76: {  	_ =	shalt  }
0x77: {  	_ =	shalt  }
0x78: {  	_ =	shalt  }
0x79: {  	_ =	shalt  }
0x7a: {  	_ =	shalt  }
0x7b: {  	_ =	shalt  }
0x7c: {  	_ =	shalt  }
0x7d: {  	_ =	shalt  }
0x7e: {  	_ =	shalt  }
0x7f: {  	_ =	shalt  }
0x80: {  	_ =	shalt  }
0x81: {  	_ =	shalt  }
0x82: {  	_ =	shalt  }
0x83: {  	_ =	shalt  }
0x84: {  	_ =	shalt  }
0x85: {  	_ =	shalt  }
0x86: {  	_ =	shalt  }
0x87: {  	_ =	shalt  }
.Lfunc_end0:
.L_simem_size_0:
called_computation_lowered:
.L_overlay_start_0:
0x88: {  	s2 =	sld [smem:$0x3FD9]  }
0x89: {  	s3 =	sld [smem:$0x3FFE];
	_ =	sdelay $0x1  }
0x8a: {  	s1 =	srdreg.scid  }
0x8b: {  	s0 =	sand.u32 $0x1, s1  }
0x8c: {  	s18 =	sshll.u32 s0, $0xA;
	s2 =	sadd.s32 s3, s2  }
0x8d: {  	s2 =	sadd.s32 s2, s18  }
0x8e: {  	[smem:$0x3FC6] =	sst s2  }
0x8f: {  	_ = 	snop  }
0x90: {  	s2 =	sld [smem:$0x3FC9]  }
0x91: {  	s19 =	sld [smem:$0x3FC8]  }
0x92: {  	s4 =	sld [smem:$0x3FD0];
	(tm) =	ssettm $0x1  }
0x93: {  	s5 =	sld [smem:$0x3FFB];
	_ =	sdelay $0x3  }
0x94: {  	_ =	strace s5  }
0x95: {  	s5 =	sld [smem:$0x3FFC];
	_ =	sdelay $0x3  }
0x96: {  	_ =	strace s5  }
0x97: {  	s5 =	sld [smem:$0x3FFD];
	_ =	sdelay $0x3  }
0x98: {  	_ =	strace s5  }
0x99: {  	_ =	strace $0x8FFFFFFF  }
0x9a: {  	s20 =	sld [smem:$0x3FDB];
	_ =	sdelay $0x1  }
0x9b: {  	s6 =	simm.s32 $_scs_section_size  }
0x9c: {  	s7 =	simm.s32 $_size__tile_overlayer_lowered;
	s8 =	simm.s32 $_tile_overlayer_lowered  }
0x9d: {  	s23 =	simm.s32 $0x1BFF;
	s22 =	sshll.u32 s8, $0x1;
	s5 =	sadd.s32 s6, s20  }
0x9e: {  	s9 =	simm.s32 $0x0;
	s21 =	sshll.u32 s7, $0x1;
	s7 =	sadd.s32 s22, s5  }
0x9f: {  	[timem:s9], [sflag:s23] =	dma.local [hbm:s7], s21  }
0xa0: {  	_ =	swait.ge [sflag:s23], s21  }
0xa1: {  	s6 =	ssub.s32 $0x0, s21;
	[sflag:s23] =	ssyncset.done $0x0  }
0xa2: {  	[sflag:s23] =	ssyncadd.s32 s6;
	_ =	sdelay $0x1  }
0xa3: {  	s24 =	simm.s32 $0x1B8B  }
0xa4: {  	_ =	swait.ge [sflag:s24], $0x1  }
0xa5: {  	[sflag:s24] =	ssyncset.done $0x0  }
0xa6: {  	s25 =	simm.s32 $0x1B8E;
	[sflag:s24] =	ssyncadd.s32 $0xFFFFFFFF  }
0xa7: {  	s26 =	simm.s32 $execute0_lowered;
	[smem:$0x3FD2] =	sst s25  }
0xa8: {  	s6 =	sshll.u32 s26, $0x1;
	_ =	strace $0x80000046;
	[dreg:$0x1] =	wrdreg $0xFFFFFFFF  }
0xa9: {  	s28 =	simm.s32 $_size_execute0_lowered;
	s5 =	sadd.s32 s5, s6;
	[dreg:$0x0] =	wrdreg $0x0  }
0xaa: {  	s6 =	sshll.u32 s28, $0x1;
	[dreg:$0x2] =	wrdreg s5  }
0xab: {  	[dreg:$0x3] =	wrdreg s6  }
0xac: {  	[dreg:$0x4] =	wrdreg $0xC0  }
0xad: {  	_ =	task [dreg:s9], $0x5FFFF  }
0xae: {  	[dreg:$0x1] =	wrdreg $0xFFFFFFFF  }
0xaf: {  	[dreg:$0x0] =	wrdreg $0x60  }
0xb0: {  	[dreg:$0x2] =	wrdreg s2  }
0xb1: {  	[dreg:$0x3] =	wrdreg s19  }
0xb2: {  	[dreg:$0x4] =	wrdreg s4  }
0xb3: {  	[dreg:$0x5] =	wrdreg $0x9  }
0xb4: {  	_ =	task.clear_ibuf [dreg:s9], $0x6FFFF;
	_ =	strace $0x90000046  }
0xb5: {  	s29 =	simm.s32 $0x9;
	_ =	strace $0x80000048  }
0xb6: {  	_ =	swait.ge [sflag:s29], $0x1  }
0xb7: {  	[sflag:s29] =	ssyncadd.s32 $0xFFFFFFFF  }
0xb8: {  	_ =	strace $0x90000048  }
0xb9: {  	_ =	sfence  }
0xba: {  	s30 =	sld [smem:$0x0];
	_ =	sdelay $0x2  }
0xbb: {  	s31 =	sshll.u32 s1, $0xD;
	s1 =	sshrl.u32 s1, $0x2  }
0xbc: {  	s3 =	sand.u32 $0x4000, s31;
	s1 =	sadd.s32 s1, s30  }
0xbd: {  	s0 =	sor.u32 s3, s0;
	s1 =	sshll.u32 s1, $0x11  }
0xbe: {  	s0 =	sor.u32 s1, s0  }
0xbf: {  	s0 =	sadd.s32 $0x8F2B, s0  }
0xc0: {  	[sflag:s0] =	ssyncadd.remote.s32 $0x1  }
0xc1: {  	_ =	sfence.sel $0xFFFF  }
0xc2: {  	[dreg:$0x0] =	wrdreg $0xFFFFFFFF;
	(pc) =	sbr.abs _section_cstart, $3  }
0xc3: {  	[dreg:$0x1] =	wrdreg $0xFFFFFFFF  }
0xc4: {  	_ =	task.clear_ibuf [dreg:s9], $0x2FFFF;
	_ =	strace $0x9FFFFFFF  }
0xc5: {  	(tm) =	ssettm $0x7FFFFFFF  }
tec
execute0_lowered:
.L_overlay_start_1:
0x0: {  	(tag) =	ssettag $0x1  }
0x1: {  	s0 =	rddreg [dreg:$0x0];
	s1 =	srdreg.scid  }
0x2: {  	s2 =	stileid.u32;
	s3 =	rddreg [dreg:$0x2]  }
0x3: {  	v0 =	vimm.s32 $0xFEDCBA98;
	s4 =	simm.s32 $0x0;
	v1 =	vimm.s32 $0x76543210;
	s18 =	simm.s32 $0x80;
	s19 =	simm.s32 $0x4080  }
0x4: {  	v2 =	vimm.s32 $0xBA98FEDC;
	v3 =	vimm.s32 $0x32107654;
	s20 =	simm.s32 $0x6080;
	s21 =	simm.s32 $0x1;
	s22 =	simm.s32 $0x8080  }
0x5: {  	v4 =	vimm.s32 $0xDCFE98BA;
	v5 =	vimm.s32 $0x54761032;
	s23 =	simm.s32 $0x2;
	s28 =	simm.s32 $0x7;
	s29 =	simm.s32 $0xC080  }
0x6: {  	v6 =	vimm.s32 $0xEFCDAB89;
	v7 =	vimm.s32 $0x67452301;
	s30 =	simm.s32 $0x4;
	s31 =	simm.s32 $0x8;
	s1 =	sand.u32 $0x1, s1;
	v0 =	vunpack.c.l.s4.s8 v0  }
0x7: {  	s2 =	sshll.u32 s2, $0xA;
	v1 =	vunpack.c.l.s4.s8 v1;
	v2 =	vunpack.c.l.s4.s8 v2;
	v3 =	vunpack.c.l.s4.s8 v3;
	s5 =	sshll.u32 s1, $0x9;
	s1 =	ssub.s32 $0x2, s1  }
0x8: {  	[smem:$0x7FF] =	sst s4;
	v4 =	vunpack.c.l.s4.s8 v4;
	v5 =	vunpack.c.l.s4.s8 v5;
	v6 =	vunpack.c.l.s4.s8 v6;
	s5 =	sor.u32 s5, s2;
	s6 =	sshrl.u32 s1, $0x1  }
0x9: {  	v7 =	vunpack.c.l.s4.s8 v7;
	_ =	strace $0x80000047;
	v2 =	vunpack.c.0.s8.s32 v2;
	v3 =	vunpack.c.0.s8.s32 v3;
	s2 =	sshll.u32 s5, $0x6;
	s26 =	ssub.s32 s1, s6  }
0xa: {  	v0 =	vunpack.c.0.s8.s32 v0;
	v4 =	vunpack.c.0.s8.s32 v4;
	v5 =	vunpack.c.0.s8.s32 v5;
	s1 =	simm.s32 $0x0;
	s7 =	sadd.s32 s0, s2;
	s16 =	sadd.s32 s3, s2  }
0xb: {  	v6 =	vunpack.c.0.s8.s32 v6;
	v7 =	vunpack.c.0.s8.s32 v7;
	v20 =	vcombine.low v3, v2;
	s2 =	simm.s32 $0xE080;
	s0 =	sadd.s32 $0x400, s7;
	s24 =	sadd.s32 $0x800, s7  }
.Ltmp0:
0xc: {  	v1 =	vunpack.c.0.s8.s32 v1;
	v21 =	vcombine.low v5, v4;
	s25 =	sadd.s32 $0xC00, s7;
	[dreg:$0x4] =	wrdreg s7;
	(pc) =	sbr.rel .LBB2_1-.Ltmp0, $4  }
0xd: {  	v0 =	vand.u32 $0xF, v0;
	v22 =	vcombine.low v7, v6;
	s10 =	sadd.s32 $0x1000, s7;
	s11 =	sadd.s32 $0x1400, s7;
	[dreg:$0x5] =	wrdreg s0;
	[tilespmem:$0x1FFD0] =	vst v20  }
0xe: {  	s12 =	sadd.s32 $0x1800, s7;
	s13 =	sadd.s32 $0x1C00, s7;
	v17 =	vcombine.low v0, v1;
	[dreg:$0x6] =	wrdreg s24;
	[tilespmem:$0x1FFE0] =	vst v21  }
0xf: {  	[dreg:$0x7] =	wrdreg s25;
	s0 =	smax.u32 s26, $0x1;
	s24 =	simm.s32 $0x6;
	[tilespmem:$0x1FFF0] =	vst v22  }
0x10: {  	s25 =	simm.s32 $0xA080;
	s26 =	simm.s32 $0x3;
	[dreg:$0x8] =	wrdreg s0;
	[tilespmem:$0x1FFC0] =	vst v17  }
.LBB2_24:
0x11: {  	s0 =	simm.s32 $0x5  }
0x12: {  	_ =	swait.ge [sflag:s0], $0x2000  }
0x13: {  	[sflag:s0] =	ssyncset.done $0x0  }
0x14: {  	[sflag:s0] =	ssyncadd.s32 $0xFFFFE000  }
0x15: {  	_ =	swait.ge [sflag:s24], $0x2000  }
0x16: {  	[sflag:s24] =	ssyncset.done $0x0  }
0x17: {  	[sflag:s24] =	ssyncadd.s32 $0xFFFFE000  }
0x18: {  	_ =	swait.ge [sflag:s28], $0x2000  }
0x19: {  	[sflag:s28] =	ssyncset.done $0x0  }
0x1a: {  	[sflag:s28] =	ssyncadd.s32 $0xFFFFE000  }
0x1b: {  	_ =	swait.ge [sflag:s31], $0x2000  }
0x1c: {  	s1 =	rddreg [dreg:$0x9]  }
0x1d: {  	s17 =	rddreg [dreg:$0x8];
	s1 =	sadd.s32 $0x1, s1  }
0x1e: {  	p0 =	sne.s32 s1, s17  }
.Ltmp1:
0x1f: {  	_ = 	snop;
	(pc) =	sbr.rel @!p0 .LBB2_25-.Ltmp1, $3  }
0x20: {  	_ =	sdelay $0x1  }
0x21: {  	[sflag:s31] =	ssyncset.done $0x0  }
0x22: {  	[sflag:s31] =	ssyncadd.s32 $0xFFFFE000  }
.LBB2_1:
0x23: {  	[dreg:$0x9] =	wrdreg s1  }
0x24: {  	s0 =	rddreg [dreg:$0x1];
	s7 =	simm.s32 $0x9  }
0x25: {  	[tilespmem:s4], [sflag:$0x9] =	stream.linear.gather [hbm4b:s0+s4], $0x4, $0x38;
	[tilespmem:$0x10080] =	vst v63  }
0x26: {  	_ =	swait.ge [sflag:s7], $0x4  }
0x27: {  	[sflag:s7] =	ssyncset.done $0x0  }
0x28: {  	s8 =	rddreg [dreg:$0x4];
	[sflag:s7] =	ssyncadd.s32 $0xFFFFFFFC  }
0x29: {  	v4 =	vld [tilespmem:$0x0];
	[tilespmem:s18], [sflag:$0x1] =	stream.linear.gather [hbm4b:s8+s4], $0x2000, $0x38  }
0x2a: {  	s14 =	simm.s32 $0x2080;
	s9 =	rddreg [dreg:$0x5]  }
0x2b: {  	[tilespmem:s14], [sflag:$0x2] =	stream.linear.gather [hbm4b:s9+s4], $0x2000, $0x38;
	[tilespmem:$0x10080] =	vst v63  }
0x2c: {  	s15 =	rddreg [dreg:$0x6]  }
0x2d: {  	[tilespmem:s19], [sflag:$0x3] =	stream.linear.gather [hbm4b:s15+s4], $0x2000, $0x38;
	[tilespmem:$0x10080] =	vst v63  }
0x2e: {  	s17 =	rddreg [dreg:$0x7];
	s7 =	simm.s32 $0x0  }
0x2f: {  	[tilespmem:s20], [sflag:$0x4] =	stream.linear.gather [hbm4b:s17+s4], $0x2000, $0x38;
	[tilespmem:$0x10080] =	vst v63  }
.LBB2_2:
0x30: {  	_ =	swait.ge [sflag:s21], $0x2000  }
0x31: {  	p0 =	seq.s32 s7, $0x0;
	[sflag:s21] =	ssyncset.done $0x0  }
0x32: {  	s0 =	simm.s32 @!p0 $0x5;
	[sflag:s21] =	ssyncadd.s32 $0xFFFFE000  }
0x33: {  	s1 =	simm.s32 $0x0;
	_ =	swait.ge @!p0 [sflag:s0], $0x2000  }
0x34: {  	s6 =	sand.u32 $0x1000, s1;
	s1 =	sand.u32 $0x380, s1;
	[sflag:s0] =	ssyncset.done @!p0 $0x0  }
0x35: {  	s17 =	sor.u32 s1, s6;
	[sflag:s0] =	ssyncadd.s32 @!p0 $0xFFFFE000  }
0x36: {  	v0 =	vld [tilespmem:s17+$0xCC0]  }
0x37: {  	v1 =	vld [tilespmem:s17+$0xCD0]  }
0x38: {  	v2 =	vld [tilespmem:s17+$0xC80]  }
0x39: {  	v3 =	vld [tilespmem:s17+$0xC90]  }
0x3a: {  	v5 =	vld [tilespmem:s17+$0x8C0]  }
0x3b: {  	v6 =	vld [tilespmem:s17+$0x8D0]  }
0x3c: {  	v7 =	vld [tilespmem:s17+$0x880]  }
0x3d: {  	v8 =	vld [tilespmem:s17+$0x890]  }
0x3e: {  	v9 =	vld [tilespmem:s17+$0x4C0]  }
0x3f: {  	v10 =	vld [tilespmem:s17+$0x4D0]  }
0x40: {  	v11 =	vld [tilespmem:s17+$0x480]  }
0x41: {  	v12 =	vld [tilespmem:s17+$0x490]  }
0x42: {  	v13 =	vld [tilespmem:s17+$0xC0]  }
0x43: {  	v14 =	vld [tilespmem:s17+$0xD0]  }
0x44: {  	v15 =	vperm.xlane v4, v0;
	v16 =	vperm.xlane v4, v1;
	v0 =	vld [tilespmem:s17+$0x80]  }
0x45: {  	v19 =	vperm.xlane v4, v2;
	v18 =	vperm.xlane v4, v3;
	v1 =	vld [tilespmem:s17+$0x90]  }
0x46: {  	v24 =	vperm.xlane v4, v5;
	v23 =	vperm.xlane v4, v6;
	v2 =	vld [tilespmem:s17+$0xA0]  }
0x47: {  	v25 =	vperm.xlane v4, v7;
	v26 =	vperm.xlane v4, v8;
	v3 =	vld [tilespmem:s17+$0xB0]  }
0x48: {  	v46 =	vperm.xlane v4, v9;
	v5 =	vld [tilespmem:s17+$0xE0];
	v34 =	vperm.xlane v4, v10  }
0x49: {  	v6 =	vld [tilespmem:s17+$0xF0];
	v42 =	vperm.xlane v4, v11;
	v47 =	vperm.xlane v4, v12  }
0x4a: {  	v32 =	vperm.xlane v4, v13;
	v28 =	vperm.xlane v4, v14;
	v7 =	vld [tilespmem:s17+$0x4A0]  }
0x4b: {  	v36 =	vperm.xlane v4, v0;
	v37 =	vperm.xlane v4, v1;
	v0 =	vld [tilespmem:s17+$0x4B0]  }
0x4c: {  	v1 =	vld [tilespmem:s17+$0x4E0];
	v35 =	vperm.xlane v4, v2;
	v30 =	vperm.xlane v4, v3  }
0x4d: {  	v31 =	vperm.xlane v4, v5;
	v5 =	vld [tilespmem:s17+$0x4F0];
	v2 =	vadd.f32 $0.0e+00, v36;
	v3 =	vadd.f32 $0.0e+00, v37  }
0x4e: {  	v44 =	vperm.xlane v4, v6;
	v6 =	vld [tilespmem:s17+$0x8A0];
	v8 =	vadd.f32 $0.0e+00, v35;
	v50 =	vadd.f32 $0.0e+00, v30  }
0x4f: {  	v57 =	vperm.xlane v4, v7;
	v7 =	vld [tilespmem:s17+$0x8B0];
	v2 =	vadd.f32 v32, v2;
	v3 =	vadd.f32 v28, v3  }
0x50: {  	v8 =	vadd.f32 v31, v8;
	v9 =	vadd.f32 v44, v50;
	v58 =	vperm.xlane v4, v0;
	v0 =	vld [tilespmem:s17+$0x8E0]  }
0x51: {  	v48 =	vperm.xlane v4, v1;
	v1 =	vadd.f32 v42, v2;
	v2 =	vadd.f32 v47, v3;
	v3 =	vld [tilespmem:s17+$0x8F0]  }
0x52: {  	v53 =	vperm.xlane v4, v5;
	v5 =	vld [tilespmem:s17+$0xCA0];
	v8 =	vadd.f32 v57, v8;
	v9 =	vadd.f32 v58, v9  }
0x53: {  	v50 =	vperm.xlane v4, v6;
	v6 =	vld [tilespmem:s17+$0xCB0];
	v1 =	vadd.f32 v46, v1;
	v2 =	vadd.f32 v34, v2  }
0x54: {  	v54 =	vperm.xlane v4, v7;
	v7 =	vld [tilespmem:s17+$0xCE0];
	v8 =	vadd.f32 v48, v8;
	v9 =	vadd.f32 v53, v9  }
0x55: {  	v1 =	vadd.f32 v25, v1;
	v2 =	vadd.f32 v26, v2;
	v61 =	vperm.xlane v4, v0;
	v0 =	vld [tilespmem:s17+$0xCF0]  }
0x56: {  	v8 =	vadd.f32 v50, v8;
	v9 =	vadd.f32 v54, v9;
	v56 =	vperm.xlane v4, v3  }
0x57: {  	v62 =	vperm.xlane v4, v5;
	v1 =	vadd.f32 v24, v1;
	v2 =	vadd.f32 v23, v2  }
0x58: {  	v55 =	vperm.xlane v4, v6;
	v3 =	vadd.f32 v61, v8;
	v5 =	vadd.f32 v56, v9  }
0x59: {  	v6 =	vperm.xlane v4, v7;
	v1 =	vadd.f32 v19, v1;
	v2 =	vadd.f32 v18, v2  }
0x5a: {  	v3 =	vadd.f32 v62, v3;
	v5 =	vadd.f32 v55, v5;
	v0 =	vperm.xlane v4, v0  }
0x5b: {  	v1 =	vadd.f32 v15, v1;
	v2 =	vadd.f32 v16, v2  }
0x5c: {  	v3 =	vadd.f32 v6, v3;
	v5 =	vadd.f32 v0, v5;
	_ =	sdelay $0x1  }
0x5d: {  	s1 =	simm.s32 $0x200;
	s6 =	simm.s32 $0x80;
	v1 =	vadd.f32 v2, v1;
	v2 =	vadd.f32 v5, v3  }
0x5e: {  	s0 =	sand.u32 $0x1000, s1;
	s1 =	sand.u32 $0x380, s6  }
0x5f: {  	s9 =	sor.u32 s1, s0;
	v1 =	vadd.f32 v2, v1  }
0x60: {  	v51 =	vld [tilespmem:s9+$0x8D0]  }
0x61: {  	v41 =	vld [tilespmem:s9+$0x4E0];
	[tilespmem:$0x1FFA0] =	vst v6;
	v6 =	vperm.xlane v1, v17  }
0x62: {  	v27 =	vld [tilespmem:s9+$0xA0]  }
0x63: {  	v29 =	vld [tilespmem:s9+$0xB0];
	v1 =	vadd.f32 v1, v6  }
0x64: {  	v39 =	vld [tilespmem:s9+$0xF0]  }
0x65: {  	v49 =	vld [tilespmem:s9+$0x8A0];
	v6 =	vperm.xlane v1, v20  }
0x66: {  	v59 =	vld [tilespmem:s9+$0x8E0]  }
0x67: {  	v60 =	vld [tilespmem:s9+$0x8F0];
	v1 =	vadd.f32 v1, v6  }
0x68: {  	v63 =	vld [tilespmem:s9+$0xCA0]  }
0x69: {  	v12 =	vld [tilespmem:s9+$0x880];
	v6 =	vperm.xlane v1, v21  }
0x6a: {  	v13 =	vld [tilespmem:s9+$0x890]  }
0x6b: {  	v14 =	vld [tilespmem:s9+$0x4C0];
	v1 =	vadd.f32 v1, v6  }
0x6c: {  	v7 =	vld [tilespmem:s9+$0xC90]  }
0x6d: {  	v8 =	vld [tilespmem:s9+$0x8C0];
	v6 =	vperm.xlane v1, v22  }
0x6e: {  	[tilespmem:$0x1FF70] =	vst v18;
	v18 =	vld [tilespmem:s9+$0x490]  }
0x6f: {  	[tilespmem:$0x1FF80] =	vst v15;
	v15 =	vld [tilespmem:s9+$0x4D0];
	v1 =	vadd.f32 v1, v6  }
0x70: {  	[tilespmem:$0x1FF90] =	vst v16;
	v16 =	vld [tilespmem:s9+$0x480]  }
0x71: {  	v2 =	vld [tilespmem:s9+$0xCD0];
	(erf) = vrcp.f32 v1  }
0x72: {  	v10 =	vmov v20;
	[tilespmem:$0x1FF60] =	vst v19;
	v20 =	vld [tilespmem:s9+$0xD0]  }
0x73: {  	[tilespmem:$0x1FF40] =	vst v24;
	v9 =	vperm.xlane v4, v13;
	v19 =	vld [tilespmem:s9+$0xC0];
	v24 =	vperm.xlane v4, v7  }
0x74: {  	v11 =	vmov v21;
	[tilespmem:$0x1FF30] =	vst v26;
	v7 =	vperm.xlane v4, v51;
	v26 =	vperm.xlane v4, v8;
	v21 =	vld [tilespmem:s9+$0x80]  }
0x75: {  	v38 =	vmov v22;
	v8 =	vperm.xlane v4, v12;
	v12 =	vperm.xlane v4, v14;
	v22 =	vld [tilespmem:s9+$0x90]  }
0x76: {  	v14 =	vmov v24;
	v3 =	vld [tilespmem:s9+$0xCC0];
	v13 =	vperm.xlane v4, v15;
	v24 =	vperm.xlane v4, v16  }
0x77: {  	[tilespmem:$0x1FF50] =	vst v23;
	v5 =	vld [tilespmem:s9+$0xC80];
	v16 =	vmov v12;
	v23 =	vperm.xlane v4, v2;
	v12 =	vperm.xlane v4, v20  }
0x78: {  	v15 =	vperm.xlane v4, v18;
	v18 =	vmov v13;
	v13 =	vperm.xlane v4, v19;
	v1 =	vld [tilespmem:s9+$0xE0]  }
0x79: {  	v51 =	vld [tilespmem:s9+$0x8B0];
	v19 =	vmovc v23;
	v23 =	vperm.xlane v4, v27;
	v27 =	vmov v12;
	v12 =	vperm.xlane v4, v29  }
0x7a: {  	[tilespmem:$0x1FE90] =	vst v13;
	v2 =	vld [tilespmem:s9+$0x4A0];
	v20 =	vperm.xlane v4, v21;
	v22 =	vperm.xlane v4, v22;
	v33 =	vpop (erf)  }
0x7b: {  	[tilespmem:$0x1FE80] =	vst v23;
	v40 =	vadd.f32 $0.0e+00, v23;
	v6 =	vperm.xlane v4, v3;
	v3 =	vld [tilespmem:s9+$0x4B0];
	v0 =	vmul.f32 v33, v0  }
0x7c: {  	v43 =	vperm.xlane v4, v5;
	v5 =	vld [tilespmem:s9+$0x4F0];
	v29 =	vmovc v26;
	[tilespmem:$0x1FEA0] =	vst v12;
	v45 =	vadd.f32 $0.0e+00, v12;
	v52 =	vadd.f32 $0.0e+00, v22  }
0x7d: {  	v21 =	vmovc v24;
	v24 =	vld [tilespmem:s9+$0xCB0];
	v26 =	vperm.xlane v4, v1;
	v36 =	vmul.f32 v33, v36;
	[tilespmem:s17+$0x8CF0] =	vst v0;
	v0 =	vadd.f32 $0.0e+00, v20  }
0x7e: {  	[tilespmem:$0x1FE60] =	vst v20;
	v52 =	vadd.f32 v27, v52;
	v37 =	vmul.f32 v33, v37;
	v20 =	vperm.xlane v4, v39;
	v1 =	vld [tilespmem:s9+$0xCE0]  }
0x7f: {  	s8 =	simm.s32 $0x400;
	s14 =	simm.s32 $0x100;
	v39 =	vperm.xlane v4, v2;
	v23 =	vld [tilespmem:s9+$0xCF0];
	[tilespmem:s17+$0x8080] =	vst v36;
	v0 =	vadd.f32 v13, v0;
	v13 =	vmul.f32 v33, v35  }
0x80: {  	s15 =	sand.u32 $0x380, s14;
	s0 =	sand.u32 $0x1000, s8;
	v2 =	vadd.f32 v26, v40;
	v40 =	vperm.xlane v4, v3;
	v3 =	vmul.f32 v33, v30;
	[tilespmem:s17+$0x8090] =	vst v37  }
0x81: {  	s6 =	sor.u32 s15, s0;
	v12 =	vadd.f32 v20, v45;
	[tilespmem:s17+$0x80A0] =	vst v13  }
0x82: {  	v60 =	vperm.xlane v4, v60;
	v32 =	vmul.f32 v33, v32;
	v45 =	vadd.f32 v15, v52;
	v52 =	vld [tilespmem:s6+$0xCC0];
	[tilespmem:s17+$0x80B0] =	vst v3  }
0x83: {  	[tilespmem:$0x1FE70] =	vst v22;
	v28 =	vmul.f32 v33, v28;
	v0 =	vadd.f32 v21, v0;
	v3 =	vadd.f32 v40, v12;
	v12 =	vld [tilespmem:s6+$0xCD0]  }
0x84: {  	v30 =	vperm.xlane v4, v5;
	v35 =	vmovc v26;
	v2 =	vadd.f32 v39, v2;
	v13 =	vperm.xlane v4, v41  }
0x85: {  	v22 =	vmovc v20;
	v26 =	vperm.xlane v4, v49;
	v5 =	vadd.f32 v18, v45;
	v0 =	vadd.f32 v16, v0  }
0x86: {  	v20 =	vmovc v13;
	v2 =	vadd.f32 v13, v2;
	v13 =	vperm.xlane v4, v51;
	v3 =	vadd.f32 v30, v3  }
0x87: {  	[tilespmem:$0x1FEB0] =	vst v8;
	v5 =	vadd.f32 v9, v5;
	v41 =	vperm.xlane v4, v23;
	v0 =	vadd.f32 v8, v0  }
0x88: {  	v2 =	vadd.f32 v26, v2;
	v3 =	vadd.f32 v13, v3;
	[tilespmem:$0x1FFB0] =	vst v12;
	v12 =	vperm.xlane v4, v59  }
0x89: {  	[tilespmem:s17+$0x80C0] =	vst v32;
	v5 =	vadd.f32 v7, v5;
	v8 =	vperm.xlane v4, v63;
	v0 =	vadd.f32 v29, v0  }
0x8a: {  	v3 =	vadd.f32 v60, v3;
	v37 =	vmovc v12;
	v2 =	vadd.f32 v12, v2;
	v12 =	vperm.xlane v4, v24  }
0x8b: {  	v32 =	vld [tilespmem:s6+$0xC80];
	[tilespmem:s17+$0x80D0] =	vst v28;
	v28 =	vmul.f32 v33, v31;
	v5 =	vadd.f32 v14, v5;
	v0 =	vadd.f32 v43, v0  }
0x8c: {  	v63 =	vperm.xlane v4, v1;
	v1 =	vadd.f32 v8, v2;
	v2 =	vadd.f32 v12, v3  }
0x8d: {  	v45 =	vld [tilespmem:s6+$0xC90];
	[tilespmem:s17+$0x80E0] =	vst v28;
	v28 =	vmul.f32 v33, v44;
	v5 =	vadd.f32 v19, v5;
	v0 =	vadd.f32 v6, v0  }
0x8e: {  	[tilespmem:$0x1FF20] =	vst v25;
	v24 =	vmul.f32 v33, v42;
	v1 =	vadd.f32 v63, v1;
	v2 =	vadd.f32 v41, v2  }
0x8f: {  	v44 =	vld [tilespmem:s6+$0x8C0];
	[tilespmem:s17+$0x80F0] =	vst v28;
	v3 =	vmul.f32 v33, v47  }
0x90: {  	v25 =	vmovc v26;
	v26 =	vmov v43;
	v43 =	vld [tilespmem:s6+$0x8D0];
	[tilespmem:s17+$0x8480] =	vst v24;
	v0 =	vadd.f32 v5, v0;
	v1 =	vadd.f32 v2, v1  }
0x91: {  	v47 =	vld [tilespmem:s6+$0x880];
	[tilespmem:s17+$0x8490] =	vst v3;
	v3 =	vmul.f32 v33, v57  }
0x92: {  	v2 =	vmul.f32 v33, v58;
	v0 =	vadd.f32 v1, v0  }
0x93: {  	v57 =	vld [tilespmem:s6+$0x890];
	[tilespmem:s17+$0x84A0] =	vst v3  }
0x94: {  	v58 =	vld [tilespmem:s6+$0x4C0];
	[tilespmem:s17+$0x84B0] =	vst v2;
	v2 =	vperm.xlane v0, v17;
	_ =	sdelay $0x1  }
0x95: {  	v0 =	vadd.f32 v0, v2  }
0x96: {  	v1 =	vmul.f32 v33, v46  }
0x97: {  	[tilespmem:$0x1FED0] =	vst v60;
	v5 =	vld [tilespmem:$0x1FF30];
	v3 =	vmul.f32 v33, v34;
	v23 =	vperm.xlane v0, v10  }
0x98: {  	v46 =	vld [tilespmem:s6+$0x4D0];
	[tilespmem:s17+$0x84C0] =	vst v1;
	v1 =	vmul.f32 v33, v48  }
0x99: {  	v60 =	vld [tilespmem:s6+$0x4E0];
	[tilespmem:s17+$0x84D0] =	vst v3;
	v2 =	vmul.f32 v33, v53;
	v23 =	vadd.f32 v0, v23  }
0x9a: {  	v53 =	vld [tilespmem:s6+$0x480];
	[tilespmem:s17+$0x84E0] =	vst v1  }
0x9b: {  	v59 =	vld [tilespmem:s6+$0x490];
	[tilespmem:s17+$0x84F0] =	vst v2;
	v2 =	vperm.xlane v23, v11  }
0x9c: {  	v0 =	vld [tilespmem:$0x1FF50]  }
0x9d: {  	v24 =	vmul.f32 v33, v5;
	v5 =	vadd.f32 v23, v2;
	v2 =	vld [tilespmem:$0x1FF80];
	_ =	sdelay $0x1  }
0x9e: {  	v3 =	vld [tilespmem:$0x1FF20]  }
0x9f: {  	v1 =	vld [tilespmem:$0x1FF40]  }
0xa0: {  	[tilespmem:$0x1FEC0] =	vst v9;
	v9 =	vmul.f32 v33, v50;
	v51 =	vmul.f32 v33, v0;
	v0 =	vld [tilespmem:$0x1FF60]  }
0xa1: {  	v50 =	vmul.f32 v33, v55;
	v55 =	vmul.f32 v33, v2;
	v2 =	vld [tilespmem:$0x1FF90];
	_ =	sdelay $0x2  }
0xa2: {  	[tilespmem:$0x1FF10] =	vst v63;
	v63 =	vmul.f32 v33, v56;
	v48 =	vmul.f32 v33, v1;
	v1 =	vld [tilespmem:$0x1FF70]  }
0xa3: {  	v3 =	vmul.f32 v33, v3;
	v56 =	vmul.f32 v33, v0;
	v0 =	vld [tilespmem:s6+$0xC0]  }
0xa4: {  	[tilespmem:$0x1FF00] =	vst v6;
	v10 =	vmul.f32 v33, v54;
	v54 =	vmul.f32 v33, v2;
	v2 =	vld [tilespmem:$0x1FFA0]  }
0xa5: {  	v62 =	vmul.f32 v33, v62;
	[tilespmem:s17+$0x8880] =	vst v3;
	v3 =	vld [tilespmem:$0x1FFB0]  }
0xa6: {  	v49 =	vmul.f32 v33, v61;
	[tilespmem:$0x1FEE0] =	vst v8;
	v42 =	vperm.xlane v4, v43  }
0xa7: {  	[tilespmem:$0x1FEF0] =	vst v12;
	v34 =	vperm.xlane v4, v32;
	v38 =	vperm.xlane v5, v38  }
0xa8: {  	v23 =	vperm.xlane v4, v52;
	v61 =	vmul.f32 v33, v1;
	v1 =	vld [tilespmem:s6+$0xD0];
	[tilespmem:s17+$0x8890] =	vst v24  }
0xa9: {  	v5 =	vadd.f32 v5, v38;
	v38 =	vperm.xlane v4, v44;
	v52 =	vmul.f32 v33, v2;
	v2 =	vld [tilespmem:s6+$0x80];
	[tilespmem:s17+$0x88A0] =	vst v9  }
0xaa: {  	s8 =	sshll.u32 s7, $0xC;
	s0 =	simm.s32 $0x600;
	v36 =	vmov v13;
	v24 =	vperm.xlane v4, v3;
	v33 =	vperm.xlane v4, v45;
	v3 =	vld [tilespmem:s6+$0x90];
	[tilespmem:s17+$0x88B0] =	vst v10  }
.LBB2_3:
0xab: {  	v6 =	vld [tilespmem:s6+$0xA0];
	[tilespmem:s17+$0x88C0] =	vst v48  }
0xac: {  	v44 =	vperm.xlane v4, v47;
	(erf) = vrcp.f32 v5;
	v32 =	vld [tilespmem:s6+$0xB0];
	[tilespmem:s17+$0x88D0] =	vst v51  }
0xad: {  	v45 =	vperm.xlane v4, v57;
	v47 =	vperm.xlane v4, v58;
	v5 =	vld [tilespmem:s6+$0xE0];
	[tilespmem:s17+$0x88E0] =	vst v49  }
0xae: {  	v43 =	vmovc v7;
	v7 =	vmov v42;
	v48 =	vperm.xlane v4, v46;
	v46 =	vperm.xlane v4, v60;
	v42 =	vld [tilespmem:s6+$0xF0];
	[tilespmem:s17+$0x88F0] =	vst v63  }
0xaf: {  	v0 =	vperm.xlane v4, v0;
	v2 =	vperm.xlane v4, v2;
	v49 =	vld [tilespmem:s6+$0x4A0];
	[tilespmem:s17+$0x8C80] =	vst v56  }
0xb0: {  	v3 =	vperm.xlane v4, v3;
	v6 =	vperm.xlane v4, v6;
	v56 =	vld [tilespmem:s6+$0x4B0];
	[tilespmem:s17+$0x8C90] =	vst v61  }
0xb1: {  	v28 =	vld [tilespmem:$0x1FE60];
	v51 =	vperm.xlane v4, v53;
	v1 =	vperm.xlane v4, v1;
	v9 =	vadd.f32 $0.0e+00, v2;
	[tilespmem:s17+$0x8CA0] =	vst v62  }
0xb2: {  	v10 =	vadd.f32 $0.0e+00, v3;
	v60 =	vld [tilespmem:s6+$0x4F0];
	[tilespmem:s17+$0x8CB0] =	vst v50;
	v11 =	vadd.f32 $0.0e+00, v6;
	v5 =	vperm.xlane v4, v5  }
0xb3: {  	v53 =	vperm.xlane v4, v59;
	v57 =	vperm.xlane v4, v32;
	v9 =	vadd.f32 v0, v9;
	v63 =	vld [tilespmem:s6+$0x8A0];
	[tilespmem:s17+$0x8CC0] =	vst v55  }
0xb4: {  	v10 =	vadd.f32 v1, v10;
	v59 =	vld [tilespmem:s6+$0x8B0];
	[tilespmem:s17+$0x8CD0] =	vst v54;
	v49 =	vperm.xlane v4, v49;
	v11 =	vadd.f32 v5, v11  }
0xb5: {  	v32 =	vadd.f32 $0.0e+00, v57;
	v62 =	vperm.xlane v4, v42;
	v42 =	vpop (erf);
	v50 =	vperm.xlane v4, v56;
	v56 =	vld [tilespmem:s6+$0x8E0];
	[tilespmem:s17+$0x8CE0] =	vst v52;
	s17 =	smov.u32 s9;
	s9 =	smov.u32 s6  }
0xb6: {  	v52 =	vadd.f32 v51, v9;
	v41 =	vmul.f32 v42, v41;
	v58 =	vld [tilespmem:s9+$0x8F0];
	v54 =	vadd.f32 v49, v11  }
0xb7: {  	v61 =	vadd.f32 v62, v32;
	v32 =	vadd.f32 v53, v10;
	v8 =	vld [tilespmem:s9+$0xCA0]  }
0xb8: {  	v9 =	vadd.f32 v47, v52;
	v52 =	vperm.xlane v4, v63;
	v63 =	vld [tilespmem:s9+$0xCB0];
	[tilespmem:s17+$0x8CF0] =	vst v41;
	v41 =	vadd.f32 v46, v54  }
0xb9: {  	v55 =	vadd.f32 v48, v32;
	v32 =	vld [tilespmem:s9+$0xCF0]  }
0xba: {  	v10 =	vperm.xlane v4, v56;
	v41 =	vadd.f32 v52, v41  }
0xbb: {  	v60 =	vperm.xlane v4, v60;
	v61 =	vadd.f32 v50, v61  }
0xbc: {  	v8 =	vperm.xlane v4, v8;
	v41 =	vadd.f32 v10, v41  }
0xbd: {  	v54 =	vadd.f32 v60, v61;
	v12 =	vperm.xlane v4, v63  }
0xbe: {  	v61 =	vld [tilespmem:s9+$0xCE0];
	v63 =	vadd.f32 v8, v41;
	v41 =	vperm.xlane v4, v32;
	v32 =	vmul.f32 v42, v28;
	v28 =	vmovc v2  }
0xbf: {  	[tilespmem:$0x1FE60] =	vst v28;
	v28 =	vld [tilespmem:$0x1FE70];
	_ =	sdelay $0x3  }
0xc0: {  	v59 =	vperm.xlane v4, v59;
	v9 =	vadd.f32 v44, v9  }
0xc1: {  	v55 =	vadd.f32 v45, v55;
	v13 =	vperm.xlane v4, v61;
	v61 =	vmul.f32 v42, v28;
	v28 =	vmovc v3  }
0xc2: {  	v54 =	vadd.f32 v59, v54;
	v11 =	vperm.xlane v4, v58;
	v9 =	vadd.f32 v38, v9;
	[tilespmem:$0x1FE70] =	vst v28;
	v28 =	vld [tilespmem:$0x1FEA0]  }
0xc3: {  	v55 =	vadd.f32 v7, v55  }
0xc4: {  	v54 =	vadd.f32 v11, v54;
	v9 =	vadd.f32 v34, v9;
	v3 =	vld [tilespmem:$0x1FE80]  }
0xc5: {  	v55 =	vadd.f32 v33, v55  }
0xc6: {  	v54 =	vadd.f32 v12, v54;
	v9 =	vadd.f32 v23, v9  }
0xc7: {  	v2 =	vadd.f32 v13, v63;
	v63 =	vmul.f32 v42, v28;
	v28 =	vmovc v6;
	v6 =	vmov v57;
	v57 =	vld [tilespmem:$0x1FE90]  }
0xc8: {  	v55 =	vadd.f32 v24, v55;
	[tilespmem:s17+$0x8080] =	vst v32;
	v54 =	vadd.f32 v41, v54  }
0xc9: {  	s14 =	sadd.s32 $0x80, s14;
	[tilespmem:s17+$0x8090] =	vst v61;
	v3 =	vmul.f32 v42, v3  }
0xca: {  	s1 =	sand.u32 $0x1000, s0;
	s15 =	sand.u32 $0x380, s14;
	v2 =	vadd.f32 v54, v2;
	[tilespmem:$0x1FEA0] =	vst v6;
	v6 =	vadd.f32 v55, v9  }
0xcb: {  	s6 =	sor.u32 s15, s1;
	[tilespmem:s17+$0x80A0] =	vst v3;
	v3 =	vmul.f32 v42, v27  }
0xcc: {  	v32 =	vmovc v1;
	v27 =	vmov v0;
	v1 =	vld [tilespmem:s6+$0xCC0];
	[tilespmem:s17+$0x80B0] =	vst v63;
	v0 =	vadd.f32 v2, v6;
	v9 =	vmul.f32 v42, v57  }
0xcd: {  	v58 =	vmul.f32 v42, v35;
	v61 =	vmov v14;
	v14 =	vld [tilespmem:s6+$0xCD0]  }
0xce: {  	v63 =	vperm.xlane v0, v17;
	v17 =	vmul.f32 v42, v30;
	v30 =	vld [tilespmem:$0x1FFD0];
	[tilespmem:s17+$0x80C0] =	vst v9  }
0xcf: {  	v9 =	vmul.f32 v42, v15;
	v15 =	vld [tilespmem:s6+$0xC80];
	[tilespmem:s17+$0x80D0] =	vst v3  }
0xd0: {  	v31 =	vmov v51;
	v35 =	vmov v5;
	v2 =	vmul.f32 v42, v22;
	v5 =	vld [tilespmem:s6+$0xC90];
	[tilespmem:s17+$0x80E0] =	vst v58  }
0xd1: {  	v51 =	vmovc v29;
	v29 =	vmov v53;
	v53 =	vmul.f32 v42, v16;
	[tilespmem:$0x1FE90] =	vst v27;
	v6 =	vmul.f32 v42, v21;
	v16 =	vld [tilespmem:s6+$0x8C0]  }
0xd2: {  	[tilespmem:s17+$0x80F0] =	vst v2;
	v2 =	vmul.f32 v42, v20;
	v20 =	vld [tilespmem:$0x1FEC0]  }
0xd3: {  	v54 =	vmul.f32 v42, v18;
	v55 =	vmul.f32 v42, v39;
	v18 =	vld [tilespmem:s6+$0x8D0];
	[tilespmem:s17+$0x8480] =	vst v6  }
0xd4: {  	v27 =	vmov v47;
	v3 =	vmul.f32 v42, v40;
	v47 =	vld [tilespmem:s6+$0x880];
	[tilespmem:s17+$0x8490] =	vst v9  }
0xd5: {  	v57 =	vld [tilespmem:s6+$0x890];
	[tilespmem:s17+$0x84A0] =	vst v55  }
0xd6: {  	v0 =	vadd.f32 v0, v63;
	v58 =	vld [tilespmem:s6+$0x4C0];
	[tilespmem:s17+$0x84B0] =	vst v3  }
0xd7: {  	v21 =	vmul.f32 v42, v20;
	v20 =	vmov v46;
	v46 =	vld [tilespmem:s6+$0x4D0];
	[tilespmem:s17+$0x84C0] =	vst v53  }
0xd8: {  	v63 =	vperm.xlane v0, v30;
	v30 =	vmov v60;
	v60 =	vld [tilespmem:s6+$0x4E0];
	[tilespmem:s17+$0x84D0] =	vst v54  }
0xd9: {  	v53 =	vld [tilespmem:s6+$0x480]  }
0xda: {  	[tilespmem:s17+$0x84E0] =	vst v2;
	v2 =	vld [tilespmem:$0x1FEE0]  }
0xdb: {  	v22 =	vmov v62;
	v62 =	vmov v45;
	_ =	sdelay $0x2  }
0xdc: {  	[tilespmem:$0x1FEC0] =	vst v62;
	v62 =	vmov v11;
	v3 =	vld [tilespmem:$0x1FED0]  }
0xdd: {  	[tilespmem:$0x1FED0] =	vst v62;
	v62 =	vmul.f32 v42, v2;
	v2 =	vld [tilespmem:$0x1FEF0];
	_ =	sdelay $0x3  }
0xde: {  	v0 =	vadd.f32 v0, v63;
	v63 =	vmul.f32 v42, v3;
	v3 =	vld [tilespmem:$0x1FFE0]  }
0xdf: {  	v40 =	vmov v50;
	v50 =	vmul.f32 v42, v2;
	v2 =	vmov v12  }
0xe0: {  	[tilespmem:$0x1FEF0] =	vst v2;
	v2 =	vld [tilespmem:$0x1FF10];
	_ =	sdelay $0x2  }
0xe1: {  	v56 =	vmul.f32 v42, v26;
	v6 =	vld [tilespmem:$0x1FEB0];
	v26 =	vperm.xlane v0, v3  }
0xe2: {  	v8 =	vmovc v8;
	v61 =	vmul.f32 v42, v61;
	[tilespmem:$0x1FE80] =	vst v28;
	v39 =	vmov v49;
	v9 =	vmul.f32 v42, v25  }
0xe3: {  	v25 =	vmovc v52;
	[tilespmem:$0x1FEE0] =	vst v8;
	v8 =	vadd.f32 v0, v26;
	v0 =	vld [tilespmem:$0x1FF00];
	v52 =	vmul.f32 v42, v2;
	v2 =	vmov v23  }
0xe4: {  	v49 =	vmul.f32 v42, v37;
	v28 =	vmovc v48;
	v48 =	vmov v44;
	v45 =	vmul.f32 v42, v36;
	[tilespmem:$0x1FF00] =	vst v2;
	v2 =	vld [tilespmem:$0x1FFF0]  }
0xe5: {  	[tilespmem:$0x1FEB0] =	vst v48;
	v48 =	vmul.f32 v42, v51;
	v51 =	vmul.f32 v42, v43  }
0xe6: {  	p1 =	sne.s32 s0, $0x1E00;
	v36 =	vmovc v59;
	v6 =	vmul.f32 v42, v6;
	v54 =	vmul.f32 v42, v19;
	v59 =	vld [tilespmem:s6+$0x490];
	[tilespmem:s17+$0x84F0] =	vst v17;
	v3 =	vmov v13  }
.Ltmp2:
0xe7: {  	v19 =	vmovc v24;
	v24 =	vperm.xlane v4, v14;
	v14 =	vmov v33;
	v33 =	vperm.xlane v4, v5;
	v17 =	vld [tilespmem:$0x1FFC0];
	[tilespmem:$0x1FF10] =	vst v3;
	(pc) =	sbr.rel @p1 .LBB2_3-.Ltmp2, $4  }
0xe8: {  	v26 =	vmov v34;
	v34 =	vperm.xlane v4, v15;
	v55 =	vmul.f32 v42, v0;
	v0 =	vld [tilespmem:s6+$0xC0];
	[tilespmem:s17+$0x8880] =	vst v6  }
0xe9: {  	v37 =	vmov v10;
	v23 =	vperm.xlane v4, v1;
	v1 =	vld [tilespmem:s6+$0xD0];
	[tilespmem:s17+$0x8890] =	vst v21;
	v6 =	vperm.xlane v8, v2  }
0xea: {  	v15 =	vmovc v29;
	v29 =	vmovc v38;
	v38 =	vperm.xlane v4, v16;
	v16 =	vmov v27;
	v27 =	vmov v32;
	v2 =	vld [tilespmem:s6+$0x80];
	[tilespmem:s17+$0x88A0] =	vst v9  }
0xeb: {  	s0 =	sadd.s32 $0x200, s0;
	v21 =	vmovc v31;
	v42 =	vperm.xlane v4, v18;
	v18 =	vmov v28;
	v3 =	vld [tilespmem:s6+$0x90];
	[tilespmem:s17+$0x88B0] =	vst v45;
	v5 =	vadd.f32 v8, v6  }
0xec: {  	v6 =	vld [tilespmem:s6+$0xA0];
	[tilespmem:s17+$0x88C0] =	vst v48  }
0xed: {  	v31 =	vperm.xlane v4, v47;
	v8 =	vld [tilespmem:s6+$0xB0];
	[tilespmem:s17+$0x88D0] =	vst v51  }
0xee: {  	v28 =	vperm.xlane v4, v57;
	v32 =	vperm.xlane v4, v58;
	v9 =	vld [tilespmem:s6+$0xE0];
	[tilespmem:s17+$0x88E0] =	vst v49  }
0xef: {  	v47 =	vperm.xlane v4, v46;
	(erf) = vrcp.f32 v5;
	v10 =	vld [tilespmem:s6+$0xF0];
	[tilespmem:s17+$0x88F0] =	vst v63  }
0xf0: {  	v46 =	vperm.xlane v4, v60;
	v48 =	vperm.xlane v4, v59;
	v11 =	vld [tilespmem:s6+$0x4A0];
	[tilespmem:s17+$0x8C80] =	vst v56  }
0xf1: {  	v43 =	vperm.xlane v4, v2;
	v12 =	vld [tilespmem:s6+$0x4B0];
	[tilespmem:s17+$0x8C90] =	vst v61;
	v61 =	vperm.xlane v4, v3  }
0xf2: {  	v51 =	vperm.xlane v4, v0;
	v49 =	vperm.xlane v4, v53;
	[tilespmem:s17+$0x8CA0] =	vst v62  }
0xf3: {  	v2 =	vadd.f32 $0.0e+00, v43;
	v5 =	vld [tilespmem:s6+$0x4F0];
	[tilespmem:s17+$0x8CB0] =	vst v50;
	v50 =	vperm.xlane v4, v1;
	v3 =	vadd.f32 $0.0e+00, v61  }
0xf4: {  	v62 =	vperm.xlane v4, v6;
	v57 =	vperm.xlane v4, v8  }
0xf5: {  	v53 =	vperm.xlane v4, v9;
	v2 =	vadd.f32 v51, v2;
	v3 =	vadd.f32 v50, v3  }
0xf6: {  	v45 =	vld [tilespmem:s6+$0x8A0];
	[tilespmem:s17+$0x8CC0] =	vst v55;
	v6 =	vadd.f32 $0.0e+00, v62;
	v8 =	vadd.f32 $0.0e+00, v57;
	v58 =	vperm.xlane v4, v10  }
0xf7: {  	v1 =	vld [tilespmem:s6+$0x8B0];
	[tilespmem:s17+$0x8CD0] =	vst v54;
	v54 =	vperm.xlane v4, v11;
	v2 =	vadd.f32 v49, v2;
	v3 =	vadd.f32 v48, v3  }
0xf8: {  	v9 =	vld [tilespmem:s6+$0x8E0];
	[tilespmem:s17+$0x8CE0] =	vst v52;
	v6 =	vadd.f32 v53, v6;
	v8 =	vadd.f32 v58, v8;
	v59 =	vperm.xlane v4, v12;
	v10 =	vpop (erf)  }
0xf9: {  	v11 =	vld [tilespmem:s6+$0x8F0];
	v44 =	vmul.f32 v10, v41;
	v2 =	vadd.f32 v32, v2;
	v3 =	vadd.f32 v47, v3  }
0xfa: {  	v13 =	vld [tilespmem:s6+$0xCA0];
	v6 =	vadd.f32 v54, v6;
	v63 =	vperm.xlane v4, v5;
	v8 =	vadd.f32 v59, v8  }
0xfb: {  	v5 =	vld [tilespmem:s6+$0xCB0];
	v60 =	vperm.xlane v4, v45;
	[tilespmem:s9+$0x8CF0] =	vst v44;
	v2 =	vadd.f32 v31, v2;
	v3 =	vadd.f32 v28, v3  }
0xfc: {  	v45 =	vadd.f32 v46, v6;
	v41 =	vperm.xlane v4, v1;
	v6 =	vadd.f32 v63, v8;
	v1 =	vld [tilespmem:s6+$0xCE0]  }
0xfd: {  	v55 =	vperm.xlane v4, v9;
	v12 =	vld [tilespmem:s6+$0xCF0];
	v2 =	vadd.f32 v38, v2;
	v3 =	vadd.f32 v42, v3  }
0xfe: {  	v0 =	vadd.f32 v60, v45;
	v44 =	vperm.xlane v4, v11;
	v6 =	vadd.f32 v41, v6  }
0xff: {  	v52 =	vperm.xlane v4, v13;
	v2 =	vadd.f32 v34, v2;
	v3 =	vadd.f32 v33, v3  }
0x100: {  	v56 =	vperm.xlane v4, v5;
	v0 =	vadd.f32 v55, v0;
	v6 =	vadd.f32 v44, v6  }
0x101: {  	v45 =	vperm.xlane v4, v1;
	v2 =	vadd.f32 v23, v2;
	v3 =	vadd.f32 v24, v3  }
0x102: {  	v0 =	vadd.f32 v52, v0;
	v5 =	vperm.xlane v4, v12;
	v9 =	vadd.f32 v56, v6;
	v6 =	vld [tilespmem:$0x1FE60]  }
0x103: {  	v2 =	vadd.f32 v3, v2;
	v3 =	vld [tilespmem:$0x1FE80]  }
0x104: {  	v0 =	vadd.f32 v45, v0;
	v1 =	vadd.f32 v5, v9  }
0x105: {  	v8 =	vmul.f32 v10, v35  }
0x106: {  	v35 =	vmul.f32 v10, v16;
	v0 =	vadd.f32 v1, v0  }
0x107: {  	v11 =	vld [tilespmem:$0x1FE70];
	[tilespmem:s9+$0x80E0] =	vst v8;
	v6 =	vmul.f32 v10, v6  }
0x108: {  	[tilespmem:s9+$0x84C0] =	vst v35;
	v12 =	vld [tilespmem:$0x1FEA0];
	v0 =	vadd.f32 v0, v2;
	v3 =	vmul.f32 v10, v3  }
0x109: {  	v8 =	vmul.f32 v10, v30;
	v35 =	vmul.f32 v10, v26;
	[tilespmem:s9+$0x8080] =	vst v6;
	v6 =	vld [tilespmem:$0x1FFD0]  }
0x10a: {  	[tilespmem:s9+$0x80A0] =	vst v3;
	v3 =	vmul.f32 v10, v27;
	v27 =	vperm.xlane v0, v17  }
0x10b: {  	v13 =	vld [tilespmem:$0x1FE90];
	[tilespmem:s9+$0x84F0] =	vst v8;
	v8 =	vmul.f32 v10, v19  }
0x10c: {  	[tilespmem:s9+$0x8C80] =	vst v35;
	v1 =	vmul.f32 v10, v11;
	v0 =	vadd.f32 v0, v27  }
0x10d: {  	[tilespmem:s9+$0x8CD0] =	vst v8;
	v9 =	vmul.f32 v10, v22;
	v11 =	vmul.f32 v10, v21;
	v21 =	vld [tilespmem:$0x1FFE0]  }
0x10e: {  	[tilespmem:s9+$0x8090] =	vst v1;
	v1 =	vmul.f32 v10, v12;
	v12 =	vperm.xlane v0, v6  }
0x10f: {  	[tilespmem:s9+$0x80F0] =	vst v9;
	v9 =	vld [tilespmem:$0x1FEB0]  }
0x110: {  	v2 =	vmul.f32 v10, v13;
	[tilespmem:s9+$0x8480] =	vst v11;
	v13 =	vmul.f32 v10, v39;
	v0 =	vadd.f32 v0, v12  }
0x111: {  	v22 =	vld [tilespmem:$0x1FFF0];
	[tilespmem:s9+$0x80B0] =	vst v1  }
0x112: {  	[tilespmem:s9+$0x84A0] =	vst v13;
	v13 =	vmul.f32 v10, v36;
	v39 =	vperm.xlane v0, v21  }
0x113: {  	[tilespmem:s9+$0x80C0] =	vst v2;
	v36 =	vmul.f32 v10, v14  }
0x114: {  	v2 =	vmul.f32 v10, v9;
	v9 =	vld [tilespmem:$0x1FF10];
	[tilespmem:s9+$0x88B0] =	vst v13;
	v0 =	vadd.f32 v0, v39  }
0x115: {  	[tilespmem:s9+$0x8C90] =	vst v36  }
0x116: {  	[tilespmem:s9+$0x80D0] =	vst v3;
	v3 =	vmul.f32 v10, v15;
	v11 =	vperm.xlane v0, v22  }
0x117: {  	[tilespmem:s9+$0x8880] =	vst v2;
	v27 =	vmul.f32 v10, v40  }
0x118: {  	v40 =	vmul.f32 v10, v20;
	[tilespmem:s9+$0x8490] =	vst v3;
	v3 =	vmul.f32 v10, v18;
	v0 =	vadd.f32 v0, v11  }
0x119: {  	[tilespmem:s9+$0x84B0] =	vst v27;
	v27 =	vmul.f32 v10, v7;
	v2 =	vmul.f32 v10, v9  }
0x11a: {  	[tilespmem:s9+$0x84D0] =	vst v3;
	v3 =	vld [tilespmem:$0x1FEC0];
	v12 =	vmul.f32 v10, v25;
	(erf) = vrcp.f32 v0  }
0x11b: {  	[tilespmem:s9+$0x84E0] =	vst v40;
	v25 =	vmul.f32 v10, v29;
	v29 =	vmul.f32 v10, v37;
	v37 =	vld [tilespmem:$0x1FEE0]  }
0x11c: {  	v30 =	vld [tilespmem:$0x1FED0];
	[tilespmem:s9+$0x88D0] =	vst v27  }
0x11d: {  	v40 =	vld [tilespmem:$0x1FF00];
	[tilespmem:s9+$0x8CE0] =	vst v2  }
0x11e: {  	[tilespmem:s9+$0x88A0] =	vst v12;
	v39 =	vld [tilespmem:$0x1FEF0]  }
0x11f: {  	[tilespmem:s9+$0x88C0] =	vst v25;
	v3 =	vmul.f32 v10, v3  }
0x120: {  	[tilespmem:s9+$0x88E0] =	vst v29;
	v1 =	vmul.f32 v10, v37  }
0x121: {  	[tilespmem:s9+$0x8890] =	vst v3;
	v0 =	vmul.f32 v10, v30  }
0x122: {  	[tilespmem:s9+$0x8CA0] =	vst v1;
	v1 =	vmul.f32 v10, v40  }
0x123: {  	[tilespmem:s9+$0x88F0] =	vst v0;
	v0 =	vmul.f32 v10, v39;
	v10 =	vpop (erf)  }
0x124: {  	[tilespmem:s9+$0x8CC0] =	vst v1;
	v11 =	vmul.f32 v10, v5  }
0x125: {  	[tilespmem:s9+$0x8CB0] =	vst v0;
	v12 =	vmul.f32 v10, v43  }
0x126: {  	v13 =	vmul.f32 v10, v61;
	[tilespmem:s6+$0x8CF0] =	vst v11  }
0x127: {  	v14 =	vmul.f32 v10, v62;
	[tilespmem:s6+$0x8080] =	vst v12  }
0x128: {  	v25 =	vmul.f32 v10, v57;
	[tilespmem:s6+$0x8090] =	vst v13  }
0x129: {  	v26 =	vmul.f32 v10, v51;
	[tilespmem:s6+$0x80A0] =	vst v14  }
0x12a: {  	v27 =	vmul.f32 v10, v50;
	[tilespmem:s6+$0x80B0] =	vst v25  }
0x12b: {  	v29 =	vmul.f32 v10, v53;
	[tilespmem:s6+$0x80C0] =	vst v26  }
0x12c: {  	v30 =	vmul.f32 v10, v58;
	[tilespmem:s6+$0x80D0] =	vst v27  }
0x12d: {  	v35 =	vmul.f32 v10, v49;
	[tilespmem:s6+$0x80E0] =	vst v29  }
0x12e: {  	v36 =	vmul.f32 v10, v48;
	[tilespmem:s6+$0x80F0] =	vst v30  }
0x12f: {  	v37 =	vmul.f32 v10, v54;
	[tilespmem:s6+$0x8480] =	vst v35  }
0x130: {  	v39 =	vmul.f32 v10, v59;
	[tilespmem:s6+$0x8490] =	vst v36  }
0x131: {  	v40 =	vmul.f32 v10, v32;
	[tilespmem:s6+$0x84A0] =	vst v37  }
0x132: {  	v43 =	vmul.f32 v10, v47;
	[tilespmem:s6+$0x84B0] =	vst v39  }
0x133: {  	v46 =	vmul.f32 v10, v46;
	[tilespmem:s6+$0x84C0] =	vst v40  }
0x134: {  	v47 =	vmul.f32 v10, v63;
	[tilespmem:s6+$0x84D0] =	vst v43  }
0x135: {  	v48 =	vmul.f32 v10, v31;
	[tilespmem:s6+$0x84E0] =	vst v46  }
0x136: {  	v49 =	vmul.f32 v10, v28;
	[tilespmem:s6+$0x84F0] =	vst v47  }
0x137: {  	v50 =	vmul.f32 v10, v60;
	[tilespmem:s6+$0x8880] =	vst v48  }
0x138: {  	v51 =	vmul.f32 v10, v41;
	[tilespmem:s6+$0x8890] =	vst v49  }
0x139: {  	v53 =	vmul.f32 v10, v38;
	[tilespmem:s6+$0x88A0] =	vst v50  }
0x13a: {  	v54 =	vmul.f32 v10, v42;
	[tilespmem:s6+$0x88B0] =	vst v51  }
0x13b: {  	v55 =	vmul.f32 v10, v55;
	[tilespmem:s6+$0x88C0] =	vst v53  }
0x13c: {  	v57 =	vmul.f32 v10, v44;
	[tilespmem:s6+$0x88D0] =	vst v54  }
0x13d: {  	v58 =	vmul.f32 v10, v34;
	[tilespmem:s6+$0x88E0] =	vst v55  }
0x13e: {  	v59 =	vmul.f32 v10, v33;
	[tilespmem:s6+$0x88F0] =	vst v57  }
0x13f: {  	v60 =	vmul.f32 v10, v52;
	[tilespmem:s6+$0x8C80] =	vst v58  }
0x140: {  	v61 =	vmul.f32 v10, v56;
	[tilespmem:s6+$0x8C90] =	vst v59  }
0x141: {  	p1 =	sne.s32 s7, $0x7;
	v62 =	vmul.f32 v10, v23;
	[tilespmem:s6+$0x8CA0] =	vst v60  }
.Ltmp3:
0x142: {  	v63 =	vmul.f32 v10, v24;
	[tilespmem:s6+$0x8CB0] =	vst v61;
	(pc) =	sbr.rel @p1 .LBB2_6-.Ltmp3, $4  }
0x143: {  	v1 =	vmul.f32 v10, v45;
	[tilespmem:s6+$0x8CC0] =	vst v62  }
0x144: {  	[tilespmem:s6+$0x8CD0] =	vst v63  }
0x145: {  	s0 =	sadd.s32 s8, s16;
	[tilespmem:s6+$0x8CE0] =	vst v1  }
0x146: {  	v20 =	vmov v6;
	[hbm4b:s0+s4] =	stream.linear.scatter [tilespmem:s22], [sflag:$0x5], $0x2000, $0x38;
	[tilespmem:$0x10080] =	vst v63  }
.Ltmp4:
0x147: {  	(pc) =	sbr.rel .LBB2_7-.Ltmp4, $4  }
0x148: {  	_ = 	snop  }
0x149: {  	_ =	swait.ge [sflag:s23], $0x2000  }
0x14a: {  	[sflag:s23] =	ssyncset.done $0x0  }
0x14b: {  	[sflag:s23] =	ssyncadd.s32 $0xFFFFE000  }
.LBB2_6:
.Ltmp5:
0x14c: {  	s0 =	sadd.s32 s8, s10;
	(pc) =	sbr.rel @p0 .LBB2_8-.Ltmp5, $4  }
0x14d: {  	[tilespmem:s18], [sflag:$0x1] =	stream.linear.gather [hbm4b:s0+s4], $0x2000, $0x38;
	[tilespmem:$0x10080] =	vst v63  }
0x14e: {  	_ =	swait.ge [sflag:s23], $0x2000  }
0x14f: {  	[sflag:s23] =	ssyncset.done $0x0  }
0x150: {  	[sflag:s23] =	ssyncadd.s32 $0xFFFFE000  }
.LBB2_7:
0x151: {  	_ =	swait.ge [sflag:s24], $0x2000  }
0x152: {  	[sflag:s24] =	ssyncset.done $0x0  }
0x153: {  	[sflag:s24] =	ssyncadd.s32 $0xFFFFE000  }
.LBB2_8:
0x154: {  	s0 =	simm.s32 $0x0  }
0x155: {  	s1 =	sand.u32 $0x1000, s0;
	s0 =	sand.u32 $0x380, s0  }
0x156: {  	s17 =	sor.u32 s0, s1  }
0x157: {  	v0 =	vld [tilespmem:s17+$0x2CC0]  }
0x158: {  	v1 =	vld [tilespmem:s17+$0x2CD0]  }
0x159: {  	v2 =	vld [tilespmem:s17+$0x2C80]  }
0x15a: {  	v3 =	vld [tilespmem:s17+$0x2C90]  }
0x15b: {  	v5 =	vld [tilespmem:s17+$0x28C0]  }
0x15c: {  	v6 =	vld [tilespmem:s17+$0x28D0]  }
0x15d: {  	v7 =	vld [tilespmem:s17+$0x2880]  }
0x15e: {  	v8 =	vld [tilespmem:s17+$0x2890]  }
0x15f: {  	v9 =	vld [tilespmem:s17+$0x24C0]  }
0x160: {  	v10 =	vld [tilespmem:s17+$0x24D0]  }
0x161: {  	v11 =	vld [tilespmem:s17+$0x2480]  }
0x162: {  	v12 =	vld [tilespmem:s17+$0x2490]  }
0x163: {  	v13 =	vld [tilespmem:s17+$0x20C0]  }
0x164: {  	v14 =	vld [tilespmem:s17+$0x20D0]  }
0x165: {  	v15 =	vperm.xlane v4, v0;
	v16 =	vperm.xlane v4, v1;
	v0 =	vld [tilespmem:s17+$0x2080]  }
0x166: {  	v19 =	vperm.xlane v4, v2;
	v18 =	vperm.xlane v4, v3;
	v1 =	vld [tilespmem:s17+$0x2090]  }
0x167: {  	v24 =	vperm.xlane v4, v5;
	v23 =	vperm.xlane v4, v6;
	v2 =	vld [tilespmem:s17+$0x20A0]  }
0x168: {  	v25 =	vperm.xlane v4, v7;
	v26 =	vperm.xlane v4, v8;
	v3 =	vld [tilespmem:s17+$0x20B0]  }
0x169: {  	v46 =	vperm.xlane v4, v9;
	v5 =	vld [tilespmem:s17+$0x20E0];
	v34 =	vperm.xlane v4, v10  }
0x16a: {  	v6 =	vld [tilespmem:s17+$0x20F0];
	v42 =	vperm.xlane v4, v11;
	v47 =	vperm.xlane v4, v12  }
0x16b: {  	v32 =	vperm.xlane v4, v13;
	v28 =	vperm.xlane v4, v14;
	v7 =	vld [tilespmem:s17+$0x24A0]  }
0x16c: {  	v36 =	vperm.xlane v4, v0;
	v37 =	vperm.xlane v4, v1;
	v0 =	vld [tilespmem:s17+$0x24B0]  }
0x16d: {  	v1 =	vld [tilespmem:s17+$0x24E0];
	v35 =	vperm.xlane v4, v2;
	v30 =	vperm.xlane v4, v3  }
0x16e: {  	v31 =	vperm.xlane v4, v5;
	v5 =	vld [tilespmem:s17+$0x24F0];
	v2 =	vadd.f32 $0.0e+00, v36;
	v3 =	vadd.f32 $0.0e+00, v37  }
0x16f: {  	v44 =	vperm.xlane v4, v6;
	v6 =	vld [tilespmem:s17+$0x28A0];
	v8 =	vadd.f32 $0.0e+00, v35;
	v50 =	vadd.f32 $0.0e+00, v30  }
0x170: {  	v57 =	vperm.xlane v4, v7;
	v7 =	vld [tilespmem:s17+$0x28B0];
	v2 =	vadd.f32 v32, v2;
	v3 =	vadd.f32 v28, v3  }
0x171: {  	v8 =	vadd.f32 v31, v8;
	v9 =	vadd.f32 v44, v50;
	v58 =	vperm.xlane v4, v0;
	v0 =	vld [tilespmem:s17+$0x28E0]  }
0x172: {  	v48 =	vperm.xlane v4, v1;
	v1 =	vadd.f32 v42, v2;
	v2 =	vadd.f32 v47, v3;
	v3 =	vld [tilespmem:s17+$0x28F0]  }
0x173: {  	v53 =	vperm.xlane v4, v5;
	v5 =	vld [tilespmem:s17+$0x2CA0];
	v8 =	vadd.f32 v57, v8;
	v9 =	vadd.f32 v58, v9  }
0x174: {  	v50 =	vperm.xlane v4, v6;
	v6 =	vld [tilespmem:s17+$0x2CB0];
	v1 =	vadd.f32 v46, v1;
	v2 =	vadd.f32 v34, v2  }
0x175: {  	v54 =	vperm.xlane v4, v7;
	v7 =	vld [tilespmem:s17+$0x2CE0];
	v8 =	vadd.f32 v48, v8;
	v9 =	vadd.f32 v53, v9  }
0x176: {  	v1 =	vadd.f32 v25, v1;
	v2 =	vadd.f32 v26, v2;
	v61 =	vperm.xlane v4, v0;
	v0 =	vld [tilespmem:s17+$0x2CF0]  }
0x177: {  	v8 =	vadd.f32 v50, v8;
	v9 =	vadd.f32 v54, v9;
	v56 =	vperm.xlane v4, v3  }
0x178: {  	v62 =	vperm.xlane v4, v5;
	v1 =	vadd.f32 v24, v1;
	v2 =	vadd.f32 v23, v2  }
0x179: {  	v55 =	vperm.xlane v4, v6;
	v3 =	vadd.f32 v61, v8;
	v5 =	vadd.f32 v56, v9  }
0x17a: {  	v6 =	vperm.xlane v4, v7;
	v1 =	vadd.f32 v19, v1;
	v2 =	vadd.f32 v18, v2  }
0x17b: {  	v3 =	vadd.f32 v62, v3;
	v5 =	vadd.f32 v55, v5;
	v0 =	vperm.xlane v4, v0  }
0x17c: {  	v1 =	vadd.f32 v15, v1;
	v2 =	vadd.f32 v16, v2  }
0x17d: {  	v3 =	vadd.f32 v6, v3;
	v5 =	vadd.f32 v0, v5;
	_ =	sdelay $0x1  }
0x17e: {  	s14 =	simm.s32 $0x200;
	s15 =	simm.s32 $0x80;
	v1 =	vadd.f32 v2, v1;
	v2 =	vadd.f32 v5, v3  }
0x17f: {  	s0 =	sand.u32 $0x1000, s14;
	s1 =	sand.u32 $0x380, s15  }
0x180: {  	s9 =	sor.u32 s1, s0;
	v1 =	vadd.f32 v2, v1  }
0x181: {  	v51 =	vld [tilespmem:s9+$0x28D0]  }
0x182: {  	v41 =	vld [tilespmem:s9+$0x24E0];
	[tilespmem:$0x1FE40] =	vst v6;
	v6 =	vperm.xlane v1, v17  }
0x183: {  	v27 =	vld [tilespmem:s9+$0x20A0]  }
0x184: {  	v29 =	vld [tilespmem:s9+$0x20B0];
	v1 =	vadd.f32 v1, v6  }
0x185: {  	v39 =	vld [tilespmem:s9+$0x20F0]  }
0x186: {  	v49 =	vld [tilespmem:s9+$0x28A0];
	v6 =	vperm.xlane v1, v20  }
0x187: {  	v59 =	vld [tilespmem:s9+$0x28E0]  }
0x188: {  	v60 =	vld [tilespmem:s9+$0x28F0];
	v1 =	vadd.f32 v1, v6  }
0x189: {  	v63 =	vld [tilespmem:s9+$0x2CA0]  }
0x18a: {  	v12 =	vld [tilespmem:s9+$0x2880];
	v6 =	vperm.xlane v1, v21  }
0x18b: {  	v13 =	vld [tilespmem:s9+$0x2890]  }
0x18c: {  	v14 =	vld [tilespmem:s9+$0x24C0];
	v1 =	vadd.f32 v1, v6  }
0x18d: {  	v7 =	vld [tilespmem:s9+$0x2C90]  }
0x18e: {  	v8 =	vld [tilespmem:s9+$0x28C0];
	v6 =	vperm.xlane v1, v22  }
0x18f: {  	[tilespmem:$0x1FE10] =	vst v18;
	v18 =	vld [tilespmem:s9+$0x2490]  }
0x190: {  	[tilespmem:$0x1FE20] =	vst v15;
	v15 =	vld [tilespmem:s9+$0x24D0];
	v1 =	vadd.f32 v1, v6  }
0x191: {  	[tilespmem:$0x1FE30] =	vst v16;
	v16 =	vld [tilespmem:s9+$0x2480]  }
0x192: {  	v2 =	vld [tilespmem:s9+$0x2CD0];
	(erf) = vrcp.f32 v1  }
0x193: {  	v10 =	vmov v20;
	[tilespmem:$0x1FE00] =	vst v19;
	v20 =	vld [tilespmem:s9+$0x20D0]  }
0x194: {  	[tilespmem:$0x1FDE0] =	vst v24;
	v9 =	vperm.xlane v4, v13;
	v19 =	vld [tilespmem:s9+$0x20C0];
	v24 =	vperm.xlane v4, v7  }
0x195: {  	v11 =	vmov v21;
	[tilespmem:$0x1FDD0] =	vst v26;
	v7 =	vperm.xlane v4, v51;
	v26 =	vperm.xlane v4, v8;
	v21 =	vld [tilespmem:s9+$0x2080]  }
0x196: {  	v38 =	vmov v22;
	v8 =	vperm.xlane v4, v12;
	v12 =	vperm.xlane v4, v14;
	v22 =	vld [tilespmem:s9+$0x2090]  }
0x197: {  	v14 =	vmov v24;
	v3 =	vld [tilespmem:s9+$0x2CC0];
	v13 =	vperm.xlane v4, v15;
	v24 =	vperm.xlane v4, v16  }
0x198: {  	[tilespmem:$0x1FDF0] =	vst v23;
	v5 =	vld [tilespmem:s9+$0x2C80];
	v16 =	vmov v12;
	v23 =	vperm.xlane v4, v2;
	v12 =	vperm.xlane v4, v20  }
0x199: {  	v15 =	vperm.xlane v4, v18;
	v18 =	vmov v13;
	v13 =	vperm.xlane v4, v19;
	v1 =	vld [tilespmem:s9+$0x20E0]  }
0x19a: {  	v51 =	vld [tilespmem:s9+$0x28B0];
	v19 =	vmovc v23;
	v23 =	vperm.xlane v4, v27;
	v27 =	vmov v12;
	v12 =	vperm.xlane v4, v29  }
0x19b: {  	[tilespmem:$0x1FD30] =	vst v13;
	v2 =	vld [tilespmem:s9+$0x24A0];
	v20 =	vperm.xlane v4, v21;
	v22 =	vperm.xlane v4, v22;
	v33 =	vpop (erf)  }
0x19c: {  	[tilespmem:$0x1FD20] =	vst v23;
	v40 =	vadd.f32 $0.0e+00, v23;
	v6 =	vperm.xlane v4, v3;
	v3 =	vld [tilespmem:s9+$0x24B0];
	v0 =	vmul.f32 v33, v0  }
0x19d: {  	v43 =	vperm.xlane v4, v5;
	v5 =	vld [tilespmem:s9+$0x24F0];
	v29 =	vmovc v26;
	[tilespmem:$0x1FD40] =	vst v12;
	v45 =	vadd.f32 $0.0e+00, v12;
	v52 =	vadd.f32 $0.0e+00, v22  }
0x19e: {  	v21 =	vmovc v24;
	v24 =	vld [tilespmem:s9+$0x2CB0];
	v26 =	vperm.xlane v4, v1;
	v36 =	vmul.f32 v33, v36;
	[tilespmem:s17+$0xACF0] =	vst v0;
	v0 =	vadd.f32 $0.0e+00, v20  }
0x19f: {  	[tilespmem:$0x1FD00] =	vst v20;
	v52 =	vadd.f32 v27, v52;
	v37 =	vmul.f32 v33, v37;
	v20 =	vperm.xlane v4, v39;
	v1 =	vld [tilespmem:s9+$0x2CE0]  }
0x1a0: {  	s6 =	simm.s32 $0x400;
	s14 =	simm.s32 $0x100;
	v39 =	vperm.xlane v4, v2;
	v23 =	vld [tilespmem:s9+$0x2CF0];
	[tilespmem:s17+$0xA080] =	vst v36;
	v0 =	vadd.f32 v13, v0;
	v13 =	vmul.f32 v33, v35  }
0x1a1: {  	s0 =	sand.u32 $0x1000, s6;
	s15 =	sand.u32 $0x380, s14;
	v2 =	vadd.f32 v26, v40;
	v40 =	vperm.xlane v4, v3;
	v3 =	vmul.f32 v33, v30;
	[tilespmem:s17+$0xA090] =	vst v37  }
0x1a2: {  	s6 =	sor.u32 s15, s0;
	v12 =	vadd.f32 v20, v45;
	[tilespmem:s17+$0xA0A0] =	vst v13  }
0x1a3: {  	v60 =	vperm.xlane v4, v60;
	v32 =	vmul.f32 v33, v32;
	v45 =	vadd.f32 v15, v52;
	v52 =	vld [tilespmem:s6+$0x2CC0];
	[tilespmem:s17+$0xA0B0] =	vst v3  }
0x1a4: {  	[tilespmem:$0x1FD10] =	vst v22;
	v28 =	vmul.f32 v33, v28;
	v0 =	vadd.f32 v21, v0;
	v3 =	vadd.f32 v40, v12;
	v12 =	vld [tilespmem:s6+$0x2CD0]  }
0x1a5: {  	v30 =	vperm.xlane v4, v5;
	v35 =	vmovc v26;
	v2 =	vadd.f32 v39, v2;
	v13 =	vperm.xlane v4, v41  }
0x1a6: {  	v22 =	vmovc v20;
	v26 =	vperm.xlane v4, v49;
	v5 =	vadd.f32 v18, v45;
	v0 =	vadd.f32 v16, v0  }
0x1a7: {  	v20 =	vmovc v13;
	v2 =	vadd.f32 v13, v2;
	v13 =	vperm.xlane v4, v51;
	v3 =	vadd.f32 v30, v3  }
0x1a8: {  	[tilespmem:$0x1FD50] =	vst v8;
	v5 =	vadd.f32 v9, v5;
	v41 =	vperm.xlane v4, v23;
	v0 =	vadd.f32 v8, v0  }
0x1a9: {  	v2 =	vadd.f32 v26, v2;
	v3 =	vadd.f32 v13, v3;
	[tilespmem:$0x1FE50] =	vst v12;
	v12 =	vperm.xlane v4, v59  }
0x1aa: {  	[tilespmem:s17+$0xA0C0] =	vst v32;
	v5 =	vadd.f32 v7, v5;
	v8 =	vperm.xlane v4, v63;
	v0 =	vadd.f32 v29, v0  }
0x1ab: {  	v3 =	vadd.f32 v60, v3;
	v37 =	vmovc v12;
	v2 =	vadd.f32 v12, v2;
	v12 =	vperm.xlane v4, v24  }
0x1ac: {  	v32 =	vld [tilespmem:s6+$0x2C80];
	[tilespmem:s17+$0xA0D0] =	vst v28;
	v28 =	vmul.f32 v33, v31;
	v5 =	vadd.f32 v14, v5;
	v0 =	vadd.f32 v43, v0  }
0x1ad: {  	v63 =	vperm.xlane v4, v1;
	v1 =	vadd.f32 v8, v2;
	v2 =	vadd.f32 v12, v3  }
0x1ae: {  	v45 =	vld [tilespmem:s6+$0x2C90];
	[tilespmem:s17+$0xA0E0] =	vst v28;
	v28 =	vmul.f32 v33, v44;
	v5 =	vadd.f32 v19, v5;
	v0 =	vadd.f32 v6, v0  }
0x1af: {  	[tilespmem:$0x1FDC0] =	vst v25;
	v24 =	vmul.f32 v33, v42;
	v1 =	vadd.f32 v63, v1;
	v2 =	vadd.f32 v41, v2  }
0x1b0: {  	v44 =	vld [tilespmem:s6+$0x28C0];
	[tilespmem:s17+$0xA0F0] =	vst v28;
	v3 =	vmul.f32 v33, v47  }
0x1b1: {  	v25 =	vmovc v26;
	v26 =	vmov v43;
	v43 =	vld [tilespmem:s6+$0x28D0];
	[tilespmem:s17+$0xA480] =	vst v24;
	v0 =	vadd.f32 v5, v0;
	v1 =	vadd.f32 v2, v1  }
0x1b2: {  	v47 =	vld [tilespmem:s6+$0x2880];
	[tilespmem:s17+$0xA490] =	vst v3;
	v3 =	vmul.f32 v33, v57  }
0x1b3: {  	v2 =	vmul.f32 v33, v58;
	v0 =	vadd.f32 v1, v0  }
0x1b4: {  	v57 =	vld [tilespmem:s6+$0x2890];
	[tilespmem:s17+$0xA4A0] =	vst v3  }
0x1b5: {  	v58 =	vld [tilespmem:s6+$0x24C0];
	[tilespmem:s17+$0xA4B0] =	vst v2;
	v2 =	vperm.xlane v0, v17;
	_ =	sdelay $0x1  }
0x1b6: {  	v0 =	vadd.f32 v0, v2  }
0x1b7: {  	v1 =	vmul.f32 v33, v46  }
0x1b8: {  	[tilespmem:$0x1FD70] =	vst v60;
	v5 =	vld [tilespmem:$0x1FDD0];
	v3 =	vmul.f32 v33, v34;
	v23 =	vperm.xlane v0, v10  }
0x1b9: {  	v46 =	vld [tilespmem:s6+$0x24D0];
	[tilespmem:s17+$0xA4C0] =	vst v1;
	v1 =	vmul.f32 v33, v48  }
0x1ba: {  	v60 =	vld [tilespmem:s6+$0x24E0];
	[tilespmem:s17+$0xA4D0] =	vst v3;
	v2 =	vmul.f32 v33, v53;
	v23 =	vadd.f32 v0, v23  }
0x1bb: {  	v53 =	vld [tilespmem:s6+$0x2480];
	[tilespmem:s17+$0xA4E0] =	vst v1  }
0x1bc: {  	v59 =	vld [tilespmem:s6+$0x2490];
	[tilespmem:s17+$0xA4F0] =	vst v2;
	v2 =	vperm.xlane v23, v11  }
0x1bd: {  	v0 =	vld [tilespmem:$0x1FDF0]  }
0x1be: {  	v24 =	vmul.f32 v33, v5;
	v5 =	vadd.f32 v23, v2;
	v2 =	vld [tilespmem:$0x1FE20];
	_ =	sdelay $0x1  }
0x1bf: {  	v3 =	vld [tilespmem:$0x1FDC0]  }
0x1c0: {  	v1 =	vld [tilespmem:$0x1FDE0]  }
0x1c1: {  	[tilespmem:$0x1FD60] =	vst v9;
	v9 =	vmul.f32 v33, v50;
	v51 =	vmul.f32 v33, v0;
	v0 =	vld [tilespmem:$0x1FE00]  }
0x1c2: {  	v50 =	vmul.f32 v33, v55;
	v55 =	vmul.f32 v33, v2;
	v2 =	vld [tilespmem:$0x1FE30];
	_ =	sdelay $0x2  }
0x1c3: {  	[tilespmem:$0x1FDB0] =	vst v63;
	v63 =	vmul.f32 v33, v56;
	v48 =	vmul.f32 v33, v1;
	v1 =	vld [tilespmem:$0x1FE10]  }
0x1c4: {  	v3 =	vmul.f32 v33, v3;
	v56 =	vmul.f32 v33, v0;
	v0 =	vld [tilespmem:s6+$0x20C0]  }
0x1c5: {  	[tilespmem:$0x1FDA0] =	vst v6;
	v10 =	vmul.f32 v33, v54;
	v54 =	vmul.f32 v33, v2;
	v2 =	vld [tilespmem:$0x1FE40]  }
0x1c6: {  	v62 =	vmul.f32 v33, v62;
	[tilespmem:s17+$0xA880] =	vst v3;
	v3 =	vld [tilespmem:$0x1FE50]  }
0x1c7: {  	v49 =	vmul.f32 v33, v61;
	[tilespmem:$0x1FD80] =	vst v8;
	v42 =	vperm.xlane v4, v43  }
0x1c8: {  	[tilespmem:$0x1FD90] =	vst v12;
	v34 =	vperm.xlane v4, v32;
	v38 =	vperm.xlane v5, v38  }
0x1c9: {  	v23 =	vperm.xlane v4, v52;
	v61 =	vmul.f32 v33, v1;
	v1 =	vld [tilespmem:s6+$0x20D0];
	[tilespmem:s17+$0xA890] =	vst v24  }
0x1ca: {  	v5 =	vadd.f32 v5, v38;
	v38 =	vperm.xlane v4, v44;
	v52 =	vmul.f32 v33, v2;
	v2 =	vld [tilespmem:s6+$0x2080];
	[tilespmem:s17+$0xA8A0] =	vst v9  }
0x1cb: {  	s0 =	simm.s32 $0x600;
	v36 =	vmov v13;
	v24 =	vperm.xlane v4, v3;
	v33 =	vperm.xlane v4, v45;
	v3 =	vld [tilespmem:s6+$0x2090];
	[tilespmem:s17+$0xA8B0] =	vst v10  }
.LBB2_9:
0x1cc: {  	v6 =	vld [tilespmem:s6+$0x20A0];
	[tilespmem:s17+$0xA8C0] =	vst v48  }
0x1cd: {  	v44 =	vperm.xlane v4, v47;
	(erf) = vrcp.f32 v5;
	v32 =	vld [tilespmem:s6+$0x20B0];
	[tilespmem:s17+$0xA8D0] =	vst v51  }
0x1ce: {  	v45 =	vperm.xlane v4, v57;
	v47 =	vperm.xlane v4, v58;
	v5 =	vld [tilespmem:s6+$0x20E0];
	[tilespmem:s17+$0xA8E0] =	vst v49  }
0x1cf: {  	v43 =	vmovc v7;
	v7 =	vmov v42;
	v48 =	vperm.xlane v4, v46;
	v46 =	vperm.xlane v4, v60;
	v42 =	vld [tilespmem:s6+$0x20F0];
	[tilespmem:s17+$0xA8F0] =	vst v63  }
0x1d0: {  	v0 =	vperm.xlane v4, v0;
	v2 =	vperm.xlane v4, v2;
	v49 =	vld [tilespmem:s6+$0x24A0];
	[tilespmem:s17+$0xAC80] =	vst v56  }
0x1d1: {  	v3 =	vperm.xlane v4, v3;
	v6 =	vperm.xlane v4, v6;
	v56 =	vld [tilespmem:s6+$0x24B0];
	[tilespmem:s17+$0xAC90] =	vst v61  }
0x1d2: {  	v28 =	vld [tilespmem:$0x1FD00];
	v51 =	vperm.xlane v4, v53;
	v1 =	vperm.xlane v4, v1;
	v9 =	vadd.f32 $0.0e+00, v2;
	[tilespmem:s17+$0xACA0] =	vst v62  }
0x1d3: {  	v10 =	vadd.f32 $0.0e+00, v3;
	v60 =	vld [tilespmem:s6+$0x24F0];
	[tilespmem:s17+$0xACB0] =	vst v50;
	v11 =	vadd.f32 $0.0e+00, v6;
	v5 =	vperm.xlane v4, v5  }
0x1d4: {  	v53 =	vperm.xlane v4, v59;
	v57 =	vperm.xlane v4, v32;
	v9 =	vadd.f32 v0, v9;
	v63 =	vld [tilespmem:s6+$0x28A0];
	[tilespmem:s17+$0xACC0] =	vst v55  }
0x1d5: {  	v10 =	vadd.f32 v1, v10;
	v59 =	vld [tilespmem:s6+$0x28B0];
	[tilespmem:s17+$0xACD0] =	vst v54;
	v49 =	vperm.xlane v4, v49;
	v11 =	vadd.f32 v5, v11  }
0x1d6: {  	v32 =	vadd.f32 $0.0e+00, v57;
	v62 =	vperm.xlane v4, v42;
	v42 =	vpop (erf);
	v50 =	vperm.xlane v4, v56;
	v56 =	vld [tilespmem:s6+$0x28E0];
	[tilespmem:s17+$0xACE0] =	vst v52;
	s17 =	smov.u32 s9;
	s9 =	smov.u32 s6  }
0x1d7: {  	v52 =	vadd.f32 v51, v9;
	v41 =	vmul.f32 v42, v41;
	v58 =	vld [tilespmem:s9+$0x28F0];
	v54 =	vadd.f32 v49, v11  }
0x1d8: {  	v61 =	vadd.f32 v62, v32;
	v32 =	vadd.f32 v53, v10;
	v8 =	vld [tilespmem:s9+$0x2CA0]  }
0x1d9: {  	v9 =	vadd.f32 v47, v52;
	v52 =	vperm.xlane v4, v63;
	v63 =	vld [tilespmem:s9+$0x2CB0];
	[tilespmem:s17+$0xACF0] =	vst v41;
	v41 =	vadd.f32 v46, v54  }
0x1da: {  	v55 =	vadd.f32 v48, v32;
	v32 =	vld [tilespmem:s9+$0x2CF0]  }
0x1db: {  	v10 =	vperm.xlane v4, v56;
	v41 =	vadd.f32 v52, v41  }
0x1dc: {  	v60 =	vperm.xlane v4, v60;
	v61 =	vadd.f32 v50, v61  }
0x1dd: {  	v8 =	vperm.xlane v4, v8;
	v41 =	vadd.f32 v10, v41  }
0x1de: {  	v54 =	vadd.f32 v60, v61;
	v12 =	vperm.xlane v4, v63  }
0x1df: {  	v61 =	vld [tilespmem:s9+$0x2CE0];
	v63 =	vadd.f32 v8, v41;
	v41 =	vperm.xlane v4, v32;
	v32 =	vmul.f32 v42, v28;
	v28 =	vmovc v2  }
0x1e0: {  	[tilespmem:$0x1FD00] =	vst v28;
	v28 =	vld [tilespmem:$0x1FD10];
	_ =	sdelay $0x3  }
0x1e1: {  	v59 =	vperm.xlane v4, v59;
	v9 =	vadd.f32 v44, v9  }
0x1e2: {  	v55 =	vadd.f32 v45, v55;
	v13 =	vperm.xlane v4, v61;
	v61 =	vmul.f32 v42, v28;
	v28 =	vmovc v3  }
0x1e3: {  	v54 =	vadd.f32 v59, v54;
	v11 =	vperm.xlane v4, v58;
	v9 =	vadd.f32 v38, v9;
	[tilespmem:$0x1FD10] =	vst v28;
	v28 =	vld [tilespmem:$0x1FD40]  }
0x1e4: {  	v55 =	vadd.f32 v7, v55  }
0x1e5: {  	v54 =	vadd.f32 v11, v54;
	v9 =	vadd.f32 v34, v9;
	v3 =	vld [tilespmem:$0x1FD20]  }
0x1e6: {  	v55 =	vadd.f32 v33, v55  }
0x1e7: {  	v54 =	vadd.f32 v12, v54;
	v9 =	vadd.f32 v23, v9  }
0x1e8: {  	v2 =	vadd.f32 v13, v63;
	v63 =	vmul.f32 v42, v28;
	v28 =	vmovc v6;
	v6 =	vmov v57;
	v57 =	vld [tilespmem:$0x1FD30]  }
0x1e9: {  	v55 =	vadd.f32 v24, v55;
	[tilespmem:s17+$0xA080] =	vst v32;
	v54 =	vadd.f32 v41, v54  }
0x1ea: {  	s14 =	sadd.s32 $0x80, s14;
	[tilespmem:s17+$0xA090] =	vst v61;
	v3 =	vmul.f32 v42, v3  }
0x1eb: {  	s1 =	sand.u32 $0x1000, s0;
	s15 =	sand.u32 $0x380, s14;
	v2 =	vadd.f32 v54, v2;
	[tilespmem:$0x1FD40] =	vst v6;
	v6 =	vadd.f32 v55, v9  }
0x1ec: {  	s6 =	sor.u32 s15, s1;
	[tilespmem:s17+$0xA0A0] =	vst v3;
	v3 =	vmul.f32 v42, v27  }
0x1ed: {  	v32 =	vmovc v1;
	v27 =	vmov v0;
	v1 =	vld [tilespmem:s6+$0x2CC0];
	[tilespmem:s17+$0xA0B0] =	vst v63;
	v0 =	vadd.f32 v2, v6;
	v9 =	vmul.f32 v42, v57  }
0x1ee: {  	v58 =	vmul.f32 v42, v35;
	v61 =	vmov v14;
	v14 =	vld [tilespmem:s6+$0x2CD0]  }
0x1ef: {  	v63 =	vperm.xlane v0, v17;
	v17 =	vmul.f32 v42, v30;
	v30 =	vld [tilespmem:$0x1FFD0];
	[tilespmem:s17+$0xA0C0] =	vst v9  }
0x1f0: {  	v9 =	vmul.f32 v42, v15;
	v15 =	vld [tilespmem:s6+$0x2C80];
	[tilespmem:s17+$0xA0D0] =	vst v3  }
0x1f1: {  	v31 =	vmov v51;
	v35 =	vmov v5;
	v2 =	vmul.f32 v42, v22;
	v5 =	vld [tilespmem:s6+$0x2C90];
	[tilespmem:s17+$0xA0E0] =	vst v58  }
0x1f2: {  	v51 =	vmovc v29;
	v29 =	vmov v53;
	v53 =	vmul.f32 v42, v16;
	[tilespmem:$0x1FD30] =	vst v27;
	v6 =	vmul.f32 v42, v21;
	v16 =	vld [tilespmem:s6+$0x28C0]  }
0x1f3: {  	[tilespmem:s17+$0xA0F0] =	vst v2;
	v2 =	vmul.f32 v42, v20;
	v20 =	vld [tilespmem:$0x1FD60]  }
0x1f4: {  	v54 =	vmul.f32 v42, v18;
	v55 =	vmul.f32 v42, v39;
	v18 =	vld [tilespmem:s6+$0x28D0];
	[tilespmem:s17+$0xA480] =	vst v6  }
0x1f5: {  	v27 =	vmov v47;
	v3 =	vmul.f32 v42, v40;
	v47 =	vld [tilespmem:s6+$0x2880];
	[tilespmem:s17+$0xA490] =	vst v9  }
0x1f6: {  	v57 =	vld [tilespmem:s6+$0x2890];
	[tilespmem:s17+$0xA4A0] =	vst v55  }
0x1f7: {  	v0 =	vadd.f32 v0, v63;
	v58 =	vld [tilespmem:s6+$0x24C0];
	[tilespmem:s17+$0xA4B0] =	vst v3  }
0x1f8: {  	v21 =	vmul.f32 v42, v20;
	v20 =	vmov v46;
	v46 =	vld [tilespmem:s6+$0x24D0];
	[tilespmem:s17+$0xA4C0] =	vst v53  }
0x1f9: {  	v63 =	vperm.xlane v0, v30;
	v30 =	vmov v60;
	v60 =	vld [tilespmem:s6+$0x24E0];
	[tilespmem:s17+$0xA4D0] =	vst v54  }
0x1fa: {  	v53 =	vld [tilespmem:s6+$0x2480]  }
0x1fb: {  	[tilespmem:s17+$0xA4E0] =	vst v2;
	v2 =	vld [tilespmem:$0x1FD80]  }
0x1fc: {  	v22 =	vmov v62;
	v62 =	vmov v45;
	_ =	sdelay $0x2  }
0x1fd: {  	[tilespmem:$0x1FD60] =	vst v62;
	v62 =	vmov v11;
	v3 =	vld [tilespmem:$0x1FD70]  }
0x1fe: {  	[tilespmem:$0x1FD70] =	vst v62;
	v62 =	vmul.f32 v42, v2;
	v2 =	vld [tilespmem:$0x1FD90];
	_ =	sdelay $0x3  }
0x1ff: {  	v0 =	vadd.f32 v0, v63;
	v63 =	vmul.f32 v42, v3;
	v3 =	vld [tilespmem:$0x1FFE0]  }
0x200: {  	v40 =	vmov v50;
	v50 =	vmul.f32 v42, v2;
	v2 =	vmov v12  }
0x201: {  	[tilespmem:$0x1FD90] =	vst v2;
	v2 =	vld [tilespmem:$0x1FDB0];
	_ =	sdelay $0x2  }
0x202: {  	v56 =	vmul.f32 v42, v26;
	v6 =	vld [tilespmem:$0x1FD50];
	v26 =	vperm.xlane v0, v3  }
0x203: {  	v8 =	vmovc v8;
	v61 =	vmul.f32 v42, v61;
	[tilespmem:$0x1FD20] =	vst v28;
	v39 =	vmov v49;
	v9 =	vmul.f32 v42, v25  }
0x204: {  	v25 =	vmovc v52;
	[tilespmem:$0x1FD80] =	vst v8;
	v8 =	vadd.f32 v0, v26;
	v0 =	vld [tilespmem:$0x1FDA0];
	v52 =	vmul.f32 v42, v2;
	v2 =	vmov v23  }
0x205: {  	v49 =	vmul.f32 v42, v37;
	v28 =	vmovc v48;
	v48 =	vmov v44;
	v45 =	vmul.f32 v42, v36;
	[tilespmem:$0x1FDA0] =	vst v2;
	v2 =	vld [tilespmem:$0x1FFF0]  }
0x206: {  	[tilespmem:$0x1FD50] =	vst v48;
	v48 =	vmul.f32 v42, v51;
	v51 =	vmul.f32 v42, v43  }
0x207: {  	p2 =	sne.s32 s0, $0x1E00;
	v36 =	vmovc v59;
	v6 =	vmul.f32 v42, v6;
	v54 =	vmul.f32 v42, v19;
	v59 =	vld [tilespmem:s6+$0x2490];
	[tilespmem:s17+$0xA4F0] =	vst v17;
	v3 =	vmov v13  }
.Ltmp6:
0x208: {  	v19 =	vmovc v24;
	v24 =	vperm.xlane v4, v14;
	v14 =	vmov v33;
	v33 =	vperm.xlane v4, v5;
	v17 =	vld [tilespmem:$0x1FFC0];
	[tilespmem:$0x1FDB0] =	vst v3;
	(pc) =	sbr.rel @p2 .LBB2_9-.Ltmp6, $4  }
0x209: {  	v26 =	vmov v34;
	v34 =	vperm.xlane v4, v15;
	v55 =	vmul.f32 v42, v0;
	v0 =	vld [tilespmem:s6+$0x20C0];
	[tilespmem:s17+$0xA880] =	vst v6  }
0x20a: {  	v37 =	vmov v10;
	v23 =	vperm.xlane v4, v1;
	v1 =	vld [tilespmem:s6+$0x20D0];
	[tilespmem:s17+$0xA890] =	vst v21;
	v6 =	vperm.xlane v8, v2  }
0x20b: {  	v15 =	vmovc v29;
	v29 =	vmovc v38;
	v38 =	vperm.xlane v4, v16;
	v16 =	vmov v27;
	v27 =	vmov v32;
	v2 =	vld [tilespmem:s6+$0x2080];
	[tilespmem:s17+$0xA8A0] =	vst v9  }
0x20c: {  	s0 =	sadd.s32 $0x200, s0;
	v21 =	vmovc v31;
	v42 =	vperm.xlane v4, v18;
	v18 =	vmov v28;
	v3 =	vld [tilespmem:s6+$0x2090];
	[tilespmem:s17+$0xA8B0] =	vst v45;
	v5 =	vadd.f32 v8, v6  }
0x20d: {  	v6 =	vld [tilespmem:s6+$0x20A0];
	[tilespmem:s17+$0xA8C0] =	vst v48  }
0x20e: {  	v31 =	vperm.xlane v4, v47;
	v8 =	vld [tilespmem:s6+$0x20B0];
	[tilespmem:s17+$0xA8D0] =	vst v51  }
0x20f: {  	v28 =	vperm.xlane v4, v57;
	v32 =	vperm.xlane v4, v58;
	v9 =	vld [tilespmem:s6+$0x20E0];
	[tilespmem:s17+$0xA8E0] =	vst v49  }
0x210: {  	v47 =	vperm.xlane v4, v46;
	(erf) = vrcp.f32 v5;
	v10 =	vld [tilespmem:s6+$0x20F0];
	[tilespmem:s17+$0xA8F0] =	vst v63  }
0x211: {  	v46 =	vperm.xlane v4, v60;
	v48 =	vperm.xlane v4, v59;
	v11 =	vld [tilespmem:s6+$0x24A0];
	[tilespmem:s17+$0xAC80] =	vst v56  }
0x212: {  	v43 =	vperm.xlane v4, v2;
	v12 =	vld [tilespmem:s6+$0x24B0];
	[tilespmem:s17+$0xAC90] =	vst v61;
	v61 =	vperm.xlane v4, v3  }
0x213: {  	v51 =	vperm.xlane v4, v0;
	v49 =	vperm.xlane v4, v53;
	[tilespmem:s17+$0xACA0] =	vst v62  }
0x214: {  	v2 =	vadd.f32 $0.0e+00, v43;
	v5 =	vld [tilespmem:s6+$0x24F0];
	[tilespmem:s17+$0xACB0] =	vst v50;
	v50 =	vperm.xlane v4, v1;
	v3 =	vadd.f32 $0.0e+00, v61  }
0x215: {  	v62 =	vperm.xlane v4, v6;
	v57 =	vperm.xlane v4, v8  }
0x216: {  	v53 =	vperm.xlane v4, v9;
	v2 =	vadd.f32 v51, v2;
	v3 =	vadd.f32 v50, v3  }
0x217: {  	v45 =	vld [tilespmem:s6+$0x28A0];
	[tilespmem:s17+$0xACC0] =	vst v55;
	v6 =	vadd.f32 $0.0e+00, v62;
	v8 =	vadd.f32 $0.0e+00, v57;
	v58 =	vperm.xlane v4, v10  }
0x218: {  	v1 =	vld [tilespmem:s6+$0x28B0];
	[tilespmem:s17+$0xACD0] =	vst v54;
	v54 =	vperm.xlane v4, v11;
	v2 =	vadd.f32 v49, v2;
	v3 =	vadd.f32 v48, v3  }
0x219: {  	v9 =	vld [tilespmem:s6+$0x28E0];
	[tilespmem:s17+$0xACE0] =	vst v52;
	v6 =	vadd.f32 v53, v6;
	v8 =	vadd.f32 v58, v8;
	v59 =	vperm.xlane v4, v12;
	v10 =	vpop (erf)  }
0x21a: {  	v11 =	vld [tilespmem:s6+$0x28F0];
	v44 =	vmul.f32 v10, v41;
	v2 =	vadd.f32 v32, v2;
	v3 =	vadd.f32 v47, v3  }
0x21b: {  	v13 =	vld [tilespmem:s6+$0x2CA0];
	v6 =	vadd.f32 v54, v6;
	v63 =	vperm.xlane v4, v5;
	v8 =	vadd.f32 v59, v8  }
0x21c: {  	v5 =	vld [tilespmem:s6+$0x2CB0];
	v60 =	vperm.xlane v4, v45;
	[tilespmem:s9+$0xACF0] =	vst v44;
	v2 =	vadd.f32 v31, v2;
	v3 =	vadd.f32 v28, v3  }
0x21d: {  	v45 =	vadd.f32 v46, v6;
	v41 =	vperm.xlane v4, v1;
	v6 =	vadd.f32 v63, v8;
	v1 =	vld [tilespmem:s6+$0x2CE0]  }
0x21e: {  	v55 =	vperm.xlane v4, v9;
	v12 =	vld [tilespmem:s6+$0x2CF0];
	v2 =	vadd.f32 v38, v2;
	v3 =	vadd.f32 v42, v3  }
0x21f: {  	v0 =	vadd.f32 v60, v45;
	v44 =	vperm.xlane v4, v11;
	v6 =	vadd.f32 v41, v6  }
0x220: {  	v52 =	vperm.xlane v4, v13;
	v2 =	vadd.f32 v34, v2;
	v3 =	vadd.f32 v33, v3  }
0x221: {  	v56 =	vperm.xlane v4, v5;
	v0 =	vadd.f32 v55, v0;
	v6 =	vadd.f32 v44, v6  }
0x222: {  	v45 =	vperm.xlane v4, v1;
	v2 =	vadd.f32 v23, v2;
	v3 =	vadd.f32 v24, v3  }
0x223: {  	v0 =	vadd.f32 v52, v0;
	v5 =	vperm.xlane v4, v12;
	v9 =	vadd.f32 v56, v6;
	v6 =	vld [tilespmem:$0x1FD00]  }
0x224: {  	v2 =	vadd.f32 v3, v2;
	v3 =	vld [tilespmem:$0x1FD20]  }
0x225: {  	v0 =	vadd.f32 v45, v0;
	v1 =	vadd.f32 v5, v9  }
0x226: {  	v8 =	vmul.f32 v10, v35  }
0x227: {  	v35 =	vmul.f32 v10, v16;
	v0 =	vadd.f32 v1, v0  }
0x228: {  	v11 =	vld [tilespmem:$0x1FD10];
	[tilespmem:s9+$0xA0E0] =	vst v8;
	v6 =	vmul.f32 v10, v6  }
0x229: {  	[tilespmem:s9+$0xA4C0] =	vst v35;
	v12 =	vld [tilespmem:$0x1FD40];
	v0 =	vadd.f32 v0, v2;
	v3 =	vmul.f32 v10, v3  }
0x22a: {  	v8 =	vmul.f32 v10, v30;
	v35 =	vmul.f32 v10, v26;
	[tilespmem:s9+$0xA080] =	vst v6;
	v6 =	vld [tilespmem:$0x1FFD0]  }
0x22b: {  	[tilespmem:s9+$0xA0A0] =	vst v3;
	v3 =	vmul.f32 v10, v27;
	v27 =	vperm.xlane v0, v17  }
0x22c: {  	v13 =	vld [tilespmem:$0x1FD30];
	[tilespmem:s9+$0xA4F0] =	vst v8;
	v8 =	vmul.f32 v10, v19  }
0x22d: {  	[tilespmem:s9+$0xAC80] =	vst v35;
	v1 =	vmul.f32 v10, v11;
	v0 =	vadd.f32 v0, v27  }
0x22e: {  	[tilespmem:s9+$0xACD0] =	vst v8;
	v9 =	vmul.f32 v10, v22;
	v11 =	vmul.f32 v10, v21;
	v21 =	vld [tilespmem:$0x1FFE0]  }
0x22f: {  	[tilespmem:s9+$0xA090] =	vst v1;
	v1 =	vmul.f32 v10, v12;
	v12 =	vperm.xlane v0, v6  }
0x230: {  	[tilespmem:s9+$0xA0F0] =	vst v9;
	v9 =	vld [tilespmem:$0x1FD50]  }
0x231: {  	v2 =	vmul.f32 v10, v13;
	[tilespmem:s9+$0xA480] =	vst v11;
	v13 =	vmul.f32 v10, v39;
	v0 =	vadd.f32 v0, v12  }
0x232: {  	v22 =	vld [tilespmem:$0x1FFF0];
	[tilespmem:s9+$0xA0B0] =	vst v1  }
0x233: {  	[tilespmem:s9+$0xA4A0] =	vst v13;
	v13 =	vmul.f32 v10, v36;
	v39 =	vperm.xlane v0, v21  }
0x234: {  	[tilespmem:s9+$0xA0C0] =	vst v2;
	v36 =	vmul.f32 v10, v14  }
0x235: {  	v2 =	vmul.f32 v10, v9;
	v9 =	vld [tilespmem:$0x1FDB0];
	[tilespmem:s9+$0xA8B0] =	vst v13;
	v0 =	vadd.f32 v0, v39  }
0x236: {  	[tilespmem:s9+$0xAC90] =	vst v36  }
0x237: {  	[tilespmem:s9+$0xA0D0] =	vst v3;
	v3 =	vmul.f32 v10, v15;
	v11 =	vperm.xlane v0, v22  }
0x238: {  	[tilespmem:s9+$0xA880] =	vst v2;
	v27 =	vmul.f32 v10, v40  }
0x239: {  	v40 =	vmul.f32 v10, v20;
	[tilespmem:s9+$0xA490] =	vst v3;
	v3 =	vmul.f32 v10, v18;
	v0 =	vadd.f32 v0, v11  }
0x23a: {  	[tilespmem:s9+$0xA4B0] =	vst v27;
	v27 =	vmul.f32 v10, v7;
	v2 =	vmul.f32 v10, v9  }
0x23b: {  	[tilespmem:s9+$0xA4D0] =	vst v3;
	v3 =	vld [tilespmem:$0x1FD60];
	v12 =	vmul.f32 v10, v25;
	(erf) = vrcp.f32 v0  }
0x23c: {  	[tilespmem:s9+$0xA4E0] =	vst v40;
	v25 =	vmul.f32 v10, v29;
	v29 =	vmul.f32 v10, v37;
	v37 =	vld [tilespmem:$0x1FD80]  }
0x23d: {  	v30 =	vld [tilespmem:$0x1FD70];
	[tilespmem:s9+$0xA8D0] =	vst v27  }
0x23e: {  	v40 =	vld [tilespmem:$0x1FDA0];
	[tilespmem:s9+$0xACE0] =	vst v2  }
0x23f: {  	[tilespmem:s9+$0xA8A0] =	vst v12;
	v39 =	vld [tilespmem:$0x1FD90]  }
0x240: {  	[tilespmem:s9+$0xA8C0] =	vst v25;
	v3 =	vmul.f32 v10, v3  }
0x241: {  	[tilespmem:s9+$0xA8E0] =	vst v29;
	v1 =	vmul.f32 v10, v37  }
0x242: {  	[tilespmem:s9+$0xA890] =	vst v3;
	v0 =	vmul.f32 v10, v30  }
0x243: {  	[tilespmem:s9+$0xACA0] =	vst v1;
	v1 =	vmul.f32 v10, v40  }
0x244: {  	[tilespmem:s9+$0xA8F0] =	vst v0;
	v0 =	vmul.f32 v10, v39;
	v10 =	vpop (erf)  }
0x245: {  	[tilespmem:s9+$0xACC0] =	vst v1;
	v11 =	vmul.f32 v10, v5  }
0x246: {  	[tilespmem:s9+$0xACB0] =	vst v0;
	v12 =	vmul.f32 v10, v43  }
0x247: {  	v13 =	vmul.f32 v10, v61;
	[tilespmem:s6+$0xACF0] =	vst v11  }
0x248: {  	v14 =	vmul.f32 v10, v62;
	[tilespmem:s6+$0xA080] =	vst v12  }
0x249: {  	v25 =	vmul.f32 v10, v57;
	[tilespmem:s6+$0xA090] =	vst v13  }
0x24a: {  	v26 =	vmul.f32 v10, v51;
	[tilespmem:s6+$0xA0A0] =	vst v14  }
0x24b: {  	v27 =	vmul.f32 v10, v50;
	[tilespmem:s6+$0xA0B0] =	vst v25  }
0x24c: {  	v29 =	vmul.f32 v10, v53;
	[tilespmem:s6+$0xA0C0] =	vst v26  }
0x24d: {  	v30 =	vmul.f32 v10, v58;
	[tilespmem:s6+$0xA0D0] =	vst v27  }
0x24e: {  	v35 =	vmul.f32 v10, v49;
	[tilespmem:s6+$0xA0E0] =	vst v29  }
0x24f: {  	v36 =	vmul.f32 v10, v48;
	[tilespmem:s6+$0xA0F0] =	vst v30  }
0x250: {  	v37 =	vmul.f32 v10, v54;
	[tilespmem:s6+$0xA480] =	vst v35  }
0x251: {  	v39 =	vmul.f32 v10, v59;
	[tilespmem:s6+$0xA490] =	vst v36  }
0x252: {  	v40 =	vmul.f32 v10, v32;
	[tilespmem:s6+$0xA4A0] =	vst v37  }
0x253: {  	v43 =	vmul.f32 v10, v47;
	[tilespmem:s6+$0xA4B0] =	vst v39  }
0x254: {  	v46 =	vmul.f32 v10, v46;
	[tilespmem:s6+$0xA4C0] =	vst v40  }
0x255: {  	v47 =	vmul.f32 v10, v63;
	[tilespmem:s6+$0xA4D0] =	vst v43  }
0x256: {  	v48 =	vmul.f32 v10, v31;
	[tilespmem:s6+$0xA4E0] =	vst v46  }
0x257: {  	v49 =	vmul.f32 v10, v28;
	[tilespmem:s6+$0xA4F0] =	vst v47  }
0x258: {  	v50 =	vmul.f32 v10, v60;
	[tilespmem:s6+$0xA880] =	vst v48  }
0x259: {  	v51 =	vmul.f32 v10, v41;
	[tilespmem:s6+$0xA890] =	vst v49  }
0x25a: {  	v53 =	vmul.f32 v10, v38;
	[tilespmem:s6+$0xA8A0] =	vst v50  }
0x25b: {  	v54 =	vmul.f32 v10, v42;
	[tilespmem:s6+$0xA8B0] =	vst v51  }
0x25c: {  	v55 =	vmul.f32 v10, v55;
	[tilespmem:s6+$0xA8C0] =	vst v53  }
0x25d: {  	v57 =	vmul.f32 v10, v44;
	[tilespmem:s6+$0xA8D0] =	vst v54  }
0x25e: {  	v58 =	vmul.f32 v10, v34;
	[tilespmem:s6+$0xA8E0] =	vst v55  }
0x25f: {  	v59 =	vmul.f32 v10, v33;
	[tilespmem:s6+$0xA8F0] =	vst v57  }
0x260: {  	v60 =	vmul.f32 v10, v52;
	[tilespmem:s6+$0xAC80] =	vst v58  }
0x261: {  	v61 =	vmul.f32 v10, v56;
	[tilespmem:s6+$0xAC90] =	vst v59  }
0x262: {  	s0 =	sshll.u32 s7, $0x6;
	v62 =	vmul.f32 v10, v23;
	[tilespmem:s6+$0xACA0] =	vst v60  }
.Ltmp7:
0x263: {  	s0 =	sadd.s32 s0, s5;
	v63 =	vmul.f32 v10, v24;
	[tilespmem:s6+$0xACB0] =	vst v61;
	(pc) =	sbr.rel @p1 .LBB2_12-.Ltmp7, $4  }
0x264: {  	s0 =	sshll.u32 s0, $0x6;
	v1 =	vmul.f32 v10, v45;
	[tilespmem:s6+$0xACC0] =	vst v62  }
0x265: {  	s9 =	sadd.s32 s3, s0;
	[tilespmem:s6+$0xACD0] =	vst v63  }
0x266: {  	s0 =	sadd.s32 $0x400, s9;
	[tilespmem:s6+$0xACE0] =	vst v1  }
0x267: {  	v20 =	vmov v6;
	[hbm4b:s0+s4] =	stream.linear.scatter [tilespmem:s25], [sflag:$0x6], $0x2000, $0x38;
	[tilespmem:$0x10080] =	vst v63  }
.Ltmp8:
0x268: {  	(pc) =	sbr.rel .LBB2_13-.Ltmp8, $4  }
0x269: {  	_ = 	snop  }
0x26a: {  	_ =	swait.ge [sflag:s26], $0x2000  }
0x26b: {  	[sflag:s26] =	ssyncset.done $0x0  }
0x26c: {  	[sflag:s26] =	ssyncadd.s32 $0xFFFFE000  }
.LBB2_12:
.Ltmp9:
0x26d: {  	s0 =	sadd.s32 s8, s11;
	s1 =	simm.s32 $0x2080;
	(pc) =	sbr.rel @p0 .LBB2_14-.Ltmp9, $4  }
0x26e: {  	[tilespmem:s1], [sflag:$0x2] =	stream.linear.gather [hbm4b:s0+s4], $0x2000, $0x38;
	[tilespmem:$0x10080] =	vst v63  }
0x26f: {  	_ =	swait.ge [sflag:s26], $0x2000  }
0x270: {  	[sflag:s26] =	ssyncset.done $0x0  }
0x271: {  	[sflag:s26] =	ssyncadd.s32 $0xFFFFE000  }
.LBB2_13:
0x272: {  	_ =	swait.ge [sflag:s28], $0x2000  }
0x273: {  	[sflag:s28] =	ssyncset.done $0x0  }
0x274: {  	[sflag:s28] =	ssyncadd.s32 $0xFFFFE000  }
.LBB2_14:
0x275: {  	s0 =	simm.s32 $0x0  }
0x276: {  	s1 =	sand.u32 $0x1000, s0;
	s0 =	sand.u32 $0x380, s0  }
0x277: {  	s6 =	sor.u32 s0, s1  }
0x278: {  	v0 =	vld [tilespmem:s6+$0x4CC0]  }
0x279: {  	v1 =	vld [tilespmem:s6+$0x4CD0]  }
0x27a: {  	v2 =	vld [tilespmem:s6+$0x4C80]  }
0x27b: {  	v3 =	vld [tilespmem:s6+$0x4C90]  }
0x27c: {  	v5 =	vld [tilespmem:s6+$0x48C0]  }
0x27d: {  	v6 =	vld [tilespmem:s6+$0x48D0]  }
0x27e: {  	v7 =	vld [tilespmem:s6+$0x4880]  }
0x27f: {  	v8 =	vld [tilespmem:s6+$0x4890]  }
0x280: {  	v9 =	vld [tilespmem:s6+$0x44C0]  }
0x281: {  	v10 =	vld [tilespmem:s6+$0x44D0]  }
0x282: {  	v11 =	vld [tilespmem:s6+$0x4480]  }
0x283: {  	v12 =	vld [tilespmem:s6+$0x4490]  }
0x284: {  	v13 =	vld [tilespmem:s6+$0x40C0]  }
0x285: {  	v14 =	vld [tilespmem:s6+$0x40D0]  }
0x286: {  	v15 =	vperm.xlane v4, v0;
	v16 =	vperm.xlane v4, v1;
	v0 =	vld [tilespmem:s6+$0x4080]  }
0x287: {  	v19 =	vperm.xlane v4, v2;
	v18 =	vperm.xlane v4, v3;
	v1 =	vld [tilespmem:s6+$0x4090]  }
0x288: {  	v24 =	vperm.xlane v4, v5;
	v23 =	vperm.xlane v4, v6;
	v2 =	vld [tilespmem:s6+$0x40A0]  }
0x289: {  	v25 =	vperm.xlane v4, v7;
	v26 =	vperm.xlane v4, v8;
	v3 =	vld [tilespmem:s6+$0x40B0]  }
0x28a: {  	v46 =	vperm.xlane v4, v9;
	v5 =	vld [tilespmem:s6+$0x40E0];
	v34 =	vperm.xlane v4, v10  }
0x28b: {  	v6 =	vld [tilespmem:s6+$0x40F0];
	v42 =	vperm.xlane v4, v11;
	v47 =	vperm.xlane v4, v12  }
0x28c: {  	v32 =	vperm.xlane v4, v13;
	v28 =	vperm.xlane v4, v14;
	v7 =	vld [tilespmem:s6+$0x44A0]  }
0x28d: {  	v36 =	vperm.xlane v4, v0;
	v37 =	vperm.xlane v4, v1;
	v0 =	vld [tilespmem:s6+$0x44B0]  }
0x28e: {  	v1 =	vld [tilespmem:s6+$0x44E0];
	v35 =	vperm.xlane v4, v2;
	v30 =	vperm.xlane v4, v3  }
0x28f: {  	v31 =	vperm.xlane v4, v5;
	v5 =	vld [tilespmem:s6+$0x44F0];
	v2 =	vadd.f32 $0.0e+00, v36;
	v3 =	vadd.f32 $0.0e+00, v37  }
0x290: {  	v44 =	vperm.xlane v4, v6;
	v6 =	vld [tilespmem:s6+$0x48A0];
	v8 =	vadd.f32 $0.0e+00, v35;
	v50 =	vadd.f32 $0.0e+00, v30  }
0x291: {  	v57 =	vperm.xlane v4, v7;
	v7 =	vld [tilespmem:s6+$0x48B0];
	v2 =	vadd.f32 v32, v2;
	v3 =	vadd.f32 v28, v3  }
0x292: {  	v8 =	vadd.f32 v31, v8;
	v9 =	vadd.f32 v44, v50;
	v58 =	vperm.xlane v4, v0;
	v0 =	vld [tilespmem:s6+$0x48E0]  }
0x293: {  	v48 =	vperm.xlane v4, v1;
	v1 =	vadd.f32 v42, v2;
	v2 =	vadd.f32 v47, v3;
	v3 =	vld [tilespmem:s6+$0x48F0]  }
0x294: {  	v53 =	vperm.xlane v4, v5;
	v5 =	vld [tilespmem:s6+$0x4CA0];
	v8 =	vadd.f32 v57, v8;
	v9 =	vadd.f32 v58, v9  }
0x295: {  	v50 =	vperm.xlane v4, v6;
	v6 =	vld [tilespmem:s6+$0x4CB0];
	v1 =	vadd.f32 v46, v1;
	v2 =	vadd.f32 v34, v2  }
0x296: {  	v54 =	vperm.xlane v4, v7;
	v7 =	vld [tilespmem:s6+$0x4CE0];
	v8 =	vadd.f32 v48, v8;
	v9 =	vadd.f32 v53, v9  }
0x297: {  	v1 =	vadd.f32 v25, v1;
	v2 =	vadd.f32 v26, v2;
	v61 =	vperm.xlane v4, v0;
	v0 =	vld [tilespmem:s6+$0x4CF0]  }
0x298: {  	v8 =	vadd.f32 v50, v8;
	v9 =	vadd.f32 v54, v9;
	v56 =	vperm.xlane v4, v3  }
0x299: {  	v62 =	vperm.xlane v4, v5;
	v1 =	vadd.f32 v24, v1;
	v2 =	vadd.f32 v23, v2  }
0x29a: {  	v55 =	vperm.xlane v4, v6;
	v3 =	vadd.f32 v61, v8;
	v5 =	vadd.f32 v56, v9  }
0x29b: {  	v6 =	vperm.xlane v4, v7;
	v1 =	vadd.f32 v19, v1;
	v2 =	vadd.f32 v18, v2  }
0x29c: {  	v3 =	vadd.f32 v62, v3;
	v5 =	vadd.f32 v55, v5;
	v0 =	vperm.xlane v4, v0  }
0x29d: {  	v1 =	vadd.f32 v15, v1;
	v2 =	vadd.f32 v16, v2  }
0x29e: {  	v3 =	vadd.f32 v6, v3;
	v5 =	vadd.f32 v0, v5;
	_ =	sdelay $0x1  }
0x29f: {  	s14 =	simm.s32 $0x80;
	s1 =	simm.s32 $0x200;
	v1 =	vadd.f32 v2, v1;
	v2 =	vadd.f32 v5, v3  }
0x2a0: {  	s0 =	sand.u32 $0x1000, s1;
	s1 =	sand.u32 $0x380, s14  }
0x2a1: {  	s17 =	sor.u32 s1, s0;
	v1 =	vadd.f32 v2, v1  }
0x2a2: {  	v51 =	vld [tilespmem:s17+$0x48D0]  }
0x2a3: {  	v41 =	vld [tilespmem:s17+$0x44E0];
	[tilespmem:$0x1FCE0] =	vst v6;
	v6 =	vperm.xlane v1, v17  }
0x2a4: {  	v27 =	vld [tilespmem:s17+$0x40A0]  }
0x2a5: {  	v29 =	vld [tilespmem:s17+$0x40B0];
	v1 =	vadd.f32 v1, v6  }
0x2a6: {  	v39 =	vld [tilespmem:s17+$0x40F0]  }
0x2a7: {  	v49 =	vld [tilespmem:s17+$0x48A0];
	v6 =	vperm.xlane v1, v20  }
0x2a8: {  	v59 =	vld [tilespmem:s17+$0x48E0]  }
0x2a9: {  	v60 =	vld [tilespmem:s17+$0x48F0];
	v1 =	vadd.f32 v1, v6  }
0x2aa: {  	v63 =	vld [tilespmem:s17+$0x4CA0]  }
0x2ab: {  	v12 =	vld [tilespmem:s17+$0x4880];
	v6 =	vperm.xlane v1, v21  }
0x2ac: {  	v13 =	vld [tilespmem:s17+$0x4890]  }
0x2ad: {  	v14 =	vld [tilespmem:s17+$0x44C0];
	v1 =	vadd.f32 v1, v6  }
0x2ae: {  	v7 =	vld [tilespmem:s17+$0x4C90]  }
0x2af: {  	v8 =	vld [tilespmem:s17+$0x48C0];
	v6 =	vperm.xlane v1, v22  }
0x2b0: {  	[tilespmem:$0x1FCB0] =	vst v18;
	v18 =	vld [tilespmem:s17+$0x4490]  }
0x2b1: {  	[tilespmem:$0x1FCC0] =	vst v15;
	v15 =	vld [tilespmem:s17+$0x44D0];
	v1 =	vadd.f32 v1, v6  }
0x2b2: {  	[tilespmem:$0x1FCD0] =	vst v16;
	v16 =	vld [tilespmem:s17+$0x4480]  }
0x2b3: {  	v2 =	vld [tilespmem:s17+$0x4CD0];
	(erf) = vrcp.f32 v1  }
0x2b4: {  	v10 =	vmov v20;
	[tilespmem:$0x1FCA0] =	vst v19;
	v20 =	vld [tilespmem:s17+$0x40D0]  }
0x2b5: {  	[tilespmem:$0x1FC80] =	vst v24;
	v9 =	vperm.xlane v4, v13;
	v19 =	vld [tilespmem:s17+$0x40C0];
	v24 =	vperm.xlane v4, v7  }
0x2b6: {  	v11 =	vmov v21;
	[tilespmem:$0x1FC70] =	vst v26;
	v7 =	vperm.xlane v4, v51;
	v26 =	vperm.xlane v4, v8;
	v21 =	vld [tilespmem:s17+$0x4080]  }
0x2b7: {  	v38 =	vmov v22;
	v8 =	vperm.xlane v4, v12;
	v12 =	vperm.xlane v4, v14;
	v22 =	vld [tilespmem:s17+$0x4090]  }
0x2b8: {  	v14 =	vmov v24;
	v3 =	vld [tilespmem:s17+$0x4CC0];
	v13 =	vperm.xlane v4, v15;
	v24 =	vperm.xlane v4, v16  }
0x2b9: {  	[tilespmem:$0x1FC90] =	vst v23;
	v5 =	vld [tilespmem:s17+$0x4C80];
	v16 =	vmov v12;
	v23 =	vperm.xlane v4, v2;
	v12 =	vperm.xlane v4, v20  }
0x2ba: {  	v15 =	vperm.xlane v4, v18;
	v18 =	vmov v13;
	v13 =	vperm.xlane v4, v19;
	v1 =	vld [tilespmem:s17+$0x40E0]  }
0x2bb: {  	v51 =	vld [tilespmem:s17+$0x48B0];
	v19 =	vmovc v23;
	v23 =	vperm.xlane v4, v27;
	v27 =	vmov v12;
	v12 =	vperm.xlane v4, v29  }
0x2bc: {  	[tilespmem:$0x1FBD0] =	vst v13;
	v2 =	vld [tilespmem:s17+$0x44A0];
	v20 =	vperm.xlane v4, v21;
	v22 =	vperm.xlane v4, v22;
	v33 =	vpop (erf)  }
0x2bd: {  	[tilespmem:$0x1FBC0] =	vst v23;
	v40 =	vadd.f32 $0.0e+00, v23;
	v6 =	vperm.xlane v4, v3;
	v3 =	vld [tilespmem:s17+$0x44B0];
	v0 =	vmul.f32 v33, v0  }
0x2be: {  	v43 =	vperm.xlane v4, v5;
	v5 =	vld [tilespmem:s17+$0x44F0];
	v29 =	vmovc v26;
	[tilespmem:$0x1FBE0] =	vst v12;
	v45 =	vadd.f32 $0.0e+00, v12;
	v52 =	vadd.f32 $0.0e+00, v22  }
0x2bf: {  	v21 =	vmovc v24;
	v24 =	vld [tilespmem:s17+$0x4CB0];
	v26 =	vperm.xlane v4, v1;
	v36 =	vmul.f32 v33, v36;
	[tilespmem:s6+$0xCCF0] =	vst v0;
	v0 =	vadd.f32 $0.0e+00, v20  }
0x2c0: {  	[tilespmem:$0x1FBA0] =	vst v20;
	v52 =	vadd.f32 v27, v52;
	v37 =	vmul.f32 v33, v37;
	v20 =	vperm.xlane v4, v39;
	v1 =	vld [tilespmem:s17+$0x4CE0]  }
0x2c1: {  	s15 =	simm.s32 $0x400;
	s0 =	simm.s32 $0x100;
	v39 =	vperm.xlane v4, v2;
	v23 =	vld [tilespmem:s17+$0x4CF0];
	[tilespmem:s6+$0xC080] =	vst v36;
	v0 =	vadd.f32 v13, v0;
	v13 =	vmul.f32 v33, v35  }
0x2c2: {  	s1 =	sand.u32 $0x1000, s15;
	s14 =	sand.u32 $0x380, s0;
	v2 =	vadd.f32 v26, v40;
	v40 =	vperm.xlane v4, v3;
	v3 =	vmul.f32 v33, v30;
	[tilespmem:s6+$0xC090] =	vst v37  }
0x2c3: {  	s14 =	sor.u32 s14, s1;
	v12 =	vadd.f32 v20, v45;
	[tilespmem:s6+$0xC0A0] =	vst v13  }
0x2c4: {  	v60 =	vperm.xlane v4, v60;
	v32 =	vmul.f32 v33, v32;
	v45 =	vadd.f32 v15, v52;
	v52 =	vld [tilespmem:s14+$0x4CC0];
	[tilespmem:s6+$0xC0B0] =	vst v3  }
0x2c5: {  	[tilespmem:$0x1FBB0] =	vst v22;
	v28 =	vmul.f32 v33, v28;
	v0 =	vadd.f32 v21, v0;
	v3 =	vadd.f32 v40, v12;
	v12 =	vld [tilespmem:s14+$0x4CD0]  }
0x2c6: {  	v30 =	vperm.xlane v4, v5;
	v35 =	vmovc v26;
	v2 =	vadd.f32 v39, v2;
	v13 =	vperm.xlane v4, v41  }
0x2c7: {  	v22 =	vmovc v20;
	v26 =	vperm.xlane v4, v49;
	v5 =	vadd.f32 v18, v45;
	v0 =	vadd.f32 v16, v0  }
0x2c8: {  	v20 =	vmovc v13;
	v2 =	vadd.f32 v13, v2;
	v13 =	vperm.xlane v4, v51;
	v3 =	vadd.f32 v30, v3  }
0x2c9: {  	[tilespmem:$0x1FBF0] =	vst v8;
	v5 =	vadd.f32 v9, v5;
	v41 =	vperm.xlane v4, v23;
	v0 =	vadd.f32 v8, v0  }
0x2ca: {  	v2 =	vadd.f32 v26, v2;
	v3 =	vadd.f32 v13, v3;
	[tilespmem:$0x1FCF0] =	vst v12;
	v12 =	vperm.xlane v4, v59  }
0x2cb: {  	[tilespmem:s6+$0xC0C0] =	vst v32;
	v5 =	vadd.f32 v7, v5;
	v8 =	vperm.xlane v4, v63;
	v0 =	vadd.f32 v29, v0  }
0x2cc: {  	v3 =	vadd.f32 v60, v3;
	v37 =	vmovc v12;
	v2 =	vadd.f32 v12, v2;
	v12 =	vperm.xlane v4, v24  }
0x2cd: {  	v32 =	vld [tilespmem:s14+$0x4C80];
	[tilespmem:s6+$0xC0D0] =	vst v28;
	v28 =	vmul.f32 v33, v31;
	v5 =	vadd.f32 v14, v5;
	v0 =	vadd.f32 v43, v0  }
0x2ce: {  	v63 =	vperm.xlane v4, v1;
	v1 =	vadd.f32 v8, v2;
	v2 =	vadd.f32 v12, v3  }
0x2cf: {  	v45 =	vld [tilespmem:s14+$0x4C90];
	[tilespmem:s6+$0xC0E0] =	vst v28;
	v28 =	vmul.f32 v33, v44;
	v5 =	vadd.f32 v19, v5;
	v0 =	vadd.f32 v6, v0  }
0x2d0: {  	[tilespmem:$0x1FC60] =	vst v25;
	v24 =	vmul.f32 v33, v42;
	v1 =	vadd.f32 v63, v1;
	v2 =	vadd.f32 v41, v2  }
0x2d1: {  	v44 =	vld [tilespmem:s14+$0x48C0];
	[tilespmem:s6+$0xC0F0] =	vst v28;
	v3 =	vmul.f32 v33, v47  }
0x2d2: {  	v25 =	vmovc v26;
	v26 =	vmov v43;
	v43 =	vld [tilespmem:s14+$0x48D0];
	[tilespmem:s6+$0xC480] =	vst v24;
	v0 =	vadd.f32 v5, v0;
	v1 =	vadd.f32 v2, v1  }
0x2d3: {  	v47 =	vld [tilespmem:s14+$0x4880];
	[tilespmem:s6+$0xC490] =	vst v3;
	v3 =	vmul.f32 v33, v57  }
0x2d4: {  	v2 =	vmul.f32 v33, v58;
	v0 =	vadd.f32 v1, v0  }
0x2d5: {  	v57 =	vld [tilespmem:s14+$0x4890];
	[tilespmem:s6+$0xC4A0] =	vst v3  }
0x2d6: {  	v58 =	vld [tilespmem:s14+$0x44C0];
	[tilespmem:s6+$0xC4B0] =	vst v2;
	v2 =	vperm.xlane v0, v17;
	_ =	sdelay $0x1  }
0x2d7: {  	v0 =	vadd.f32 v0, v2  }
0x2d8: {  	v1 =	vmul.f32 v33, v46  }
0x2d9: {  	[tilespmem:$0x1FC10] =	vst v60;
	v5 =	vld [tilespmem:$0x1FC70];
	v3 =	vmul.f32 v33, v34;
	v23 =	vperm.xlane v0, v10  }
0x2da: {  	v46 =	vld [tilespmem:s14+$0x44D0];
	[tilespmem:s6+$0xC4C0] =	vst v1;
	v1 =	vmul.f32 v33, v48  }
0x2db: {  	v60 =	vld [tilespmem:s14+$0x44E0];
	[tilespmem:s6+$0xC4D0] =	vst v3;
	v2 =	vmul.f32 v33, v53;
	v23 =	vadd.f32 v0, v23  }
0x2dc: {  	v53 =	vld [tilespmem:s14+$0x4480];
	[tilespmem:s6+$0xC4E0] =	vst v1  }
0x2dd: {  	v59 =	vld [tilespmem:s14+$0x4490];
	[tilespmem:s6+$0xC4F0] =	vst v2;
	v2 =	vperm.xlane v23, v11  }
0x2de: {  	v0 =	vld [tilespmem:$0x1FC90]  }
0x2df: {  	v24 =	vmul.f32 v33, v5;
	v5 =	vadd.f32 v23, v2;
	v2 =	vld [tilespmem:$0x1FCC0];
	_ =	sdelay $0x1  }
0x2e0: {  	v3 =	vld [tilespmem:$0x1FC60]  }
0x2e1: {  	v1 =	vld [tilespmem:$0x1FC80]  }
0x2e2: {  	[tilespmem:$0x1FC00] =	vst v9;
	v9 =	vmul.f32 v33, v50;
	v51 =	vmul.f32 v33, v0;
	v0 =	vld [tilespmem:$0x1FCA0]  }
0x2e3: {  	v50 =	vmul.f32 v33, v55;
	v55 =	vmul.f32 v33, v2;
	v2 =	vld [tilespmem:$0x1FCD0];
	_ =	sdelay $0x2  }
0x2e4: {  	[tilespmem:$0x1FC50] =	vst v63;
	v63 =	vmul.f32 v33, v56;
	v48 =	vmul.f32 v33, v1;
	v1 =	vld [tilespmem:$0x1FCB0]  }
0x2e5: {  	v3 =	vmul.f32 v33, v3;
	v56 =	vmul.f32 v33, v0;
	v0 =	vld [tilespmem:s14+$0x40C0]  }
0x2e6: {  	[tilespmem:$0x1FC40] =	vst v6;
	v10 =	vmul.f32 v33, v54;
	v54 =	vmul.f32 v33, v2;
	v2 =	vld [tilespmem:$0x1FCE0]  }
0x2e7: {  	v62 =	vmul.f32 v33, v62;
	[tilespmem:s6+$0xC880] =	vst v3;
	v3 =	vld [tilespmem:$0x1FCF0]  }
0x2e8: {  	v49 =	vmul.f32 v33, v61;
	[tilespmem:$0x1FC20] =	vst v8;
	v42 =	vperm.xlane v4, v43  }
0x2e9: {  	[tilespmem:$0x1FC30] =	vst v12;
	v34 =	vperm.xlane v4, v32;
	v38 =	vperm.xlane v5, v38  }
0x2ea: {  	v23 =	vperm.xlane v4, v52;
	v61 =	vmul.f32 v33, v1;
	v1 =	vld [tilespmem:s14+$0x40D0];
	[tilespmem:s6+$0xC890] =	vst v24  }
0x2eb: {  	v5 =	vadd.f32 v5, v38;
	v38 =	vperm.xlane v4, v44;
	v52 =	vmul.f32 v33, v2;
	v2 =	vld [tilespmem:s14+$0x4080];
	[tilespmem:s6+$0xC8A0] =	vst v9  }
0x2ec: {  	s1 =	simm.s32 $0x600;
	v36 =	vmov v13;
	v24 =	vperm.xlane v4, v3;
	v33 =	vperm.xlane v4, v45;
	v3 =	vld [tilespmem:s14+$0x4090];
	[tilespmem:s6+$0xC8B0] =	vst v10  }
.LBB2_15:
0x2ed: {  	v6 =	vld [tilespmem:s14+$0x40A0];
	[tilespmem:s6+$0xC8C0] =	vst v48  }
0x2ee: {  	v44 =	vperm.xlane v4, v47;
	(erf) = vrcp.f32 v5;
	v32 =	vld [tilespmem:s14+$0x40B0];
	[tilespmem:s6+$0xC8D0] =	vst v51  }
0x2ef: {  	v45 =	vperm.xlane v4, v57;
	v47 =	vperm.xlane v4, v58;
	v5 =	vld [tilespmem:s14+$0x40E0];
	[tilespmem:s6+$0xC8E0] =	vst v49  }
0x2f0: {  	v43 =	vmovc v7;
	v7 =	vmov v42;
	v48 =	vperm.xlane v4, v46;
	v46 =	vperm.xlane v4, v60;
	v42 =	vld [tilespmem:s14+$0x40F0];
	[tilespmem:s6+$0xC8F0] =	vst v63  }
0x2f1: {  	v0 =	vperm.xlane v4, v0;
	v2 =	vperm.xlane v4, v2;
	v49 =	vld [tilespmem:s14+$0x44A0];
	[tilespmem:s6+$0xCC80] =	vst v56  }
0x2f2: {  	v3 =	vperm.xlane v4, v3;
	v6 =	vperm.xlane v4, v6;
	v56 =	vld [tilespmem:s14+$0x44B0];
	[tilespmem:s6+$0xCC90] =	vst v61  }
0x2f3: {  	v28 =	vld [tilespmem:$0x1FBA0];
	v51 =	vperm.xlane v4, v53;
	v1 =	vperm.xlane v4, v1;
	v9 =	vadd.f32 $0.0e+00, v2;
	[tilespmem:s6+$0xCCA0] =	vst v62  }
0x2f4: {  	v10 =	vadd.f32 $0.0e+00, v3;
	v60 =	vld [tilespmem:s14+$0x44F0];
	[tilespmem:s6+$0xCCB0] =	vst v50;
	v11 =	vadd.f32 $0.0e+00, v6;
	v5 =	vperm.xlane v4, v5  }
0x2f5: {  	v53 =	vperm.xlane v4, v59;
	v57 =	vperm.xlane v4, v32;
	v9 =	vadd.f32 v0, v9;
	v63 =	vld [tilespmem:s14+$0x48A0];
	[tilespmem:s6+$0xCCC0] =	vst v55  }
0x2f6: {  	v10 =	vadd.f32 v1, v10;
	v59 =	vld [tilespmem:s14+$0x48B0];
	[tilespmem:s6+$0xCCD0] =	vst v54;
	v49 =	vperm.xlane v4, v49;
	v11 =	vadd.f32 v5, v11  }
0x2f7: {  	v32 =	vadd.f32 $0.0e+00, v57;
	v62 =	vperm.xlane v4, v42;
	v42 =	vpop (erf);
	v50 =	vperm.xlane v4, v56;
	v56 =	vld [tilespmem:s14+$0x48E0];
	[tilespmem:s6+$0xCCE0] =	vst v52;
	s6 =	smov.u32 s17;
	s17 =	smov.u32 s14  }
0x2f8: {  	v52 =	vadd.f32 v51, v9;
	v41 =	vmul.f32 v42, v41;
	v58 =	vld [tilespmem:s17+$0x48F0];
	v54 =	vadd.f32 v49, v11  }
0x2f9: {  	v61 =	vadd.f32 v62, v32;
	v32 =	vadd.f32 v53, v10;
	v8 =	vld [tilespmem:s17+$0x4CA0]  }
0x2fa: {  	v9 =	vadd.f32 v47, v52;
	v52 =	vperm.xlane v4, v63;
	v63 =	vld [tilespmem:s17+$0x4CB0];
	[tilespmem:s6+$0xCCF0] =	vst v41;
	v41 =	vadd.f32 v46, v54  }
0x2fb: {  	v55 =	vadd.f32 v48, v32;
	v32 =	vld [tilespmem:s17+$0x4CF0]  }
0x2fc: {  	v10 =	vperm.xlane v4, v56;
	v41 =	vadd.f32 v52, v41  }
0x2fd: {  	v60 =	vperm.xlane v4, v60;
	v61 =	vadd.f32 v50, v61  }
0x2fe: {  	v8 =	vperm.xlane v4, v8;
	v41 =	vadd.f32 v10, v41  }
0x2ff: {  	v54 =	vadd.f32 v60, v61;
	v12 =	vperm.xlane v4, v63  }
0x300: {  	v61 =	vld [tilespmem:s17+$0x4CE0];
	v63 =	vadd.f32 v8, v41;
	v41 =	vperm.xlane v4, v32;
	v32 =	vmul.f32 v42, v28;
	v28 =	vmovc v2  }
0x301: {  	[tilespmem:$0x1FBA0] =	vst v28;
	v28 =	vld [tilespmem:$0x1FBB0];
	_ =	sdelay $0x3  }
0x302: {  	v59 =	vperm.xlane v4, v59;
	v9 =	vadd.f32 v44, v9  }
0x303: {  	v55 =	vadd.f32 v45, v55;
	v13 =	vperm.xlane v4, v61;
	v61 =	vmul.f32 v42, v28;
	v28 =	vmovc v3  }
0x304: {  	v54 =	vadd.f32 v59, v54;
	v11 =	vperm.xlane v4, v58;
	v9 =	vadd.f32 v38, v9;
	[tilespmem:$0x1FBB0] =	vst v28;
	v28 =	vld [tilespmem:$0x1FBE0]  }
0x305: {  	v55 =	vadd.f32 v7, v55  }
0x306: {  	v54 =	vadd.f32 v11, v54;
	v9 =	vadd.f32 v34, v9;
	v3 =	vld [tilespmem:$0x1FBC0]  }
0x307: {  	v55 =	vadd.f32 v33, v55  }
0x308: {  	v54 =	vadd.f32 v12, v54;
	v9 =	vadd.f32 v23, v9  }
0x309: {  	v2 =	vadd.f32 v13, v63;
	v63 =	vmul.f32 v42, v28;
	v28 =	vmovc v6;
	v6 =	vmov v57;
	v57 =	vld [tilespmem:$0x1FBD0]  }
0x30a: {  	v55 =	vadd.f32 v24, v55;
	[tilespmem:s6+$0xC080] =	vst v32;
	v54 =	vadd.f32 v41, v54  }
0x30b: {  	s0 =	sadd.s32 $0x80, s0;
	[tilespmem:s6+$0xC090] =	vst v61;
	v3 =	vmul.f32 v42, v3  }
0x30c: {  	s15 =	sand.u32 $0x380, s0;
	s14 =	sand.u32 $0x1000, s1;
	v2 =	vadd.f32 v54, v2;
	[tilespmem:$0x1FBE0] =	vst v6;
	v6 =	vadd.f32 v55, v9  }
0x30d: {  	s14 =	sor.u32 s15, s14;
	[tilespmem:s6+$0xC0A0] =	vst v3;
	v3 =	vmul.f32 v42, v27  }
0x30e: {  	v32 =	vmovc v1;
	v27 =	vmov v0;
	v1 =	vld [tilespmem:s14+$0x4CC0];
	[tilespmem:s6+$0xC0B0] =	vst v63;
	v0 =	vadd.f32 v2, v6;
	v9 =	vmul.f32 v42, v57  }
0x30f: {  	v58 =	vmul.f32 v42, v35;
	v61 =	vmov v14;
	v14 =	vld [tilespmem:s14+$0x4CD0]  }
0x310: {  	v63 =	vperm.xlane v0, v17;
	v17 =	vmul.f32 v42, v30;
	v30 =	vld [tilespmem:$0x1FFD0];
	[tilespmem:s6+$0xC0C0] =	vst v9  }
0x311: {  	v9 =	vmul.f32 v42, v15;
	v15 =	vld [tilespmem:s14+$0x4C80];
	[tilespmem:s6+$0xC0D0] =	vst v3  }
0x312: {  	v31 =	vmov v51;
	v35 =	vmov v5;
	v2 =	vmul.f32 v42, v22;
	v5 =	vld [tilespmem:s14+$0x4C90];
	[tilespmem:s6+$0xC0E0] =	vst v58  }
0x313: {  	v51 =	vmovc v29;
	v29 =	vmov v53;
	v53 =	vmul.f32 v42, v16;
	[tilespmem:$0x1FBD0] =	vst v27;
	v6 =	vmul.f32 v42, v21;
	v16 =	vld [tilespmem:s14+$0x48C0]  }
0x314: {  	[tilespmem:s6+$0xC0F0] =	vst v2;
	v2 =	vmul.f32 v42, v20;
	v20 =	vld [tilespmem:$0x1FC00]  }
0x315: {  	v54 =	vmul.f32 v42, v18;
	v55 =	vmul.f32 v42, v39;
	v18 =	vld [tilespmem:s14+$0x48D0];
	[tilespmem:s6+$0xC480] =	vst v6  }
0x316: {  	v27 =	vmov v47;
	v3 =	vmul.f32 v42, v40;
	v47 =	vld [tilespmem:s14+$0x4880];
	[tilespmem:s6+$0xC490] =	vst v9  }
0x317: {  	v57 =	vld [tilespmem:s14+$0x4890];
	[tilespmem:s6+$0xC4A0] =	vst v55  }
0x318: {  	v0 =	vadd.f32 v0, v63;
	v58 =	vld [tilespmem:s14+$0x44C0];
	[tilespmem:s6+$0xC4B0] =	vst v3  }
0x319: {  	v21 =	vmul.f32 v42, v20;
	v20 =	vmov v46;
	v46 =	vld [tilespmem:s14+$0x44D0];
	[tilespmem:s6+$0xC4C0] =	vst v53  }
0x31a: {  	v63 =	vperm.xlane v0, v30;
	v30 =	vmov v60;
	v60 =	vld [tilespmem:s14+$0x44E0];
	[tilespmem:s6+$0xC4D0] =	vst v54  }
0x31b: {  	v53 =	vld [tilespmem:s14+$0x4480]  }
0x31c: {  	[tilespmem:s6+$0xC4E0] =	vst v2;
	v2 =	vld [tilespmem:$0x1FC20]  }
0x31d: {  	v22 =	vmov v62;
	v62 =	vmov v45;
	_ =	sdelay $0x2  }
0x31e: {  	[tilespmem:$0x1FC00] =	vst v62;
	v62 =	vmov v11;
	v3 =	vld [tilespmem:$0x1FC10]  }
0x31f: {  	[tilespmem:$0x1FC10] =	vst v62;
	v62 =	vmul.f32 v42, v2;
	v2 =	vld [tilespmem:$0x1FC30];
	_ =	sdelay $0x3  }
0x320: {  	v0 =	vadd.f32 v0, v63;
	v63 =	vmul.f32 v42, v3;
	v3 =	vld [tilespmem:$0x1FFE0]  }
0x321: {  	v40 =	vmov v50;
	v50 =	vmul.f32 v42, v2;
	v2 =	vmov v12  }
0x322: {  	[tilespmem:$0x1FC30] =	vst v2;
	v2 =	vld [tilespmem:$0x1FC50];
	_ =	sdelay $0x2  }
0x323: {  	v56 =	vmul.f32 v42, v26;
	v6 =	vld [tilespmem:$0x1FBF0];
	v26 =	vperm.xlane v0, v3  }
0x324: {  	v8 =	vmovc v8;
	v61 =	vmul.f32 v42, v61;
	[tilespmem:$0x1FBC0] =	vst v28;
	v39 =	vmov v49;
	v9 =	vmul.f32 v42, v25  }
0x325: {  	v25 =	vmovc v52;
	[tilespmem:$0x1FC20] =	vst v8;
	v8 =	vadd.f32 v0, v26;
	v0 =	vld [tilespmem:$0x1FC40];
	v52 =	vmul.f32 v42, v2;
	v2 =	vmov v23  }
0x326: {  	v49 =	vmul.f32 v42, v37;
	v28 =	vmovc v48;
	v48 =	vmov v44;
	v45 =	vmul.f32 v42, v36;
	[tilespmem:$0x1FC40] =	vst v2;
	v2 =	vld [tilespmem:$0x1FFF0]  }
0x327: {  	[tilespmem:$0x1FBF0] =	vst v48;
	v48 =	vmul.f32 v42, v51;
	v51 =	vmul.f32 v42, v43  }
0x328: {  	p2 =	sne.s32 s1, $0x1E00;
	v36 =	vmovc v59;
	v6 =	vmul.f32 v42, v6;
	v54 =	vmul.f32 v42, v19;
	v59 =	vld [tilespmem:s14+$0x4490];
	[tilespmem:s6+$0xC4F0] =	vst v17;
	v3 =	vmov v13  }
.Ltmp10:
0x329: {  	v19 =	vmovc v24;
	v24 =	vperm.xlane v4, v14;
	v14 =	vmov v33;
	v33 =	vperm.xlane v4, v5;
	v17 =	vld [tilespmem:$0x1FFC0];
	[tilespmem:$0x1FC50] =	vst v3;
	(pc) =	sbr.rel @p2 .LBB2_15-.Ltmp10, $4  }
0x32a: {  	v26 =	vmov v34;
	v34 =	vperm.xlane v4, v15;
	v55 =	vmul.f32 v42, v0;
	v0 =	vld [tilespmem:s14+$0x40C0];
	[tilespmem:s6+$0xC880] =	vst v6  }
0x32b: {  	v37 =	vmov v10;
	v23 =	vperm.xlane v4, v1;
	v1 =	vld [tilespmem:s14+$0x40D0];
	[tilespmem:s6+$0xC890] =	vst v21;
	v6 =	vperm.xlane v8, v2  }
0x32c: {  	v15 =	vmovc v29;
	v29 =	vmovc v38;
	v38 =	vperm.xlane v4, v16;
	v16 =	vmov v27;
	v27 =	vmov v32;
	v2 =	vld [tilespmem:s14+$0x4080];
	[tilespmem:s6+$0xC8A0] =	vst v9  }
0x32d: {  	s1 =	sadd.s32 $0x200, s1;
	v21 =	vmovc v31;
	v42 =	vperm.xlane v4, v18;
	v18 =	vmov v28;
	v3 =	vld [tilespmem:s14+$0x4090];
	[tilespmem:s6+$0xC8B0] =	vst v45;
	v5 =	vadd.f32 v8, v6  }
0x32e: {  	v6 =	vld [tilespmem:s14+$0x40A0];
	[tilespmem:s6+$0xC8C0] =	vst v48  }
0x32f: {  	v31 =	vperm.xlane v4, v47;
	v8 =	vld [tilespmem:s14+$0x40B0];
	[tilespmem:s6+$0xC8D0] =	vst v51  }
0x330: {  	v28 =	vperm.xlane v4, v57;
	v32 =	vperm.xlane v4, v58;
	v9 =	vld [tilespmem:s14+$0x40E0];
	[tilespmem:s6+$0xC8E0] =	vst v49  }
0x331: {  	v47 =	vperm.xlane v4, v46;
	(erf) = vrcp.f32 v5;
	v10 =	vld [tilespmem:s14+$0x40F0];
	[tilespmem:s6+$0xC8F0] =	vst v63  }
0x332: {  	v46 =	vperm.xlane v4, v60;
	v48 =	vperm.xlane v4, v59;
	v11 =	vld [tilespmem:s14+$0x44A0];
	[tilespmem:s6+$0xCC80] =	vst v56  }
0x333: {  	v43 =	vperm.xlane v4, v2;
	v12 =	vld [tilespmem:s14+$0x44B0];
	[tilespmem:s6+$0xCC90] =	vst v61;
	v61 =	vperm.xlane v4, v3  }
0x334: {  	v51 =	vperm.xlane v4, v0;
	v49 =	vperm.xlane v4, v53;
	[tilespmem:s6+$0xCCA0] =	vst v62  }
0x335: {  	v2 =	vadd.f32 $0.0e+00, v43;
	v5 =	vld [tilespmem:s14+$0x44F0];
	[tilespmem:s6+$0xCCB0] =	vst v50;
	v50 =	vperm.xlane v4, v1;
	v3 =	vadd.f32 $0.0e+00, v61  }
0x336: {  	v62 =	vperm.xlane v4, v6;
	v57 =	vperm.xlane v4, v8  }
0x337: {  	v53 =	vperm.xlane v4, v9;
	v2 =	vadd.f32 v51, v2;
	v3 =	vadd.f32 v50, v3  }
0x338: {  	v45 =	vld [tilespmem:s14+$0x48A0];
	[tilespmem:s6+$0xCCC0] =	vst v55;
	v6 =	vadd.f32 $0.0e+00, v62;
	v8 =	vadd.f32 $0.0e+00, v57;
	v58 =	vperm.xlane v4, v10  }
0x339: {  	v1 =	vld [tilespmem:s14+$0x48B0];
	[tilespmem:s6+$0xCCD0] =	vst v54;
	v54 =	vperm.xlane v4, v11;
	v2 =	vadd.f32 v49, v2;
	v3 =	vadd.f32 v48, v3  }
0x33a: {  	v9 =	vld [tilespmem:s14+$0x48E0];
	[tilespmem:s6+$0xCCE0] =	vst v52;
	v6 =	vadd.f32 v53, v6;
	v8 =	vadd.f32 v58, v8;
	v59 =	vperm.xlane v4, v12;
	v10 =	vpop (erf)  }
0x33b: {  	v11 =	vld [tilespmem:s14+$0x48F0];
	v44 =	vmul.f32 v10, v41;
	v2 =	vadd.f32 v32, v2;
	v3 =	vadd.f32 v47, v3  }
0x33c: {  	v13 =	vld [tilespmem:s14+$0x4CA0];
	v6 =	vadd.f32 v54, v6;
	v63 =	vperm.xlane v4, v5;
	v8 =	vadd.f32 v59, v8  }
0x33d: {  	v5 =	vld [tilespmem:s14+$0x4CB0];
	v60 =	vperm.xlane v4, v45;
	[tilespmem:s17+$0xCCF0] =	vst v44;
	v2 =	vadd.f32 v31, v2;
	v3 =	vadd.f32 v28, v3  }
0x33e: {  	v45 =	vadd.f32 v46, v6;
	v41 =	vperm.xlane v4, v1;
	v6 =	vadd.f32 v63, v8;
	v1 =	vld [tilespmem:s14+$0x4CE0]  }
0x33f: {  	v55 =	vperm.xlane v4, v9;
	v12 =	vld [tilespmem:s14+$0x4CF0];
	v2 =	vadd.f32 v38, v2;
	v3 =	vadd.f32 v42, v3  }
0x340: {  	v0 =	vadd.f32 v60, v45;
	v44 =	vperm.xlane v4, v11;
	v6 =	vadd.f32 v41, v6  }
0x341: {  	v52 =	vperm.xlane v4, v13;
	v2 =	vadd.f32 v34, v2;
	v3 =	vadd.f32 v33, v3  }
0x342: {  	v56 =	vperm.xlane v4, v5;
	v0 =	vadd.f32 v55, v0;
	v6 =	vadd.f32 v44, v6  }
0x343: {  	v45 =	vperm.xlane v4, v1;
	v2 =	vadd.f32 v23, v2;
	v3 =	vadd.f32 v24, v3  }
0x344: {  	v0 =	vadd.f32 v52, v0;
	v5 =	vperm.xlane v4, v12;
	v9 =	vadd.f32 v56, v6;
	v6 =	vld [tilespmem:$0x1FBA0]  }
0x345: {  	v2 =	vadd.f32 v3, v2;
	v3 =	vld [tilespmem:$0x1FBC0]  }
0x346: {  	v0 =	vadd.f32 v45, v0;
	v1 =	vadd.f32 v5, v9  }
0x347: {  	v8 =	vmul.f32 v10, v35  }
0x348: {  	v35 =	vmul.f32 v10, v16;
	v0 =	vadd.f32 v1, v0  }
0x349: {  	v11 =	vld [tilespmem:$0x1FBB0];
	[tilespmem:s17+$0xC0E0] =	vst v8;
	v6 =	vmul.f32 v10, v6  }
0x34a: {  	[tilespmem:s17+$0xC4C0] =	vst v35;
	v12 =	vld [tilespmem:$0x1FBE0];
	v0 =	vadd.f32 v0, v2;
	v3 =	vmul.f32 v10, v3  }
0x34b: {  	v8 =	vmul.f32 v10, v30;
	v35 =	vmul.f32 v10, v26;
	[tilespmem:s17+$0xC080] =	vst v6;
	v6 =	vld [tilespmem:$0x1FFD0]  }
0x34c: {  	[tilespmem:s17+$0xC0A0] =	vst v3;
	v3 =	vmul.f32 v10, v27;
	v27 =	vperm.xlane v0, v17  }
0x34d: {  	v13 =	vld [tilespmem:$0x1FBD0];
	[tilespmem:s17+$0xC4F0] =	vst v8;
	v8 =	vmul.f32 v10, v19  }
0x34e: {  	[tilespmem:s17+$0xCC80] =	vst v35;
	v1 =	vmul.f32 v10, v11;
	v0 =	vadd.f32 v0, v27  }
0x34f: {  	[tilespmem:s17+$0xCCD0] =	vst v8;
	v9 =	vmul.f32 v10, v22;
	v11 =	vmul.f32 v10, v21;
	v21 =	vld [tilespmem:$0x1FFE0]  }
0x350: {  	[tilespmem:s17+$0xC090] =	vst v1;
	v1 =	vmul.f32 v10, v12;
	v12 =	vperm.xlane v0, v6  }
0x351: {  	[tilespmem:s17+$0xC0F0] =	vst v9;
	v9 =	vld [tilespmem:$0x1FBF0]  }
0x352: {  	v2 =	vmul.f32 v10, v13;
	[tilespmem:s17+$0xC480] =	vst v11;
	v13 =	vmul.f32 v10, v39;
	v0 =	vadd.f32 v0, v12  }
0x353: {  	v22 =	vld [tilespmem:$0x1FFF0];
	[tilespmem:s17+$0xC0B0] =	vst v1  }
0x354: {  	[tilespmem:s17+$0xC4A0] =	vst v13;
	v13 =	vmul.f32 v10, v36;
	v39 =	vperm.xlane v0, v21  }
0x355: {  	[tilespmem:s17+$0xC0C0] =	vst v2;
	v36 =	vmul.f32 v10, v14  }
0x356: {  	v2 =	vmul.f32 v10, v9;
	v9 =	vld [tilespmem:$0x1FC50];
	[tilespmem:s17+$0xC8B0] =	vst v13;
	v0 =	vadd.f32 v0, v39  }
0x357: {  	[tilespmem:s17+$0xCC90] =	vst v36  }
0x358: {  	[tilespmem:s17+$0xC0D0] =	vst v3;
	v3 =	vmul.f32 v10, v15;
	v11 =	vperm.xlane v0, v22  }
0x359: {  	[tilespmem:s17+$0xC880] =	vst v2;
	v27 =	vmul.f32 v10, v40  }
0x35a: {  	v40 =	vmul.f32 v10, v20;
	[tilespmem:s17+$0xC490] =	vst v3;
	v3 =	vmul.f32 v10, v18;
	v0 =	vadd.f32 v0, v11  }
0x35b: {  	[tilespmem:s17+$0xC4B0] =	vst v27;
	v27 =	vmul.f32 v10, v7;
	v2 =	vmul.f32 v10, v9  }
0x35c: {  	[tilespmem:s17+$0xC4D0] =	vst v3;
	v3 =	vld [tilespmem:$0x1FC00];
	v12 =	vmul.f32 v10, v25;
	(erf) = vrcp.f32 v0  }
0x35d: {  	[tilespmem:s17+$0xC4E0] =	vst v40;
	v25 =	vmul.f32 v10, v29;
	v29 =	vmul.f32 v10, v37;
	v37 =	vld [tilespmem:$0x1FC20]  }
0x35e: {  	v30 =	vld [tilespmem:$0x1FC10];
	[tilespmem:s17+$0xC8D0] =	vst v27  }
0x35f: {  	v40 =	vld [tilespmem:$0x1FC40];
	[tilespmem:s17+$0xCCE0] =	vst v2  }
0x360: {  	[tilespmem:s17+$0xC8A0] =	vst v12;
	v39 =	vld [tilespmem:$0x1FC30]  }
0x361: {  	[tilespmem:s17+$0xC8C0] =	vst v25;
	v3 =	vmul.f32 v10, v3  }
0x362: {  	[tilespmem:s17+$0xC8E0] =	vst v29;
	v1 =	vmul.f32 v10, v37  }
0x363: {  	[tilespmem:s17+$0xC890] =	vst v3;
	v0 =	vmul.f32 v10, v30  }
0x364: {  	[tilespmem:s17+$0xCCA0] =	vst v1;
	v1 =	vmul.f32 v10, v40  }
0x365: {  	[tilespmem:s17+$0xC8F0] =	vst v0;
	v0 =	vmul.f32 v10, v39;
	v10 =	vpop (erf)  }
0x366: {  	[tilespmem:s17+$0xCCC0] =	vst v1;
	v11 =	vmul.f32 v10, v5  }
0x367: {  	[tilespmem:s17+$0xCCB0] =	vst v0;
	v12 =	vmul.f32 v10, v43  }
0x368: {  	v13 =	vmul.f32 v10, v61;
	[tilespmem:s14+$0xCCF0] =	vst v11  }
0x369: {  	v14 =	vmul.f32 v10, v62;
	[tilespmem:s14+$0xC080] =	vst v12  }
0x36a: {  	v25 =	vmul.f32 v10, v57;
	[tilespmem:s14+$0xC090] =	vst v13  }
0x36b: {  	v26 =	vmul.f32 v10, v51;
	[tilespmem:s14+$0xC0A0] =	vst v14  }
0x36c: {  	v27 =	vmul.f32 v10, v50;
	[tilespmem:s14+$0xC0B0] =	vst v25  }
0x36d: {  	v29 =	vmul.f32 v10, v53;
	[tilespmem:s14+$0xC0C0] =	vst v26  }
0x36e: {  	v30 =	vmul.f32 v10, v58;
	[tilespmem:s14+$0xC0D0] =	vst v27  }
0x36f: {  	v35 =	vmul.f32 v10, v49;
	[tilespmem:s14+$0xC0E0] =	vst v29  }
0x370: {  	v36 =	vmul.f32 v10, v48;
	[tilespmem:s14+$0xC0F0] =	vst v30  }
0x371: {  	v37 =	vmul.f32 v10, v54;
	[tilespmem:s14+$0xC480] =	vst v35  }
0x372: {  	v39 =	vmul.f32 v10, v59;
	[tilespmem:s14+$0xC490] =	vst v36  }
0x373: {  	v40 =	vmul.f32 v10, v32;
	[tilespmem:s14+$0xC4A0] =	vst v37  }
0x374: {  	v43 =	vmul.f32 v10, v47;
	[tilespmem:s14+$0xC4B0] =	vst v39  }
0x375: {  	v46 =	vmul.f32 v10, v46;
	[tilespmem:s14+$0xC4C0] =	vst v40  }
0x376: {  	v47 =	vmul.f32 v10, v63;
	[tilespmem:s14+$0xC4D0] =	vst v43  }
0x377: {  	v48 =	vmul.f32 v10, v31;
	[tilespmem:s14+$0xC4E0] =	vst v46  }
0x378: {  	v49 =	vmul.f32 v10, v28;
	[tilespmem:s14+$0xC4F0] =	vst v47  }
0x379: {  	v50 =	vmul.f32 v10, v60;
	[tilespmem:s14+$0xC880] =	vst v48  }
0x37a: {  	v51 =	vmul.f32 v10, v41;
	[tilespmem:s14+$0xC890] =	vst v49  }
0x37b: {  	v53 =	vmul.f32 v10, v38;
	[tilespmem:s14+$0xC8A0] =	vst v50  }
0x37c: {  	v54 =	vmul.f32 v10, v42;
	[tilespmem:s14+$0xC8B0] =	vst v51  }
0x37d: {  	v55 =	vmul.f32 v10, v55;
	[tilespmem:s14+$0xC8C0] =	vst v53  }
0x37e: {  	v57 =	vmul.f32 v10, v44;
	[tilespmem:s14+$0xC8D0] =	vst v54  }
0x37f: {  	v58 =	vmul.f32 v10, v34;
	[tilespmem:s14+$0xC8E0] =	vst v55  }
0x380: {  	v59 =	vmul.f32 v10, v33;
	[tilespmem:s14+$0xC8F0] =	vst v57  }
0x381: {  	v60 =	vmul.f32 v10, v52;
	[tilespmem:s14+$0xCC80] =	vst v58  }
0x382: {  	v61 =	vmul.f32 v10, v56;
	[tilespmem:s14+$0xCC90] =	vst v59  }
0x383: {  	v62 =	vmul.f32 v10, v23;
	[tilespmem:s14+$0xCCA0] =	vst v60  }
.Ltmp11:
0x384: {  	v63 =	vmul.f32 v10, v24;
	[tilespmem:s14+$0xCCB0] =	vst v61;
	(pc) =	sbr.rel @p1 .LBB2_18-.Ltmp11, $4  }
0x385: {  	v1 =	vmul.f32 v10, v45;
	[tilespmem:s14+$0xCCC0] =	vst v62  }
0x386: {  	[tilespmem:s14+$0xCCD0] =	vst v63  }
0x387: {  	s0 =	sadd.s32 $0x800, s9;
	[tilespmem:s14+$0xCCE0] =	vst v1  }
0x388: {  	v20 =	vmov v6;
	[hbm4b:s0+s4] =	stream.linear.scatter [tilespmem:s29], [sflag:$0x7], $0x2000, $0x38;
	[tilespmem:$0x10080] =	vst v63  }
.Ltmp12:
0x389: {  	(pc) =	sbr.rel .LBB2_19-.Ltmp12, $4  }
0x38a: {  	_ = 	snop  }
0x38b: {  	_ =	swait.ge [sflag:s30], $0x2000  }
0x38c: {  	[sflag:s30] =	ssyncset.done $0x0  }
0x38d: {  	[sflag:s30] =	ssyncadd.s32 $0xFFFFE000  }
.LBB2_18:
.Ltmp13:
0x38e: {  	s0 =	sadd.s32 s8, s12;
	(pc) =	sbr.rel @p0 .LBB2_20-.Ltmp13, $4  }
0x38f: {  	[tilespmem:s19], [sflag:$0x3] =	stream.linear.gather [hbm4b:s0+s4], $0x2000, $0x38;
	[tilespmem:$0x10080] =	vst v63  }
0x390: {  	_ =	swait.ge [sflag:s30], $0x2000  }
0x391: {  	[sflag:s30] =	ssyncset.done $0x0  }
0x392: {  	[sflag:s30] =	ssyncadd.s32 $0xFFFFE000  }
.LBB2_19:
0x393: {  	_ =	swait.ge [sflag:s31], $0x2000  }
0x394: {  	[sflag:s31] =	ssyncset.done $0x0  }
0x395: {  	[sflag:s31] =	ssyncadd.s32 $0xFFFFE000  }
.LBB2_20:
0x396: {  	s0 =	simm.s32 $0x0  }
0x397: {  	s1 =	sand.u32 $0x1000, s0;
	s0 =	sand.u32 $0x380, s0  }
0x398: {  	s6 =	sor.u32 s0, s1  }
0x399: {  	v0 =	vld [tilespmem:s6+$0x6CC0]  }
0x39a: {  	v1 =	vld [tilespmem:s6+$0x6CD0]  }
0x39b: {  	v2 =	vld [tilespmem:s6+$0x6C80]  }
0x39c: {  	v3 =	vld [tilespmem:s6+$0x6C90]  }
0x39d: {  	v5 =	vld [tilespmem:s6+$0x68C0]  }
0x39e: {  	v6 =	vld [tilespmem:s6+$0x68D0]  }
0x39f: {  	v7 =	vld [tilespmem:s6+$0x6880]  }
0x3a0: {  	v8 =	vld [tilespmem:s6+$0x6890]  }
0x3a1: {  	v9 =	vld [tilespmem:s6+$0x64C0]  }
0x3a2: {  	v10 =	vld [tilespmem:s6+$0x64D0]  }
0x3a3: {  	v11 =	vld [tilespmem:s6+$0x6480]  }
0x3a4: {  	v12 =	vld [tilespmem:s6+$0x6490]  }
0x3a5: {  	v13 =	vld [tilespmem:s6+$0x60C0]  }
0x3a6: {  	v14 =	vld [tilespmem:s6+$0x60D0]  }
0x3a7: {  	v15 =	vperm.xlane v4, v0;
	v16 =	vperm.xlane v4, v1;
	v0 =	vld [tilespmem:s6+$0x6080]  }
0x3a8: {  	v19 =	vperm.xlane v4, v2;
	v18 =	vperm.xlane v4, v3;
	v1 =	vld [tilespmem:s6+$0x6090]  }
0x3a9: {  	v24 =	vperm.xlane v4, v5;
	v23 =	vperm.xlane v4, v6;
	v2 =	vld [tilespmem:s6+$0x60A0]  }
0x3aa: {  	v25 =	vperm.xlane v4, v7;
	v26 =	vperm.xlane v4, v8;
	v3 =	vld [tilespmem:s6+$0x60B0]  }
0x3ab: {  	v46 =	vperm.xlane v4, v9;
	v5 =	vld [tilespmem:s6+$0x60E0];
	v34 =	vperm.xlane v4, v10  }
0x3ac: {  	v6 =	vld [tilespmem:s6+$0x60F0];
	v42 =	vperm.xlane v4, v11;
	v47 =	vperm.xlane v4, v12  }
0x3ad: {  	v32 =	vperm.xlane v4, v13;
	v28 =	vperm.xlane v4, v14;
	v7 =	vld [tilespmem:s6+$0x64A0]  }
0x3ae: {  	v36 =	vperm.xlane v4, v0;
	v37 =	vperm.xlane v4, v1;
	v0 =	vld [tilespmem:s6+$0x64B0]  }
0x3af: {  	v1 =	vld [tilespmem:s6+$0x64E0];
	v35 =	vperm.xlane v4, v2;
	v30 =	vperm.xlane v4, v3  }
0x3b0: {  	v31 =	vperm.xlane v4, v5;
	v5 =	vld [tilespmem:s6+$0x64F0];
	v2 =	vadd.f32 $0.0e+00, v36;
	v3 =	vadd.f32 $0.0e+00, v37  }
0x3b1: {  	v44 =	vperm.xlane v4, v6;
	v6 =	vld [tilespmem:s6+$0x68A0];
	v8 =	vadd.f32 $0.0e+00, v35;
	v50 =	vadd.f32 $0.0e+00, v30  }
0x3b2: {  	v57 =	vperm.xlane v4, v7;
	v7 =	vld [tilespmem:s6+$0x68B0];
	v2 =	vadd.f32 v32, v2;
	v3 =	vadd.f32 v28, v3  }
0x3b3: {  	v8 =	vadd.f32 v31, v8;
	v9 =	vadd.f32 v44, v50;
	v58 =	vperm.xlane v4, v0;
	v0 =	vld [tilespmem:s6+$0x68E0]  }
0x3b4: {  	v48 =	vperm.xlane v4, v1;
	v1 =	vadd.f32 v42, v2;
	v2 =	vadd.f32 v47, v3;
	v3 =	vld [tilespmem:s6+$0x68F0]  }
0x3b5: {  	v53 =	vperm.xlane v4, v5;
	v5 =	vld [tilespmem:s6+$0x6CA0];
	v8 =	vadd.f32 v57, v8;
	v9 =	vadd.f32 v58, v9  }
0x3b6: {  	v50 =	vperm.xlane v4, v6;
	v6 =	vld [tilespmem:s6+$0x6CB0];
	v1 =	vadd.f32 v46, v1;
	v2 =	vadd.f32 v34, v2  }
0x3b7: {  	v54 =	vperm.xlane v4, v7;
	v7 =	vld [tilespmem:s6+$0x6CE0];
	v8 =	vadd.f32 v48, v8;
	v9 =	vadd.f32 v53, v9  }
0x3b8: {  	v1 =	vadd.f32 v25, v1;
	v2 =	vadd.f32 v26, v2;
	v61 =	vperm.xlane v4, v0;
	v0 =	vld [tilespmem:s6+$0x6CF0]  }
0x3b9: {  	v8 =	vadd.f32 v50, v8;
	v9 =	vadd.f32 v54, v9;
	v56 =	vperm.xlane v4, v3  }
0x3ba: {  	v62 =	vperm.xlane v4, v5;
	v1 =	vadd.f32 v24, v1;
	v2 =	vadd.f32 v23, v2  }
0x3bb: {  	v55 =	vperm.xlane v4, v6;
	v3 =	vadd.f32 v61, v8;
	v5 =	vadd.f32 v56, v9  }
0x3bc: {  	v6 =	vperm.xlane v4, v7;
	v1 =	vadd.f32 v19, v1;
	v2 =	vadd.f32 v18, v2  }
0x3bd: {  	v3 =	vadd.f32 v62, v3;
	v5 =	vadd.f32 v55, v5;
	v0 =	vperm.xlane v4, v0  }
0x3be: {  	v1 =	vadd.f32 v15, v1;
	v2 =	vadd.f32 v16, v2  }
0x3bf: {  	v3 =	vadd.f32 v6, v3;
	v5 =	vadd.f32 v0, v5;
	_ =	sdelay $0x1  }
0x3c0: {  	s14 =	simm.s32 $0x80;
	s1 =	simm.s32 $0x200;
	v1 =	vadd.f32 v2, v1;
	v2 =	vadd.f32 v5, v3  }
0x3c1: {  	s0 =	sand.u32 $0x1000, s1;
	s1 =	sand.u32 $0x380, s14  }
0x3c2: {  	s17 =	sor.u32 s1, s0;
	v1 =	vadd.f32 v2, v1  }
0x3c3: {  	v51 =	vld [tilespmem:s17+$0x68D0]  }
0x3c4: {  	v41 =	vld [tilespmem:s17+$0x64E0];
	[tilespmem:$0x1FB80] =	vst v6;
	v6 =	vperm.xlane v1, v17  }
0x3c5: {  	v27 =	vld [tilespmem:s17+$0x60A0]  }
0x3c6: {  	v29 =	vld [tilespmem:s17+$0x60B0];
	v1 =	vadd.f32 v1, v6  }
0x3c7: {  	v39 =	vld [tilespmem:s17+$0x60F0]  }
0x3c8: {  	v49 =	vld [tilespmem:s17+$0x68A0];
	v6 =	vperm.xlane v1, v20  }
0x3c9: {  	v59 =	vld [tilespmem:s17+$0x68E0]  }
0x3ca: {  	v60 =	vld [tilespmem:s17+$0x68F0];
	v1 =	vadd.f32 v1, v6  }
0x3cb: {  	v63 =	vld [tilespmem:s17+$0x6CA0]  }
0x3cc: {  	v12 =	vld [tilespmem:s17+$0x6880];
	v6 =	vperm.xlane v1, v21  }
0x3cd: {  	v13 =	vld [tilespmem:s17+$0x6890]  }
0x3ce: {  	v14 =	vld [tilespmem:s17+$0x64C0];
	v1 =	vadd.f32 v1, v6  }
0x3cf: {  	v7 =	vld [tilespmem:s17+$0x6C90]  }
0x3d0: {  	v8 =	vld [tilespmem:s17+$0x68C0];
	v6 =	vperm.xlane v1, v22  }
0x3d1: {  	[tilespmem:$0x1FB50] =	vst v18;
	v18 =	vld [tilespmem:s17+$0x6490]  }
0x3d2: {  	[tilespmem:$0x1FB60] =	vst v15;
	v15 =	vld [tilespmem:s17+$0x64D0];
	v1 =	vadd.f32 v1, v6  }
0x3d3: {  	[tilespmem:$0x1FB70] =	vst v16;
	v16 =	vld [tilespmem:s17+$0x6480]  }
0x3d4: {  	v2 =	vld [tilespmem:s17+$0x6CD0];
	(erf) = vrcp.f32 v1  }
0x3d5: {  	v10 =	vmov v20;
	[tilespmem:$0x1FB40] =	vst v19;
	v20 =	vld [tilespmem:s17+$0x60D0]  }
0x3d6: {  	[tilespmem:$0x1FB20] =	vst v24;
	v9 =	vperm.xlane v4, v13;
	v19 =	vld [tilespmem:s17+$0x60C0];
	v24 =	vperm.xlane v4, v7  }
0x3d7: {  	v11 =	vmov v21;
	[tilespmem:$0x1FB10] =	vst v26;
	v7 =	vperm.xlane v4, v51;
	v26 =	vperm.xlane v4, v8;
	v21 =	vld [tilespmem:s17+$0x6080]  }
0x3d8: {  	v38 =	vmov v22;
	v8 =	vperm.xlane v4, v12;
	v12 =	vperm.xlane v4, v14;
	v22 =	vld [tilespmem:s17+$0x6090]  }
0x3d9: {  	v14 =	vmov v24;
	v3 =	vld [tilespmem:s17+$0x6CC0];
	v13 =	vperm.xlane v4, v15;
	v24 =	vperm.xlane v4, v16  }
0x3da: {  	[tilespmem:$0x1FB30] =	vst v23;
	v5 =	vld [tilespmem:s17+$0x6C80];
	v16 =	vmov v12;
	v23 =	vperm.xlane v4, v2;
	v12 =	vperm.xlane v4, v20  }
0x3db: {  	v15 =	vperm.xlane v4, v18;
	v18 =	vmov v13;
	v13 =	vperm.xlane v4, v19;
	v1 =	vld [tilespmem:s17+$0x60E0]  }
0x3dc: {  	v51 =	vld [tilespmem:s17+$0x68B0];
	v19 =	vmovc v23;
	v23 =	vperm.xlane v4, v27;
	v27 =	vmov v12;
	v12 =	vperm.xlane v4, v29  }
0x3dd: {  	[tilespmem:$0x1FA70] =	vst v13;
	v2 =	vld [tilespmem:s17+$0x64A0];
	v20 =	vperm.xlane v4, v21;
	v22 =	vperm.xlane v4, v22;
	v33 =	vpop (erf)  }
0x3de: {  	[tilespmem:$0x1FA60] =	vst v23;
	v40 =	vadd.f32 $0.0e+00, v23;
	v6 =	vperm.xlane v4, v3;
	v3 =	vld [tilespmem:s17+$0x64B0];
	v0 =	vmul.f32 v33, v0  }
0x3df: {  	v43 =	vperm.xlane v4, v5;
	v5 =	vld [tilespmem:s17+$0x64F0];
	v29 =	vmovc v26;
	[tilespmem:$0x1FA80] =	vst v12;
	v45 =	vadd.f32 $0.0e+00, v12;
	v52 =	vadd.f32 $0.0e+00, v22  }
0x3e0: {  	v21 =	vmovc v24;
	v24 =	vld [tilespmem:s17+$0x6CB0];
	v26 =	vperm.xlane v4, v1;
	v36 =	vmul.f32 v33, v36;
	[tilespmem:s6+$0xECF0] =	vst v0;
	v0 =	vadd.f32 $0.0e+00, v20  }
0x3e1: {  	[tilespmem:$0x1FA40] =	vst v20;
	v52 =	vadd.f32 v27, v52;
	v37 =	vmul.f32 v33, v37;
	v20 =	vperm.xlane v4, v39;
	v1 =	vld [tilespmem:s17+$0x6CE0]  }
0x3e2: {  	s15 =	simm.s32 $0x400;
	s0 =	simm.s32 $0x100;
	v39 =	vperm.xlane v4, v2;
	v23 =	vld [tilespmem:s17+$0x6CF0];
	[tilespmem:s6+$0xE080] =	vst v36;
	v0 =	vadd.f32 v13, v0;
	v13 =	vmul.f32 v33, v35  }
0x3e3: {  	s1 =	sand.u32 $0x1000, s15;
	s14 =	sand.u32 $0x380, s0;
	v2 =	vadd.f32 v26, v40;
	v40 =	vperm.xlane v4, v3;
	v3 =	vmul.f32 v33, v30;
	[tilespmem:s6+$0xE090] =	vst v37  }
0x3e4: {  	s14 =	sor.u32 s14, s1;
	v12 =	vadd.f32 v20, v45;
	[tilespmem:s6+$0xE0A0] =	vst v13  }
0x3e5: {  	v60 =	vperm.xlane v4, v60;
	v32 =	vmul.f32 v33, v32;
	v45 =	vadd.f32 v15, v52;
	v52 =	vld [tilespmem:s14+$0x6CC0];
	[tilespmem:s6+$0xE0B0] =	vst v3  }
0x3e6: {  	[tilespmem:$0x1FA50] =	vst v22;
	v28 =	vmul.f32 v33, v28;
	v0 =	vadd.f32 v21, v0;
	v3 =	vadd.f32 v40, v12;
	v12 =	vld [tilespmem:s14+$0x6CD0]  }
0x3e7: {  	v30 =	vperm.xlane v4, v5;
	v35 =	vmovc v26;
	v2 =	vadd.f32 v39, v2;
	v13 =	vperm.xlane v4, v41  }
0x3e8: {  	v22 =	vmovc v20;
	v26 =	vperm.xlane v4, v49;
	v5 =	vadd.f32 v18, v45;
	v0 =	vadd.f32 v16, v0  }
0x3e9: {  	v20 =	vmovc v13;
	v2 =	vadd.f32 v13, v2;
	v13 =	vperm.xlane v4, v51;
	v3 =	vadd.f32 v30, v3  }
0x3ea: {  	[tilespmem:$0x1FA90] =	vst v8;
	v5 =	vadd.f32 v9, v5;
	v41 =	vperm.xlane v4, v23;
	v0 =	vadd.f32 v8, v0  }
0x3eb: {  	v2 =	vadd.f32 v26, v2;
	v3 =	vadd.f32 v13, v3;
	[tilespmem:$0x1FB90] =	vst v12;
	v12 =	vperm.xlane v4, v59  }
0x3ec: {  	[tilespmem:s6+$0xE0C0] =	vst v32;
	v5 =	vadd.f32 v7, v5;
	v8 =	vperm.xlane v4, v63;
	v0 =	vadd.f32 v29, v0  }
0x3ed: {  	v3 =	vadd.f32 v60, v3;
	v37 =	vmovc v12;
	v2 =	vadd.f32 v12, v2;
	v12 =	vperm.xlane v4, v24  }
0x3ee: {  	v32 =	vld [tilespmem:s14+$0x6C80];
	[tilespmem:s6+$0xE0D0] =	vst v28;
	v28 =	vmul.f32 v33, v31;
	v5 =	vadd.f32 v14, v5;
	v0 =	vadd.f32 v43, v0  }
0x3ef: {  	v63 =	vperm.xlane v4, v1;
	v1 =	vadd.f32 v8, v2;
	v2 =	vadd.f32 v12, v3  }
0x3f0: {  	v45 =	vld [tilespmem:s14+$0x6C90];
	[tilespmem:s6+$0xE0E0] =	vst v28;
	v28 =	vmul.f32 v33, v44;
	v5 =	vadd.f32 v19, v5;
	v0 =	vadd.f32 v6, v0  }
0x3f1: {  	[tilespmem:$0x1FB00] =	vst v25;
	v24 =	vmul.f32 v33, v42;
	v1 =	vadd.f32 v63, v1;
	v2 =	vadd.f32 v41, v2  }
0x3f2: {  	v44 =	vld [tilespmem:s14+$0x68C0];
	[tilespmem:s6+$0xE0F0] =	vst v28;
	v3 =	vmul.f32 v33, v47  }
0x3f3: {  	v25 =	vmovc v26;
	v26 =	vmov v43;
	v43 =	vld [tilespmem:s14+$0x68D0];
	[tilespmem:s6+$0xE480] =	vst v24;
	v0 =	vadd.f32 v5, v0;
	v1 =	vadd.f32 v2, v1  }
0x3f4: {  	v47 =	vld [tilespmem:s14+$0x6880];
	[tilespmem:s6+$0xE490] =	vst v3;
	v3 =	vmul.f32 v33, v57  }
0x3f5: {  	v2 =	vmul.f32 v33, v58;
	v0 =	vadd.f32 v1, v0  }
0x3f6: {  	v57 =	vld [tilespmem:s14+$0x6890];
	[tilespmem:s6+$0xE4A0] =	vst v3  }
0x3f7: {  	v58 =	vld [tilespmem:s14+$0x64C0];
	[tilespmem:s6+$0xE4B0] =	vst v2;
	v2 =	vperm.xlane v0, v17;
	_ =	sdelay $0x1  }
0x3f8: {  	v0 =	vadd.f32 v0, v2  }
0x3f9: {  	v1 =	vmul.f32 v33, v46  }
0x3fa: {  	[tilespmem:$0x1FAB0] =	vst v60;
	v5 =	vld [tilespmem:$0x1FB10];
	v3 =	vmul.f32 v33, v34;
	v23 =	vperm.xlane v0, v10  }
0x3fb: {  	v46 =	vld [tilespmem:s14+$0x64D0];
	[tilespmem:s6+$0xE4C0] =	vst v1;
	v1 =	vmul.f32 v33, v48  }
0x3fc: {  	v60 =	vld [tilespmem:s14+$0x64E0];
	[tilespmem:s6+$0xE4D0] =	vst v3;
	v2 =	vmul.f32 v33, v53;
	v23 =	vadd.f32 v0, v23  }
0x3fd: {  	v53 =	vld [tilespmem:s14+$0x6480];
	[tilespmem:s6+$0xE4E0] =	vst v1  }
0x3fe: {  	v59 =	vld [tilespmem:s14+$0x6490];
	[tilespmem:s6+$0xE4F0] =	vst v2;
	v2 =	vperm.xlane v23, v11  }
0x3ff: {  	v0 =	vld [tilespmem:$0x1FB30]  }
0x400: {  	v24 =	vmul.f32 v33, v5;
	v5 =	vadd.f32 v23, v2;
	v2 =	vld [tilespmem:$0x1FB60];
	_ =	sdelay $0x1  }
0x401: {  	v3 =	vld [tilespmem:$0x1FB00]  }
0x402: {  	v1 =	vld [tilespmem:$0x1FB20]  }
0x403: {  	[tilespmem:$0x1FAA0] =	vst v9;
	v9 =	vmul.f32 v33, v50;
	v51 =	vmul.f32 v33, v0;
	v0 =	vld [tilespmem:$0x1FB40]  }
0x404: {  	v50 =	vmul.f32 v33, v55;
	v55 =	vmul.f32 v33, v2;
	v2 =	vld [tilespmem:$0x1FB70];
	_ =	sdelay $0x2  }
0x405: {  	[tilespmem:$0x1FAF0] =	vst v63;
	v63 =	vmul.f32 v33, v56;
	v48 =	vmul.f32 v33, v1;
	v1 =	vld [tilespmem:$0x1FB50]  }
0x406: {  	v3 =	vmul.f32 v33, v3;
	v56 =	vmul.f32 v33, v0;
	v0 =	vld [tilespmem:s14+$0x60C0]  }
0x407: {  	[tilespmem:$0x1FAE0] =	vst v6;
	v10 =	vmul.f32 v33, v54;
	v54 =	vmul.f32 v33, v2;
	v2 =	vld [tilespmem:$0x1FB80]  }
0x408: {  	v62 =	vmul.f32 v33, v62;
	[tilespmem:s6+$0xE880] =	vst v3;
	v3 =	vld [tilespmem:$0x1FB90]  }
0x409: {  	v49 =	vmul.f32 v33, v61;
	[tilespmem:$0x1FAC0] =	vst v8;
	v42 =	vperm.xlane v4, v43  }
0x40a: {  	[tilespmem:$0x1FAD0] =	vst v12;
	v34 =	vperm.xlane v4, v32;
	v38 =	vperm.xlane v5, v38  }
0x40b: {  	v23 =	vperm.xlane v4, v52;
	v61 =	vmul.f32 v33, v1;
	v1 =	vld [tilespmem:s14+$0x60D0];
	[tilespmem:s6+$0xE890] =	vst v24  }
0x40c: {  	v5 =	vadd.f32 v5, v38;
	v38 =	vperm.xlane v4, v44;
	v52 =	vmul.f32 v33, v2;
	v2 =	vld [tilespmem:s14+$0x6080];
	[tilespmem:s6+$0xE8A0] =	vst v9  }
0x40d: {  	s1 =	simm.s32 $0x600;
	v36 =	vmov v13;
	v24 =	vperm.xlane v4, v3;
	v33 =	vperm.xlane v4, v45;
	v3 =	vld [tilespmem:s14+$0x6090];
	[tilespmem:s6+$0xE8B0] =	vst v10  }
.LBB2_21:
0x40e: {  	v6 =	vld [tilespmem:s14+$0x60A0];
	[tilespmem:s6+$0xE8C0] =	vst v48  }
0x40f: {  	v44 =	vperm.xlane v4, v47;
	(erf) = vrcp.f32 v5;
	v32 =	vld [tilespmem:s14+$0x60B0];
	[tilespmem:s6+$0xE8D0] =	vst v51  }
0x410: {  	v45 =	vperm.xlane v4, v57;
	v47 =	vperm.xlane v4, v58;
	v5 =	vld [tilespmem:s14+$0x60E0];
	[tilespmem:s6+$0xE8E0] =	vst v49  }
0x411: {  	v43 =	vmovc v7;
	v7 =	vmov v42;
	v48 =	vperm.xlane v4, v46;
	v46 =	vperm.xlane v4, v60;
	v42 =	vld [tilespmem:s14+$0x60F0];
	[tilespmem:s6+$0xE8F0] =	vst v63  }
0x412: {  	v0 =	vperm.xlane v4, v0;
	v2 =	vperm.xlane v4, v2;
	v49 =	vld [tilespmem:s14+$0x64A0];
	[tilespmem:s6+$0xEC80] =	vst v56  }
0x413: {  	v3 =	vperm.xlane v4, v3;
	v6 =	vperm.xlane v4, v6;
	v56 =	vld [tilespmem:s14+$0x64B0];
	[tilespmem:s6+$0xEC90] =	vst v61  }
0x414: {  	v28 =	vld [tilespmem:$0x1FA40];
	v51 =	vperm.xlane v4, v53;
	v1 =	vperm.xlane v4, v1;
	v9 =	vadd.f32 $0.0e+00, v2;
	[tilespmem:s6+$0xECA0] =	vst v62  }
0x415: {  	v10 =	vadd.f32 $0.0e+00, v3;
	v60 =	vld [tilespmem:s14+$0x64F0];
	[tilespmem:s6+$0xECB0] =	vst v50;
	v11 =	vadd.f32 $0.0e+00, v6;
	v5 =	vperm.xlane v4, v5  }
0x416: {  	v53 =	vperm.xlane v4, v59;
	v57 =	vperm.xlane v4, v32;
	v9 =	vadd.f32 v0, v9;
	v63 =	vld [tilespmem:s14+$0x68A0];
	[tilespmem:s6+$0xECC0] =	vst v55  }
0x417: {  	v10 =	vadd.f32 v1, v10;
	v59 =	vld [tilespmem:s14+$0x68B0];
	[tilespmem:s6+$0xECD0] =	vst v54;
	v49 =	vperm.xlane v4, v49;
	v11 =	vadd.f32 v5, v11  }
0x418: {  	v32 =	vadd.f32 $0.0e+00, v57;
	v62 =	vperm.xlane v4, v42;
	v42 =	vpop (erf);
	v50 =	vperm.xlane v4, v56;
	v56 =	vld [tilespmem:s14+$0x68E0];
	[tilespmem:s6+$0xECE0] =	vst v52;
	s6 =	smov.u32 s17;
	s17 =	smov.u32 s14  }
0x419: {  	v52 =	vadd.f32 v51, v9;
	v41 =	vmul.f32 v42, v41;
	v58 =	vld [tilespmem:s17+$0x68F0];
	v54 =	vadd.f32 v49, v11  }
0x41a: {  	v61 =	vadd.f32 v62, v32;
	v32 =	vadd.f32 v53, v10;
	v8 =	vld [tilespmem:s17+$0x6CA0]  }
0x41b: {  	v9 =	vadd.f32 v47, v52;
	v52 =	vperm.xlane v4, v63;
	v63 =	vld [tilespmem:s17+$0x6CB0];
	[tilespmem:s6+$0xECF0] =	vst v41;
	v41 =	vadd.f32 v46, v54  }
0x41c: {  	v55 =	vadd.f32 v48, v32;
	v32 =	vld [tilespmem:s17+$0x6CF0]  }
0x41d: {  	v10 =	vperm.xlane v4, v56;
	v41 =	vadd.f32 v52, v41  }
0x41e: {  	v60 =	vperm.xlane v4, v60;
	v61 =	vadd.f32 v50, v61  }
0x41f: {  	v8 =	vperm.xlane v4, v8;
	v41 =	vadd.f32 v10, v41  }
0x420: {  	v54 =	vadd.f32 v60, v61;
	v12 =	vperm.xlane v4, v63  }
0x421: {  	v61 =	vld [tilespmem:s17+$0x6CE0];
	v63 =	vadd.f32 v8, v41;
	v41 =	vperm.xlane v4, v32;
	v32 =	vmul.f32 v42, v28;
	v28 =	vmovc v2  }
0x422: {  	[tilespmem:$0x1FA40] =	vst v28;
	v28 =	vld [tilespmem:$0x1FA50];
	_ =	sdelay $0x3  }
0x423: {  	v59 =	vperm.xlane v4, v59;
	v9 =	vadd.f32 v44, v9  }
0x424: {  	v55 =	vadd.f32 v45, v55;
	v13 =	vperm.xlane v4, v61;
	v61 =	vmul.f32 v42, v28;
	v28 =	vmovc v3  }
0x425: {  	v54 =	vadd.f32 v59, v54;
	v11 =	vperm.xlane v4, v58;
	v9 =	vadd.f32 v38, v9;
	[tilespmem:$0x1FA50] =	vst v28;
	v28 =	vld [tilespmem:$0x1FA80]  }
0x426: {  	v55 =	vadd.f32 v7, v55  }
0x427: {  	v54 =	vadd.f32 v11, v54;
	v9 =	vadd.f32 v34, v9;
	v3 =	vld [tilespmem:$0x1FA60]  }
0x428: {  	v55 =	vadd.f32 v33, v55  }
0x429: {  	v54 =	vadd.f32 v12, v54;
	v9 =	vadd.f32 v23, v9  }
0x42a: {  	v2 =	vadd.f32 v13, v63;
	v63 =	vmul.f32 v42, v28;
	v28 =	vmovc v6;
	v6 =	vmov v57;
	v57 =	vld [tilespmem:$0x1FA70]  }
0x42b: {  	v55 =	vadd.f32 v24, v55;
	[tilespmem:s6+$0xE080] =	vst v32;
	v54 =	vadd.f32 v41, v54  }
0x42c: {  	s0 =	sadd.s32 $0x80, s0;
	[tilespmem:s6+$0xE090] =	vst v61;
	v3 =	vmul.f32 v42, v3  }
0x42d: {  	s15 =	sand.u32 $0x380, s0;
	s14 =	sand.u32 $0x1000, s1;
	v2 =	vadd.f32 v54, v2;
	[tilespmem:$0x1FA80] =	vst v6;
	v6 =	vadd.f32 v55, v9  }
0x42e: {  	s14 =	sor.u32 s15, s14;
	[tilespmem:s6+$0xE0A0] =	vst v3;
	v3 =	vmul.f32 v42, v27  }
0x42f: {  	v32 =	vmovc v1;
	v27 =	vmov v0;
	v1 =	vld [tilespmem:s14+$0x6CC0];
	[tilespmem:s6+$0xE0B0] =	vst v63;
	v0 =	vadd.f32 v2, v6;
	v9 =	vmul.f32 v42, v57  }
0x430: {  	v58 =	vmul.f32 v42, v35;
	v61 =	vmov v14;
	v14 =	vld [tilespmem:s14+$0x6CD0]  }
0x431: {  	v63 =	vperm.xlane v0, v17;
	v17 =	vmul.f32 v42, v30;
	v30 =	vld [tilespmem:$0x1FFD0];
	[tilespmem:s6+$0xE0C0] =	vst v9  }
0x432: {  	v9 =	vmul.f32 v42, v15;
	v15 =	vld [tilespmem:s14+$0x6C80];
	[tilespmem:s6+$0xE0D0] =	vst v3  }
0x433: {  	v31 =	vmov v51;
	v35 =	vmov v5;
	v2 =	vmul.f32 v42, v22;
	v5 =	vld [tilespmem:s14+$0x6C90];
	[tilespmem:s6+$0xE0E0] =	vst v58  }
0x434: {  	v51 =	vmovc v29;
	v29 =	vmov v53;
	v53 =	vmul.f32 v42, v16;
	[tilespmem:$0x1FA70] =	vst v27;
	v6 =	vmul.f32 v42, v21;
	v16 =	vld [tilespmem:s14+$0x68C0]  }
0x435: {  	[tilespmem:s6+$0xE0F0] =	vst v2;
	v2 =	vmul.f32 v42, v20;
	v20 =	vld [tilespmem:$0x1FAA0]  }
0x436: {  	v54 =	vmul.f32 v42, v18;
	v55 =	vmul.f32 v42, v39;
	v18 =	vld [tilespmem:s14+$0x68D0];
	[tilespmem:s6+$0xE480] =	vst v6  }
0x437: {  	v27 =	vmov v47;
	v3 =	vmul.f32 v42, v40;
	v47 =	vld [tilespmem:s14+$0x6880];
	[tilespmem:s6+$0xE490] =	vst v9  }
0x438: {  	v57 =	vld [tilespmem:s14+$0x6890];
	[tilespmem:s6+$0xE4A0] =	vst v55  }
0x439: {  	v0 =	vadd.f32 v0, v63;
	v58 =	vld [tilespmem:s14+$0x64C0];
	[tilespmem:s6+$0xE4B0] =	vst v3  }
0x43a: {  	v21 =	vmul.f32 v42, v20;
	v20 =	vmov v46;
	v46 =	vld [tilespmem:s14+$0x64D0];
	[tilespmem:s6+$0xE4C0] =	vst v53  }
0x43b: {  	v63 =	vperm.xlane v0, v30;
	v30 =	vmov v60;
	v60 =	vld [tilespmem:s14+$0x64E0];
	[tilespmem:s6+$0xE4D0] =	vst v54  }
0x43c: {  	v53 =	vld [tilespmem:s14+$0x6480]  }
0x43d: {  	[tilespmem:s6+$0xE4E0] =	vst v2;
	v2 =	vld [tilespmem:$0x1FAC0]  }
0x43e: {  	v22 =	vmov v62;
	v62 =	vmov v45;
	_ =	sdelay $0x2  }
0x43f: {  	[tilespmem:$0x1FAA0] =	vst v62;
	v62 =	vmov v11;
	v3 =	vld [tilespmem:$0x1FAB0]  }
0x440: {  	[tilespmem:$0x1FAB0] =	vst v62;
	v62 =	vmul.f32 v42, v2;
	v2 =	vld [tilespmem:$0x1FAD0];
	_ =	sdelay $0x3  }
0x441: {  	v0 =	vadd.f32 v0, v63;
	v63 =	vmul.f32 v42, v3;
	v3 =	vld [tilespmem:$0x1FFE0]  }
0x442: {  	v40 =	vmov v50;
	v50 =	vmul.f32 v42, v2;
	v2 =	vmov v12  }
0x443: {  	[tilespmem:$0x1FAD0] =	vst v2;
	v2 =	vld [tilespmem:$0x1FAF0];
	_ =	sdelay $0x2  }
0x444: {  	v56 =	vmul.f32 v42, v26;
	v6 =	vld [tilespmem:$0x1FA90];
	v26 =	vperm.xlane v0, v3  }
0x445: {  	v8 =	vmovc v8;
	v61 =	vmul.f32 v42, v61;
	[tilespmem:$0x1FA60] =	vst v28;
	v39 =	vmov v49;
	v9 =	vmul.f32 v42, v25  }
0x446: {  	v25 =	vmovc v52;
	[tilespmem:$0x1FAC0] =	vst v8;
	v8 =	vadd.f32 v0, v26;
	v0 =	vld [tilespmem:$0x1FAE0];
	v52 =	vmul.f32 v42, v2;
	v2 =	vmov v23  }
0x447: {  	v49 =	vmul.f32 v42, v37;
	v28 =	vmovc v48;
	v48 =	vmov v44;
	v45 =	vmul.f32 v42, v36;
	[tilespmem:$0x1FAE0] =	vst v2;
	v2 =	vld [tilespmem:$0x1FFF0]  }
0x448: {  	[tilespmem:$0x1FA90] =	vst v48;
	v48 =	vmul.f32 v42, v51;
	v51 =	vmul.f32 v42, v43  }
0x449: {  	p0 =	sne.s32 s1, $0x1E00;
	v36 =	vmovc v59;
	v6 =	vmul.f32 v42, v6;
	v54 =	vmul.f32 v42, v19;
	v59 =	vld [tilespmem:s14+$0x6490];
	[tilespmem:s6+$0xE4F0] =	vst v17;
	v3 =	vmov v13  }
.Ltmp14:
0x44a: {  	v19 =	vmovc v24;
	v24 =	vperm.xlane v4, v14;
	v14 =	vmov v33;
	v33 =	vperm.xlane v4, v5;
	v17 =	vld [tilespmem:$0x1FFC0];
	[tilespmem:$0x1FAF0] =	vst v3;
	(pc) =	sbr.rel @p0 .LBB2_21-.Ltmp14, $4  }
0x44b: {  	v26 =	vmov v34;
	v34 =	vperm.xlane v4, v15;
	v55 =	vmul.f32 v42, v0;
	v0 =	vld [tilespmem:s14+$0x60C0];
	[tilespmem:s6+$0xE880] =	vst v6  }
0x44c: {  	v37 =	vmov v10;
	v23 =	vperm.xlane v4, v1;
	v1 =	vld [tilespmem:s14+$0x60D0];
	[tilespmem:s6+$0xE890] =	vst v21;
	v6 =	vperm.xlane v8, v2  }
0x44d: {  	v15 =	vmovc v29;
	v29 =	vmovc v38;
	v38 =	vperm.xlane v4, v16;
	v16 =	vmov v27;
	v27 =	vmov v32;
	v2 =	vld [tilespmem:s14+$0x6080];
	[tilespmem:s6+$0xE8A0] =	vst v9  }
0x44e: {  	s1 =	sadd.s32 $0x200, s1;
	v21 =	vmovc v31;
	v42 =	vperm.xlane v4, v18;
	v18 =	vmov v28;
	v3 =	vld [tilespmem:s14+$0x6090];
	[tilespmem:s6+$0xE8B0] =	vst v45;
	v5 =	vadd.f32 v8, v6  }
0x44f: {  	v6 =	vld [tilespmem:s14+$0x60A0];
	[tilespmem:s6+$0xE8C0] =	vst v48  }
0x450: {  	v31 =	vperm.xlane v4, v47;
	v8 =	vld [tilespmem:s14+$0x60B0];
	[tilespmem:s6+$0xE8D0] =	vst v51  }
0x451: {  	v28 =	vperm.xlane v4, v57;
	v32 =	vperm.xlane v4, v58;
	v9 =	vld [tilespmem:s14+$0x60E0];
	[tilespmem:s6+$0xE8E0] =	vst v49  }
0x452: {  	v47 =	vperm.xlane v4, v46;
	(erf) = vrcp.f32 v5;
	v10 =	vld [tilespmem:s14+$0x60F0];
	[tilespmem:s6+$0xE8F0] =	vst v63  }
0x453: {  	v46 =	vperm.xlane v4, v60;
	v48 =	vperm.xlane v4, v59;
	v11 =	vld [tilespmem:s14+$0x64A0];
	[tilespmem:s6+$0xEC80] =	vst v56  }
0x454: {  	v43 =	vperm.xlane v4, v2;
	v12 =	vld [tilespmem:s14+$0x64B0];
	[tilespmem:s6+$0xEC90] =	vst v61;
	v61 =	vperm.xlane v4, v3  }
0x455: {  	v51 =	vperm.xlane v4, v0;
	v49 =	vperm.xlane v4, v53;
	[tilespmem:s6+$0xECA0] =	vst v62  }
0x456: {  	v2 =	vadd.f32 $0.0e+00, v43;
	v5 =	vld [tilespmem:s14+$0x64F0];
	[tilespmem:s6+$0xECB0] =	vst v50;
	v50 =	vperm.xlane v4, v1;
	v3 =	vadd.f32 $0.0e+00, v61  }
0x457: {  	v62 =	vperm.xlane v4, v6;
	v57 =	vperm.xlane v4, v8  }
0x458: {  	v53 =	vperm.xlane v4, v9;
	v2 =	vadd.f32 v51, v2;
	v3 =	vadd.f32 v50, v3  }
0x459: {  	v45 =	vld [tilespmem:s14+$0x68A0];
	[tilespmem:s6+$0xECC0] =	vst v55;
	v6 =	vadd.f32 $0.0e+00, v62;
	v8 =	vadd.f32 $0.0e+00, v57;
	v58 =	vperm.xlane v4, v10  }
0x45a: {  	v1 =	vld [tilespmem:s14+$0x68B0];
	[tilespmem:s6+$0xECD0] =	vst v54;
	v54 =	vperm.xlane v4, v11;
	v2 =	vadd.f32 v49, v2;
	v3 =	vadd.f32 v48, v3  }
0x45b: {  	v9 =	vld [tilespmem:s14+$0x68E0];
	[tilespmem:s6+$0xECE0] =	vst v52;
	v6 =	vadd.f32 v53, v6;
	v8 =	vadd.f32 v58, v8;
	v59 =	vperm.xlane v4, v12;
	v10 =	vpop (erf)  }
0x45c: {  	v11 =	vld [tilespmem:s14+$0x68F0];
	v44 =	vmul.f32 v10, v41;
	v2 =	vadd.f32 v32, v2;
	v3 =	vadd.f32 v47, v3  }
0x45d: {  	v13 =	vld [tilespmem:s14+$0x6CA0];
	v6 =	vadd.f32 v54, v6;
	v63 =	vperm.xlane v4, v5;
	v8 =	vadd.f32 v59, v8  }
0x45e: {  	v5 =	vld [tilespmem:s14+$0x6CB0];
	v60 =	vperm.xlane v4, v45;
	[tilespmem:s17+$0xECF0] =	vst v44;
	v2 =	vadd.f32 v31, v2;
	v3 =	vadd.f32 v28, v3  }
0x45f: {  	v45 =	vadd.f32 v46, v6;
	v41 =	vperm.xlane v4, v1;
	v6 =	vadd.f32 v63, v8;
	v1 =	vld [tilespmem:s14+$0x6CE0]  }
0x460: {  	v55 =	vperm.xlane v4, v9;
	v12 =	vld [tilespmem:s14+$0x6CF0];
	v2 =	vadd.f32 v38, v2;
	v3 =	vadd.f32 v42, v3  }
0x461: {  	v0 =	vadd.f32 v60, v45;
	v44 =	vperm.xlane v4, v11;
	v6 =	vadd.f32 v41, v6  }
0x462: {  	v52 =	vperm.xlane v4, v13;
	v2 =	vadd.f32 v34, v2;
	v3 =	vadd.f32 v33, v3  }
0x463: {  	v56 =	vperm.xlane v4, v5;
	v0 =	vadd.f32 v55, v0;
	v6 =	vadd.f32 v44, v6  }
0x464: {  	v45 =	vperm.xlane v4, v1;
	v2 =	vadd.f32 v23, v2;
	v3 =	vadd.f32 v24, v3  }
0x465: {  	v0 =	vadd.f32 v52, v0;
	v5 =	vperm.xlane v4, v12;
	v9 =	vadd.f32 v56, v6;
	v6 =	vld [tilespmem:$0x1FA40]  }
0x466: {  	v2 =	vadd.f32 v3, v2;
	v3 =	vld [tilespmem:$0x1FA60]  }
0x467: {  	v0 =	vadd.f32 v45, v0;
	v1 =	vadd.f32 v5, v9  }
0x468: {  	v8 =	vmul.f32 v10, v35  }
0x469: {  	v35 =	vmul.f32 v10, v16;
	v0 =	vadd.f32 v1, v0  }
0x46a: {  	v11 =	vld [tilespmem:$0x1FA50];
	[tilespmem:s17+$0xE0E0] =	vst v8;
	v6 =	vmul.f32 v10, v6  }
0x46b: {  	[tilespmem:s17+$0xE4C0] =	vst v35;
	v12 =	vld [tilespmem:$0x1FA80];
	v0 =	vadd.f32 v0, v2;
	v3 =	vmul.f32 v10, v3  }
0x46c: {  	v8 =	vmul.f32 v10, v30;
	v35 =	vmul.f32 v10, v26;
	[tilespmem:s17+$0xE080] =	vst v6;
	v6 =	vld [tilespmem:$0x1FFD0]  }
0x46d: {  	[tilespmem:s17+$0xE0A0] =	vst v3;
	v3 =	vmul.f32 v10, v27;
	v27 =	vperm.xlane v0, v17  }
0x46e: {  	v13 =	vld [tilespmem:$0x1FA70];
	[tilespmem:s17+$0xE4F0] =	vst v8;
	v8 =	vmul.f32 v10, v19  }
0x46f: {  	[tilespmem:s17+$0xEC80] =	vst v35;
	v1 =	vmul.f32 v10, v11;
	v0 =	vadd.f32 v0, v27  }
0x470: {  	[tilespmem:s17+$0xECD0] =	vst v8;
	v9 =	vmul.f32 v10, v22;
	v11 =	vmul.f32 v10, v21;
	v21 =	vld [tilespmem:$0x1FFE0]  }
0x471: {  	[tilespmem:s17+$0xE090] =	vst v1;
	v1 =	vmul.f32 v10, v12;
	v12 =	vperm.xlane v0, v6  }
0x472: {  	[tilespmem:s17+$0xE0F0] =	vst v9;
	v9 =	vld [tilespmem:$0x1FA90]  }
0x473: {  	v2 =	vmul.f32 v10, v13;
	[tilespmem:s17+$0xE480] =	vst v11;
	v13 =	vmul.f32 v10, v39;
	v0 =	vadd.f32 v0, v12  }
0x474: {  	v22 =	vld [tilespmem:$0x1FFF0];
	[tilespmem:s17+$0xE0B0] =	vst v1  }
0x475: {  	[tilespmem:s17+$0xE4A0] =	vst v13;
	v13 =	vmul.f32 v10, v36;
	v39 =	vperm.xlane v0, v21  }
0x476: {  	[tilespmem:s17+$0xE0C0] =	vst v2;
	v36 =	vmul.f32 v10, v14  }
0x477: {  	v2 =	vmul.f32 v10, v9;
	v9 =	vld [tilespmem:$0x1FAF0];
	[tilespmem:s17+$0xE8B0] =	vst v13;
	v0 =	vadd.f32 v0, v39  }
0x478: {  	[tilespmem:s17+$0xEC90] =	vst v36  }
0x479: {  	[tilespmem:s17+$0xE0D0] =	vst v3;
	v3 =	vmul.f32 v10, v15;
	v11 =	vperm.xlane v0, v22  }
0x47a: {  	[tilespmem:s17+$0xE880] =	vst v2;
	v27 =	vmul.f32 v10, v40  }
0x47b: {  	v40 =	vmul.f32 v10, v20;
	[tilespmem:s17+$0xE490] =	vst v3;
	v3 =	vmul.f32 v10, v18;
	v0 =	vadd.f32 v0, v11  }
0x47c: {  	[tilespmem:s17+$0xE4B0] =	vst v27;
	v27 =	vmul.f32 v10, v7;
	v2 =	vmul.f32 v10, v9  }
0x47d: {  	[tilespmem:s17+$0xE4D0] =	vst v3;
	v3 =	vld [tilespmem:$0x1FAA0];
	v12 =	vmul.f32 v10, v25;
	(erf) = vrcp.f32 v0  }
0x47e: {  	[tilespmem:s17+$0xE4E0] =	vst v40;
	v25 =	vmul.f32 v10, v29;
	v29 =	vmul.f32 v10, v37;
	v37 =	vld [tilespmem:$0x1FAC0]  }
0x47f: {  	v30 =	vld [tilespmem:$0x1FAB0];
	[tilespmem:s17+$0xE8D0] =	vst v27  }
0x480: {  	v40 =	vld [tilespmem:$0x1FAE0];
	[tilespmem:s17+$0xECE0] =	vst v2  }
0x481: {  	[tilespmem:s17+$0xE8A0] =	vst v12;
	v39 =	vld [tilespmem:$0x1FAD0]  }
0x482: {  	[tilespmem:s17+$0xE8C0] =	vst v25;
	v3 =	vmul.f32 v10, v3  }
0x483: {  	[tilespmem:s17+$0xE8E0] =	vst v29;
	v1 =	vmul.f32 v10, v37  }
0x484: {  	[tilespmem:s17+$0xE890] =	vst v3;
	v0 =	vmul.f32 v10, v30  }
0x485: {  	[tilespmem:s17+$0xECA0] =	vst v1;
	v1 =	vmul.f32 v10, v40  }
0x486: {  	[tilespmem:s17+$0xE8F0] =	vst v0;
	v0 =	vmul.f32 v10, v39;
	v10 =	vpop (erf)  }
0x487: {  	[tilespmem:s17+$0xECC0] =	vst v1;
	v11 =	vmul.f32 v10, v5  }
0x488: {  	[tilespmem:s17+$0xECB0] =	vst v0;
	v12 =	vmul.f32 v10, v43  }
0x489: {  	v13 =	vmul.f32 v10, v61;
	[tilespmem:s14+$0xECF0] =	vst v11  }
0x48a: {  	v14 =	vmul.f32 v10, v62;
	[tilespmem:s14+$0xE080] =	vst v12  }
0x48b: {  	v25 =	vmul.f32 v10, v57;
	[tilespmem:s14+$0xE090] =	vst v13  }
0x48c: {  	v26 =	vmul.f32 v10, v51;
	[tilespmem:s14+$0xE0A0] =	vst v14  }
0x48d: {  	v27 =	vmul.f32 v10, v50;
	[tilespmem:s14+$0xE0B0] =	vst v25  }
0x48e: {  	v29 =	vmul.f32 v10, v53;
	[tilespmem:s14+$0xE0C0] =	vst v26  }
0x48f: {  	v30 =	vmul.f32 v10, v58;
	[tilespmem:s14+$0xE0D0] =	vst v27  }
0x490: {  	v35 =	vmul.f32 v10, v49;
	[tilespmem:s14+$0xE0E0] =	vst v29  }
0x491: {  	v36 =	vmul.f32 v10, v48;
	[tilespmem:s14+$0xE0F0] =	vst v30  }
0x492: {  	v37 =	vmul.f32 v10, v54;
	[tilespmem:s14+$0xE480] =	vst v35  }
0x493: {  	v39 =	vmul.f32 v10, v59;
	[tilespmem:s14+$0xE490] =	vst v36  }
0x494: {  	v40 =	vmul.f32 v10, v32;
	[tilespmem:s14+$0xE4A0] =	vst v37  }
0x495: {  	v43 =	vmul.f32 v10, v47;
	[tilespmem:s14+$0xE4B0] =	vst v39  }
0x496: {  	v46 =	vmul.f32 v10, v46;
	[tilespmem:s14+$0xE4C0] =	vst v40  }
0x497: {  	v47 =	vmul.f32 v10, v63;
	[tilespmem:s14+$0xE4D0] =	vst v43  }
0x498: {  	v48 =	vmul.f32 v10, v31;
	[tilespmem:s14+$0xE4E0] =	vst v46  }
0x499: {  	v49 =	vmul.f32 v10, v28;
	[tilespmem:s14+$0xE4F0] =	vst v47  }
0x49a: {  	v50 =	vmul.f32 v10, v60;
	[tilespmem:s14+$0xE880] =	vst v48  }
0x49b: {  	v51 =	vmul.f32 v10, v41;
	[tilespmem:s14+$0xE890] =	vst v49  }
0x49c: {  	v53 =	vmul.f32 v10, v38;
	[tilespmem:s14+$0xE8A0] =	vst v50  }
0x49d: {  	v54 =	vmul.f32 v10, v42;
	[tilespmem:s14+$0xE8B0] =	vst v51  }
0x49e: {  	v55 =	vmul.f32 v10, v55;
	[tilespmem:s14+$0xE8C0] =	vst v53  }
0x49f: {  	v57 =	vmul.f32 v10, v44;
	[tilespmem:s14+$0xE8D0] =	vst v54  }
0x4a0: {  	v58 =	vmul.f32 v10, v34;
	[tilespmem:s14+$0xE8E0] =	vst v55  }
0x4a1: {  	v59 =	vmul.f32 v10, v33;
	[tilespmem:s14+$0xE8F0] =	vst v57  }
0x4a2: {  	v60 =	vmul.f32 v10, v52;
	[tilespmem:s14+$0xEC80] =	vst v58  }
0x4a3: {  	v61 =	vmul.f32 v10, v56;
	[tilespmem:s14+$0xEC90] =	vst v59  }
0x4a4: {  	p0 =	seq.s32 s7, $0x7;
	v62 =	vmul.f32 v10, v23;
	[tilespmem:s14+$0xECA0] =	vst v60  }
.Ltmp15:
0x4a5: {  	v63 =	vmul.f32 v10, v24;
	[tilespmem:s14+$0xECB0] =	vst v61;
	(pc) =	sbr.rel @p0 .LBB2_24-.Ltmp15, $4  }
0x4a6: {  	v1 =	vmul.f32 v10, v45;
	[tilespmem:s14+$0xECC0] =	vst v62  }
0x4a7: {  	[tilespmem:s14+$0xECD0] =	vst v63  }
0x4a8: {  	s0 =	sadd.s32 $0xC00, s9;
	[tilespmem:s14+$0xECE0] =	vst v1  }
0x4a9: {  	v20 =	vmov v6;
	[hbm4b:s0+s4] =	stream.linear.scatter [tilespmem:s2], [sflag:$0x8], $0x2000, $0x38;
	[tilespmem:$0x10080] =	vst v63  }
.Ltmp16:
0x4aa: {  	(pc) =	sbr.rel .LBB2_2-.Ltmp16, $3  }
0x4ab: {  	_ =	sdelay $0x1  }
0x4ac: {  	s0 =	sadd.s32 s8, s13;
	s7 =	sadd.s32 $0x1, s7  }
0x4ad: {  	[tilespmem:s20], [sflag:$0x4] =	stream.linear.gather [hbm4b:s0+s4], $0x2000, $0x38;
	[tilespmem:$0x10080] =	vst v63  }
.LBB2_25:
0x4ae: {  	_ =	sfence.sel $0x180000  }
0x4af: {  	[bflag:$0x0] =	sbarrier.arrive $0xFFFF  }
0x4b0: {  	_ =	strace $0x90000047  }
0x4b1: {  	s0 =	stileid.u32;
	[bflag:$0x2] =	sbarrier.arrive $0xFFFF  }
0x4b2: {  	p0 =	sne.s32 s0, $0x0;
	s0 =	rddreg [dreg:$0x3]  }
0x4b3: {  	s0 =	sadd.s32 @!p0 $0x100000, s0  }
0x4b4: {  	[sflag:s0] =	ssyncadd.tile.s32 @!p0 $0x1;
	_ =	shalt  }
.Lfunc_end2:
_tile_overlayer_lowered:
.L_overlay_start_2:
0x4b5: {  	(tag) =	ssettag $0x2  }
0x4b6: {  	s0 =	rddreg [dreg:$0x0];
	s2 =	stileid.u32  }
0x4b7: {  	s1 =	rddreg [dreg:$0x1];
	p0 =	sne.s32 s2, $0x0  }
0x4b8: {  	s3 =	rddreg [dreg:$0x2];
	[bflag:$0x3] =	sbarrier.arrive $0xFFFF;
	s2 =	simm.s32 @!p0 $0x1C09  }
0x4b9: {  	[timem:s3], [sflag:s2] =	dma.local @!p0 [hbm:s0], s1  }
0x4ba: {  	s0 =	simm.s32 @!p0 $0x9  }
0x4bb: {  	_ =	swait.ge @!p0 [sflag:s0], s1  }
0x4bc: {  	s1 =	ssub.s32 @!p0 $0x0, s1;
	[sflag:s0] =	ssyncset.done @!p0 $0x0  }
0x4bd: {  	[sflag:s0] =	ssyncadd.s32 @!p0 s1  }
0x4be: {  	[bflag:$0x3] =	sbarrier.arrive $0xFFFF  }
0x4bf: {  	_ =	shalt  }

</sc_bundles>
